<compile_context>
chip_gen: v7x
topology: tpu7x:2x2x1
jax: 0.10.2.dev20260603
libtpu: 0.0.44.dev20260713+nightly
codegen_flags: <defaults>
</compile_context>

<pallas_src>
import functools

import jax
import jax.numpy as jnp
from jax import lax
from jax.experimental import pallas as pl
from jax.experimental.pallas import tpu as pltpu
from jax.experimental.pallas import tpu_sc as plsc

_NC = 2
_NS = 16
_NW = _NC * _NS
_CHUNK = 128
_GRP = 8
_DEG_G = 16
_DEG_W = 16
_RBLK = 80
_PAD = 128


def _deg_count(dst2d, n_nodes):
  n_groups = dst2d.shape[0] // _DEG_G
  iters = (n_groups + _NW - 1) // _NW
  n_blk = n_nodes // _RBLK
  blk_iters = (n_blk + _NS - 1) // _NS
  mesh = plsc.VectorSubcoreMesh(core_axis_name="c", subcore_axis_name="s")
  ones = jnp.ones((_CHUNK, _DEG_W), jnp.float32)
  zeros = jnp.zeros((_RBLK, _DEG_W), jnp.float32)

  @functools.partial(
      pl.kernel,
      out_type=jax.ShapeDtypeStruct((_NC, n_nodes, _DEG_W), jnp.float32),
      mesh=mesh,
      compiler_params=pltpu.CompilerParams(use_tc_tiling_on_sc=False),
      scratch_types=[
          pltpu.VMEM((_DEG_G, _CHUNK), jnp.int32),
          pltpu.VMEM((_CHUNK, _DEG_W), jnp.float32),
          pltpu.VMEM((_RBLK, _DEG_W), jnp.float32),
          pltpu.VMEM_SHARED((n_nodes + _PAD, _DEG_W), jnp.float32),
          pltpu.SemaphoreType.DMA,
      ],
  )
  def k(dst_h, ones_h, z_h, out_h, dst_v, ones_v, stage_v, acc, sem):
    cid = lax.axis_index("c")
    sid = lax.axis_index("s")
    wid = sid * _NC + cid
    pltpu.sync_copy(ones_h, ones_v)

    def zbody(i, carry):
      b = sid + i * _NS

      @pl.when(b < n_blk)
      def _():
        pltpu.sync_copy(z_h, acc.at[pl.ds(b * _RBLK, _RBLK), :])

      return carry

    lax.fori_loop(0, blk_iters, zbody, 0)
    plsc.subcore_barrier()

    def body(i, carry):
      g = wid + i * _NW

      @pl.when(g < n_groups)
      def _():
        pltpu.sync_copy(dst_h.at[pl.ds(g * _DEG_G, _DEG_G), :], dst_v)
        descs = [
            pltpu.async_copy(ones_v, acc.at[dst_v.at[j]], sem, add=True)
            for j in range(_DEG_G)
        ]
        for d_ in descs:
          d_.wait()

      return carry

    lax.fori_loop(0, iters, body, 0)
    plsc.subcore_barrier()

    def obody(i, carry):
      b = sid + i * _NS

      @pl.when(b < n_blk)
      def _():
        pltpu.sync_copy(acc.at[pl.ds(b * _RBLK, _RBLK), :], stage_v)
        pltpu.sync_copy(stage_v, out_h.at[cid, pl.ds(b * _RBLK, _RBLK), :])

      return carry

    lax.fori_loop(0, blk_iters, obody, 0)

  return k(dst2d, ones, zeros)


def _edge_agg(src2d, dst2d, table, n_nodes, nbuf, grp):
  d = table.shape[1]
  n_groups = src2d.shape[0] // grp
  iters = (n_groups + _NW - 1) // _NW
  n_blk = n_nodes // _RBLK
  blk_iters = (n_blk + _NS - 1) // _NS
  mesh = plsc.VectorSubcoreMesh(core_axis_name="c", subcore_axis_name="s")
  zeros = jnp.zeros((_RBLK, d), jnp.float32)

  @functools.partial(
      pl.kernel,
      out_type=jax.ShapeDtypeStruct((_NC, n_nodes, d), jnp.float32),
      mesh=mesh,
      compiler_params=pltpu.CompilerParams(use_tc_tiling_on_sc=False),
      scratch_types=(
          [pltpu.VMEM((grp, _CHUNK), jnp.int32),
           pltpu.VMEM((grp, _CHUNK), jnp.int32)]
          + [pltpu.VMEM((_CHUNK, d), jnp.float32) for _ in range(nbuf)]
          + [pltpu.VMEM((_RBLK, d), jnp.float32),
             pltpu.VMEM_SHARED((n_nodes + _PAD, d), jnp.float32)]
          + [pltpu.SemaphoreType.DMA for _ in range(2 * nbuf)]
      ),
  )
  def k(src_h, dst_h, tab_h, z_h, out_h, src_v, dst_v, *rest):
    rows = rest[:nbuf]
    stage_v = rest[nbuf]
    acc = rest[nbuf + 1]
    sems = rest[nbuf + 2:2 * nbuf + 2]
    ssems = rest[2 * nbuf + 2:]
    cid = lax.axis_index("c")
    sid = lax.axis_index("s")
    wid = sid * _NC + cid

    def zbody(i, carry):
      b = sid + i * _NS

      @pl.when(b < n_blk)
      def _():
        pltpu.sync_copy(z_h, acc.at[pl.ds(b * _RBLK, _RBLK), :])

      return carry

    lax.fori_loop(0, blk_iters, zbody, 0)
    plsc.subcore_barrier()

    def body(i, carry):
      g = wid + i * _NW

      @pl.when(g < n_groups)
      def _():
        pltpu.sync_copy(src_h.at[pl.ds(g * grp, grp), :], src_v)
        pltpu.sync_copy(dst_h.at[pl.ds(g * grp, grp), :], dst_v)
        gd = [None] * grp
        sd = [None] * grp
        for p in range(nbuf - 1):
          gd[p] = pltpu.async_copy(
              tab_h.at[src_v.at[p]], rows[p % nbuf], sems[p % nbuf])
        for j in range(grp):
          if j >= 1:
            sd[j - 1].wait()
          nx = j + nbuf - 1
          if nx < grp:
            gd[nx] = pltpu.async_copy(
                tab_h.at[src_v.at[nx]], rows[nx % nbuf], sems[nx % nbuf])
          gd[j].wait()
          sd[j] = pltpu.async_copy(rows[j % nbuf], acc.at[dst_v.at[j]],
                                   ssems[j % nbuf], add=True)
        sd[grp - 1].wait()

      return carry

    lax.fori_loop(0, iters, body, 0)
    plsc.subcore_barrier()

    def obody(i, carry):
      b = sid + i * _NS

      @pl.when(b < n_blk)
      def _():
        pltpu.sync_copy(acc.at[pl.ds(b * _RBLK, _RBLK), :], stage_v)
        pltpu.sync_copy(stage_v, out_h.at[cid, pl.ds(b * _RBLK, _RBLK), :])

      return carry

    lax.fori_loop(0, blk_iters, obody, 0)

  return k(src2d, dst2d, table, zeros)


def _tc_dinv_scale(degp, x, w1):
  n = x.shape[0]

  def body(d_ref, x_ref, w_ref, dinv_ref, y_ref):
    dsum = d_ref[0] + d_ref[1]
    deg = dsum[:, 0:1] + 1.0
    dinv = lax.rsqrt(deg)
    dinv_ref[...] = dinv
    xw = jnp.dot(x_ref[...], w_ref[...], preferred_element_type=jnp.float32)
    y_ref[...] = xw * dinv

  return pl.pallas_call(
      body,
      out_shape=(
          jax.ShapeDtypeStruct((n, 1), jnp.float32),
          jax.ShapeDtypeStruct((n, w1.shape[1]), jnp.float32),
      ),
  )(degp, x, w1)


def _tc_mid(accp, y1, dinv, b1, w2):
  n = y1.shape[0]

  def body(a_ref, y_ref, di_ref, b_ref, w_ref, o_ref):
    di = di_ref[...]
    s = a_ref[0] + a_ref[1] + y_ref[...]
    h = jnp.maximum(di * s + b_ref[...], 0.0)
    o_ref[...] = di * jnp.dot(h, w_ref[...],
                              preferred_element_type=jnp.float32)

  return pl.pallas_call(
      body,
      out_shape=jax.ShapeDtypeStruct((n, w2.shape[1]), jnp.float32),
  )(accp, y1, dinv, b1, w2)


def _tc_final(accp, y2, dinv, b2):
  def body(a_ref, y_ref, di_ref, b_ref, o_ref):
    s = a_ref[0] + a_ref[1] + y_ref[...]
    o_ref[...] = di_ref[...] * s + b_ref[...]

  return pl.pallas_call(
      body,
      out_shape=jax.ShapeDtypeStruct(y2.shape, jnp.float32),
  )(accp, y2, dinv, b2)


def _pad_edges(src, dst, n_nodes, chunk, n_rows):
  n_edges = src.shape[0]
  n_pad = n_rows * chunk - n_edges
  pad_dst = n_nodes + (jnp.arange(n_pad, dtype=jnp.int32) % _PAD)
  pad_src = jnp.arange(n_pad, dtype=jnp.int32) % jnp.int32(n_nodes)
  src_p = jnp.concatenate([src, pad_src])
  dst_p = jnp.concatenate([dst, pad_dst])
  return src_p.reshape(-1, chunk), dst_p.reshape(-1, chunk)


def kernel(x, edge_index, W1, b1, W2, b2):
  n = x.shape[0]
  n_edges = edge_index.shape[1]
  src = edge_index[0].astype(jnp.int32)
  dst = edge_index[1].astype(jnp.int32)

  n_rows = -(-n_edges // _CHUNK)
  n_rows += (-n_rows) % 32
  srcp, dstp = _pad_edges(src, dst, n, _CHUNK, n_rows)

  degp = _deg_count(dstp, n)
  dinv, y1 = _tc_dinv_scale(degp, x, W1)
  acc1 = _edge_agg(srcp, dstp, y1, n, 4, 32)
  y2 = _tc_mid(acc1, y1, dinv, b1.reshape(1, -1), W2)
  acc2 = _edge_agg(srcp, dstp, y2, n, 2, 16)
  out = _tc_final(acc2, y2, dinv, b2.reshape(1, -1))
  return out

# --- scband reference (transcript-rebuilt; emitter-appended) ---
"""Pipeline reference for scband-graph-autoencoder-11312943857937 (READ-ONLY COPY).

The authoritative reference and input builder live on the scoring server;
editing this copy changes nothing except your own understanding.
"""

import jax, jax.numpy as jnp
import numpy as np


def _gcn_conv(x, edge_index, W, b):
    # Faithful PyG GCNConv: add self-loops, symmetric normalization, x @ W, scatter-add, + bias
    n = x.shape[0]
    loop = jnp.arange(n, dtype=edge_index.dtype)
    src = jnp.concatenate([edge_index[0], loop])
    dst = jnp.concatenate([edge_index[1], loop])
    deg = jax.ops.segment_sum(jnp.ones(src.shape[0], dtype=x.dtype), dst, num_segments=n)
    deg_inv_sqrt = jnp.where(deg > 0, 1.0 / jnp.sqrt(deg), 0.0)
    norm = deg_inv_sqrt[src] * deg_inv_sqrt[dst]
    xw = x @ W
    msgs = xw[src] * norm[:, None]
    out = jax.ops.segment_sum(msgs, dst, num_segments=n)
    return out + b


def setup_inputs(seed: int = 0) -> dict:
    key = jax.random.key(seed)
    k1, k2, k3, k4, k5, k6 = jax.random.split(key, 6)
    n_nodes, n_edges = 10000, 320000
    input_dim, hidden_dim, output_dim = 128, 64, 128
    x = jax.random.normal(k1, (n_nodes, input_dim), dtype=jnp.float32)
    edge_index = jax.random.randint(k2, (2, n_edges), 0, n_nodes)
    W1 = jax.random.normal(k3, (input_dim, hidden_dim), dtype=jnp.float32) * (1.0 / np.sqrt(input_dim))
    b1 = jnp.zeros((hidden_dim,), dtype=jnp.float32)
    W2 = jax.random.normal(k4, (hidden_dim, output_dim), dtype=jnp.float32) * (1.0 / np.sqrt(hidden_dim))
    b2 = jnp.zeros((output_dim,), dtype=jnp.float32)
    return {"x": x, "edge_index": edge_index, "W1": W1, "b1": b1, "W2": W2, "b2": b2}


def reference(x, edge_index, W1, b1, W2, b2):
    h = jax.nn.relu(_gcn_conv(x, edge_index, W1, b1))
    out = _gcn_conv(h, edge_index, W2, b2)
    return out

if __name__ == "__main__":
    import jax
    _d = setup_inputs()
    print(jax.jit(kernel)(*tuple(_d.values())))

</pallas_src>

<mosaic_0001>
#map = affine_map<(d0, d1) -> (0, 0)>
#map1 = affine_map<(d0, d1) -> (0, 0, 0)>
module attributes {stable_mosaic.version = 14 : i64} {
  func.func @k(%arg0: i32, %arg1: i32, %arg2: memref<2528x128xi32, #tpu.memory_space<hbm>>, %arg3: memref<128x16xf32, #tpu.memory_space<hbm>>, %arg4: memref<80x16xf32, #tpu.memory_space<hbm>>, %arg5: memref<2x10000x16xf32, #tpu.memory_space<hbm>>, %arg6: memref<16x128xi32, #tpu.memory_space<vmem>>, %arg7: memref<128x16xf32, #tpu.memory_space<vmem>>, %arg8: memref<80x16xf32, #tpu.memory_space<vmem>>, %arg9: memref<10128x16xf32, #tpu.memory_space<vmem_shared>>, %arg10: memref<!tpu.dma_semaphore, #tpu.memory_space<semaphore_mem>>) attributes {dimension_semantics = [#tpu.dimension_semantics<core_parallel>, #tpu.dimension_semantics<subcore_parallel>], iteration_bounds = array<i64: 2, 16>, scalar_prefetch = 0 : i64, scratch_operands = 5 : i64, tpu.core_type = #tpu.core_type<sc_vector_subcore>, window_params = [{transform_indices = #map}, {transform_indices = #map}, {transform_indices = #map}, {transform_indices = #map1}]} {
    %mul3A = arith.constant 2 : i32
    %mul3A_0 = arith.muli %arg1, %mul3A : i32
    %add3A = arith.addi %mul3A_0, %arg0 : i32
    "tpu.region"() ({
      %run_scoped3A = tpu.sem_alloc : memref<!tpu.dma_semaphore, #tpu.memory_space<semaphore_mem>>
      tpu.enqueue_dma source(%arg3 : memref<128x16xf32, #tpu.memory_space<hbm>>) target(%arg7 : memref<128x16xf32, #tpu.memory_space<vmem>>) target_semaphore(%run_scoped3A : memref<!tpu.dma_semaphore, #tpu.memory_space<semaphore_mem>>)
      tpu.wait_dma2 semaphore(%run_scoped3A : memref<!tpu.dma_semaphore, #tpu.memory_space<semaphore_mem>>) src(%arg3 : memref<128x16xf32, #tpu.memory_space<hbm>>) dst(%arg7 : memref<128x16xf32, #tpu.memory_space<vmem>>)
      tpu.yield
    }) : () -> ()
    %scan3A = arith.constant 0 : i32
    %scan3A_1 = arith.constant 0 : i32
    %scan3A_2 = arith.constant 8 : i32
    %scan3A_3 = arith.addi %scan3A_1, %scan3A_2 : i32
    %scan3A_4 = arith.constant 1 : i32
    scf.for %scan3A_19 = %scan3A_1 to %scan3A_3 step %scan3A_4  : i32 {
      %mul3A_20 = arith.constant 16 : i32
      %mul3A_21 = arith.muli %scan3A_19, %mul3A_20 : i32
      %add3A_22 = arith.addi %arg1, %mul3A_21 : i32
      %lt3A = arith.constant 125 : i32
      %lt3A_23 = arith.cmpi slt, %add3A_22, %lt3A : i32
      %convert_element_type3A = arith.extui %lt3A_23 : i1 to i32
      %cond3A = arith.constant 0 : i32
      %cond3A_24 = arith.cmpi ne, %convert_element_type3A, %cond3A : i32
      scf.if %cond3A_24 {
        %mul3A_25 = arith.constant 80 : i32
        %mul3A_26 = arith.muli %add3A_22, %mul3A_25 : i32
        "tpu.region"() ({
          %run_scoped3A = tpu.sem_alloc : memref<!tpu.dma_semaphore, #tpu.memory_space<semaphore_mem>>
          %dma_start3A = arith.constant 0 : i32
          %dma_start3A_27 = tpu.memref_slice %arg9[%mul3A_26, %dma_start3A] : memref<10128x16xf32, #tpu.memory_space<vmem_shared>> -> memref<80x16xf32, #tpu.memory_space<vmem_shared>>
          tpu.enqueue_dma source(%arg4 : memref<80x16xf32, #tpu.memory_space<hbm>>) target(%dma_start3A_27 : memref<80x16xf32, #tpu.memory_space<vmem_shared>>) target_semaphore(%run_scoped3A : memref<!tpu.dma_semaphore, #tpu.memory_space<semaphore_mem>>)
          %dma_wait3A = arith.constant 0 : i32
          %dma_wait3A_28 = tpu.memref_slice %arg9[%mul3A_26, %dma_wait3A] : memref<10128x16xf32, #tpu.memory_space<vmem_shared>> -> memref<80x16xf32, #tpu.memory_space<vmem_shared>>
          tpu.wait_dma2 semaphore(%run_scoped3A : memref<!tpu.dma_semaphore, #tpu.memory_space<semaphore_mem>>) src(%arg4 : memref<80x16xf32, #tpu.memory_space<hbm>>) dst(%dma_wait3A_28 : memref<80x16xf32, #tpu.memory_space<vmem_shared>>)
          tpu.yield
        }) : () -> ()
      } else {
      }
    }
    %scan3A_5 = arith.constant 8 : i32
    %barrier3A = arith.constant 0 : index
    tpu.barrier barrier_id(%barrier3A)
    %scan3A_6 = arith.constant 0 : i32
    %scan3A_7 = arith.constant 0 : i32
    %scan3A_8 = arith.constant 5 : i32
    %scan3A_9 = arith.addi %scan3A_7, %scan3A_8 : i32
    %scan3A_10 = arith.constant 1 : i32
    scf.for %scan3A_19 = %scan3A_7 to %scan3A_9 step %scan3A_10  : i32 {
      %mul3A_20 = arith.constant 32 : i32
      %mul3A_21 = arith.muli %scan3A_19, %mul3A_20 : i32
      %add3A_22 = arith.addi %add3A, %mul3A_21 : i32
      %lt3A = arith.constant 158 : i32
      %lt3A_23 = arith.cmpi slt, %add3A_22, %lt3A : i32
      %convert_element_type3A = arith.extui %lt3A_23 : i1 to i32
      %cond3A = arith.constant 0 : i32
      %cond3A_24 = arith.cmpi ne, %convert_element_type3A, %cond3A : i32
      scf.if %cond3A_24 {
        %mul3A_25 = arith.constant 16 : i32
        %mul3A_26 = arith.muli %add3A_22, %mul3A_25 : i32
        "tpu.region"() ({
          %run_scoped3A = tpu.sem_alloc : memref<!tpu.dma_semaphore, #tpu.memory_space<semaphore_mem>>
          %dma_start3A_249 = arith.constant 0 : i32
          %dma_start3A_250 = tpu.memref_slice %arg2[%mul3A_26, %dma_start3A_249] : memref<2528x128xi32, #tpu.memory_space<hbm>> -> memref<16x128xi32, #tpu.memory_space<hbm>>
          %dma_start3A_251 = arith.constant 0 : i32
          %dma_start3A_252 = tpu.memref_slice %arg2[%mul3A_26, %dma_start3A_251] : memref<2528x128xi32, #tpu.memory_space<hbm>> -> memref<16x128xi32, #tpu.memory_space<hbm>>
          tpu.enqueue_dma source(%dma_start3A_252 : memref<16x128xi32, #tpu.memory_space<hbm>>) target(%arg6 : memref<16x128xi32, #tpu.memory_space<vmem>>) target_semaphore(%run_scoped3A : memref<!tpu.dma_semaphore, #tpu.memory_space<semaphore_mem>>)
          %dma_wait3A_253 = arith.constant 0 : i32
          %dma_wait3A_254 = tpu.memref_slice %arg2[%mul3A_26, %dma_wait3A_253] : memref<2528x128xi32, #tpu.memory_space<hbm>> -> memref<16x128xi32, #tpu.memory_space<hbm>>
          %dma_wait3A_255 = arith.constant 0 : i32
          %dma_wait3A_256 = tpu.memref_slice %arg2[%mul3A_26, %dma_wait3A_255] : memref<2528x128xi32, #tpu.memory_space<hbm>> -> memref<16x128xi32, #tpu.memory_space<hbm>>
          tpu.wait_dma2 semaphore(%run_scoped3A : memref<!tpu.dma_semaphore, #tpu.memory_space<semaphore_mem>>) src(%dma_wait3A_256 : memref<16x128xi32, #tpu.memory_space<hbm>>) dst(%arg6 : memref<16x128xi32, #tpu.memory_space<vmem>>)
          tpu.yield
        }) : () -> ()
        %dma_start3A = arith.constant 0 : i32
        %dma_start3A_27 = arith.constant 0 : i32
        %dma_start3A_28 = tpu.memref_slice %arg6[%dma_start3A, %dma_start3A_27] : memref<16x128xi32, #tpu.memory_space<vmem>> -> memref<1x128xi32, #tpu.memory_space<vmem>>
        %dma_start3A_29 = tpu.memref_squeeze %dma_start3A_28 : memref<1x128xi32, #tpu.memory_space<vmem>> -> memref<128xi32, #tpu.memory_space<vmem>>
        %dma_start3A_30 = arith.constant 0 : i32
        %dma_start3A_31 = arith.constant 0 : i32
        %dma_start3A_32 = tpu.memref_slice %arg9[%dma_start3A_30, %dma_start3A_31] : memref<10128x16xf32, #tpu.memory_space<vmem_shared>> -> memref<10128x16xf32, #tpu.memory_space<vmem_shared>>
        tpu.enqueue_indirect_dma source(%arg7 : memref<128x16xf32, #tpu.memory_space<vmem>>) target(%dma_start3A_32 : memref<10128x16xf32, #tpu.memory_space<vmem_shared>>) offsets(%dma_start3A_29 : memref<128xi32, #tpu.memory_space<vmem>>) semaphore(%arg10 : memref<!tpu.dma_semaphore, #tpu.memory_space<semaphore_mem>>) {add = true}
        %dma_start3A_33 = arith.constant 1 : i32
        %dma_start3A_34 = arith.constant 0 : i32
        %dma_start3A_35 = tpu.memref_slice %arg6[%dma_start3A_33, %dma_start3A_34] : memref<16x128xi32, #tpu.memory_space<vmem>> -> memref<1x128xi32, #tpu.memory_space<vmem>>
        %dma_start3A_36 = tpu.memref_squeeze %dma_start3A_35 : memref<1x128xi32, #tpu.memory_space<vmem>> -> memref<128xi32, #tpu.memory_space<vmem>>
        %dma_start3A_37 = arith.constant 0 : i32
        %dma_start3A_38 = arith.constant 0 : i32
        %dma_start3A_39 = tpu.memref_slice %arg9[%dma_start3A_37, %dma_start3A_38] : memref<10128x16xf32, #tpu.memory_space<vmem_shared>> -> memref<10128x16xf32, #tpu.memory_space<vmem_shared>>
        tpu.enqueue_indirect_dma source(%arg7 : memref<128x16xf32, #tpu.memory_space<vmem>>) target(%dma_start3A_39 : memref<10128x16xf32, #tpu.memory_space<vmem_shared>>) offsets(%dma_start3A_36 : memref<128xi32, #tpu.memory_space<vmem>>) semaphore(%arg10 : memref<!tpu.dma_semaphore, #tpu.memory_space<semaphore_mem>>) {add = true}
        %dma_start3A_40 = arith.constant 2 : i32
        %dma_start3A_41 = arith.constant 0 : i32
        %dma_start3A_42 = tpu.memref_slice %arg6[%dma_start3A_40, %dma_start3A_41] : memref<16x128xi32, #tpu.memory_space<vmem>> -> memref<1x128xi32, #tpu.memory_space<vmem>>
        %dma_start3A_43 = tpu.memref_squeeze %dma_start3A_42 : memref<1x128xi32, #tpu.memory_space<vmem>> -> memref<128xi32, #tpu.memory_space<vmem>>
        %dma_start3A_44 = arith.constant 0 : i32
        %dma_start3A_45 = arith.constant 0 : i32
        %dma_start3A_46 = tpu.memref_slice %arg9[%dma_start3A_44, %dma_start3A_45] : memref<10128x16xf32, #tpu.memory_space<vmem_shared>> -> memref<10128x16xf32, #tpu.memory_space<vmem_shared>>
        tpu.enqueue_indirect_dma source(%arg7 : memref<128x16xf32, #tpu.memory_space<vmem>>) target(%dma_start3A_46 : memref<10128x16xf32, #tpu.memory_space<vmem_shared>>) offsets(%dma_start3A_43 : memref<128xi32, #tpu.memory_space<vmem>>) semaphore(%arg10 : memref<!tpu.dma_semaphore, #tpu.memory_space<semaphore_mem>>) {add = true}
        %dma_start3A_47 = arith.constant 3 : i32
        %dma_start3A_48 = arith.constant 0 : i32
        %dma_start3A_49 = tpu.memref_slice %arg6[%dma_start3A_47, %dma_start3A_48] : memref<16x128xi32, #tpu.memory_space<vmem>> -> memref<1x128xi32, #tpu.memory_space<vmem>>
        %dma_start3A_50 = tpu.memref_squeeze %dma_start3A_49 : memref<1x128xi32, #tpu.memory_space<vmem>> -> memref<128xi32, #tpu.memory_space<vmem>>
        %dma_start3A_51 = arith.constant 0 : i32
        %dma_start3A_52 = arith.constant 0 : i32
        %dma_start3A_53 = tpu.memref_slice %arg9[%dma_start3A_51, %dma_start3A_52] : memref<10128x16xf32, #tpu.memory_space<vmem_shared>> -> memref<10128x16xf32, #tpu.memory_space<vmem_shared>>
        tpu.enqueue_indirect_dma source(%arg7 : memref<128x16xf32, #tpu.memory_space<vmem>>) target(%dma_start3A_53 : memref<10128x16xf32, #tpu.memory_space<vmem_shared>>) offsets(%dma_start3A_50 : memref<128xi32, #tpu.memory_space<vmem>>) semaphore(%arg10 : memref<!tpu.dma_semaphore, #tpu.memory_space<semaphore_mem>>) {add = true}
        %dma_start3A_54 = arith.constant 4 : i32
        %dma_start3A_55 = arith.constant 0 : i32
        %dma_start3A_56 = tpu.memref_slice %arg6[%dma_start3A_54, %dma_start3A_55] : memref<16x128xi32, #tpu.memory_space<vmem>> -> memref<1x128xi32, #tpu.memory_space<vmem>>
        %dma_start3A_57 = tpu.memref_squeeze %dma_start3A_56 : memref<1x128xi32, #tpu.memory_space<vmem>> -> memref<128xi32, #tpu.memory_space<vmem>>
        %dma_start3A_58 = arith.constant 0 : i32
        %dma_start3A_59 = arith.constant 0 : i32
        %dma_start3A_60 = tpu.memref_slice %arg9[%dma_start3A_58, %dma_start3A_59] : memref<10128x16xf32, #tpu.memory_space<vmem_shared>> -> memref<10128x16xf32, #tpu.memory_space<vmem_shared>>
        tpu.enqueue_indirect_dma source(%arg7 : memref<128x16xf32, #tpu.memory_space<vmem>>) target(%dma_start3A_60 : memref<10128x16xf32, #tpu.memory_space<vmem_shared>>) offsets(%dma_start3A_57 : memref<128xi32, #tpu.memory_space<vmem>>) semaphore(%arg10 : memref<!tpu.dma_semaphore, #tpu.memory_space<semaphore_mem>>) {add = true}
        %dma_start3A_61 = arith.constant 5 : i32
        %dma_start3A_62 = arith.constant 0 : i32
        %dma_start3A_63 = tpu.memref_slice %arg6[%dma_start3A_61, %dma_start3A_62] : memref<16x128xi32, #tpu.memory_space<vmem>> -> memref<1x128xi32, #tpu.memory_space<vmem>>
        %dma_start3A_64 = tpu.memref_squeeze %dma_start3A_63 : memref<1x128xi32, #tpu.memory_space<vmem>> -> memref<128xi32, #tpu.memory_space<vmem>>
        %dma_start3A_65 = arith.constant 0 : i32
        %dma_start3A_66 = arith.constant 0 : i32
        %dma_start3A_67 = tpu.memref_slice %arg9[%dma_start3A_65, %dma_start3A_66] : memref<10128x16xf32, #tpu.memory_space<vmem_shared>> -> memref<10128x16xf32, #tpu.memory_space<vmem_shared>>
        tpu.enqueue_indirect_dma source(%arg7 : memref<128x16xf32, #tpu.memory_space<vmem>>) target(%dma_start3A_67 : memref<10128x16xf32, #tpu.memory_space<vmem_shared>>) offsets(%dma_start3A_64 : memref<128xi32, #tpu.memory_space<vmem>>) semaphore(%arg10 : memref<!tpu.dma_semaphore, #tpu.memory_space<semaphore_mem>>) {add = true}
        %dma_start3A_68 = arith.constant 6 : i32
        %dma_start3A_69 = arith.constant 0 : i32
        %dma_start3A_70 = tpu.memref_slice %arg6[%dma_start3A_68, %dma_start3A_69] : memref<16x128xi32, #tpu.memory_space<vmem>> -> memref<1x128xi32, #tpu.memory_space<vmem>>
        %dma_start3A_71 = tpu.memref_squeeze %dma_start3A_70 : memref<1x128xi32, #tpu.memory_space<vmem>> -> memref<128xi32, #tpu.memory_space<vmem>>
        %dma_start3A_72 = arith.constant 0 : i32
        %dma_start3A_73 = arith.constant 0 : i32
        %dma_start3A_74 = tpu.memref_slice %arg9[%dma_start3A_72, %dma_start3A_73] : memref<10128x16xf32, #tpu.memory_space<vmem_shared>> -> memref<10128x16xf32, #tpu.memory_space<vmem_shared>>
        tpu.enqueue_indirect_dma source(%arg7 : memref<128x16xf32, #tpu.memory_space<vmem>>) target(%dma_start3A_74 : memref<10128x16xf32, #tpu.memory_space<vmem_shared>>) offsets(%dma_start3A_71 : memref<128xi32, #tpu.memory_space<vmem>>) semaphore(%arg10 : memref<!tpu.dma_semaphore, #tpu.memory_space<semaphore_mem>>) {add = true}
        %dma_start3A_75 = arith.constant 7 : i32
        %dma_start3A_76 = arith.constant 0 : i32
        %dma_start3A_77 = tpu.memref_slice %arg6[%dma_start3A_75, %dma_start3A_76] : memref<16x128xi32, #tpu.memory_space<vmem>> -> memref<1x128xi32, #tpu.memory_space<vmem>>
        %dma_start3A_78 = tpu.memref_squeeze %dma_start3A_77 : memref<1x128xi32, #tpu.memory_space<vmem>> -> memref<128xi32, #tpu.memory_space<vmem>>
        %dma_start3A_79 = arith.constant 0 : i32
        %dma_start3A_80 = arith.constant 0 : i32
        %dma_start3A_81 = tpu.memref_slice %arg9[%dma_start3A_79, %dma_start3A_80] : memref<10128x16xf32, #tpu.memory_space<vmem_shared>> -> memref<10128x16xf32, #tpu.memory_space<vmem_shared>>
        tpu.enqueue_indirect_dma source(%arg7 : memref<128x16xf32, #tpu.memory_space<vmem>>) target(%dma_start3A_81 : memref<10128x16xf32, #tpu.memory_space<vmem_shared>>) offsets(%dma_start3A_78 : memref<128xi32, #tpu.memory_space<vmem>>) semaphore(%arg10 : memref<!tpu.dma_semaphore, #tpu.memory_space<semaphore_mem>>) {add = true}
        %dma_start3A_82 = arith.constant 8 : i32
        %dma_start3A_83 = arith.constant 0 : i32
        %dma_start3A_84 = tpu.memref_slice %arg6[%dma_start3A_82, %dma_start3A_83] : memref<16x128xi32, #tpu.memory_space<vmem>> -> memref<1x128xi32, #tpu.memory_space<vmem>>
        %dma_start3A_85 = tpu.memref_squeeze %dma_start3A_84 : memref<1x128xi32, #tpu.memory_space<vmem>> -> memref<128xi32, #tpu.memory_space<vmem>>
        %dma_start3A_86 = arith.constant 0 : i32
        %dma_start3A_87 = arith.constant 0 : i32
        %dma_start3A_88 = tpu.memref_slice %arg9[%dma_start3A_86, %dma_start3A_87] : memref<10128x16xf32, #tpu.memory_space<vmem_shared>> -> memref<10128x16xf32, #tpu.memory_space<vmem_shared>>
        tpu.enqueue_indirect_dma source(%arg7 : memref<128x16xf32, #tpu.memory_space<vmem>>) target(%dma_start3A_88 : memref<10128x16xf32, #tpu.memory_space<vmem_shared>>) offsets(%dma_start3A_85 : memref<128xi32, #tpu.memory_space<vmem>>) semaphore(%arg10 : memref<!tpu.dma_semaphore, #tpu.memory_space<semaphore_mem>>) {add = true}
        %dma_start3A_89 = arith.constant 9 : i32
        %dma_start3A_90 = arith.constant 0 : i32
        %dma_start3A_91 = tpu.memref_slice %arg6[%dma_start3A_89, %dma_start3A_90] : memref<16x128xi32, #tpu.memory_space<vmem>> -> memref<1x128xi32, #tpu.memory_space<vmem>>
        %dma_start3A_92 = tpu.memref_squeeze %dma_start3A_91 : memref<1x128xi32, #tpu.memory_space<vmem>> -> memref<128xi32, #tpu.memory_space<vmem>>
        %dma_start3A_93 = arith.constant 0 : i32
        %dma_start3A_94 = arith.constant 0 : i32
        %dma_start3A_95 = tpu.memref_slice %arg9[%dma_start3A_93, %dma_start3A_94] : memref<10128x16xf32, #tpu.memory_space<vmem_shared>> -> memref<10128x16xf32, #tpu.memory_space<vmem_shared>>
        tpu.enqueue_indirect_dma source(%arg7 : memref<128x16xf32, #tpu.memory_space<vmem>>) target(%dma_start3A_95 : memref<10128x16xf32, #tpu.memory_space<vmem_shared>>) offsets(%dma_start3A_92 : memref<128xi32, #tpu.memory_space<vmem>>) semaphore(%arg10 : memref<!tpu.dma_semaphore, #tpu.memory_space<semaphore_mem>>) {add = true}
        %dma_start3A_96 = arith.constant 10 : i32
        %dma_start3A_97 = arith.constant 0 : i32
        %dma_start3A_98 = tpu.memref_slice %arg6[%dma_start3A_96, %dma_start3A_97] : memref<16x128xi32, #tpu.memory_space<vmem>> -> memref<1x128xi32, #tpu.memory_space<vmem>>
        %dma_start3A_99 = tpu.memref_squeeze %dma_start3A_98 : memref<1x128xi32, #tpu.memory_space<vmem>> -> memref<128xi32, #tpu.memory_space<vmem>>
        %dma_start3A_100 = arith.constant 0 : i32
        %dma_start3A_101 = arith.constant 0 : i32
        %dma_start3A_102 = tpu.memref_slice %arg9[%dma_start3A_100, %dma_start3A_101] : memref<10128x16xf32, #tpu.memory_space<vmem_shared>> -> memref<10128x16xf32, #tpu.memory_space<vmem_shared>>
        tpu.enqueue_indirect_dma source(%arg7 : memref<128x16xf32, #tpu.memory_space<vmem>>) target(%dma_start3A_102 : memref<10128x16xf32, #tpu.memory_space<vmem_shared>>) offsets(%dma_start3A_99 : memref<128xi32, #tpu.memory_space<vmem>>) semaphore(%arg10 : memref<!tpu.dma_semaphore, #tpu.memory_space<semaphore_mem>>) {add = true}
        %dma_start3A_103 = arith.constant 11 : i32
        %dma_start3A_104 = arith.constant 0 : i32
        %dma_start3A_105 = tpu.memref_slice %arg6[%dma_start3A_103, %dma_start3A_104] : memref<16x128xi32, #tpu.memory_space<vmem>> -> memref<1x128xi32, #tpu.memory_space<vmem>>
        %dma_start3A_106 = tpu.memref_squeeze %dma_start3A_105 : memref<1x128xi32, #tpu.memory_space<vmem>> -> memref<128xi32, #tpu.memory_space<vmem>>
        %dma_start3A_107 = arith.constant 0 : i32
        %dma_start3A_108 = arith.constant 0 : i32
        %dma_start3A_109 = tpu.memref_slice %arg9[%dma_start3A_107, %dma_start3A_108] : memref<10128x16xf32, #tpu.memory_space<vmem_shared>> -> memref<10128x16xf32, #tpu.memory_space<vmem_shared>>
        tpu.enqueue_indirect_dma source(%arg7 : memref<128x16xf32, #tpu.memory_space<vmem>>) target(%dma_start3A_109 : memref<10128x16xf32, #tpu.memory_space<vmem_shared>>) offsets(%dma_start3A_106 : memref<128xi32, #tpu.memory_space<vmem>>) semaphore(%arg10 : memref<!tpu.dma_semaphore, #tpu.memory_space<semaphore_mem>>) {add = true}
        %dma_start3A_110 = arith.constant 12 : i32
        %dma_start3A_111 = arith.constant 0 : i32
        %dma_start3A_112 = tpu.memref_slice %arg6[%dma_start3A_110, %dma_start3A_111] : memref<16x128xi32, #tpu.memory_space<vmem>> -> memref<1x128xi32, #tpu.memory_space<vmem>>
        %dma_start3A_113 = tpu.memref_squeeze %dma_start3A_112 : memref<1x128xi32, #tpu.memory_space<vmem>> -> memref<128xi32, #tpu.memory_space<vmem>>
        %dma_start3A_114 = arith.constant 0 : i32
        %dma_start3A_115 = arith.constant 0 : i32
        %dma_start3A_116 = tpu.memref_slice %arg9[%dma_start3A_114, %dma_start3A_115] : memref<10128x16xf32, #tpu.memory_space<vmem_shared>> -> memref<10128x16xf32, #tpu.memory_space<vmem_shared>>
        tpu.enqueue_indirect_dma source(%arg7 : memref<128x16xf32, #tpu.memory_space<vmem>>) target(%dma_start3A_116 : memref<10128x16xf32, #tpu.memory_space<vmem_shared>>) offsets(%dma_start3A_113 : memref<128xi32, #tpu.memory_space<vmem>>) semaphore(%arg10 : memref<!tpu.dma_semaphore, #tpu.memory_space<semaphore_mem>>) {add = true}
        %dma_start3A_117 = arith.constant 13 : i32
        %dma_start3A_118 = arith.constant 0 : i32
        %dma_start3A_119 = tpu.memref_slice %arg6[%dma_start3A_117, %dma_start3A_118] : memref<16x128xi32, #tpu.memory_space<vmem>> -> memref<1x128xi32, #tpu.memory_space<vmem>>
        %dma_start3A_120 = tpu.memref_squeeze %dma_start3A_119 : memref<1x128xi32, #tpu.memory_space<vmem>> -> memref<128xi32, #tpu.memory_space<vmem>>
        %dma_start3A_121 = arith.constant 0 : i32
        %dma_start3A_122 = arith.constant 0 : i32
        %dma_start3A_123 = tpu.memref_slice %arg9[%dma_start3A_121, %dma_start3A_122] : memref<10128x16xf32, #tpu.memory_space<vmem_shared>> -> memref<10128x16xf32, #tpu.memory_space<vmem_shared>>
        tpu.enqueue_indirect_dma source(%arg7 : memref<128x16xf32, #tpu.memory_space<vmem>>) target(%dma_start3A_123 : memref<10128x16xf32, #tpu.memory_space<vmem_shared>>) offsets(%dma_start3A_120 : memref<128xi32, #tpu.memory_space<vmem>>) semaphore(%arg10 : memref<!tpu.dma_semaphore, #tpu.memory_space<semaphore_mem>>) {add = true}
        %dma_start3A_124 = arith.constant 14 : i32
        %dma_start3A_125 = arith.constant 0 : i32
        %dma_start3A_126 = tpu.memref_slice %arg6[%dma_start3A_124, %dma_start3A_125] : memref<16x128xi32, #tpu.memory_space<vmem>> -> memref<1x128xi32, #tpu.memory_space<vmem>>
        %dma_start3A_127 = tpu.memref_squeeze %dma_start3A_126 : memref<1x128xi32, #tpu.memory_space<vmem>> -> memref<128xi32, #tpu.memory_space<vmem>>
        %dma_start3A_128 = arith.constant 0 : i32
        %dma_start3A_129 = arith.constant 0 : i32
        %dma_start3A_130 = tpu.memref_slice %arg9[%dma_start3A_128, %dma_start3A_129] : memref<10128x16xf32, #tpu.memory_space<vmem_shared>> -> memref<10128x16xf32, #tpu.memory_space<vmem_shared>>
        tpu.enqueue_indirect_dma source(%arg7 : memref<128x16xf32, #tpu.memory_space<vmem>>) target(%dma_start3A_130 : memref<10128x16xf32, #tpu.memory_space<vmem_shared>>) offsets(%dma_start3A_127 : memref<128xi32, #tpu.memory_space<vmem>>) semaphore(%arg10 : memref<!tpu.dma_semaphore, #tpu.memory_space<semaphore_mem>>) {add = true}
        %dma_start3A_131 = arith.constant 15 : i32
        %dma_start3A_132 = arith.constant 0 : i32
        %dma_start3A_133 = tpu.memref_slice %arg6[%dma_start3A_131, %dma_start3A_132] : memref<16x128xi32, #tpu.memory_space<vmem>> -> memref<1x128xi32, #tpu.memory_space<vmem>>
        %dma_start3A_134 = tpu.memref_squeeze %dma_start3A_133 : memref<1x128xi32, #tpu.memory_space<vmem>> -> memref<128xi32, #tpu.memory_space<vmem>>
        %dma_start3A_135 = arith.constant 0 : i32
        %dma_start3A_136 = arith.constant 0 : i32
        %dma_start3A_137 = tpu.memref_slice %arg9[%dma_start3A_135, %dma_start3A_136] : memref<10128x16xf32, #tpu.memory_space<vmem_shared>> -> memref<10128x16xf32, #tpu.memory_space<vmem_shared>>
        tpu.enqueue_indirect_dma source(%arg7 : memref<128x16xf32, #tpu.memory_space<vmem>>) target(%dma_start3A_137 : memref<10128x16xf32, #tpu.memory_space<vmem_shared>>) offsets(%dma_start3A_134 : memref<128xi32, #tpu.memory_space<vmem>>) semaphore(%arg10 : memref<!tpu.dma_semaphore, #tpu.memory_space<semaphore_mem>>) {add = true}
        %dma_wait3A = arith.constant 0 : i32
        %dma_wait3A_138 = arith.constant 0 : i32
        %dma_wait3A_139 = tpu.memref_slice %arg6[%dma_wait3A, %dma_wait3A_138] : memref<16x128xi32, #tpu.memory_space<vmem>> -> memref<1x128xi32, #tpu.memory_space<vmem>>
        %dma_wait3A_140 = tpu.memref_squeeze %dma_wait3A_139 : memref<1x128xi32, #tpu.memory_space<vmem>> -> memref<128xi32, #tpu.memory_space<vmem>>
        %dma_wait3A_141 = arith.constant 0 : i32
        %dma_wait3A_142 = arith.constant 0 : i32
        %dma_wait3A_143 = tpu.memref_slice %arg9[%dma_wait3A_141, %dma_wait3A_142] : memref<10128x16xf32, #tpu.memory_space<vmem_shared>> -> memref<10128x16xf32, #tpu.memory_space<vmem_shared>>
        tpu.wait_indirect_dma semaphore(%arg10 : memref<!tpu.dma_semaphore, #tpu.memory_space<semaphore_mem>>) src(%arg7 : memref<128x16xf32, #tpu.memory_space<vmem>>) dst(%dma_wait3A_143 : memref<10128x16xf32, #tpu.memory_space<vmem_shared>>)
        %dma_wait3A_144 = arith.constant 1 : i32
        %dma_wait3A_145 = arith.constant 0 : i32
        %dma_wait3A_146 = tpu.memref_slice %arg6[%dma_wait3A_144, %dma_wait3A_145] : memref<16x128xi32, #tpu.memory_space<vmem>> -> memref<1x128xi32, #tpu.memory_space<vmem>>
        %dma_wait3A_147 = tpu.memref_squeeze %dma_wait3A_146 : memref<1x128xi32, #tpu.memory_space<vmem>> -> memref<128xi32, #tpu.memory_space<vmem>>
        %dma_wait3A_148 = arith.constant 0 : i32
        %dma_wait3A_149 = arith.constant 0 : i32
        %dma_wait3A_150 = tpu.memref_slice %arg9[%dma_wait3A_148, %dma_wait3A_149] : memref<10128x16xf32, #tpu.memory_space<vmem_shared>> -> memref<10128x16xf32, #tpu.memory_space<vmem_shared>>
        tpu.wait_indirect_dma semaphore(%arg10 : memref<!tpu.dma_semaphore, #tpu.memory_space<semaphore_mem>>) src(%arg7 : memref<128x16xf32, #tpu.memory_space<vmem>>) dst(%dma_wait3A_150 : memref<10128x16xf32, #tpu.memory_space<vmem_shared>>)
        %dma_wait3A_151 = arith.constant 2 : i32
        %dma_wait3A_152 = arith.constant 0 : i32
        %dma_wait3A_153 = tpu.memref_slice %arg6[%dma_wait3A_151, %dma_wait3A_152] : memref<16x128xi32, #tpu.memory_space<vmem>> -> memref<1x128xi32, #tpu.memory_space<vmem>>
        %dma_wait3A_154 = tpu.memref_squeeze %dma_wait3A_153 : memref<1x128xi32, #tpu.memory_space<vmem>> -> memref<128xi32, #tpu.memory_space<vmem>>
        %dma_wait3A_155 = arith.constant 0 : i32
        %dma_wait3A_156 = arith.constant 0 : i32
        %dma_wait3A_157 = tpu.memref_slice %arg9[%dma_wait3A_155, %dma_wait3A_156] : memref<10128x16xf32, #tpu.memory_space<vmem_shared>> -> memref<10128x16xf32, #tpu.memory_space<vmem_shared>>
        tpu.wait_indirect_dma semaphore(%arg10 : memref<!tpu.dma_semaphore, #tpu.memory_space<semaphore_mem>>) src(%arg7 : memref<128x16xf32, #tpu.memory_space<vmem>>) dst(%dma_wait3A_157 : memref<10128x16xf32, #tpu.memory_space<vmem_shared>>)
        %dma_wait3A_158 = arith.constant 3 : i32
        %dma_wait3A_159 = arith.constant 0 : i32
        %dma_wait3A_160 = tpu.memref_slice %arg6[%dma_wait3A_158, %dma_wait3A_159] : memref<16x128xi32, #tpu.memory_space<vmem>> -> memref<1x128xi32, #tpu.memory_space<vmem>>
        %dma_wait3A_161 = tpu.memref_squeeze %dma_wait3A_160 : memref<1x128xi32, #tpu.memory_space<vmem>> -> memref<128xi32, #tpu.memory_space<vmem>>
        %dma_wait3A_162 = arith.constant 0 : i32
        %dma_wait3A_163 = arith.constant 0 : i32
        %dma_wait3A_164 = tpu.memref_slice %arg9[%dma_wait3A_162, %dma_wait3A_163] : memref<10128x16xf32, #tpu.memory_space<vmem_shared>> -> memref<10128x16xf32, #tpu.memory_space<vmem_shared>>
        tpu.wait_indirect_dma semaphore(%arg10 : memref<!tpu.dma_semaphore, #tpu.memory_space<semaphore_mem>>) src(%arg7 : memref<128x16xf32, #tpu.memory_space<vmem>>) dst(%dma_wait3A_164 : memref<10128x16xf32, #tpu.memory_space<vmem_shared>>)
        %dma_wait3A_165 = arith.constant 4 : i32
        %dma_wait3A_166 = arith.constant 0 : i32
        %dma_wait3A_167 = tpu.memref_slice %arg6[%dma_wait3A_165, %dma_wait3A_166] : memref<16x128xi32, #tpu.memory_space<vmem>> -> memref<1x128xi32, #tpu.memory_space<vmem>>
        %dma_wait3A_168 = tpu.memref_squeeze %dma_wait3A_167 : memref<1x128xi32, #tpu.memory_space<vmem>> -> memref<128xi32, #tpu.memory_space<vmem>>
        %dma_wait3A_169 = arith.constant 0 : i32
        %dma_wait3A_170 = arith.constant 0 : i32
        %dma_wait3A_171 = tpu.memref_slice %arg9[%dma_wait3A_169, %dma_wait3A_170] : memref<10128x16xf32, #tpu.memory_space<vmem_shared>> -> memref<10128x16xf32, #tpu.memory_space<vmem_shared>>
        tpu.wait_indirect_dma semaphore(%arg10 : memref<!tpu.dma_semaphore, #tpu.memory_space<semaphore_mem>>) src(%arg7 : memref<128x16xf32, #tpu.memory_space<vmem>>) dst(%dma_wait3A_171 : memref<10128x16xf32, #tpu.memory_space<vmem_shared>>)
        %dma_wait3A_172 = arith.constant 5 : i32
        %dma_wait3A_173 = arith.constant 0 : i32
        %dma_wait3A_174 = tpu.memref_slice %arg6[%dma_wait3A_172, %dma_wait3A_173] : memref<16x128xi32, #tpu.memory_space<vmem>> -> memref<1x128xi32, #tpu.memory_space<vmem>>
        %dma_wait3A_175 = tpu.memref_squeeze %dma_wait3A_174 : memref<1x128xi32, #tpu.memory_space<vmem>> -> memref<128xi32, #tpu.memory_space<vmem>>
        %dma_wait3A_176 = arith.constant 0 : i32
        %dma_wait3A_177 = arith.constant 0 : i32
        %dma_wait3A_178 = tpu.memref_slice %arg9[%dma_wait3A_176, %dma_wait3A_177] : memref<10128x16xf32, #tpu.memory_space<vmem_shared>> -> memref<10128x16xf32, #tpu.memory_space<vmem_shared>>
        tpu.wait_indirect_dma semaphore(%arg10 : memref<!tpu.dma_semaphore, #tpu.memory_space<semaphore_mem>>) src(%arg7 : memref<128x16xf32, #tpu.memory_space<vmem>>) dst(%dma_wait3A_178 : memref<10128x16xf32, #tpu.memory_space<vmem_shared>>)
        %dma_wait3A_179 = arith.constant 6 : i32
        %dma_wait3A_180 = arith.constant 0 : i32
        %dma_wait3A_181 = tpu.memref_slice %arg6[%dma_wait3A_179, %dma_wait3A_180] : memref<16x128xi32, #tpu.memory_space<vmem>> -> memref<1x128xi32, #tpu.memory_space<vmem>>
        %dma_wait3A_182 = tpu.memref_squeeze %dma_wait3A_181 : memref<1x128xi32, #tpu.memory_space<vmem>> -> memref<128xi32, #tpu.memory_space<vmem>>
        %dma_wait3A_183 = arith.constant 0 : i32
        %dma_wait3A_184 = arith.constant 0 : i32
        %dma_wait3A_185 = tpu.memref_slice %arg9[%dma_wait3A_183, %dma_wait3A_184] : memref<10128x16xf32, #tpu.memory_space<vmem_shared>> -> memref<10128x16xf32, #tpu.memory_space<vmem_shared>>
        tpu.wait_indirect_dma semaphore(%arg10 : memref<!tpu.dma_semaphore, #tpu.memory_space<semaphore_mem>>) src(%arg7 : memref<128x16xf32, #tpu.memory_space<vmem>>) dst(%dma_wait3A_185 : memref<10128x16xf32, #tpu.memory_space<vmem_shared>>)
        %dma_wait3A_186 = arith.constant 7 : i32
        %dma_wait3A_187 = arith.constant 0 : i32
        %dma_wait3A_188 = tpu.memref_slice %arg6[%dma_wait3A_186, %dma_wait3A_187] : memref<16x128xi32, #tpu.memory_space<vmem>> -> memref<1x128xi32, #tpu.memory_space<vmem>>
        %dma_wait3A_189 = tpu.memref_squeeze %dma_wait3A_188 : memref<1x128xi32, #tpu.memory_space<vmem>> -> memref<128xi32, #tpu.memory_space<vmem>>
        %dma_wait3A_190 = arith.constant 0 : i32
        %dma_wait3A_191 = arith.constant 0 : i32
        %dma_wait3A_192 = tpu.memref_slice %arg9[%dma_wait3A_190, %dma_wait3A_191] : memref<10128x16xf32, #tpu.memory_space<vmem_shared>> -> memref<10128x16xf32, #tpu.memory_space<vmem_shared>>
        tpu.wait_indirect_dma semaphore(%arg10 : memref<!tpu.dma_semaphore, #tpu.memory_space<semaphore_mem>>) src(%arg7 : memref<128x16xf32, #tpu.memory_space<vmem>>) dst(%dma_wait3A_192 : memref<10128x16xf32, #tpu.memory_space<vmem_shared>>)
        %dma_wait3A_193 = arith.constant 8 : i32
        %dma_wait3A_194 = arith.constant 0 : i32
        %dma_wait3A_195 = tpu.memref_slice %arg6[%dma_wait3A_193, %dma_wait3A_194] : memref<16x128xi32, #tpu.memory_space<vmem>> -> memref<1x128xi32, #tpu.memory_space<vmem>>
        %dma_wait3A_196 = tpu.memref_squeeze %dma_wait3A_195 : memref<1x128xi32, #tpu.memory_space<vmem>> -> memref<128xi32, #tpu.memory_space<vmem>>
        %dma_wait3A_197 = arith.constant 0 : i32
        %dma_wait3A_198 = arith.constant 0 : i32
        %dma_wait3A_199 = tpu.memref_slice %arg9[%dma_wait3A_197, %dma_wait3A_198] : memref<10128x16xf32, #tpu.memory_space<vmem_shared>> -> memref<10128x16xf32, #tpu.memory_space<vmem_shared>>
        tpu.wait_indirect_dma semaphore(%arg10 : memref<!tpu.dma_semaphore, #tpu.memory_space<semaphore_mem>>) src(%arg7 : memref<128x16xf32, #tpu.memory_space<vmem>>) dst(%dma_wait3A_199 : memref<10128x16xf32, #tpu.memory_space<vmem_shared>>)
        %dma_wait3A_200 = arith.constant 9 : i32
        %dma_wait3A_201 = arith.constant 0 : i32
        %dma_wait3A_202 = tpu.memref_slice %arg6[%dma_wait3A_200, %dma_wait3A_201] : memref<16x128xi32, #tpu.memory_space<vmem>> -> memref<1x128xi32, #tpu.memory_space<vmem>>
        %dma_wait3A_203 = tpu.memref_squeeze %dma_wait3A_202 : memref<1x128xi32, #tpu.memory_space<vmem>> -> memref<128xi32, #tpu.memory_space<vmem>>
        %dma_wait3A_204 = arith.constant 0 : i32
        %dma_wait3A_205 = arith.constant 0 : i32
        %dma_wait3A_206 = tpu.memref_slice %arg9[%dma_wait3A_204, %dma_wait3A_205] : memref<10128x16xf32, #tpu.memory_space<vmem_shared>> -> memref<10128x16xf32, #tpu.memory_space<vmem_shared>>
        tpu.wait_indirect_dma semaphore(%arg10 : memref<!tpu.dma_semaphore, #tpu.memory_space<semaphore_mem>>) src(%arg7 : memref<128x16xf32, #tpu.memory_space<vmem>>) dst(%dma_wait3A_206 : memref<10128x16xf32, #tpu.memory_space<vmem_shared>>)
        %dma_wait3A_207 = arith.constant 10 : i32
        %dma_wait3A_208 = arith.constant 0 : i32
        %dma_wait3A_209 = tpu.memref_slice %arg6[%dma_wait3A_207, %dma_wait3A_208] : memref<16x128xi32, #tpu.memory_space<vmem>> -> memref<1x128xi32, #tpu.memory_space<vmem>>
        %dma_wait3A_210 = tpu.memref_squeeze %dma_wait3A_209 : memref<1x128xi32, #tpu.memory_space<vmem>> -> memref<128xi32, #tpu.memory_space<vmem>>
        %dma_wait3A_211 = arith.constant 0 : i32
        %dma_wait3A_212 = arith.constant 0 : i32
        %dma_wait3A_213 = tpu.memref_slice %arg9[%dma_wait3A_211, %dma_wait3A_212] : memref<10128x16xf32, #tpu.memory_space<vmem_shared>> -> memref<10128x16xf32, #tpu.memory_space<vmem_shared>>
        tpu.wait_indirect_dma semaphore(%arg10 : memref<!tpu.dma_semaphore, #tpu.memory_space<semaphore_mem>>) src(%arg7 : memref<128x16xf32, #tpu.memory_space<vmem>>) dst(%dma_wait3A_213 : memref<10128x16xf32, #tpu.memory_space<vmem_shared>>)
        %dma_wait3A_214 = arith.constant 11 : i32
        %dma_wait3A_215 = arith.constant 0 : i32
        %dma_wait3A_216 = tpu.memref_slice %arg6[%dma_wait3A_214, %dma_wait3A_215] : memref<16x128xi32, #tpu.memory_space<vmem>> -> memref<1x128xi32, #tpu.memory_space<vmem>>
        %dma_wait3A_217 = tpu.memref_squeeze %dma_wait3A_216 : memref<1x128xi32, #tpu.memory_space<vmem>> -> memref<128xi32, #tpu.memory_space<vmem>>
        %dma_wait3A_218 = arith.constant 0 : i32
        %dma_wait3A_219 = arith.constant 0 : i32
        %dma_wait3A_220 = tpu.memref_slice %arg9[%dma_wait3A_218, %dma_wait3A_219] : memref<10128x16xf32, #tpu.memory_space<vmem_shared>> -> memref<10128x16xf32, #tpu.memory_space<vmem_shared>>
        tpu.wait_indirect_dma semaphore(%arg10 : memref<!tpu.dma_semaphore, #tpu.memory_space<semaphore_mem>>) src(%arg7 : memref<128x16xf32, #tpu.memory_space<vmem>>) dst(%dma_wait3A_220 : memref<10128x16xf32, #tpu.memory_space<vmem_shared>>)
        %dma_wait3A_221 = arith.constant 12 : i32
        %dma_wait3A_222 = arith.constant 0 : i32
        %dma_wait3A_223 = tpu.memref_slice %arg6[%dma_wait3A_221, %dma_wait3A_222] : memref<16x128xi32, #tpu.memory_space<vmem>> -> memref<1x128xi32, #tpu.memory_space<vmem>>
        %dma_wait3A_224 = tpu.memref_squeeze %dma_wait3A_223 : memref<1x128xi32, #tpu.memory_space<vmem>> -> memref<128xi32, #tpu.memory_space<vmem>>
        %dma_wait3A_225 = arith.constant 0 : i32
        %dma_wait3A_226 = arith.constant 0 : i32
        %dma_wait3A_227 = tpu.memref_slice %arg9[%dma_wait3A_225, %dma_wait3A_226] : memref<10128x16xf32, #tpu.memory_space<vmem_shared>> -> memref<10128x16xf32, #tpu.memory_space<vmem_shared>>
        tpu.wait_indirect_dma semaphore(%arg10 : memref<!tpu.dma_semaphore, #tpu.memory_space<semaphore_mem>>) src(%arg7 : memref<128x16xf32, #tpu.memory_space<vmem>>) dst(%dma_wait3A_227 : memref<10128x16xf32, #tpu.memory_space<vmem_shared>>)
        %dma_wait3A_228 = arith.constant 13 : i32
        %dma_wait3A_229 = arith.constant 0 : i32
        %dma_wait3A_230 = tpu.memref_slice %arg6[%dma_wait3A_228, %dma_wait3A_229] : memref<16x128xi32, #tpu.memory_space<vmem>> -> memref<1x128xi32, #tpu.memory_space<vmem>>
        %dma_wait3A_231 = tpu.memref_squeeze %dma_wait3A_230 : memref<1x128xi32, #tpu.memory_space<vmem>> -> memref<128xi32, #tpu.memory_space<vmem>>
        %dma_wait3A_232 = arith.constant 0 : i32
        %dma_wait3A_233 = arith.constant 0 : i32
        %dma_wait3A_234 = tpu.memref_slice %arg9[%dma_wait3A_232, %dma_wait3A_233] : memref<10128x16xf32, #tpu.memory_space<vmem_shared>> -> memref<10128x16xf32, #tpu.memory_space<vmem_shared>>
        tpu.wait_indirect_dma semaphore(%arg10 : memref<!tpu.dma_semaphore, #tpu.memory_space<semaphore_mem>>) src(%arg7 : memref<128x16xf32, #tpu.memory_space<vmem>>) dst(%dma_wait3A_234 : memref<10128x16xf32, #tpu.memory_space<vmem_shared>>)
        %dma_wait3A_235 = arith.constant 14 : i32
        %dma_wait3A_236 = arith.constant 0 : i32
        %dma_wait3A_237 = tpu.memref_slice %arg6[%dma_wait3A_235, %dma_wait3A_236] : memref<16x128xi32, #tpu.memory_space<vmem>> -> memref<1x128xi32, #tpu.memory_space<vmem>>
        %dma_wait3A_238 = tpu.memref_squeeze %dma_wait3A_237 : memref<1x128xi32, #tpu.memory_space<vmem>> -> memref<128xi32, #tpu.memory_space<vmem>>
        %dma_wait3A_239 = arith.constant 0 : i32
        %dma_wait3A_240 = arith.constant 0 : i32
        %dma_wait3A_241 = tpu.memref_slice %arg9[%dma_wait3A_239, %dma_wait3A_240] : memref<10128x16xf32, #tpu.memory_space<vmem_shared>> -> memref<10128x16xf32, #tpu.memory_space<vmem_shared>>
        tpu.wait_indirect_dma semaphore(%arg10 : memref<!tpu.dma_semaphore, #tpu.memory_space<semaphore_mem>>) src(%arg7 : memref<128x16xf32, #tpu.memory_space<vmem>>) dst(%dma_wait3A_241 : memref<10128x16xf32, #tpu.memory_space<vmem_shared>>)
        %dma_wait3A_242 = arith.constant 15 : i32
        %dma_wait3A_243 = arith.constant 0 : i32
        %dma_wait3A_244 = tpu.memref_slice %arg6[%dma_wait3A_242, %dma_wait3A_243] : memref<16x128xi32, #tpu.memory_space<vmem>> -> memref<1x128xi32, #tpu.memory_space<vmem>>
        %dma_wait3A_245 = tpu.memref_squeeze %dma_wait3A_244 : memref<1x128xi32, #tpu.memory_space<vmem>> -> memref<128xi32, #tpu.memory_space<vmem>>
        %dma_wait3A_246 = arith.constant 0 : i32
        %dma_wait3A_247 = arith.constant 0 : i32
        %dma_wait3A_248 = tpu.memref_slice %arg9[%dma_wait3A_246, %dma_wait3A_247] : memref<10128x16xf32, #tpu.memory_space<vmem_shared>> -> memref<10128x16xf32, #tpu.memory_space<vmem_shared>>
        tpu.wait_indirect_dma semaphore(%arg10 : memref<!tpu.dma_semaphore, #tpu.memory_space<semaphore_mem>>) src(%arg7 : memref<128x16xf32, #tpu.memory_space<vmem>>) dst(%dma_wait3A_248 : memref<10128x16xf32, #tpu.memory_space<vmem_shared>>)
      } else {
      }
    }
    %scan3A_11 = arith.constant 5 : i32
    %barrier3A_12 = arith.constant 0 : index
    tpu.barrier barrier_id(%barrier3A_12)
    %scan3A_13 = arith.constant 0 : i32
    %scan3A_14 = arith.constant 0 : i32
    %scan3A_15 = arith.constant 8 : i32
    %scan3A_16 = arith.addi %scan3A_14, %scan3A_15 : i32
    %scan3A_17 = arith.constant 1 : i32
    scf.for %scan3A_19 = %scan3A_14 to %scan3A_16 step %scan3A_17  : i32 {
      %mul3A_20 = arith.constant 16 : i32
      %mul3A_21 = arith.muli %scan3A_19, %mul3A_20 : i32
      %add3A_22 = arith.addi %arg1, %mul3A_21 : i32
      %lt3A = arith.constant 125 : i32
      %lt3A_23 = arith.cmpi slt, %add3A_22, %lt3A : i32
      %convert_element_type3A = arith.extui %lt3A_23 : i1 to i32
      %cond3A = arith.constant 0 : i32
      %cond3A_24 = arith.cmpi ne, %convert_element_type3A, %cond3A : i32
      scf.if %cond3A_24 {
        %mul3A_25 = arith.constant 80 : i32
        %mul3A_26 = arith.muli %add3A_22, %mul3A_25 : i32
        "tpu.region"() ({
          %run_scoped3A = tpu.sem_alloc : memref<!tpu.dma_semaphore, #tpu.memory_space<semaphore_mem>>
          %dma_start3A = arith.constant 0 : i32
          %dma_start3A_29 = tpu.memref_slice %arg9[%mul3A_26, %dma_start3A] : memref<10128x16xf32, #tpu.memory_space<vmem_shared>> -> memref<80x16xf32, #tpu.memory_space<vmem_shared>>
          %dma_start3A_30 = arith.constant 0 : i32
          %dma_start3A_31 = tpu.memref_slice %arg9[%mul3A_26, %dma_start3A_30] : memref<10128x16xf32, #tpu.memory_space<vmem_shared>> -> memref<80x16xf32, #tpu.memory_space<vmem_shared>>
          tpu.enqueue_dma source(%dma_start3A_31 : memref<80x16xf32, #tpu.memory_space<vmem_shared>>) target(%arg8 : memref<80x16xf32, #tpu.memory_space<vmem>>) target_semaphore(%run_scoped3A : memref<!tpu.dma_semaphore, #tpu.memory_space<semaphore_mem>>)
          %dma_wait3A = arith.constant 0 : i32
          %dma_wait3A_32 = tpu.memref_slice %arg9[%mul3A_26, %dma_wait3A] : memref<10128x16xf32, #tpu.memory_space<vmem_shared>> -> memref<80x16xf32, #tpu.memory_space<vmem_shared>>
          %dma_wait3A_33 = arith.constant 0 : i32
          %dma_wait3A_34 = tpu.memref_slice %arg9[%mul3A_26, %dma_wait3A_33] : memref<10128x16xf32, #tpu.memory_space<vmem_shared>> -> memref<80x16xf32, #tpu.memory_space<vmem_shared>>
          tpu.wait_dma2 semaphore(%run_scoped3A : memref<!tpu.dma_semaphore, #tpu.memory_space<semaphore_mem>>) src(%dma_wait3A_34 : memref<80x16xf32, #tpu.memory_space<vmem_shared>>) dst(%arg8 : memref<80x16xf32, #tpu.memory_space<vmem>>)
          tpu.yield
        }) : () -> ()
        %mul3A_27 = arith.constant 80 : i32
        %mul3A_28 = arith.muli %add3A_22, %mul3A_27 : i32
        "tpu.region"() ({
          %run_scoped3A = tpu.sem_alloc : memref<!tpu.dma_semaphore, #tpu.memory_space<semaphore_mem>>
          %dma_start3A = arith.constant 0 : i32
          %dma_start3A_29 = tpu.memref_slice %arg5[%arg0, %mul3A_28, %dma_start3A] : memref<2x10000x16xf32, #tpu.memory_space<hbm>> -> memref<1x80x16xf32, #tpu.memory_space<hbm>>
          %dma_start3A_30 = tpu.memref_squeeze %dma_start3A_29 : memref<1x80x16xf32, #tpu.memory_space<hbm>> -> memref<80x16xf32, #tpu.memory_space<hbm>>
          %dma_start3A_31 = arith.constant 0 : i32
          %dma_start3A_32 = tpu.memref_slice %arg5[%arg0, %mul3A_28, %dma_start3A_31] : memref<2x10000x16xf32, #tpu.memory_space<hbm>> -> memref<1x80x16xf32, #tpu.memory_space<hbm>>
          %dma_start3A_33 = tpu.memref_squeeze %dma_start3A_32 : memref<1x80x16xf32, #tpu.memory_space<hbm>> -> memref<80x16xf32, #tpu.memory_space<hbm>>
          tpu.enqueue_dma source(%arg8 : memref<80x16xf32, #tpu.memory_space<vmem>>) target(%dma_start3A_33 : memref<80x16xf32, #tpu.memory_space<hbm>>) target_semaphore(%run_scoped3A : memref<!tpu.dma_semaphore, #tpu.memory_space<semaphore_mem>>)
          %dma_wait3A = arith.constant 0 : i32
          %dma_wait3A_34 = tpu.memref_slice %arg5[%arg0, %mul3A_28, %dma_wait3A] : memref<2x10000x16xf32, #tpu.memory_space<hbm>> -> memref<1x80x16xf32, #tpu.memory_space<hbm>>
          %dma_wait3A_35 = tpu.memref_squeeze %dma_wait3A_34 : memref<1x80x16xf32, #tpu.memory_space<hbm>> -> memref<80x16xf32, #tpu.memory_space<hbm>>
          %dma_wait3A_36 = arith.constant 0 : i32
          %dma_wait3A_37 = tpu.memref_slice %arg5[%arg0, %mul3A_28, %dma_wait3A_36] : memref<2x10000x16xf32, #tpu.memory_space<hbm>> -> memref<1x80x16xf32, #tpu.memory_space<hbm>>
          %dma_wait3A_38 = tpu.memref_squeeze %dma_wait3A_37 : memref<1x80x16xf32, #tpu.memory_space<hbm>> -> memref<80x16xf32, #tpu.memory_space<hbm>>
          tpu.wait_dma2 semaphore(%run_scoped3A : memref<!tpu.dma_semaphore, #tpu.memory_space<semaphore_mem>>) src(%arg8 : memref<80x16xf32, #tpu.memory_space<vmem>>) dst(%dma_wait3A_38 : memref<80x16xf32, #tpu.memory_space<hbm>>)
          tpu.yield
        }) : () -> ()
      } else {
      }
    }
    %scan3A_18 = arith.constant 8 : i32
    return
  }
}

#map = affine_map<(d0, d1) -> (0, 0)>
#map1 = affine_map<(d0, d1) -> (0, 0, 0)>
module attributes {stable_mosaic.version = 14 : i64} {
  func.func @k(%arg0: i32, %arg1: i32, %arg2: memref<2528x128xi32, #tpu.memory_space<hbm>>, %arg3: memref<2528x128xi32, #tpu.memory_space<hbm>>, %arg4: memref<10000x64xf32, #tpu.memory_space<hbm>>, %arg5: memref<80x64xf32, #tpu.memory_space<hbm>>, %arg6: memref<2x10000x64xf32, #tpu.memory_space<hbm>>, %arg7: memref<32x128xi32, #tpu.memory_space<vmem>>, %arg8: memref<32x128xi32, #tpu.memory_space<vmem>>, %arg9: memref<128x64xf32, #tpu.memory_space<vmem>>, %arg10: memref<128x64xf32, #tpu.memory_space<vmem>>, %arg11: memref<128x64xf32, #tpu.memory_space<vmem>>, %arg12: memref<128x64xf32, #tpu.memory_space<vmem>>, %arg13: memref<80x64xf32, #tpu.memory_space<vmem>>, %arg14: memref<10128x64xf32, #tpu.memory_space<vmem_shared>>, %arg15: memref<!tpu.dma_semaphore, #tpu.memory_space<semaphore_mem>>, %arg16: memref<!tpu.dma_semaphore, #tpu.memory_space<semaphore_mem>>, %arg17: memref<!tpu.dma_semaphore, #tpu.memory_space<semaphore_mem>>, %arg18: memref<!tpu.dma_semaphore, #tpu.memory_space<semaphore_mem>>, %arg19: memref<!tpu.dma_semaphore, #tpu.memory_space<semaphore_mem>>, %arg20: memref<!tpu.dma_semaphore, #tpu.memory_space<semaphore_mem>>, %arg21: memref<!tpu.dma_semaphore, #tpu.memory_space<semaphore_mem>>, %arg22: memref<!tpu.dma_semaphore, #tpu.memory_space<semaphore_mem>>) attributes {dimension_semantics = [#tpu.dimension_semantics<core_parallel>, #tpu.dimension_semantics<subcore_parallel>], iteration_bounds = array<i64: 2, 16>, scalar_prefetch = 0 : i64, scratch_operands = 16 : i64, tpu.core_type = #tpu.core_type<sc_vector_subcore>, window_params = [{transform_indices = #map}, {transform_indices = #map}, {transform_indices = #map}, {transform_indices = #map}, {transform_indices = #map1}]} {
    %mul3A = arith.constant 2 : i32
    %mul3A_0 = arith.muli %arg1, %mul3A : i32
    %add3A = arith.addi %mul3A_0, %arg0 : i32
    %scan3A = arith.constant 0 : i32
    %scan3A_1 = arith.constant 0 : i32
    %scan3A_2 = arith.constant 8 : i32
    %scan3A_3 = arith.addi %scan3A_1, %scan3A_2 : i32
    %scan3A_4 = arith.constant 1 : i32
    scf.for %scan3A_19 = %scan3A_1 to %scan3A_3 step %scan3A_4  : i32 {
      %mul3A_20 = arith.constant 16 : i32
      %mul3A_21 = arith.muli %scan3A_19, %mul3A_20 : i32
      %add3A_22 = arith.addi %arg1, %mul3A_21 : i32
      %lt3A = arith.constant 125 : i32
      %lt3A_23 = arith.cmpi slt, %add3A_22, %lt3A : i32
      %convert_element_type3A = arith.extui %lt3A_23 : i1 to i32
      %cond3A = arith.constant 0 : i32
      %cond3A_24 = arith.cmpi ne, %convert_element_type3A, %cond3A : i32
      scf.if %cond3A_24 {
        %mul3A_25 = arith.constant 80 : i32
        %mul3A_26 = arith.muli %add3A_22, %mul3A_25 : i32
        "tpu.region"() ({
          %run_scoped3A = tpu.sem_alloc : memref<!tpu.dma_semaphore, #tpu.memory_space<semaphore_mem>>
          %dma_start3A = arith.constant 0 : i32
          %dma_start3A_27 = tpu.memref_slice %arg14[%mul3A_26, %dma_start3A] : memref<10128x64xf32, #tpu.memory_space<vmem_shared>> -> memref<80x64xf32, #tpu.memory_space<vmem_shared>>
          tpu.enqueue_dma source(%arg5 : memref<80x64xf32, #tpu.memory_space<hbm>>) target(%dma_start3A_27 : memref<80x64xf32, #tpu.memory_space<vmem_shared>>) target_semaphore(%run_scoped3A : memref<!tpu.dma_semaphore, #tpu.memory_space<semaphore_mem>>)
          %dma_wait3A = arith.constant 0 : i32
          %dma_wait3A_28 = tpu.memref_slice %arg14[%mul3A_26, %dma_wait3A] : memref<10128x64xf32, #tpu.memory_space<vmem_shared>> -> memref<80x64xf32, #tpu.memory_space<vmem_shared>>
          tpu.wait_dma2 semaphore(%run_scoped3A : memref<!tpu.dma_semaphore, #tpu.memory_space<semaphore_mem>>) src(%arg5 : memref<80x64xf32, #tpu.memory_space<hbm>>) dst(%dma_wait3A_28 : memref<80x64xf32, #tpu.memory_space<vmem_shared>>)
          tpu.yield
        }) : () -> ()
      } else {
      }
    }
    %scan3A_5 = arith.constant 8 : i32
    %barrier3A = arith.constant 0 : index
    tpu.barrier barrier_id(%barrier3A)
    %scan3A_6 = arith.constant 0 : i32
    %scan3A_7 = arith.constant 0 : i32
    %scan3A_8 = arith.constant 3 : i32
    %scan3A_9 = arith.addi %scan3A_7, %scan3A_8 : i32
    %scan3A_10 = arith.constant 1 : i32
    scf.for %scan3A_19 = %scan3A_7 to %scan3A_9 step %scan3A_10  : i32 {
      %mul3A_20 = arith.constant 32 : i32
      %mul3A_21 = arith.muli %scan3A_19, %mul3A_20 : i32
      %add3A_22 = arith.addi %add3A, %mul3A_21 : i32
      %lt3A = arith.constant 79 : i32
      %lt3A_23 = arith.cmpi slt, %add3A_22, %lt3A : i32
      %convert_element_type3A = arith.extui %lt3A_23 : i1 to i32
      %cond3A = arith.constant 0 : i32
      %cond3A_24 = arith.cmpi ne, %convert_element_type3A, %cond3A : i32
      scf.if %cond3A_24 {
        %mul3A_25 = arith.constant 32 : i32
        %mul3A_26 = arith.muli %add3A_22, %mul3A_25 : i32
        "tpu.region"() ({
          %run_scoped3A = tpu.sem_alloc : memref<!tpu.dma_semaphore, #tpu.memory_space<semaphore_mem>>
          %dma_start3A_923 = arith.constant 0 : i32
          %dma_start3A_924 = tpu.memref_slice %arg2[%mul3A_26, %dma_start3A_923] : memref<2528x128xi32, #tpu.memory_space<hbm>> -> memref<32x128xi32, #tpu.memory_space<hbm>>
          %dma_start3A_925 = arith.constant 0 : i32
          %dma_start3A_926 = tpu.memref_slice %arg2[%mul3A_26, %dma_start3A_925] : memref<2528x128xi32, #tpu.memory_space<hbm>> -> memref<32x128xi32, #tpu.memory_space<hbm>>
          tpu.enqueue_dma source(%dma_start3A_926 : memref<32x128xi32, #tpu.memory_space<hbm>>) target(%arg7 : memref<32x128xi32, #tpu.memory_space<vmem>>) target_semaphore(%run_scoped3A : memref<!tpu.dma_semaphore, #tpu.memory_space<semaphore_mem>>)
          %dma_wait3A_927 = arith.constant 0 : i32
          %dma_wait3A_928 = tpu.memref_slice %arg2[%mul3A_26, %dma_wait3A_927] : memref<2528x128xi32, #tpu.memory_space<hbm>> -> memref<32x128xi32, #tpu.memory_space<hbm>>
          %dma_wait3A_929 = arith.constant 0 : i32
          %dma_wait3A_930 = tpu.memref_slice %arg2[%mul3A_26, %dma_wait3A_929] : memref<2528x128xi32, #tpu.memory_space<hbm>> -> memref<32x128xi32, #tpu.memory_space<hbm>>
          tpu.wait_dma2 semaphore(%run_scoped3A : memref<!tpu.dma_semaphore, #tpu.memory_space<semaphore_mem>>) src(%dma_wait3A_930 : memref<32x128xi32, #tpu.memory_space<hbm>>) dst(%arg7 : memref<32x128xi32, #tpu.memory_space<vmem>>)
          tpu.yield
        }) : () -> ()
        %mul3A_27 = arith.constant 32 : i32
        %mul3A_28 = arith.muli %add3A_22, %mul3A_27 : i32
        "tpu.region"() ({
          %run_scoped3A = tpu.sem_alloc : memref<!tpu.dma_semaphore, #tpu.memory_space<semaphore_mem>>
          %dma_start3A_923 = arith.constant 0 : i32
          %dma_start3A_924 = tpu.memref_slice %arg3[%mul3A_28, %dma_start3A_923] : memref<2528x128xi32, #tpu.memory_space<hbm>> -> memref<32x128xi32, #tpu.memory_space<hbm>>
          %dma_start3A_925 = arith.constant 0 : i32
          %dma_start3A_926 = tpu.memref_slice %arg3[%mul3A_28, %dma_start3A_925] : memref<2528x128xi32, #tpu.memory_space<hbm>> -> memref<32x128xi32, #tpu.memory_space<hbm>>
          tpu.enqueue_dma source(%dma_start3A_926 : memref<32x128xi32, #tpu.memory_space<hbm>>) target(%arg8 : memref<32x128xi32, #tpu.memory_space<vmem>>) target_semaphore(%run_scoped3A : memref<!tpu.dma_semaphore, #tpu.memory_space<semaphore_mem>>)
          %dma_wait3A_927 = arith.constant 0 : i32
          %dma_wait3A_928 = tpu.memref_slice %arg3[%mul3A_28, %dma_wait3A_927] : memref<2528x128xi32, #tpu.memory_space<hbm>> -> memref<32x128xi32, #tpu.memory_space<hbm>>
          %dma_wait3A_929 = arith.constant 0 : i32
          %dma_wait3A_930 = tpu.memref_slice %arg3[%mul3A_28, %dma_wait3A_929] : memref<2528x128xi32, #tpu.memory_space<hbm>> -> memref<32x128xi32, #tpu.memory_space<hbm>>
          tpu.wait_dma2 semaphore(%run_scoped3A : memref<!tpu.dma_semaphore, #tpu.memory_space<semaphore_mem>>) src(%dma_wait3A_930 : memref<32x128xi32, #tpu.memory_space<hbm>>) dst(%arg8 : memref<32x128xi32, #tpu.memory_space<vmem>>)
          tpu.yield
        }) : () -> ()
        %dma_start3A = arith.constant 0 : i32
        %dma_start3A_29 = arith.constant 0 : i32
        %dma_start3A_30 = tpu.memref_slice %arg7[%dma_start3A, %dma_start3A_29] : memref<32x128xi32, #tpu.memory_space<vmem>> -> memref<1x128xi32, #tpu.memory_space<vmem>>
        %dma_start3A_31 = tpu.memref_squeeze %dma_start3A_30 : memref<1x128xi32, #tpu.memory_space<vmem>> -> memref<128xi32, #tpu.memory_space<vmem>>
        %dma_start3A_32 = arith.constant 0 : i32
        %dma_start3A_33 = arith.constant 0 : i32
        %dma_start3A_34 = tpu.memref_slice %arg4[%dma_start3A_32, %dma_start3A_33] : memref<10000x64xf32, #tpu.memory_space<hbm>> -> memref<10000x64xf32, #tpu.memory_space<hbm>>
        tpu.enqueue_indirect_dma source(%dma_start3A_34 : memref<10000x64xf32, #tpu.memory_space<hbm>>) target(%arg9 : memref<128x64xf32, #tpu.memory_space<vmem>>) offsets(%dma_start3A_31 : memref<128xi32, #tpu.memory_space<vmem>>) semaphore(%arg15 : memref<!tpu.dma_semaphore, #tpu.memory_space<semaphore_mem>>)
        %dma_start3A_35 = arith.constant 1 : i32
        %dma_start3A_36 = arith.constant 0 : i32
        %dma_start3A_37 = tpu.memref_slice %arg7[%dma_start3A_35, %dma_start3A_36] : memref<32x128xi32, #tpu.memory_space<vmem>> -> memref<1x128xi32, #tpu.memory_space<vmem>>
        %dma_start3A_38 = tpu.memref_squeeze %dma_start3A_37 : memref<1x128xi32, #tpu.memory_space<vmem>> -> memref<128xi32, #tpu.memory_space<vmem>>
        %dma_start3A_39 = arith.constant 0 : i32
        %dma_start3A_40 = arith.constant 0 : i32
        %dma_start3A_41 = tpu.memref_slice %arg4[%dma_start3A_39, %dma_start3A_40] : memref<10000x64xf32, #tpu.memory_space<hbm>> -> memref<10000x64xf32, #tpu.memory_space<hbm>>
        tpu.enqueue_indirect_dma source(%dma_start3A_41 : memref<10000x64xf32, #tpu.memory_space<hbm>>) target(%arg10 : memref<128x64xf32, #tpu.memory_space<vmem>>) offsets(%dma_start3A_38 : memref<128xi32, #tpu.memory_space<vmem>>) semaphore(%arg16 : memref<!tpu.dma_semaphore, #tpu.memory_space<semaphore_mem>>)
        %dma_start3A_42 = arith.constant 2 : i32
        %dma_start3A_43 = arith.constant 0 : i32
        %dma_start3A_44 = tpu.memref_slice %arg7[%dma_start3A_42, %dma_start3A_43] : memref<32x128xi32, #tpu.memory_space<vmem>> -> memref<1x128xi32, #tpu.memory_space<vmem>>
        %dma_start3A_45 = tpu.memref_squeeze %dma_start3A_44 : memref<1x128xi32, #tpu.memory_space<vmem>> -> memref<128xi32, #tpu.memory_space<vmem>>
        %dma_start3A_46 = arith.constant 0 : i32
        %dma_start3A_47 = arith.constant 0 : i32
        %dma_start3A_48 = tpu.memref_slice %arg4[%dma_start3A_46, %dma_start3A_47] : memref<10000x64xf32, #tpu.memory_space<hbm>> -> memref<10000x64xf32, #tpu.memory_space<hbm>>
        tpu.enqueue_indirect_dma source(%dma_start3A_48 : memref<10000x64xf32, #tpu.memory_space<hbm>>) target(%arg11 : memref<128x64xf32, #tpu.memory_space<vmem>>) offsets(%dma_start3A_45 : memref<128xi32, #tpu.memory_space<vmem>>) semaphore(%arg17 : memref<!tpu.dma_semaphore, #tpu.memory_space<semaphore_mem>>)
        %dma_start3A_49 = arith.constant 3 : i32
        %dma_start3A_50 = arith.constant 0 : i32
        %dma_start3A_51 = tpu.memref_slice %arg7[%dma_start3A_49, %dma_start3A_50] : memref<32x128xi32, #tpu.memory_space<vmem>> -> memref<1x128xi32, #tpu.memory_space<vmem>>
        %dma_start3A_52 = tpu.memref_squeeze %dma_start3A_51 : memref<1x128xi32, #tpu.memory_space<vmem>> -> memref<128xi32, #tpu.memory_space<vmem>>
        %dma_start3A_53 = arith.constant 0 : i32
        %dma_start3A_54 = arith.constant 0 : i32
        %dma_start3A_55 = tpu.memref_slice %arg4[%dma_start3A_53, %dma_start3A_54] : memref<10000x64xf32, #tpu.memory_space<hbm>> -> memref<10000x64xf32, #tpu.memory_space<hbm>>
        tpu.enqueue_indirect_dma source(%dma_start3A_55 : memref<10000x64xf32, #tpu.memory_space<hbm>>) target(%arg12 : memref<128x64xf32, #tpu.memory_space<vmem>>) offsets(%dma_start3A_52 : memref<128xi32, #tpu.memory_space<vmem>>) semaphore(%arg18 : memref<!tpu.dma_semaphore, #tpu.memory_space<semaphore_mem>>)
        %dma_wait3A = arith.constant 0 : i32
        %dma_wait3A_56 = arith.constant 0 : i32
        %dma_wait3A_57 = tpu.memref_slice %arg7[%dma_wait3A, %dma_wait3A_56] : memref<32x128xi32, #tpu.memory_space<vmem>> -> memref<1x128xi32, #tpu.memory_space<vmem>>
        %dma_wait3A_58 = tpu.memref_squeeze %dma_wait3A_57 : memref<1x128xi32, #tpu.memory_space<vmem>> -> memref<128xi32, #tpu.memory_space<vmem>>
        %dma_wait3A_59 = arith.constant 0 : i32
        %dma_wait3A_60 = arith.constant 0 : i32
        %dma_wait3A_61 = tpu.memref_slice %arg4[%dma_wait3A_59, %dma_wait3A_60] : memref<10000x64xf32, #tpu.memory_space<hbm>> -> memref<10000x64xf32, #tpu.memory_space<hbm>>
        tpu.wait_indirect_dma semaphore(%arg15 : memref<!tpu.dma_semaphore, #tpu.memory_space<semaphore_mem>>) src(%dma_wait3A_61 : memref<10000x64xf32, #tpu.memory_space<hbm>>) dst(%arg9 : memref<128x64xf32, #tpu.memory_space<vmem>>)
        %dma_start3A_62 = arith.constant 0 : i32
        %dma_start3A_63 = arith.constant 0 : i32
        %dma_start3A_64 = tpu.memref_slice %arg8[%dma_start3A_62, %dma_start3A_63] : memref<32x128xi32, #tpu.memory_space<vmem>> -> memref<1x128xi32, #tpu.memory_space<vmem>>
        %dma_start3A_65 = tpu.memref_squeeze %dma_start3A_64 : memref<1x128xi32, #tpu.memory_space<vmem>> -> memref<128xi32, #tpu.memory_space<vmem>>
        %dma_start3A_66 = arith.constant 0 : i32
        %dma_start3A_67 = arith.constant 0 : i32
        %dma_start3A_68 = tpu.memref_slice %arg14[%dma_start3A_66, %dma_start3A_67] : memref<10128x64xf32, #tpu.memory_space<vmem_shared>> -> memref<10128x64xf32, #tpu.memory_space<vmem_shared>>
        tpu.enqueue_indirect_dma source(%arg9 : memref<128x64xf32, #tpu.memory_space<vmem>>) target(%dma_start3A_68 : memref<10128x64xf32, #tpu.memory_space<vmem_shared>>) offsets(%dma_start3A_65 : memref<128xi32, #tpu.memory_space<vmem>>) semaphore(%arg19 : memref<!tpu.dma_semaphore, #tpu.memory_space<semaphore_mem>>) {add = true}
        %dma_wait3A_69 = arith.constant 0 : i32
        %dma_wait3A_70 = arith.constant 0 : i32
        %dma_wait3A_71 = tpu.memref_slice %arg8[%dma_wait3A_69, %dma_wait3A_70] : memref<32x128xi32, #tpu.memory_space<vmem>> -> memref<1x128xi32, #tpu.memory_space<vmem>>
        %dma_wait3A_72 = tpu.memref_squeeze %dma_wait3A_71 : memref<1x128xi32, #tpu.memory_space<vmem>> -> memref<128xi32, #tpu.memory_space<vmem>>
        %dma_wait3A_73 = arith.constant 0 : i32
        %dma_wait3A_74 = arith.constant 0 : i32
        %dma_wait3A_75 = tpu.memref_slice %arg14[%dma_wait3A_73, %dma_wait3A_74] : memref<10128x64xf32, #tpu.memory_space<vmem_shared>> -> memref<10128x64xf32, #tpu.memory_space<vmem_shared>>
        tpu.wait_indirect_dma semaphore(%arg19 : memref<!tpu.dma_semaphore, #tpu.memory_space<semaphore_mem>>) src(%arg9 : memref<128x64xf32, #tpu.memory_space<vmem>>) dst(%dma_wait3A_75 : memref<10128x64xf32, #tpu.memory_space<vmem_shared>>)
        %dma_start3A_76 = arith.constant 4 : i32
        %dma_start3A_77 = arith.constant 0 : i32
        %dma_start3A_78 = tpu.memref_slice %arg7[%dma_start3A_76, %dma_start3A_77] : memref<32x128xi32, #tpu.memory_space<vmem>> -> memref<1x128xi32, #tpu.memory_space<vmem>>
        %dma_start3A_79 = tpu.memref_squeeze %dma_start3A_78 : memref<1x128xi32, #tpu.memory_space<vmem>> -> memref<128xi32, #tpu.memory_space<vmem>>
        %dma_start3A_80 = arith.constant 0 : i32
        %dma_start3A_81 = arith.constant 0 : i32
        %dma_start3A_82 = tpu.memref_slice %arg4[%dma_start3A_80, %dma_start3A_81] : memref<10000x64xf32, #tpu.memory_space<hbm>> -> memref<10000x64xf32, #tpu.memory_space<hbm>>
        tpu.enqueue_indirect_dma source(%dma_start3A_82 : memref<10000x64xf32, #tpu.memory_space<hbm>>) target(%arg9 : memref<128x64xf32, #tpu.memory_space<vmem>>) offsets(%dma_start3A_79 : memref<128xi32, #tpu.memory_space<vmem>>) semaphore(%arg15 : memref<!tpu.dma_semaphore, #tpu.memory_space<semaphore_mem>>)
        %dma_wait3A_83 = arith.constant 1 : i32
        %dma_wait3A_84 = arith.constant 0 : i32
        %dma_wait3A_85 = tpu.memref_slice %arg7[%dma_wait3A_83, %dma_wait3A_84] : memref<32x128xi32, #tpu.memory_space<vmem>> -> memref<1x128xi32, #tpu.memory_space<vmem>>
        %dma_wait3A_86 = tpu.memref_squeeze %dma_wait3A_85 : memref<1x128xi32, #tpu.memory_space<vmem>> -> memref<128xi32, #tpu.memory_space<vmem>>
        %dma_wait3A_87 = arith.constant 0 : i32
        %dma_wait3A_88 = arith.constant 0 : i32
        %dma_wait3A_89 = tpu.memref_slice %arg4[%dma_wait3A_87, %dma_wait3A_88] : memref<10000x64xf32, #tpu.memory_space<hbm>> -> memref<10000x64xf32, #tpu.memory_space<hbm>>
        tpu.wait_indirect_dma semaphore(%arg16 : memref<!tpu.dma_semaphore, #tpu.memory_space<semaphore_mem>>) src(%dma_wait3A_89 : memref<10000x64xf32, #tpu.memory_space<hbm>>) dst(%arg10 : memref<128x64xf32, #tpu.memory_space<vmem>>)
        %dma_start3A_90 = arith.constant 1 : i32
        %dma_start3A_91 = arith.constant 0 : i32
        %dma_start3A_92 = tpu.memref_slice %arg8[%dma_start3A_90, %dma_start3A_91] : memref<32x128xi32, #tpu.memory_space<vmem>> -> memref<1x128xi32, #tpu.memory_space<vmem>>
        %dma_start3A_93 = tpu.memref_squeeze %dma_start3A_92 : memref<1x128xi32, #tpu.memory_space<vmem>> -> memref<128xi32, #tpu.memory_space<vmem>>
        %dma_start3A_94 = arith.constant 0 : i32
        %dma_start3A_95 = arith.constant 0 : i32
        %dma_start3A_96 = tpu.memref_slice %arg14[%dma_start3A_94, %dma_start3A_95] : memref<10128x64xf32, #tpu.memory_space<vmem_shared>> -> memref<10128x64xf32, #tpu.memory_space<vmem_shared>>
        tpu.enqueue_indirect_dma source(%arg10 : memref<128x64xf32, #tpu.memory_space<vmem>>) target(%dma_start3A_96 : memref<10128x64xf32, #tpu.memory_space<vmem_shared>>) offsets(%dma_start3A_93 : memref<128xi32, #tpu.memory_space<vmem>>) semaphore(%arg20 : memref<!tpu.dma_semaphore, #tpu.memory_space<semaphore_mem>>) {add = true}
        %dma_wait3A_97 = arith.constant 1 : i32
        %dma_wait3A_98 = arith.constant 0 : i32
        %dma_wait3A_99 = tpu.memref_slice %arg8[%dma_wait3A_97, %dma_wait3A_98] : memref<32x128xi32, #tpu.memory_space<vmem>> -> memref<1x128xi32, #tpu.memory_space<vmem>>
        %dma_wait3A_100 = tpu.memref_squeeze %dma_wait3A_99 : memref<1x128xi32, #tpu.memory_space<vmem>> -> memref<128xi32, #tpu.memory_space<vmem>>
        %dma_wait3A_101 = arith.constant 0 : i32
        %dma_wait3A_102 = arith.constant 0 : i32
        %dma_wait3A_103 = tpu.memref_slice %arg14[%dma_wait3A_101, %dma_wait3A_102] : memref<10128x64xf32, #tpu.memory_space<vmem_shared>> -> memref<10128x64xf32, #tpu.memory_space<vmem_shared>>
        tpu.wait_indirect_dma semaphore(%arg20 : memref<!tpu.dma_semaphore, #tpu.memory_space<semaphore_mem>>) src(%arg10 : memref<128x64xf32, #tpu.memory_space<vmem>>) dst(%dma_wait3A_103 : memref<10128x64xf32, #tpu.memory_space<vmem_shared>>)
        %dma_start3A_104 = arith.constant 5 : i32
        %dma_start3A_105 = arith.constant 0 : i32
        %dma_start3A_106 = tpu.memref_slice %arg7[%dma_start3A_104, %dma_start3A_105] : memref<32x128xi32, #tpu.memory_space<vmem>> -> memref<1x128xi32, #tpu.memory_space<vmem>>
        %dma_start3A_107 = tpu.memref_squeeze %dma_start3A_106 : memref<1x128xi32, #tpu.memory_space<vmem>> -> memref<128xi32, #tpu.memory_space<vmem>>
        %dma_start3A_108 = arith.constant 0 : i32
        %dma_start3A_109 = arith.constant 0 : i32
        %dma_start3A_110 = tpu.memref_slice %arg4[%dma_start3A_108, %dma_start3A_109] : memref<10000x64xf32, #tpu.memory_space<hbm>> -> memref<10000x64xf32, #tpu.memory_space<hbm>>
        tpu.enqueue_indirect_dma source(%dma_start3A_110 : memref<10000x64xf32, #tpu.memory_space<hbm>>) target(%arg10 : memref<128x64xf32, #tpu.memory_space<vmem>>) offsets(%dma_start3A_107 : memref<128xi32, #tpu.memory_space<vmem>>) semaphore(%arg16 : memref<!tpu.dma_semaphore, #tpu.memory_space<semaphore_mem>>)
        %dma_wait3A_111 = arith.constant 2 : i32
        %dma_wait3A_112 = arith.constant 0 : i32
        %dma_wait3A_113 = tpu.memref_slice %arg7[%dma_wait3A_111, %dma_wait3A_112] : memref<32x128xi32, #tpu.memory_space<vmem>> -> memref<1x128xi32, #tpu.memory_space<vmem>>
        %dma_wait3A_114 = tpu.memref_squeeze %dma_wait3A_113 : memref<1x128xi32, #tpu.memory_space<vmem>> -> memref<128xi32, #tpu.memory_space<vmem>>
        %dma_wait3A_115 = arith.constant 0 : i32
        %dma_wait3A_116 = arith.constant 0 : i32
        %dma_wait3A_117 = tpu.memref_slice %arg4[%dma_wait3A_115, %dma_wait3A_116] : memref<10000x64xf32, #tpu.memory_space<hbm>> -> memref<10000x64xf32, #tpu.memory_space<hbm>>
        tpu.wait_indirect_dma semaphore(%arg17 : memref<!tpu.dma_semaphore, #tpu.memory_space<semaphore_mem>>) src(%dma_wait3A_117 : memref<10000x64xf32, #tpu.memory_space<hbm>>) dst(%arg11 : memref<128x64xf32, #tpu.memory_space<vmem>>)
        %dma_start3A_118 = arith.constant 2 : i32
        %dma_start3A_119 = arith.constant 0 : i32
        %dma_start3A_120 = tpu.memref_slice %arg8[%dma_start3A_118, %dma_start3A_119] : memref<32x128xi32, #tpu.memory_space<vmem>> -> memref<1x128xi32, #tpu.memory_space<vmem>>
        %dma_start3A_121 = tpu.memref_squeeze %dma_start3A_120 : memref<1x128xi32, #tpu.memory_space<vmem>> -> memref<128xi32, #tpu.memory_space<vmem>>
        %dma_start3A_122 = arith.constant 0 : i32
        %dma_start3A_123 = arith.constant 0 : i32
        %dma_start3A_124 = tpu.memref_slice %arg14[%dma_start3A_122, %dma_start3A_123] : memref<10128x64xf32, #tpu.memory_space<vmem_shared>> -> memref<10128x64xf32, #tpu.memory_space<vmem_shared>>
        tpu.enqueue_indirect_dma source(%arg11 : memref<128x64xf32, #tpu.memory_space<vmem>>) target(%dma_start3A_124 : memref<10128x64xf32, #tpu.memory_space<vmem_shared>>) offsets(%dma_start3A_121 : memref<128xi32, #tpu.memory_space<vmem>>) semaphore(%arg21 : memref<!tpu.dma_semaphore, #tpu.memory_space<semaphore_mem>>) {add = true}
        %dma_wait3A_125 = arith.constant 2 : i32
        %dma_wait3A_126 = arith.constant 0 : i32
        %dma_wait3A_127 = tpu.memref_slice %arg8[%dma_wait3A_125, %dma_wait3A_126] : memref<32x128xi32, #tpu.memory_space<vmem>> -> memref<1x128xi32, #tpu.memory_space<vmem>>
        %dma_wait3A_128 = tpu.memref_squeeze %dma_wait3A_127 : memref<1x128xi32, #tpu.memory_space<vmem>> -> memref<128xi32, #tpu.memory_space<vmem>>
        %dma_wait3A_129 = arith.constant 0 : i32
        %dma_wait3A_130 = arith.constant 0 : i32
        %dma_wait3A_131 = tpu.memref_slice %arg14[%dma_wait3A_129, %dma_wait3A_130] : memref<10128x64xf32, #tpu.memory_space<vmem_shared>> -> memref<10128x64xf32, #tpu.memory_space<vmem_shared>>
        tpu.wait_indirect_dma semaphore(%arg21 : memref<!tpu.dma_semaphore, #tpu.memory_space<semaphore_mem>>) src(%arg11 : memref<128x64xf32, #tpu.memory_space<vmem>>) dst(%dma_wait3A_131 : memref<10128x64xf32, #tpu.memory_space<vmem_shared>>)
        %dma_start3A_132 = arith.constant 6 : i32
        %dma_start3A_133 = arith.constant 0 : i32
        %dma_start3A_134 = tpu.memref_slice %arg7[%dma_start3A_132, %dma_start3A_133] : memref<32x128xi32, #tpu.memory_space<vmem>> -> memref<1x128xi32, #tpu.memory_space<vmem>>
        %dma_start3A_135 = tpu.memref_squeeze %dma_start3A_134 : memref<1x128xi32, #tpu.memory_space<vmem>> -> memref<128xi32, #tpu.memory_space<vmem>>
        %dma_start3A_136 = arith.constant 0 : i32
        %dma_start3A_137 = arith.constant 0 : i32
        %dma_start3A_138 = tpu.memref_slice %arg4[%dma_start3A_136, %dma_start3A_137] : memref<10000x64xf32, #tpu.memory_space<hbm>> -> memref<10000x64xf32, #tpu.memory_space<hbm>>
        tpu.enqueue_indirect_dma source(%dma_start3A_138 : memref<10000x64xf32, #tpu.memory_space<hbm>>) target(%arg11 : memref<128x64xf32, #tpu.memory_space<vmem>>) offsets(%dma_start3A_135 : memref<128xi32, #tpu.memory_space<vmem>>) semaphore(%arg17 : memref<!tpu.dma_semaphore, #tpu.memory_space<semaphore_mem>>)
        %dma_wait3A_139 = arith.constant 3 : i32
        %dma_wait3A_140 = arith.constant 0 : i32
        %dma_wait3A_141 = tpu.memref_slice %arg7[%dma_wait3A_139, %dma_wait3A_140] : memref<32x128xi32, #tpu.memory_space<vmem>> -> memref<1x128xi32, #tpu.memory_space<vmem>>
        %dma_wait3A_142 = tpu.memref_squeeze %dma_wait3A_141 : memref<1x128xi32, #tpu.memory_space<vmem>> -> memref<128xi32, #tpu.memory_space<vmem>>
        %dma_wait3A_143 = arith.constant 0 : i32
        %dma_wait3A_144 = arith.constant 0 : i32
        %dma_wait3A_145 = tpu.memref_slice %arg4[%dma_wait3A_143, %dma_wait3A_144] : memref<10000x64xf32, #tpu.memory_space<hbm>> -> memref<10000x64xf32, #tpu.memory_space<hbm>>
        tpu.wait_indirect_dma semaphore(%arg18 : memref<!tpu.dma_semaphore, #tpu.memory_space<semaphore_mem>>) src(%dma_wait3A_145 : memref<10000x64xf32, #tpu.memory_space<hbm>>) dst(%arg12 : memref<128x64xf32, #tpu.memory_space<vmem>>)
        %dma_start3A_146 = arith.constant 3 : i32
        %dma_start3A_147 = arith.constant 0 : i32
        %dma_start3A_148 = tpu.memref_slice %arg8[%dma_start3A_146, %dma_start3A_147] : memref<32x128xi32, #tpu.memory_space<vmem>> -> memref<1x128xi32, #tpu.memory_space<vmem>>
        %dma_start3A_149 = tpu.memref_squeeze %dma_start3A_148 : memref<1x128xi32, #tpu.memory_space<vmem>> -> memref<128xi32, #tpu.memory_space<vmem>>
        %dma_start3A_150 = arith.constant 0 : i32
        %dma_start3A_151 = arith.constant 0 : i32
        %dma_start3A_152 = tpu.memref_slice %arg14[%dma_start3A_150, %dma_start3A_151] : memref<10128x64xf32, #tpu.memory_space<vmem_shared>> -> memref<10128x64xf32, #tpu.memory_space<vmem_shared>>
        tpu.enqueue_indirect_dma source(%arg12 : memref<128x64xf32, #tpu.memory_space<vmem>>) target(%dma_start3A_152 : memref<10128x64xf32, #tpu.memory_space<vmem_shared>>) offsets(%dma_start3A_149 : memref<128xi32, #tpu.memory_space<vmem>>) semaphore(%arg22 : memref<!tpu.dma_semaphore, #tpu.memory_space<semaphore_mem>>) {add = true}
        %dma_wait3A_153 = arith.constant 3 : i32
        %dma_wait3A_154 = arith.constant 0 : i32
        %dma_wait3A_155 = tpu.memref_slice %arg8[%dma_wait3A_153, %dma_wait3A_154] : memref<32x128xi32, #tpu.memory_space<vmem>> -> memref<1x128xi32, #tpu.memory_space<vmem>>
        %dma_wait3A_156 = tpu.memref_squeeze %dma_wait3A_155 : memref<1x128xi32, #tpu.memory_space<vmem>> -> memref<128xi32, #tpu.memory_space<vmem>>
        %dma_wait3A_157 = arith.constant 0 : i32
        %dma_wait3A_158 = arith.constant 0 : i32
        %dma_wait3A_159 = tpu.memref_slice %arg14[%dma_wait3A_157, %dma_wait3A_158] : memref<10128x64xf32, #tpu.memory_space<vmem_shared>> -> memref<10128x64xf32, #tpu.memory_space<vmem_shared>>
        tpu.wait_indirect_dma semaphore(%arg22 : memref<!tpu.dma_semaphore, #tpu.memory_space<semaphore_mem>>) src(%arg12 : memref<128x64xf32, #tpu.memory_space<vmem>>) dst(%dma_wait3A_159 : memref<10128x64xf32, #tpu.memory_space<vmem_shared>>)
        %dma_start3A_160 = arith.constant 7 : i32
        %dma_start3A_161 = arith.constant 0 : i32
        %dma_start3A_162 = tpu.memref_slice %arg7[%dma_start3A_160, %dma_start3A_161] : memref<32x128xi32, #tpu.memory_space<vmem>> -> memref<1x128xi32, #tpu.memory_space<vmem>>
        %dma_start3A_163 = tpu.memref_squeeze %dma_start3A_162 : memref<1x128xi32, #tpu.memory_space<vmem>> -> memref<128xi32, #tpu.memory_space<vmem>>
        %dma_start3A_164 = arith.constant 0 : i32
        %dma_start3A_165 = arith.constant 0 : i32
        %dma_start3A_166 = tpu.memref_slice %arg4[%dma_start3A_164, %dma_start3A_165] : memref<10000x64xf32, #tpu.memory_space<hbm>> -> memref<10000x64xf32, #tpu.memory_space<hbm>>
        tpu.enqueue_indirect_dma source(%dma_start3A_166 : memref<10000x64xf32, #tpu.memory_space<hbm>>) target(%arg12 : memref<128x64xf32, #tpu.memory_space<vmem>>) offsets(%dma_start3A_163 : memref<128xi32, #tpu.memory_space<vmem>>) semaphore(%arg18 : memref<!tpu.dma_semaphore, #tpu.memory_space<semaphore_mem>>)
        %dma_wait3A_167 = arith.constant 4 : i32
        %dma_wait3A_168 = arith.constant 0 : i32
        %dma_wait3A_169 = tpu.memref_slice %arg7[%dma_wait3A_167, %dma_wait3A_168] : memref<32x128xi32, #tpu.memory_space<vmem>> -> memref<1x128xi32, #tpu.memory_space<vmem>>
        %dma_wait3A_170 = tpu.memref_squeeze %dma_wait3A_169 : memref<1x128xi32, #tpu.memory_space<vmem>> -> memref<128xi32, #tpu.memory_space<vmem>>
        %dma_wait3A_171 = arith.constant 0 : i32
        %dma_wait3A_172 = arith.constant 0 : i32
        %dma_wait3A_173 = tpu.memref_slice %arg4[%dma_wait3A_171, %dma_wait3A_172] : memref<10000x64xf32, #tpu.memory_space<hbm>> -> memref<10000x64xf32, #tpu.memory_space<hbm>>
        tpu.wait_indirect_dma semaphore(%arg15 : memref<!tpu.dma_semaphore, #tpu.memory_space<semaphore_mem>>) src(%dma_wait3A_173 : memref<10000x64xf32, #tpu.memory_space<hbm>>) dst(%arg9 : memref<128x64xf32, #tpu.memory_space<vmem>>)
        %dma_start3A_174 = arith.constant 4 : i32
        %dma_start3A_175 = arith.constant 0 : i32
        %dma_start3A_176 = tpu.memref_slice %arg8[%dma_start3A_174, %dma_start3A_175] : memref<32x128xi32, #tpu.memory_space<vmem>> -> memref<1x128xi32, #tpu.memory_space<vmem>>
        %dma_start3A_177 = tpu.memref_squeeze %dma_start3A_176 : memref<1x128xi32, #tpu.memory_space<vmem>> -> memref<128xi32, #tpu.memory_space<vmem>>
        %dma_start3A_178 = arith.constant 0 : i32
        %dma_start3A_179 = arith.constant 0 : i32
        %dma_start3A_180 = tpu.memref_slice %arg14[%dma_start3A_178, %dma_start3A_179] : memref<10128x64xf32, #tpu.memory_space<vmem_shared>> -> memref<10128x64xf32, #tpu.memory_space<vmem_shared>>
        tpu.enqueue_indirect_dma source(%arg9 : memref<128x64xf32, #tpu.memory_space<vmem>>) target(%dma_start3A_180 : memref<10128x64xf32, #tpu.memory_space<vmem_shared>>) offsets(%dma_start3A_177 : memref<128xi32, #tpu.memory_space<vmem>>) semaphore(%arg19 : memref<!tpu.dma_semaphore, #tpu.memory_space<semaphore_mem>>) {add = true}
        %dma_wait3A_181 = arith.constant 4 : i32
        %dma_wait3A_182 = arith.constant 0 : i32
        %dma_wait3A_183 = tpu.memref_slice %arg8[%dma_wait3A_181, %dma_wait3A_182] : memref<32x128xi32, #tpu.memory_space<vmem>> -> memref<1x128xi32, #tpu.memory_space<vmem>>
        %dma_wait3A_184 = tpu.memref_squeeze %dma_wait3A_183 : memref<1x128xi32, #tpu.memory_space<vmem>> -> memref<128xi32, #tpu.memory_space<vmem>>
        %dma_wait3A_185 = arith.constant 0 : i32
        %dma_wait3A_186 = arith.constant 0 : i32
        %dma_wait3A_187 = tpu.memref_slice %arg14[%dma_wait3A_185, %dma_wait3A_186] : memref<10128x64xf32, #tpu.memory_space<vmem_shared>> -> memref<10128x64xf32, #tpu.memory_space<vmem_shared>>
        tpu.wait_indirect_dma semaphore(%arg19 : memref<!tpu.dma_semaphore, #tpu.memory_space<semaphore_mem>>) src(%arg9 : memref<128x64xf32, #tpu.memory_space<vmem>>) dst(%dma_wait3A_187 : memref<10128x64xf32, #tpu.memory_space<vmem_shared>>)
        %dma_start3A_188 = arith.constant 8 : i32
        %dma_start3A_189 = arith.constant 0 : i32
        %dma_start3A_190 = tpu.memref_slice %arg7[%dma_start3A_188, %dma_start3A_189] : memref<32x128xi32, #tpu.memory_space<vmem>> -> memref<1x128xi32, #tpu.memory_space<vmem>>
        %dma_start3A_191 = tpu.memref_squeeze %dma_start3A_190 : memref<1x128xi32, #tpu.memory_space<vmem>> -> memref<128xi32, #tpu.memory_space<vmem>>
        %dma_start3A_192 = arith.constant 0 : i32
        %dma_start3A_193 = arith.constant 0 : i32
        %dma_start3A_194 = tpu.memref_slice %arg4[%dma_start3A_192, %dma_start3A_193] : memref<10000x64xf32, #tpu.memory_space<hbm>> -> memref<10000x64xf32, #tpu.memory_space<hbm>>
        tpu.enqueue_indirect_dma source(%dma_start3A_194 : memref<10000x64xf32, #tpu.memory_space<hbm>>) target(%arg9 : memref<128x64xf32, #tpu.memory_space<vmem>>) offsets(%dma_start3A_191 : memref<128xi32, #tpu.memory_space<vmem>>) semaphore(%arg15 : memref<!tpu.dma_semaphore, #tpu.memory_space<semaphore_mem>>)
        %dma_wait3A_195 = arith.constant 5 : i32
        %dma_wait3A_196 = arith.constant 0 : i32
        %dma_wait3A_197 = tpu.memref_slice %arg7[%dma_wait3A_195, %dma_wait3A_196] : memref<32x128xi32, #tpu.memory_space<vmem>> -> memref<1x128xi32, #tpu.memory_space<vmem>>
        %dma_wait3A_198 = tpu.memref_squeeze %dma_wait3A_197 : memref<1x128xi32, #tpu.memory_space<vmem>> -> memref<128xi32, #tpu.memory_space<vmem>>
        %dma_wait3A_199 = arith.constant 0 : i32
        %dma_wait3A_200 = arith.constant 0 : i32
        %dma_wait3A_201 = tpu.memref_slice %arg4[%dma_wait3A_199, %dma_wait3A_200] : memref<10000x64xf32, #tpu.memory_space<hbm>> -> memref<10000x64xf32, #tpu.memory_space<hbm>>
        tpu.wait_indirect_dma semaphore(%arg16 : memref<!tpu.dma_semaphore, #tpu.memory_space<semaphore_mem>>) src(%dma_wait3A_201 : memref<10000x64xf32, #tpu.memory_space<hbm>>) dst(%arg10 : memref<128x64xf32, #tpu.memory_space<vmem>>)
        %dma_start3A_202 = arith.constant 5 : i32
        %dma_start3A_203 = arith.constant 0 : i32
        %dma_start3A_204 = tpu.memref_slice %arg8[%dma_start3A_202, %dma_start3A_203] : memref<32x128xi32, #tpu.memory_space<vmem>> -> memref<1x128xi32, #tpu.memory_space<vmem>>
        %dma_start3A_205 = tpu.memref_squeeze %dma_start3A_204 : memref<1x128xi32, #tpu.memory_space<vmem>> -> memref<128xi32, #tpu.memory_space<vmem>>
        %dma_start3A_206 = arith.constant 0 : i32
        %dma_start3A_207 = arith.constant 0 : i32
        %dma_start3A_208 = tpu.memref_slice %arg14[%dma_start3A_206, %dma_start3A_207] : memref<10128x64xf32, #tpu.memory_space<vmem_shared>> -> memref<10128x64xf32, #tpu.memory_space<vmem_shared>>
        tpu.enqueue_indirect_dma source(%arg10 : memref<128x64xf32, #tpu.memory_space<vmem>>) target(%dma_start3A_208 : memref<10128x64xf32, #tpu.memory_space<vmem_shared>>) offsets(%dma_start3A_205 : memref<128xi32, #tpu.memory_space<vmem>>) semaphore(%arg20 : memref<!tpu.dma_semaphore, #tpu.memory_space<semaphore_mem>>) {add = true}
        %dma_wait3A_209 = arith.constant 5 : i32
        %dma_wait3A_210 = arith.constant 0 : i32
        %dma_wait3A_211 = tpu.memref_slice %arg8[%dma_wait3A_209, %dma_wait3A_210] : memref<32x128xi32, #tpu.memory_space<vmem>> -> memref<1x128xi32, #tpu.memory_space<vmem>>
        %dma_wait3A_212 = tpu.memref_squeeze %dma_wait3A_211 : memref<1x128xi32, #tpu.memory_space<vmem>> -> memref<128xi32, #tpu.memory_space<vmem>>
        %dma_wait3A_213 = arith.constant 0 : i32
        %dma_wait3A_214 = arith.constant 0 : i32
        %dma_wait3A_215 = tpu.memref_slice %arg14[%dma_wait3A_213, %dma_wait3A_214] : memref<10128x64xf32, #tpu.memory_space<vmem_shared>> -> memref<10128x64xf32, #tpu.memory_space<vmem_shared>>
        tpu.wait_indirect_dma semaphore(%arg20 : memref<!tpu.dma_semaphore, #tpu.memory_space<semaphore_mem>>) src(%arg10 : memref<128x64xf32, #tpu.memory_space<vmem>>) dst(%dma_wait3A_215 : memref<10128x64xf32, #tpu.memory_space<vmem_shared>>)
        %dma_start3A_216 = arith.constant 9 : i32
        %dma_start3A_217 = arith.constant 0 : i32
        %dma_start3A_218 = tpu.memref_slice %arg7[%dma_start3A_216, %dma_start3A_217] : memref<32x128xi32, #tpu.memory_space<vmem>> -> memref<1x128xi32, #tpu.memory_space<vmem>>
        %dma_start3A_219 = tpu.memref_squeeze %dma_start3A_218 : memref<1x128xi32, #tpu.memory_space<vmem>> -> memref<128xi32, #tpu.memory_space<vmem>>
        %dma_start3A_220 = arith.constant 0 : i32
        %dma_start3A_221 = arith.constant 0 : i32
        %dma_start3A_222 = tpu.memref_slice %arg4[%dma_start3A_220, %dma_start3A_221] : memref<10000x64xf32, #tpu.memory_space<hbm>> -> memref<10000x64xf32, #tpu.memory_space<hbm>>
        tpu.enqueue_indirect_dma source(%dma_start3A_222 : memref<10000x64xf32, #tpu.memory_space<hbm>>) target(%arg10 : memref<128x64xf32, #tpu.memory_space<vmem>>) offsets(%dma_start3A_219 : memref<128xi32, #tpu.memory_space<vmem>>) semaphore(%arg16 : memref<!tpu.dma_semaphore, #tpu.memory_space<semaphore_mem>>)
        %dma_wait3A_223 = arith.constant 6 : i32
        %dma_wait3A_224 = arith.constant 0 : i32
        %dma_wait3A_225 = tpu.memref_slice %arg7[%dma_wait3A_223, %dma_wait3A_224] : memref<32x128xi32, #tpu.memory_space<vmem>> -> memref<1x128xi32, #tpu.memory_space<vmem>>
        %dma_wait3A_226 = tpu.memref_squeeze %dma_wait3A_225 : memref<1x128xi32, #tpu.memory_space<vmem>> -> memref<128xi32, #tpu.memory_space<vmem>>
        %dma_wait3A_227 = arith.constant 0 : i32
        %dma_wait3A_228 = arith.constant 0 : i32
        %dma_wait3A_229 = tpu.memref_slice %arg4[%dma_wait3A_227, %dma_wait3A_228] : memref<10000x64xf32, #tpu.memory_space<hbm>> -> memref<10000x64xf32, #tpu.memory_space<hbm>>
        tpu.wait_indirect_dma semaphore(%arg17 : memref<!tpu.dma_semaphore, #tpu.memory_space<semaphore_mem>>) src(%dma_wait3A_229 : memref<10000x64xf32, #tpu.memory_space<hbm>>) dst(%arg11 : memref<128x64xf32, #tpu.memory_space<vmem>>)
        %dma_start3A_230 = arith.constant 6 : i32
        %dma_start3A_231 = arith.constant 0 : i32
        %dma_start3A_232 = tpu.memref_slice %arg8[%dma_start3A_230, %dma_start3A_231] : memref<32x128xi32, #tpu.memory_space<vmem>> -> memref<1x128xi32, #tpu.memory_space<vmem>>
        %dma_start3A_233 = tpu.memref_squeeze %dma_start3A_232 : memref<1x128xi32, #tpu.memory_space<vmem>> -> memref<128xi32, #tpu.memory_space<vmem>>
        %dma_start3A_234 = arith.constant 0 : i32
        %dma_start3A_235 = arith.constant 0 : i32
        %dma_start3A_236 = tpu.memref_slice %arg14[%dma_start3A_234, %dma_start3A_235] : memref<10128x64xf32, #tpu.memory_space<vmem_shared>> -> memref<10128x64xf32, #tpu.memory_space<vmem_shared>>
        tpu.enqueue_indirect_dma source(%arg11 : memref<128x64xf32, #tpu.memory_space<vmem>>) target(%dma_start3A_236 : memref<10128x64xf32, #tpu.memory_space<vmem_shared>>) offsets(%dma_start3A_233 : memref<128xi32, #tpu.memory_space<vmem>>) semaphore(%arg21 : memref<!tpu.dma_semaphore, #tpu.memory_space<semaphore_mem>>) {add = true}
        %dma_wait3A_237 = arith.constant 6 : i32
        %dma_wait3A_238 = arith.constant 0 : i32
        %dma_wait3A_239 = tpu.memref_slice %arg8[%dma_wait3A_237, %dma_wait3A_238] : memref<32x128xi32, #tpu.memory_space<vmem>> -> memref<1x128xi32, #tpu.memory_space<vmem>>
        %dma_wait3A_240 = tpu.memref_squeeze %dma_wait3A_239 : memref<1x128xi32, #tpu.memory_space<vmem>> -> memref<128xi32, #tpu.memory_space<vmem>>
        %dma_wait3A_241 = arith.constant 0 : i32
        %dma_wait3A_242 = arith.constant 0 : i32
        %dma_wait3A_243 = tpu.memref_slice %arg14[%dma_wait3A_241, %dma_wait3A_242] : memref<10128x64xf32, #tpu.memory_space<vmem_shared>> -> memref<10128x64xf32, #tpu.memory_space<vmem_shared>>
        tpu.wait_indirect_dma semaphore(%arg21 : memref<!tpu.dma_semaphore, #tpu.memory_space<semaphore_mem>>) src(%arg11 : memref<128x64xf32, #tpu.memory_space<vmem>>) dst(%dma_wait3A_243 : memref<10128x64xf32, #tpu.memory_space<vmem_shared>>)
        %dma_start3A_244 = arith.constant 10 : i32
        %dma_start3A_245 = arith.constant 0 : i32
        %dma_start3A_246 = tpu.memref_slice %arg7[%dma_start3A_244, %dma_start3A_245] : memref<32x128xi32, #tpu.memory_space<vmem>> -> memref<1x128xi32, #tpu.memory_space<vmem>>
        %dma_start3A_247 = tpu.memref_squeeze %dma_start3A_246 : memref<1x128xi32, #tpu.memory_space<vmem>> -> memref<128xi32, #tpu.memory_space<vmem>>
        %dma_start3A_248 = arith.constant 0 : i32
        %dma_start3A_249 = arith.constant 0 : i32
        %dma_start3A_250 = tpu.memref_slice %arg4[%dma_start3A_248, %dma_start3A_249] : memref<10000x64xf32, #tpu.memory_space<hbm>> -> memref<10000x64xf32, #tpu.memory_space<hbm>>
        tpu.enqueue_indirect_dma source(%dma_start3A_250 : memref<10000x64xf32, #tpu.memory_space<hbm>>) target(%arg11 : memref<128x64xf32, #tpu.memory_space<vmem>>) offsets(%dma_start3A_247 : memref<128xi32, #tpu.memory_space<vmem>>) semaphore(%arg17 : memref<!tpu.dma_semaphore, #tpu.memory_space<semaphore_mem>>)
        %dma_wait3A_251 = arith.constant 7 : i32
        %dma_wait3A_252 = arith.constant 0 : i32
        %dma_wait3A_253 = tpu.memref_slice %arg7[%dma_wait3A_251, %dma_wait3A_252] : memref<32x128xi32, #tpu.memory_space<vmem>> -> memref<1x128xi32, #tpu.memory_space<vmem>>
        %dma_wait3A_254 = tpu.memref_squeeze %dma_wait3A_253 : memref<1x128xi32, #tpu.memory_space<vmem>> -> memref<128xi32, #tpu.memory_space<vmem>>
        %dma_wait3A_255 = arith.constant 0 : i32
        %dma_wait3A_256 = arith.constant 0 : i32
        %dma_wait3A_257 = tpu.memref_slice %arg4[%dma_wait3A_255, %dma_wait3A_256] : memref<10000x64xf32, #tpu.memory_space<hbm>> -> memref<10000x64xf32, #tpu.memory_space<hbm>>
        tpu.wait_indirect_dma semaphore(%arg18 : memref<!tpu.dma_semaphore, #tpu.memory_space<semaphore_mem>>) src(%dma_wait3A_257 : memref<10000x64xf32, #tpu.memory_space<hbm>>) dst(%arg12 : memref<128x64xf32, #tpu.memory_space<vmem>>)
        %dma_start3A_258 = arith.constant 7 : i32
        %dma_start3A_259 = arith.constant 0 : i32
        %dma_start3A_260 = tpu.memref_slice %arg8[%dma_start3A_258, %dma_start3A_259] : memref<32x128xi32, #tpu.memory_space<vmem>> -> memref<1x128xi32, #tpu.memory_space<vmem>>
        %dma_start3A_261 = tpu.memref_squeeze %dma_start3A_260 : memref<1x128xi32, #tpu.memory_space<vmem>> -> memref<128xi32, #tpu.memory_space<vmem>>
        %dma_start3A_262 = arith.constant 0 : i32
        %dma_start3A_263 = arith.constant 0 : i32
        %dma_start3A_264 = tpu.memref_slice %arg14[%dma_start3A_262, %dma_start3A_263] : memref<10128x64xf32, #tpu.memory_space<vmem_shared>> -> memref<10128x64xf32, #tpu.memory_space<vmem_shared>>
        tpu.enqueue_indirect_dma source(%arg12 : memref<128x64xf32, #tpu.memory_space<vmem>>) target(%dma_start3A_264 : memref<10128x64xf32, #tpu.memory_space<vmem_shared>>) offsets(%dma_start3A_261 : memref<128xi32, #tpu.memory_space<vmem>>) semaphore(%arg22 : memref<!tpu.dma_semaphore, #tpu.memory_space<semaphore_mem>>) {add = true}
        %dma_wait3A_265 = arith.constant 7 : i32
        %dma_wait3A_266 = arith.constant 0 : i32
        %dma_wait3A_267 = tpu.memref_slice %arg8[%dma_wait3A_265, %dma_wait3A_266] : memref<32x128xi32, #tpu.memory_space<vmem>> -> memref<1x128xi32, #tpu.memory_space<vmem>>
        %dma_wait3A_268 = tpu.memref_squeeze %dma_wait3A_267 : memref<1x128xi32, #tpu.memory_space<vmem>> -> memref<128xi32, #tpu.memory_space<vmem>>
        %dma_wait3A_269 = arith.constant 0 : i32
        %dma_wait3A_270 = arith.constant 0 : i32
        %dma_wait3A_271 = tpu.memref_slice %arg14[%dma_wait3A_269, %dma_wait3A_270] : memref<10128x64xf32, #tpu.memory_space<vmem_shared>> -> memref<10128x64xf32, #tpu.memory_space<vmem_shared>>
        tpu.wait_indirect_dma semaphore(%arg22 : memref<!tpu.dma_semaphore, #tpu.memory_space<semaphore_mem>>) src(%arg12 : memref<128x64xf32, #tpu.memory_space<vmem>>) dst(%dma_wait3A_271 : memref<10128x64xf32, #tpu.memory_space<vmem_shared>>)
        %dma_start3A_272 = arith.constant 11 : i32
        %dma_start3A_273 = arith.constant 0 : i32
        %dma_start3A_274 = tpu.memref_slice %arg7[%dma_start3A_272, %dma_start3A_273] : memref<32x128xi32, #tpu.memory_space<vmem>> -> memref<1x128xi32, #tpu.memory_space<vmem>>
        %dma_start3A_275 = tpu.memref_squeeze %dma_start3A_274 : memref<1x128xi32, #tpu.memory_space<vmem>> -> memref<128xi32, #tpu.memory_space<vmem>>
        %dma_start3A_276 = arith.constant 0 : i32
        %dma_start3A_277 = arith.constant 0 : i32
        %dma_start3A_278 = tpu.memref_slice %arg4[%dma_start3A_276, %dma_start3A_277] : memref<10000x64xf32, #tpu.memory_space<hbm>> -> memref<10000x64xf32, #tpu.memory_space<hbm>>
        tpu.enqueue_indirect_dma source(%dma_start3A_278 : memref<10000x64xf32, #tpu.memory_space<hbm>>) target(%arg12 : memref<128x64xf32, #tpu.memory_space<vmem>>) offsets(%dma_start3A_275 : memref<128xi32, #tpu.memory_space<vmem>>) semaphore(%arg18 : memref<!tpu.dma_semaphore, #tpu.memory_space<semaphore_mem>>)
        %dma_wait3A_279 = arith.constant 8 : i32
        %dma_wait3A_280 = arith.constant 0 : i32
        %dma_wait3A_281 = tpu.memref_slice %arg7[%dma_wait3A_279, %dma_wait3A_280] : memref<32x128xi32, #tpu.memory_space<vmem>> -> memref<1x128xi32, #tpu.memory_space<vmem>>
        %dma_wait3A_282 = tpu.memref_squeeze %dma_wait3A_281 : memref<1x128xi32, #tpu.memory_space<vmem>> -> memref<128xi32, #tpu.memory_space<vmem>>
        %dma_wait3A_283 = arith.constant 0 : i32
        %dma_wait3A_284 = arith.constant 0 : i32
        %dma_wait3A_285 = tpu.memref_slice %arg4[%dma_wait3A_283, %dma_wait3A_284] : memref<10000x64xf32, #tpu.memory_space<hbm>> -> memref<10000x64xf32, #tpu.memory_space<hbm>>
        tpu.wait_indirect_dma semaphore(%arg15 : memref<!tpu.dma_semaphore, #tpu.memory_space<semaphore_mem>>) src(%dma_wait3A_285 : memref<10000x64xf32, #tpu.memory_space<hbm>>) dst(%arg9 : memref<128x64xf32, #tpu.memory_space<vmem>>)
        %dma_start3A_286 = arith.constant 8 : i32
        %dma_start3A_287 = arith.constant 0 : i32
        %dma_start3A_288 = tpu.memref_slice %arg8[%dma_start3A_286, %dma_start3A_287] : memref<32x128xi32, #tpu.memory_space<vmem>> -> memref<1x128xi32, #tpu.memory_space<vmem>>
        %dma_start3A_289 = tpu.memref_squeeze %dma_start3A_288 : memref<1x128xi32, #tpu.memory_space<vmem>> -> memref<128xi32, #tpu.memory_space<vmem>>
        %dma_start3A_290 = arith.constant 0 : i32
        %dma_start3A_291 = arith.constant 0 : i32
        %dma_start3A_292 = tpu.memref_slice %arg14[%dma_start3A_290, %dma_start3A_291] : memref<10128x64xf32, #tpu.memory_space<vmem_shared>> -> memref<10128x64xf32, #tpu.memory_space<vmem_shared>>
        tpu.enqueue_indirect_dma source(%arg9 : memref<128x64xf32, #tpu.memory_space<vmem>>) target(%dma_start3A_292 : memref<10128x64xf32, #tpu.memory_space<vmem_shared>>) offsets(%dma_start3A_289 : memref<128xi32, #tpu.memory_space<vmem>>) semaphore(%arg19 : memref<!tpu.dma_semaphore, #tpu.memory_space<semaphore_mem>>) {add = true}
        %dma_wait3A_293 = arith.constant 8 : i32
        %dma_wait3A_294 = arith.constant 0 : i32
        %dma_wait3A_295 = tpu.memref_slice %arg8[%dma_wait3A_293, %dma_wait3A_294] : memref<32x128xi32, #tpu.memory_space<vmem>> -> memref<1x128xi32, #tpu.memory_space<vmem>>
        %dma_wait3A_296 = tpu.memref_squeeze %dma_wait3A_295 : memref<1x128xi32, #tpu.memory_space<vmem>> -> memref<128xi32, #tpu.memory_space<vmem>>
        %dma_wait3A_297 = arith.constant 0 : i32
        %dma_wait3A_298 = arith.constant 0 : i32
        %dma_wait3A_299 = tpu.memref_slice %arg14[%dma_wait3A_297, %dma_wait3A_298] : memref<10128x64xf32, #tpu.memory_space<vmem_shared>> -> memref<10128x64xf32, #tpu.memory_space<vmem_shared>>
        tpu.wait_indirect_dma semaphore(%arg19 : memref<!tpu.dma_semaphore, #tpu.memory_space<semaphore_mem>>) src(%arg9 : memref<128x64xf32, #tpu.memory_space<vmem>>) dst(%dma_wait3A_299 : memref<10128x64xf32, #tpu.memory_space<vmem_shared>>)
        %dma_start3A_300 = arith.constant 12 : i32
        %dma_start3A_301 = arith.constant 0 : i32
        %dma_start3A_302 = tpu.memref_slice %arg7[%dma_start3A_300, %dma_start3A_301] : memref<32x128xi32, #tpu.memory_space<vmem>> -> memref<1x128xi32, #tpu.memory_space<vmem>>
        %dma_start3A_303 = tpu.memref_squeeze %dma_start3A_302 : memref<1x128xi32, #tpu.memory_space<vmem>> -> memref<128xi32, #tpu.memory_space<vmem>>
        %dma_start3A_304 = arith.constant 0 : i32
        %dma_start3A_305 = arith.constant 0 : i32
        %dma_start3A_306 = tpu.memref_slice %arg4[%dma_start3A_304, %dma_start3A_305] : memref<10000x64xf32, #tpu.memory_space<hbm>> -> memref<10000x64xf32, #tpu.memory_space<hbm>>
        tpu.enqueue_indirect_dma source(%dma_start3A_306 : memref<10000x64xf32, #tpu.memory_space<hbm>>) target(%arg9 : memref<128x64xf32, #tpu.memory_space<vmem>>) offsets(%dma_start3A_303 : memref<128xi32, #tpu.memory_space<vmem>>) semaphore(%arg15 : memref<!tpu.dma_semaphore, #tpu.memory_space<semaphore_mem>>)
        %dma_wait3A_307 = arith.constant 9 : i32
        %dma_wait3A_308 = arith.constant 0 : i32
        %dma_wait3A_309 = tpu.memref_slice %arg7[%dma_wait3A_307, %dma_wait3A_308] : memref<32x128xi32, #tpu.memory_space<vmem>> -> memref<1x128xi32, #tpu.memory_space<vmem>>
        %dma_wait3A_310 = tpu.memref_squeeze %dma_wait3A_309 : memref<1x128xi32, #tpu.memory_space<vmem>> -> memref<128xi32, #tpu.memory_space<vmem>>
        %dma_wait3A_311 = arith.constant 0 : i32
        %dma_wait3A_312 = arith.constant 0 : i32
        %dma_wait3A_313 = tpu.memref_slice %arg4[%dma_wait3A_311, %dma_wait3A_312] : memref<10000x64xf32, #tpu.memory_space<hbm>> -> memref<10000x64xf32, #tpu.memory_space<hbm>>
        tpu.wait_indirect_dma semaphore(%arg16 : memref<!tpu.dma_semaphore, #tpu.memory_space<semaphore_mem>>) src(%dma_wait3A_313 : memref<10000x64xf32, #tpu.memory_space<hbm>>) dst(%arg10 : memref<128x64xf32, #tpu.memory_space<vmem>>)
        %dma_start3A_314 = arith.constant 9 : i32
        %dma_start3A_315 = arith.constant 0 : i32
        %dma_start3A_316 = tpu.memref_slice %arg8[%dma_start3A_314, %dma_start3A_315] : memref<32x128xi32, #tpu.memory_space<vmem>> -> memref<1x128xi32, #tpu.memory_space<vmem>>
        %dma_start3A_317 = tpu.memref_squeeze %dma_start3A_316 : memref<1x128xi32, #tpu.memory_space<vmem>> -> memref<128xi32, #tpu.memory_space<vmem>>
        %dma_start3A_318 = arith.constant 0 : i32
        %dma_start3A_319 = arith.constant 0 : i32
        %dma_start3A_320 = tpu.memref_slice %arg14[%dma_start3A_318, %dma_start3A_319] : memref<10128x64xf32, #tpu.memory_space<vmem_shared>> -> memref<10128x64xf32, #tpu.memory_space<vmem_shared>>
        tpu.enqueue_indirect_dma source(%arg10 : memref<128x64xf32, #tpu.memory_space<vmem>>) target(%dma_start3A_320 : memref<10128x64xf32, #tpu.memory_space<vmem_shared>>) offsets(%dma_start3A_317 : memref<128xi32, #tpu.memory_space<vmem>>) semaphore(%arg20 : memref<!tpu.dma_semaphore, #tpu.memory_space<semaphore_mem>>) {add = true}
        %dma_wait3A_321 = arith.constant 9 : i32
        %dma_wait3A_322 = arith.constant 0 : i32
        %dma_wait3A_323 = tpu.memref_slice %arg8[%dma_wait3A_321, %dma_wait3A_322] : memref<32x128xi32, #tpu.memory_space<vmem>> -> memref<1x128xi32, #tpu.memory_space<vmem>>
        %dma_wait3A_324 = tpu.memref_squeeze %dma_wait3A_323 : memref<1x128xi32, #tpu.memory_space<vmem>> -> memref<128xi32, #tpu.memory_space<vmem>>
        %dma_wait3A_325 = arith.constant 0 : i32
        %dma_wait3A_326 = arith.constant 0 : i32
        %dma_wait3A_327 = tpu.memref_slice %arg14[%dma_wait3A_325, %dma_wait3A_326] : memref<10128x64xf32, #tpu.memory_space<vmem_shared>> -> memref<10128x64xf32, #tpu.memory_space<vmem_shared>>
        tpu.wait_indirect_dma semaphore(%arg20 : memref<!tpu.dma_semaphore, #tpu.memory_space<semaphore_mem>>) src(%arg10 : memref<128x64xf32, #tpu.memory_space<vmem>>) dst(%dma_wait3A_327 : memref<10128x64xf32, #tpu.memory_space<vmem_shared>>)
        %dma_start3A_328 = arith.constant 13 : i32
        %dma_start3A_329 = arith.constant 0 : i32
        %dma_start3A_330 = tpu.memref_slice %arg7[%dma_start3A_328, %dma_start3A_329] : memref<32x128xi32, #tpu.memory_space<vmem>> -> memref<1x128xi32, #tpu.memory_space<vmem>>
        %dma_start3A_331 = tpu.memref_squeeze %dma_start3A_330 : memref<1x128xi32, #tpu.memory_space<vmem>> -> memref<128xi32, #tpu.memory_space<vmem>>
        %dma_start3A_332 = arith.constant 0 : i32
        %dma_start3A_333 = arith.constant 0 : i32
        %dma_start3A_334 = tpu.memref_slice %arg4[%dma_start3A_332, %dma_start3A_333] : memref<10000x64xf32, #tpu.memory_space<hbm>> -> memref<10000x64xf32, #tpu.memory_space<hbm>>
        tpu.enqueue_indirect_dma source(%dma_start3A_334 : memref<10000x64xf32, #tpu.memory_space<hbm>>) target(%arg10 : memref<128x64xf32, #tpu.memory_space<vmem>>) offsets(%dma_start3A_331 : memref<128xi32, #tpu.memory_space<vmem>>) semaphore(%arg16 : memref<!tpu.dma_semaphore, #tpu.memory_space<semaphore_mem>>)
        %dma_wait3A_335 = arith.constant 10 : i32
        %dma_wait3A_336 = arith.constant 0 : i32
        %dma_wait3A_337 = tpu.memref_slice %arg7[%dma_wait3A_335, %dma_wait3A_336] : memref<32x128xi32, #tpu.memory_space<vmem>> -> memref<1x128xi32, #tpu.memory_space<vmem>>
        %dma_wait3A_338 = tpu.memref_squeeze %dma_wait3A_337 : memref<1x128xi32, #tpu.memory_space<vmem>> -> memref<128xi32, #tpu.memory_space<vmem>>
        %dma_wait3A_339 = arith.constant 0 : i32
        %dma_wait3A_340 = arith.constant 0 : i32
        %dma_wait3A_341 = tpu.memref_slice %arg4[%dma_wait3A_339, %dma_wait3A_340] : memref<10000x64xf32, #tpu.memory_space<hbm>> -> memref<10000x64xf32, #tpu.memory_space<hbm>>
        tpu.wait_indirect_dma semaphore(%arg17 : memref<!tpu.dma_semaphore, #tpu.memory_space<semaphore_mem>>) src(%dma_wait3A_341 : memref<10000x64xf32, #tpu.memory_space<hbm>>) dst(%arg11 : memref<128x64xf32, #tpu.memory_space<vmem>>)
        %dma_start3A_342 = arith.constant 10 : i32
        %dma_start3A_343 = arith.constant 0 : i32
        %dma_start3A_344 = tpu.memref_slice %arg8[%dma_start3A_342, %dma_start3A_343] : memref<32x128xi32, #tpu.memory_space<vmem>> -> memref<1x128xi32, #tpu.memory_space<vmem>>
        %dma_start3A_345 = tpu.memref_squeeze %dma_start3A_344 : memref<1x128xi32, #tpu.memory_space<vmem>> -> memref<128xi32, #tpu.memory_space<vmem>>
        %dma_start3A_346 = arith.constant 0 : i32
        %dma_start3A_347 = arith.constant 0 : i32
        %dma_start3A_348 = tpu.memref_slice %arg14[%dma_start3A_346, %dma_start3A_347] : memref<10128x64xf32, #tpu.memory_space<vmem_shared>> -> memref<10128x64xf32, #tpu.memory_space<vmem_shared>>
        tpu.enqueue_indirect_dma source(%arg11 : memref<128x64xf32, #tpu.memory_space<vmem>>) target(%dma_start3A_348 : memref<10128x64xf32, #tpu.memory_space<vmem_shared>>) offsets(%dma_start3A_345 : memref<128xi32, #tpu.memory_space<vmem>>) semaphore(%arg21 : memref<!tpu.dma_semaphore, #tpu.memory_space<semaphore_mem>>) {add = true}
        %dma_wait3A_349 = arith.constant 10 : i32
        %dma_wait3A_350 = arith.constant 0 : i32
        %dma_wait3A_351 = tpu.memref_slice %arg8[%dma_wait3A_349, %dma_wait3A_350] : memref<32x128xi32, #tpu.memory_space<vmem>> -> memref<1x128xi32, #tpu.memory_space<vmem>>
        %dma_wait3A_352 = tpu.memref_squeeze %dma_wait3A_351 : memref<1x128xi32, #tpu.memory_space<vmem>> -> memref<128xi32, #tpu.memory_space<vmem>>
        %dma_wait3A_353 = arith.constant 0 : i32
        %dma_wait3A_354 = arith.constant 0 : i32
        %dma_wait3A_355 = tpu.memref_slice %arg14[%dma_wait3A_353, %dma_wait3A_354] : memref<10128x64xf32, #tpu.memory_space<vmem_shared>> -> memref<10128x64xf32, #tpu.memory_space<vmem_shared>>
        tpu.wait_indirect_dma semaphore(%arg21 : memref<!tpu.dma_semaphore, #tpu.memory_space<semaphore_mem>>) src(%arg11 : memref<128x64xf32, #tpu.memory_space<vmem>>) dst(%dma_wait3A_355 : memref<10128x64xf32, #tpu.memory_space<vmem_shared>>)
        %dma_start3A_356 = arith.constant 14 : i32
        %dma_start3A_357 = arith.constant 0 : i32
        %dma_start3A_358 = tpu.memref_slice %arg7[%dma_start3A_356, %dma_start3A_357] : memref<32x128xi32, #tpu.memory_space<vmem>> -> memref<1x128xi32, #tpu.memory_space<vmem>>
        %dma_start3A_359 = tpu.memref_squeeze %dma_start3A_358 : memref<1x128xi32, #tpu.memory_space<vmem>> -> memref<128xi32, #tpu.memory_space<vmem>>
        %dma_start3A_360 = arith.constant 0 : i32
        %dma_start3A_361 = arith.constant 0 : i32
        %dma_start3A_362 = tpu.memref_slice %arg4[%dma_start3A_360, %dma_start3A_361] : memref<10000x64xf32, #tpu.memory_space<hbm>> -> memref<10000x64xf32, #tpu.memory_space<hbm>>
        tpu.enqueue_indirect_dma source(%dma_start3A_362 : memref<10000x64xf32, #tpu.memory_space<hbm>>) target(%arg11 : memref<128x64xf32, #tpu.memory_space<vmem>>) offsets(%dma_start3A_359 : memref<128xi32, #tpu.memory_space<vmem>>) semaphore(%arg17 : memref<!tpu.dma_semaphore, #tpu.memory_space<semaphore_mem>>)
        %dma_wait3A_363 = arith.constant 11 : i32
        %dma_wait3A_364 = arith.constant 0 : i32
        %dma_wait3A_365 = tpu.memref_slice %arg7[%dma_wait3A_363, %dma_wait3A_364] : memref<32x128xi32, #tpu.memory_space<vmem>> -> memref<1x128xi32, #tpu.memory_space<vmem>>
        %dma_wait3A_366 = tpu.memref_squeeze %dma_wait3A_365 : memref<1x128xi32, #tpu.memory_space<vmem>> -> memref<128xi32, #tpu.memory_space<vmem>>
        %dma_wait3A_367 = arith.constant 0 : i32
        %dma_wait3A_368 = arith.constant 0 : i32
        %dma_wait3A_369 = tpu.memref_slice %arg4[%dma_wait3A_367, %dma_wait3A_368] : memref<10000x64xf32, #tpu.memory_space<hbm>> -> memref<10000x64xf32, #tpu.memory_space<hbm>>
        tpu.wait_indirect_dma semaphore(%arg18 : memref<!tpu.dma_semaphore, #tpu.memory_space<semaphore_mem>>) src(%dma_wait3A_369 : memref<10000x64xf32, #tpu.memory_space<hbm>>) dst(%arg12 : memref<128x64xf32, #tpu.memory_space<vmem>>)
        %dma_start3A_370 = arith.constant 11 : i32
        %dma_start3A_371 = arith.constant 0 : i32
        %dma_start3A_372 = tpu.memref_slice %arg8[%dma_start3A_370, %dma_start3A_371] : memref<32x128xi32, #tpu.memory_space<vmem>> -> memref<1x128xi32, #tpu.memory_space<vmem>>
        %dma_start3A_373 = tpu.memref_squeeze %dma_start3A_372 : memref<1x128xi32, #tpu.memory_space<vmem>> -> memref<128xi32, #tpu.memory_space<vmem>>
        %dma_start3A_374 = arith.constant 0 : i32
        %dma_start3A_375 = arith.constant 0 : i32
        %dma_start3A_376 = tpu.memref_slice %arg14[%dma_start3A_374, %dma_start3A_375] : memref<10128x64xf32, #tpu.memory_space<vmem_shared>> -> memref<10128x64xf32, #tpu.memory_space<vmem_shared>>
        tpu.enqueue_indirect_dma source(%arg12 : memref<128x64xf32, #tpu.memory_space<vmem>>) target(%dma_start3A_376 : memref<10128x64xf32, #tpu.memory_space<vmem_shared>>) offsets(%dma_start3A_373 : memref<128xi32, #tpu.memory_space<vmem>>) semaphore(%arg22 : memref<!tpu.dma_semaphore, #tpu.memory_space<semaphore_mem>>) {add = true}
        %dma_wait3A_377 = arith.constant 11 : i32
        %dma_wait3A_378 = arith.constant 0 : i32
        %dma_wait3A_379 = tpu.memref_slice %arg8[%dma_wait3A_377, %dma_wait3A_378] : memref<32x128xi32, #tpu.memory_space<vmem>> -> memref<1x128xi32, #tpu.memory_space<vmem>>
        %dma_wait3A_380 = tpu.memref_squeeze %dma_wait3A_379 : memref<1x128xi32, #tpu.memory_space<vmem>> -> memref<128xi32, #tpu.memory_space<vmem>>
        %dma_wait3A_381 = arith.constant 0 : i32
        %dma_wait3A_382 = arith.constant 0 : i32
        %dma_wait3A_383 = tpu.memref_slice %arg14[%dma_wait3A_381, %dma_wait3A_382] : memref<10128x64xf32, #tpu.memory_space<vmem_shared>> -> memref<10128x64xf32, #tpu.memory_space<vmem_shared>>
        tpu.wait_indirect_dma semaphore(%arg22 : memref<!tpu.dma_semaphore, #tpu.memory_space<semaphore_mem>>) src(%arg12 : memref<128x64xf32, #tpu.memory_space<vmem>>) dst(%dma_wait3A_383 : memref<10128x64xf32, #tpu.memory_space<vmem_shared>>)
        %dma_start3A_384 = arith.constant 15 : i32
        %dma_start3A_385 = arith.constant 0 : i32
        %dma_start3A_386 = tpu.memref_slice %arg7[%dma_start3A_384, %dma_start3A_385] : memref<32x128xi32, #tpu.memory_space<vmem>> -> memref<1x128xi32, #tpu.memory_space<vmem>>
        %dma_start3A_387 = tpu.memref_squeeze %dma_start3A_386 : memref<1x128xi32, #tpu.memory_space<vmem>> -> memref<128xi32, #tpu.memory_space<vmem>>
        %dma_start3A_388 = arith.constant 0 : i32
        %dma_start3A_389 = arith.constant 0 : i32
        %dma_start3A_390 = tpu.memref_slice %arg4[%dma_start3A_388, %dma_start3A_389] : memref<10000x64xf32, #tpu.memory_space<hbm>> -> memref<10000x64xf32, #tpu.memory_space<hbm>>
        tpu.enqueue_indirect_dma source(%dma_start3A_390 : memref<10000x64xf32, #tpu.memory_space<hbm>>) target(%arg12 : memref<128x64xf32, #tpu.memory_space<vmem>>) offsets(%dma_start3A_387 : memref<128xi32, #tpu.memory_space<vmem>>) semaphore(%arg18 : memref<!tpu.dma_semaphore, #tpu.memory_space<semaphore_mem>>)
        %dma_wait3A_391 = arith.constant 12 : i32
        %dma_wait3A_392 = arith.constant 0 : i32
        %dma_wait3A_393 = tpu.memref_slice %arg7[%dma_wait3A_391, %dma_wait3A_392] : memref<32x128xi32, #tpu.memory_space<vmem>> -> memref<1x128xi32, #tpu.memory_space<vmem>>
        %dma_wait3A_394 = tpu.memref_squeeze %dma_wait3A_393 : memref<1x128xi32, #tpu.memory_space<vmem>> -> memref<128xi32, #tpu.memory_space<vmem>>
        %dma_wait3A_395 = arith.constant 0 : i32
        %dma_wait3A_396 = arith.constant 0 : i32
        %dma_wait3A_397 = tpu.memref_slice %arg4[%dma_wait3A_395, %dma_wait3A_396] : memref<10000x64xf32, #tpu.memory_space<hbm>> -> memref<10000x64xf32, #tpu.memory_space<hbm>>
        tpu.wait_indirect_dma semaphore(%arg15 : memref<!tpu.dma_semaphore, #tpu.memory_space<semaphore_mem>>) src(%dma_wait3A_397 : memref<10000x64xf32, #tpu.memory_space<hbm>>) dst(%arg9 : memref<128x64xf32, #tpu.memory_space<vmem>>)
        %dma_start3A_398 = arith.constant 12 : i32
        %dma_start3A_399 = arith.constant 0 : i32
        %dma_start3A_400 = tpu.memref_slice %arg8[%dma_start3A_398, %dma_start3A_399] : memref<32x128xi32, #tpu.memory_space<vmem>> -> memref<1x128xi32, #tpu.memory_space<vmem>>
        %dma_start3A_401 = tpu.memref_squeeze %dma_start3A_400 : memref<1x128xi32, #tpu.memory_space<vmem>> -> memref<128xi32, #tpu.memory_space<vmem>>
        %dma_start3A_402 = arith.constant 0 : i32
        %dma_start3A_403 = arith.constant 0 : i32
        %dma_start3A_404 = tpu.memref_slice %arg14[%dma_start3A_402, %dma_start3A_403] : memref<10128x64xf32, #tpu.memory_space<vmem_shared>> -> memref<10128x64xf32, #tpu.memory_space<vmem_shared>>
        tpu.enqueue_indirect_dma source(%arg9 : memref<128x64xf32, #tpu.memory_space<vmem>>) target(%dma_start3A_404 : memref<10128x64xf32, #tpu.memory_space<vmem_shared>>) offsets(%dma_start3A_401 : memref<128xi32, #tpu.memory_space<vmem>>) semaphore(%arg19 : memref<!tpu.dma_semaphore, #tpu.memory_space<semaphore_mem>>) {add = true}
        %dma_wait3A_405 = arith.constant 12 : i32
        %dma_wait3A_406 = arith.constant 0 : i32
        %dma_wait3A_407 = tpu.memref_slice %arg8[%dma_wait3A_405, %dma_wait3A_406] : memref<32x128xi32, #tpu.memory_space<vmem>> -> memref<1x128xi32, #tpu.memory_space<vmem>>
        %dma_wait3A_408 = tpu.memref_squeeze %dma_wait3A_407 : memref<1x128xi32, #tpu.memory_space<vmem>> -> memref<128xi32, #tpu.memory_space<vmem>>
        %dma_wait3A_409 = arith.constant 0 : i32
        %dma_wait3A_410 = arith.constant 0 : i32
        %dma_wait3A_411 = tpu.memref_slice %arg14[%dma_wait3A_409, %dma_wait3A_410] : memref<10128x64xf32, #tpu.memory_space<vmem_shared>> -> memref<10128x64xf32, #tpu.memory_space<vmem_shared>>
        tpu.wait_indirect_dma semaphore(%arg19 : memref<!tpu.dma_semaphore, #tpu.memory_space<semaphore_mem>>) src(%arg9 : memref<128x64xf32, #tpu.memory_space<vmem>>) dst(%dma_wait3A_411 : memref<10128x64xf32, #tpu.memory_space<vmem_shared>>)
        %dma_start3A_412 = arith.constant 16 : i32
        %dma_start3A_413 = arith.constant 0 : i32
        %dma_start3A_414 = tpu.memref_slice %arg7[%dma_start3A_412, %dma_start3A_413] : memref<32x128xi32, #tpu.memory_space<vmem>> -> memref<1x128xi32, #tpu.memory_space<vmem>>
        %dma_start3A_415 = tpu.memref_squeeze %dma_start3A_414 : memref<1x128xi32, #tpu.memory_space<vmem>> -> memref<128xi32, #tpu.memory_space<vmem>>
        %dma_start3A_416 = arith.constant 0 : i32
        %dma_start3A_417 = arith.constant 0 : i32
        %dma_start3A_418 = tpu.memref_slice %arg4[%dma_start3A_416, %dma_start3A_417] : memref<10000x64xf32, #tpu.memory_space<hbm>> -> memref<10000x64xf32, #tpu.memory_space<hbm>>
        tpu.enqueue_indirect_dma source(%dma_start3A_418 : memref<10000x64xf32, #tpu.memory_space<hbm>>) target(%arg9 : memref<128x64xf32, #tpu.memory_space<vmem>>) offsets(%dma_start3A_415 : memref<128xi32, #tpu.memory_space<vmem>>) semaphore(%arg15 : memref<!tpu.dma_semaphore, #tpu.memory_space<semaphore_mem>>)
        %dma_wait3A_419 = arith.constant 13 : i32
        %dma_wait3A_420 = arith.constant 0 : i32
        %dma_wait3A_421 = tpu.memref_slice %arg7[%dma_wait3A_419, %dma_wait3A_420] : memref<32x128xi32, #tpu.memory_space<vmem>> -> memref<1x128xi32, #tpu.memory_space<vmem>>
        %dma_wait3A_422 = tpu.memref_squeeze %dma_wait3A_421 : memref<1x128xi32, #tpu.memory_space<vmem>> -> memref<128xi32, #tpu.memory_space<vmem>>
        %dma_wait3A_423 = arith.constant 0 : i32
        %dma_wait3A_424 = arith.constant 0 : i32
        %dma_wait3A_425 = tpu.memref_slice %arg4[%dma_wait3A_423, %dma_wait3A_424] : memref<10000x64xf32, #tpu.memory_space<hbm>> -> memref<10000x64xf32, #tpu.memory_space<hbm>>
        tpu.wait_indirect_dma semaphore(%arg16 : memref<!tpu.dma_semaphore, #tpu.memory_space<semaphore_mem>>) src(%dma_wait3A_425 : memref<10000x64xf32, #tpu.memory_space<hbm>>) dst(%arg10 : memref<128x64xf32, #tpu.memory_space<vmem>>)
        %dma_start3A_426 = arith.constant 13 : i32
        %dma_start3A_427 = arith.constant 0 : i32
        %dma_start3A_428 = tpu.memref_slice %arg8[%dma_start3A_426, %dma_start3A_427] : memref<32x128xi32, #tpu.memory_space<vmem>> -> memref<1x128xi32, #tpu.memory_space<vmem>>
        %dma_start3A_429 = tpu.memref_squeeze %dma_start3A_428 : memref<1x128xi32, #tpu.memory_space<vmem>> -> memref<128xi32, #tpu.memory_space<vmem>>
        %dma_start3A_430 = arith.constant 0 : i32
        %dma_start3A_431 = arith.constant 0 : i32
        %dma_start3A_432 = tpu.memref_slice %arg14[%dma_start3A_430, %dma_start3A_431] : memref<10128x64xf32, #tpu.memory_space<vmem_shared>> -> memref<10128x64xf32, #tpu.memory_space<vmem_shared>>
        tpu.enqueue_indirect_dma source(%arg10 : memref<128x64xf32, #tpu.memory_space<vmem>>) target(%dma_start3A_432 : memref<10128x64xf32, #tpu.memory_space<vmem_shared>>) offsets(%dma_start3A_429 : memref<128xi32, #tpu.memory_space<vmem>>) semaphore(%arg20 : memref<!tpu.dma_semaphore, #tpu.memory_space<semaphore_mem>>) {add = true}
        %dma_wait3A_433 = arith.constant 13 : i32
        %dma_wait3A_434 = arith.constant 0 : i32
        %dma_wait3A_435 = tpu.memref_slice %arg8[%dma_wait3A_433, %dma_wait3A_434] : memref<32x128xi32, #tpu.memory_space<vmem>> -> memref<1x128xi32, #tpu.memory_space<vmem>>
        %dma_wait3A_436 = tpu.memref_squeeze %dma_wait3A_435 : memref<1x128xi32, #tpu.memory_space<vmem>> -> memref<128xi32, #tpu.memory_space<vmem>>
        %dma_wait3A_437 = arith.constant 0 : i32
        %dma_wait3A_438 = arith.constant 0 : i32
        %dma_wait3A_439 = tpu.memref_slice %arg14[%dma_wait3A_437, %dma_wait3A_438] : memref<10128x64xf32, #tpu.memory_space<vmem_shared>> -> memref<10128x64xf32, #tpu.memory_space<vmem_shared>>
        tpu.wait_indirect_dma semaphore(%arg20 : memref<!tpu.dma_semaphore, #tpu.memory_space<semaphore_mem>>) src(%arg10 : memref<128x64xf32, #tpu.memory_space<vmem>>) dst(%dma_wait3A_439 : memref<10128x64xf32, #tpu.memory_space<vmem_shared>>)
        %dma_start3A_440 = arith.constant 17 : i32
        %dma_start3A_441 = arith.constant 0 : i32
        %dma_start3A_442 = tpu.memref_slice %arg7[%dma_start3A_440, %dma_start3A_441] : memref<32x128xi32, #tpu.memory_space<vmem>> -> memref<1x128xi32, #tpu.memory_space<vmem>>
        %dma_start3A_443 = tpu.memref_squeeze %dma_start3A_442 : memref<1x128xi32, #tpu.memory_space<vmem>> -> memref<128xi32, #tpu.memory_space<vmem>>
        %dma_start3A_444 = arith.constant 0 : i32
        %dma_start3A_445 = arith.constant 0 : i32
        %dma_start3A_446 = tpu.memref_slice %arg4[%dma_start3A_444, %dma_start3A_445] : memref<10000x64xf32, #tpu.memory_space<hbm>> -> memref<10000x64xf32, #tpu.memory_space<hbm>>
        tpu.enqueue_indirect_dma source(%dma_start3A_446 : memref<10000x64xf32, #tpu.memory_space<hbm>>) target(%arg10 : memref<128x64xf32, #tpu.memory_space<vmem>>) offsets(%dma_start3A_443 : memref<128xi32, #tpu.memory_space<vmem>>) semaphore(%arg16 : memref<!tpu.dma_semaphore, #tpu.memory_space<semaphore_mem>>)
        %dma_wait3A_447 = arith.constant 14 : i32
        %dma_wait3A_448 = arith.constant 0 : i32
        %dma_wait3A_449 = tpu.memref_slice %arg7[%dma_wait3A_447, %dma_wait3A_448] : memref<32x128xi32, #tpu.memory_space<vmem>> -> memref<1x128xi32, #tpu.memory_space<vmem>>
        %dma_wait3A_450 = tpu.memref_squeeze %dma_wait3A_449 : memref<1x128xi32, #tpu.memory_space<vmem>> -> memref<128xi32, #tpu.memory_space<vmem>>
        %dma_wait3A_451 = arith.constant 0 : i32
        %dma_wait3A_452 = arith.constant 0 : i32
        %dma_wait3A_453 = tpu.memref_slice %arg4[%dma_wait3A_451, %dma_wait3A_452] : memref<10000x64xf32, #tpu.memory_space<hbm>> -> memref<10000x64xf32, #tpu.memory_space<hbm>>
        tpu.wait_indirect_dma semaphore(%arg17 : memref<!tpu.dma_semaphore, #tpu.memory_space<semaphore_mem>>) src(%dma_wait3A_453 : memref<10000x64xf32, #tpu.memory_space<hbm>>) dst(%arg11 : memref<128x64xf32, #tpu.memory_space<vmem>>)
        %dma_start3A_454 = arith.constant 14 : i32
        %dma_start3A_455 = arith.constant 0 : i32
        %dma_start3A_456 = tpu.memref_slice %arg8[%dma_start3A_454, %dma_start3A_455] : memref<32x128xi32, #tpu.memory_space<vmem>> -> memref<1x128xi32, #tpu.memory_space<vmem>>
        %dma_start3A_457 = tpu.memref_squeeze %dma_start3A_456 : memref<1x128xi32, #tpu.memory_space<vmem>> -> memref<128xi32, #tpu.memory_space<vmem>>
        %dma_start3A_458 = arith.constant 0 : i32
        %dma_start3A_459 = arith.constant 0 : i32
        %dma_start3A_460 = tpu.memref_slice %arg14[%dma_start3A_458, %dma_start3A_459] : memref<10128x64xf32, #tpu.memory_space<vmem_shared>> -> memref<10128x64xf32, #tpu.memory_space<vmem_shared>>
        tpu.enqueue_indirect_dma source(%arg11 : memref<128x64xf32, #tpu.memory_space<vmem>>) target(%dma_start3A_460 : memref<10128x64xf32, #tpu.memory_space<vmem_shared>>) offsets(%dma_start3A_457 : memref<128xi32, #tpu.memory_space<vmem>>) semaphore(%arg21 : memref<!tpu.dma_semaphore, #tpu.memory_space<semaphore_mem>>) {add = true}
        %dma_wait3A_461 = arith.constant 14 : i32
        %dma_wait3A_462 = arith.constant 0 : i32
        %dma_wait3A_463 = tpu.memref_slice %arg8[%dma_wait3A_461, %dma_wait3A_462] : memref<32x128xi32, #tpu.memory_space<vmem>> -> memref<1x128xi32, #tpu.memory_space<vmem>>
        %dma_wait3A_464 = tpu.memref_squeeze %dma_wait3A_463 : memref<1x128xi32, #tpu.memory_space<vmem>> -> memref<128xi32, #tpu.memory_space<vmem>>
        %dma_wait3A_465 = arith.constant 0 : i32
        %dma_wait3A_466 = arith.constant 0 : i32
        %dma_wait3A_467 = tpu.memref_slice %arg14[%dma_wait3A_465, %dma_wait3A_466] : memref<10128x64xf32, #tpu.memory_space<vmem_shared>> -> memref<10128x64xf32, #tpu.memory_space<vmem_shared>>
        tpu.wait_indirect_dma semaphore(%arg21 : memref<!tpu.dma_semaphore, #tpu.memory_space<semaphore_mem>>) src(%arg11 : memref<128x64xf32, #tpu.memory_space<vmem>>) dst(%dma_wait3A_467 : memref<10128x64xf32, #tpu.memory_space<vmem_shared>>)
        %dma_start3A_468 = arith.constant 18 : i32
        %dma_start3A_469 = arith.constant 0 : i32
        %dma_start3A_470 = tpu.memref_slice %arg7[%dma_start3A_468, %dma_start3A_469] : memref<32x128xi32, #tpu.memory_space<vmem>> -> memref<1x128xi32, #tpu.memory_space<vmem>>
        %dma_start3A_471 = tpu.memref_squeeze %dma_start3A_470 : memref<1x128xi32, #tpu.memory_space<vmem>> -> memref<128xi32, #tpu.memory_space<vmem>>
        %dma_start3A_472 = arith.constant 0 : i32
        %dma_start3A_473 = arith.constant 0 : i32
        %dma_start3A_474 = tpu.memref_slice %arg4[%dma_start3A_472, %dma_start3A_473] : memref<10000x64xf32, #tpu.memory_space<hbm>> -> memref<10000x64xf32, #tpu.memory_space<hbm>>
        tpu.enqueue_indirect_dma source(%dma_start3A_474 : memref<10000x64xf32, #tpu.memory_space<hbm>>) target(%arg11 : memref<128x64xf32, #tpu.memory_space<vmem>>) offsets(%dma_start3A_471 : memref<128xi32, #tpu.memory_space<vmem>>) semaphore(%arg17 : memref<!tpu.dma_semaphore, #tpu.memory_space<semaphore_mem>>)
        %dma_wait3A_475 = arith.constant 15 : i32
        %dma_wait3A_476 = arith.constant 0 : i32
        %dma_wait3A_477 = tpu.memref_slice %arg7[%dma_wait3A_475, %dma_wait3A_476] : memref<32x128xi32, #tpu.memory_space<vmem>> -> memref<1x128xi32, #tpu.memory_space<vmem>>
        %dma_wait3A_478 = tpu.memref_squeeze %dma_wait3A_477 : memref<1x128xi32, #tpu.memory_space<vmem>> -> memref<128xi32, #tpu.memory_space<vmem>>
        %dma_wait3A_479 = arith.constant 0 : i32
        %dma_wait3A_480 = arith.constant 0 : i32
        %dma_wait3A_481 = tpu.memref_slice %arg4[%dma_wait3A_479, %dma_wait3A_480] : memref<10000x64xf32, #tpu.memory_space<hbm>> -> memref<10000x64xf32, #tpu.memory_space<hbm>>
        tpu.wait_indirect_dma semaphore(%arg18 : memref<!tpu.dma_semaphore, #tpu.memory_space<semaphore_mem>>) src(%dma_wait3A_481 : memref<10000x64xf32, #tpu.memory_space<hbm>>) dst(%arg12 : memref<128x64xf32, #tpu.memory_space<vmem>>)
        %dma_start3A_482 = arith.constant 15 : i32
        %dma_start3A_483 = arith.constant 0 : i32
        %dma_start3A_484 = tpu.memref_slice %arg8[%dma_start3A_482, %dma_start3A_483] : memref<32x128xi32, #tpu.memory_space<vmem>> -> memref<1x128xi32, #tpu.memory_space<vmem>>
        %dma_start3A_485 = tpu.memref_squeeze %dma_start3A_484 : memref<1x128xi32, #tpu.memory_space<vmem>> -> memref<128xi32, #tpu.memory_space<vmem>>
        %dma_start3A_486 = arith.constant 0 : i32
        %dma_start3A_487 = arith.constant 0 : i32
        %dma_start3A_488 = tpu.memref_slice %arg14[%dma_start3A_486, %dma_start3A_487] : memref<10128x64xf32, #tpu.memory_space<vmem_shared>> -> memref<10128x64xf32, #tpu.memory_space<vmem_shared>>
        tpu.enqueue_indirect_dma source(%arg12 : memref<128x64xf32, #tpu.memory_space<vmem>>) target(%dma_start3A_488 : memref<10128x64xf32, #tpu.memory_space<vmem_shared>>) offsets(%dma_start3A_485 : memref<128xi32, #tpu.memory_space<vmem>>) semaphore(%arg22 : memref<!tpu.dma_semaphore, #tpu.memory_space<semaphore_mem>>) {add = true}
        %dma_wait3A_489 = arith.constant 15 : i32
        %dma_wait3A_490 = arith.constant 0 : i32
        %dma_wait3A_491 = tpu.memref_slice %arg8[%dma_wait3A_489, %dma_wait3A_490] : memref<32x128xi32, #tpu.memory_space<vmem>> -> memref<1x128xi32, #tpu.memory_space<vmem>>
        %dma_wait3A_492 = tpu.memref_squeeze %dma_wait3A_491 : memref<1x128xi32, #tpu.memory_space<vmem>> -> memref<128xi32, #tpu.memory_space<vmem>>
        %dma_wait3A_493 = arith.constant 0 : i32
        %dma_wait3A_494 = arith.constant 0 : i32
        %dma_wait3A_495 = tpu.memref_slice %arg14[%dma_wait3A_493, %dma_wait3A_494] : memref<10128x64xf32, #tpu.memory_space<vmem_shared>> -> memref<10128x64xf32, #tpu.memory_space<vmem_shared>>
        tpu.wait_indirect_dma semaphore(%arg22 : memref<!tpu.dma_semaphore, #tpu.memory_space<semaphore_mem>>) src(%arg12 : memref<128x64xf32, #tpu.memory_space<vmem>>) dst(%dma_wait3A_495 : memref<10128x64xf32, #tpu.memory_space<vmem_shared>>)
        %dma_start3A_496 = arith.constant 19 : i32
        %dma_start3A_497 = arith.constant 0 : i32
        %dma_start3A_498 = tpu.memref_slice %arg7[%dma_start3A_496, %dma_start3A_497] : memref<32x128xi32, #tpu.memory_space<vmem>> -> memref<1x128xi32, #tpu.memory_space<vmem>>
        %dma_start3A_499 = tpu.memref_squeeze %dma_start3A_498 : memref<1x128xi32, #tpu.memory_space<vmem>> -> memref<128xi32, #tpu.memory_space<vmem>>
        %dma_start3A_500 = arith.constant 0 : i32
        %dma_start3A_501 = arith.constant 0 : i32
        %dma_start3A_502 = tpu.memref_slice %arg4[%dma_start3A_500, %dma_start3A_501] : memref<10000x64xf32, #tpu.memory_space<hbm>> -> memref<10000x64xf32, #tpu.memory_space<hbm>>
        tpu.enqueue_indirect_dma source(%dma_start3A_502 : memref<10000x64xf32, #tpu.memory_space<hbm>>) target(%arg12 : memref<128x64xf32, #tpu.memory_space<vmem>>) offsets(%dma_start3A_499 : memref<128xi32, #tpu.memory_space<vmem>>) semaphore(%arg18 : memref<!tpu.dma_semaphore, #tpu.memory_space<semaphore_mem>>)
        %dma_wait3A_503 = arith.constant 16 : i32
        %dma_wait3A_504 = arith.constant 0 : i32
        %dma_wait3A_505 = tpu.memref_slice %arg7[%dma_wait3A_503, %dma_wait3A_504] : memref<32x128xi32, #tpu.memory_space<vmem>> -> memref<1x128xi32, #tpu.memory_space<vmem>>
        %dma_wait3A_506 = tpu.memref_squeeze %dma_wait3A_505 : memref<1x128xi32, #tpu.memory_space<vmem>> -> memref<128xi32, #tpu.memory_space<vmem>>
        %dma_wait3A_507 = arith.constant 0 : i32
        %dma_wait3A_508 = arith.constant 0 : i32
        %dma_wait3A_509 = tpu.memref_slice %arg4[%dma_wait3A_507, %dma_wait3A_508] : memref<10000x64xf32, #tpu.memory_space<hbm>> -> memref<10000x64xf32, #tpu.memory_space<hbm>>
        tpu.wait_indirect_dma semaphore(%arg15 : memref<!tpu.dma_semaphore, #tpu.memory_space<semaphore_mem>>) src(%dma_wait3A_509 : memref<10000x64xf32, #tpu.memory_space<hbm>>) dst(%arg9 : memref<128x64xf32, #tpu.memory_space<vmem>>)
        %dma_start3A_510 = arith.constant 16 : i32
        %dma_start3A_511 = arith.constant 0 : i32
        %dma_start3A_512 = tpu.memref_slice %arg8[%dma_start3A_510, %dma_start3A_511] : memref<32x128xi32, #tpu.memory_space<vmem>> -> memref<1x128xi32, #tpu.memory_space<vmem>>
        %dma_start3A_513 = tpu.memref_squeeze %dma_start3A_512 : memref<1x128xi32, #tpu.memory_space<vmem>> -> memref<128xi32, #tpu.memory_space<vmem>>
        %dma_start3A_514 = arith.constant 0 : i32
        %dma_start3A_515 = arith.constant 0 : i32
        %dma_start3A_516 = tpu.memref_slice %arg14[%dma_start3A_514, %dma_start3A_515] : memref<10128x64xf32, #tpu.memory_space<vmem_shared>> -> memref<10128x64xf32, #tpu.memory_space<vmem_shared>>
        tpu.enqueue_indirect_dma source(%arg9 : memref<128x64xf32, #tpu.memory_space<vmem>>) target(%dma_start3A_516 : memref<10128x64xf32, #tpu.memory_space<vmem_shared>>) offsets(%dma_start3A_513 : memref<128xi32, #tpu.memory_space<vmem>>) semaphore(%arg19 : memref<!tpu.dma_semaphore, #tpu.memory_space<semaphore_mem>>) {add = true}
        %dma_wait3A_517 = arith.constant 16 : i32
        %dma_wait3A_518 = arith.constant 0 : i32
        %dma_wait3A_519 = tpu.memref_slice %arg8[%dma_wait3A_517, %dma_wait3A_518] : memref<32x128xi32, #tpu.memory_space<vmem>> -> memref<1x128xi32, #tpu.memory_space<vmem>>
        %dma_wait3A_520 = tpu.memref_squeeze %dma_wait3A_519 : memref<1x128xi32, #tpu.memory_space<vmem>> -> memref<128xi32, #tpu.memory_space<vmem>>
        %dma_wait3A_521 = arith.constant 0 : i32
        %dma_wait3A_522 = arith.constant 0 : i32
        %dma_wait3A_523 = tpu.memref_slice %arg14[%dma_wait3A_521, %dma_wait3A_522] : memref<10128x64xf32, #tpu.memory_space<vmem_shared>> -> memref<10128x64xf32, #tpu.memory_space<vmem_shared>>
        tpu.wait_indirect_dma semaphore(%arg19 : memref<!tpu.dma_semaphore, #tpu.memory_space<semaphore_mem>>) src(%arg9 : memref<128x64xf32, #tpu.memory_space<vmem>>) dst(%dma_wait3A_523 : memref<10128x64xf32, #tpu.memory_space<vmem_shared>>)
        %dma_start3A_524 = arith.constant 20 : i32
        %dma_start3A_525 = arith.constant 0 : i32
        %dma_start3A_526 = tpu.memref_slice %arg7[%dma_start3A_524, %dma_start3A_525] : memref<32x128xi32, #tpu.memory_space<vmem>> -> memref<1x128xi32, #tpu.memory_space<vmem>>
        %dma_start3A_527 = tpu.memref_squeeze %dma_start3A_526 : memref<1x128xi32, #tpu.memory_space<vmem>> -> memref<128xi32, #tpu.memory_space<vmem>>
        %dma_start3A_528 = arith.constant 0 : i32
        %dma_start3A_529 = arith.constant 0 : i32
        %dma_start3A_530 = tpu.memref_slice %arg4[%dma_start3A_528, %dma_start3A_529] : memref<10000x64xf32, #tpu.memory_space<hbm>> -> memref<10000x64xf32, #tpu.memory_space<hbm>>
        tpu.enqueue_indirect_dma source(%dma_start3A_530 : memref<10000x64xf32, #tpu.memory_space<hbm>>) target(%arg9 : memref<128x64xf32, #tpu.memory_space<vmem>>) offsets(%dma_start3A_527 : memref<128xi32, #tpu.memory_space<vmem>>) semaphore(%arg15 : memref<!tpu.dma_semaphore, #tpu.memory_space<semaphore_mem>>)
        %dma_wait3A_531 = arith.constant 17 : i32
        %dma_wait3A_532 = arith.constant 0 : i32
        %dma_wait3A_533 = tpu.memref_slice %arg7[%dma_wait3A_531, %dma_wait3A_532] : memref<32x128xi32, #tpu.memory_space<vmem>> -> memref<1x128xi32, #tpu.memory_space<vmem>>
        %dma_wait3A_534 = tpu.memref_squeeze %dma_wait3A_533 : memref<1x128xi32, #tpu.memory_space<vmem>> -> memref<128xi32, #tpu.memory_space<vmem>>
        %dma_wait3A_535 = arith.constant 0 : i32
        %dma_wait3A_536 = arith.constant 0 : i32
        %dma_wait3A_537 = tpu.memref_slice %arg4[%dma_wait3A_535, %dma_wait3A_536] : memref<10000x64xf32, #tpu.memory_space<hbm>> -> memref<10000x64xf32, #tpu.memory_space<hbm>>
        tpu.wait_indirect_dma semaphore(%arg16 : memref<!tpu.dma_semaphore, #tpu.memory_space<semaphore_mem>>) src(%dma_wait3A_537 : memref<10000x64xf32, #tpu.memory_space<hbm>>) dst(%arg10 : memref<128x64xf32, #tpu.memory_space<vmem>>)
        %dma_start3A_538 = arith.constant 17 : i32
        %dma_start3A_539 = arith.constant 0 : i32
        %dma_start3A_540 = tpu.memref_slice %arg8[%dma_start3A_538, %dma_start3A_539] : memref<32x128xi32, #tpu.memory_space<vmem>> -> memref<1x128xi32, #tpu.memory_space<vmem>>
        %dma_start3A_541 = tpu.memref_squeeze %dma_start3A_540 : memref<1x128xi32, #tpu.memory_space<vmem>> -> memref<128xi32, #tpu.memory_space<vmem>>
        %dma_start3A_542 = arith.constant 0 : i32
        %dma_start3A_543 = arith.constant 0 : i32
        %dma_start3A_544 = tpu.memref_slice %arg14[%dma_start3A_542, %dma_start3A_543] : memref<10128x64xf32, #tpu.memory_space<vmem_shared>> -> memref<10128x64xf32, #tpu.memory_space<vmem_shared>>
        tpu.enqueue_indirect_dma source(%arg10 : memref<128x64xf32, #tpu.memory_space<vmem>>) target(%dma_start3A_544 : memref<10128x64xf32, #tpu.memory_space<vmem_shared>>) offsets(%dma_start3A_541 : memref<128xi32, #tpu.memory_space<vmem>>) semaphore(%arg20 : memref<!tpu.dma_semaphore, #tpu.memory_space<semaphore_mem>>) {add = true}
        %dma_wait3A_545 = arith.constant 17 : i32
        %dma_wait3A_546 = arith.constant 0 : i32
        %dma_wait3A_547 = tpu.memref_slice %arg8[%dma_wait3A_545, %dma_wait3A_546] : memref<32x128xi32, #tpu.memory_space<vmem>> -> memref<1x128xi32, #tpu.memory_space<vmem>>
        %dma_wait3A_548 = tpu.memref_squeeze %dma_wait3A_547 : memref<1x128xi32, #tpu.memory_space<vmem>> -> memref<128xi32, #tpu.memory_space<vmem>>
        %dma_wait3A_549 = arith.constant 0 : i32
        %dma_wait3A_550 = arith.constant 0 : i32
        %dma_wait3A_551 = tpu.memref_slice %arg14[%dma_wait3A_549, %dma_wait3A_550] : memref<10128x64xf32, #tpu.memory_space<vmem_shared>> -> memref<10128x64xf32, #tpu.memory_space<vmem_shared>>
        tpu.wait_indirect_dma semaphore(%arg20 : memref<!tpu.dma_semaphore, #tpu.memory_space<semaphore_mem>>) src(%arg10 : memref<128x64xf32, #tpu.memory_space<vmem>>) dst(%dma_wait3A_551 : memref<10128x64xf32, #tpu.memory_space<vmem_shared>>)
        %dma_start3A_552 = arith.constant 21 : i32
        %dma_start3A_553 = arith.constant 0 : i32
        %dma_start3A_554 = tpu.memref_slice %arg7[%dma_start3A_552, %dma_start3A_553] : memref<32x128xi32, #tpu.memory_space<vmem>> -> memref<1x128xi32, #tpu.memory_space<vmem>>
        %dma_start3A_555 = tpu.memref_squeeze %dma_start3A_554 : memref<1x128xi32, #tpu.memory_space<vmem>> -> memref<128xi32, #tpu.memory_space<vmem>>
        %dma_start3A_556 = arith.constant 0 : i32
        %dma_start3A_557 = arith.constant 0 : i32
        %dma_start3A_558 = tpu.memref_slice %arg4[%dma_start3A_556, %dma_start3A_557] : memref<10000x64xf32, #tpu.memory_space<hbm>> -> memref<10000x64xf32, #tpu.memory_space<hbm>>
        tpu.enqueue_indirect_dma source(%dma_start3A_558 : memref<10000x64xf32, #tpu.memory_space<hbm>>) target(%arg10 : memref<128x64xf32, #tpu.memory_space<vmem>>) offsets(%dma_start3A_555 : memref<128xi32, #tpu.memory_space<vmem>>) semaphore(%arg16 : memref<!tpu.dma_semaphore, #tpu.memory_space<semaphore_mem>>)
        %dma_wait3A_559 = arith.constant 18 : i32
        %dma_wait3A_560 = arith.constant 0 : i32
        %dma_wait3A_561 = tpu.memref_slice %arg7[%dma_wait3A_559, %dma_wait3A_560] : memref<32x128xi32, #tpu.memory_space<vmem>> -> memref<1x128xi32, #tpu.memory_space<vmem>>
        %dma_wait3A_562 = tpu.memref_squeeze %dma_wait3A_561 : memref<1x128xi32, #tpu.memory_space<vmem>> -> memref<128xi32, #tpu.memory_space<vmem>>
        %dma_wait3A_563 = arith.constant 0 : i32
        %dma_wait3A_564 = arith.constant 0 : i32
        %dma_wait3A_565 = tpu.memref_slice %arg4[%dma_wait3A_563, %dma_wait3A_564] : memref<10000x64xf32, #tpu.memory_space<hbm>> -> memref<10000x64xf32, #tpu.memory_space<hbm>>
        tpu.wait_indirect_dma semaphore(%arg17 : memref<!tpu.dma_semaphore, #tpu.memory_space<semaphore_mem>>) src(%dma_wait3A_565 : memref<10000x64xf32, #tpu.memory_space<hbm>>) dst(%arg11 : memref<128x64xf32, #tpu.memory_space<vmem>>)
        %dma_start3A_566 = arith.constant 18 : i32
        %dma_start3A_567 = arith.constant 0 : i32
        %dma_start3A_568 = tpu.memref_slice %arg8[%dma_start3A_566, %dma_start3A_567] : memref<32x128xi32, #tpu.memory_space<vmem>> -> memref<1x128xi32, #tpu.memory_space<vmem>>
        %dma_start3A_569 = tpu.memref_squeeze %dma_start3A_568 : memref<1x128xi32, #tpu.memory_space<vmem>> -> memref<128xi32, #tpu.memory_space<vmem>>
        %dma_start3A_570 = arith.constant 0 : i32
        %dma_start3A_571 = arith.constant 0 : i32
        %dma_start3A_572 = tpu.memref_slice %arg14[%dma_start3A_570, %dma_start3A_571] : memref<10128x64xf32, #tpu.memory_space<vmem_shared>> -> memref<10128x64xf32, #tpu.memory_space<vmem_shared>>
        tpu.enqueue_indirect_dma source(%arg11 : memref<128x64xf32, #tpu.memory_space<vmem>>) target(%dma_start3A_572 : memref<10128x64xf32, #tpu.memory_space<vmem_shared>>) offsets(%dma_start3A_569 : memref<128xi32, #tpu.memory_space<vmem>>) semaphore(%arg21 : memref<!tpu.dma_semaphore, #tpu.memory_space<semaphore_mem>>) {add = true}
        %dma_wait3A_573 = arith.constant 18 : i32
        %dma_wait3A_574 = arith.constant 0 : i32
        %dma_wait3A_575 = tpu.memref_slice %arg8[%dma_wait3A_573, %dma_wait3A_574] : memref<32x128xi32, #tpu.memory_space<vmem>> -> memref<1x128xi32, #tpu.memory_space<vmem>>
        %dma_wait3A_576 = tpu.memref_squeeze %dma_wait3A_575 : memref<1x128xi32, #tpu.memory_space<vmem>> -> memref<128xi32, #tpu.memory_space<vmem>>
        %dma_wait3A_577 = arith.constant 0 : i32
        %dma_wait3A_578 = arith.constant 0 : i32
        %dma_wait3A_579 = tpu.memref_slice %arg14[%dma_wait3A_577, %dma_wait3A_578] : memref<10128x64xf32, #tpu.memory_space<vmem_shared>> -> memref<10128x64xf32, #tpu.memory_space<vmem_shared>>
        tpu.wait_indirect_dma semaphore(%arg21 : memref<!tpu.dma_semaphore, #tpu.memory_space<semaphore_mem>>) src(%arg11 : memref<128x64xf32, #tpu.memory_space<vmem>>) dst(%dma_wait3A_579 : memref<10128x64xf32, #tpu.memory_space<vmem_shared>>)
        %dma_start3A_580 = arith.constant 22 : i32
        %dma_start3A_581 = arith.constant 0 : i32
        %dma_start3A_582 = tpu.memref_slice %arg7[%dma_start3A_580, %dma_start3A_581] : memref<32x128xi32, #tpu.memory_space<vmem>> -> memref<1x128xi32, #tpu.memory_space<vmem>>
        %dma_start3A_583 = tpu.memref_squeeze %dma_start3A_582 : memref<1x128xi32, #tpu.memory_space<vmem>> -> memref<128xi32, #tpu.memory_space<vmem>>
        %dma_start3A_584 = arith.constant 0 : i32
        %dma_start3A_585 = arith.constant 0 : i32
        %dma_start3A_586 = tpu.memref_slice %arg4[%dma_start3A_584, %dma_start3A_585] : memref<10000x64xf32, #tpu.memory_space<hbm>> -> memref<10000x64xf32, #tpu.memory_space<hbm>>
        tpu.enqueue_indirect_dma source(%dma_start3A_586 : memref<10000x64xf32, #tpu.memory_space<hbm>>) target(%arg11 : memref<128x64xf32, #tpu.memory_space<vmem>>) offsets(%dma_start3A_583 : memref<128xi32, #tpu.memory_space<vmem>>) semaphore(%arg17 : memref<!tpu.dma_semaphore, #tpu.memory_space<semaphore_mem>>)
        %dma_wait3A_587 = arith.constant 19 : i32
        %dma_wait3A_588 = arith.constant 0 : i32
        %dma_wait3A_589 = tpu.memref_slice %arg7[%dma_wait3A_587, %dma_wait3A_588] : memref<32x128xi32, #tpu.memory_space<vmem>> -> memref<1x128xi32, #tpu.memory_space<vmem>>
        %dma_wait3A_590 = tpu.memref_squeeze %dma_wait3A_589 : memref<1x128xi32, #tpu.memory_space<vmem>> -> memref<128xi32, #tpu.memory_space<vmem>>
        %dma_wait3A_591 = arith.constant 0 : i32
        %dma_wait3A_592 = arith.constant 0 : i32
        %dma_wait3A_593 = tpu.memref_slice %arg4[%dma_wait3A_591, %dma_wait3A_592] : memref<10000x64xf32, #tpu.memory_space<hbm>> -> memref<10000x64xf32, #tpu.memory_space<hbm>>
        tpu.wait_indirect_dma semaphore(%arg18 : memref<!tpu.dma_semaphore, #tpu.memory_space<semaphore_mem>>) src(%dma_wait3A_593 : memref<10000x64xf32, #tpu.memory_space<hbm>>) dst(%arg12 : memref<128x64xf32, #tpu.memory_space<vmem>>)
        %dma_start3A_594 = arith.constant 19 : i32
        %dma_start3A_595 = arith.constant 0 : i32
        %dma_start3A_596 = tpu.memref_slice %arg8[%dma_start3A_594, %dma_start3A_595] : memref<32x128xi32, #tpu.memory_space<vmem>> -> memref<1x128xi32, #tpu.memory_space<vmem>>
        %dma_start3A_597 = tpu.memref_squeeze %dma_start3A_596 : memref<1x128xi32, #tpu.memory_space<vmem>> -> memref<128xi32, #tpu.memory_space<vmem>>
        %dma_start3A_598 = arith.constant 0 : i32
        %dma_start3A_599 = arith.constant 0 : i32
        %dma_start3A_600 = tpu.memref_slice %arg14[%dma_start3A_598, %dma_start3A_599] : memref<10128x64xf32, #tpu.memory_space<vmem_shared>> -> memref<10128x64xf32, #tpu.memory_space<vmem_shared>>
        tpu.enqueue_indirect_dma source(%arg12 : memref<128x64xf32, #tpu.memory_space<vmem>>) target(%dma_start3A_600 : memref<10128x64xf32, #tpu.memory_space<vmem_shared>>) offsets(%dma_start3A_597 : memref<128xi32, #tpu.memory_space<vmem>>) semaphore(%arg22 : memref<!tpu.dma_semaphore, #tpu.memory_space<semaphore_mem>>) {add = true}
        %dma_wait3A_601 = arith.constant 19 : i32
        %dma_wait3A_602 = arith.constant 0 : i32
        %dma_wait3A_603 = tpu.memref_slice %arg8[%dma_wait3A_601, %dma_wait3A_602] : memref<32x128xi32, #tpu.memory_space<vmem>> -> memref<1x128xi32, #tpu.memory_space<vmem>>
        %dma_wait3A_604 = tpu.memref_squeeze %dma_wait3A_603 : memref<1x128xi32, #tpu.memory_space<vmem>> -> memref<128xi32, #tpu.memory_space<vmem>>
        %dma_wait3A_605 = arith.constant 0 : i32
        %dma_wait3A_606 = arith.constant 0 : i32
        %dma_wait3A_607 = tpu.memref_slice %arg14[%dma_wait3A_605, %dma_wait3A_606] : memref<10128x64xf32, #tpu.memory_space<vmem_shared>> -> memref<10128x64xf32, #tpu.memory_space<vmem_shared>>
        tpu.wait_indirect_dma semaphore(%arg22 : memref<!tpu.dma_semaphore, #tpu.memory_space<semaphore_mem>>) src(%arg12 : memref<128x64xf32, #tpu.memory_space<vmem>>) dst(%dma_wait3A_607 : memref<10128x64xf32, #tpu.memory_space<vmem_shared>>)
        %dma_start3A_608 = arith.constant 23 : i32
        %dma_start3A_609 = arith.constant 0 : i32
        %dma_start3A_610 = tpu.memref_slice %arg7[%dma_start3A_608, %dma_start3A_609] : memref<32x128xi32, #tpu.memory_space<vmem>> -> memref<1x128xi32, #tpu.memory_space<vmem>>
        %dma_start3A_611 = tpu.memref_squeeze %dma_start3A_610 : memref<1x128xi32, #tpu.memory_space<vmem>> -> memref<128xi32, #tpu.memory_space<vmem>>
        %dma_start3A_612 = arith.constant 0 : i32
        %dma_start3A_613 = arith.constant 0 : i32
        %dma_start3A_614 = tpu.memref_slice %arg4[%dma_start3A_612, %dma_start3A_613] : memref<10000x64xf32, #tpu.memory_space<hbm>> -> memref<10000x64xf32, #tpu.memory_space<hbm>>
        tpu.enqueue_indirect_dma source(%dma_start3A_614 : memref<10000x64xf32, #tpu.memory_space<hbm>>) target(%arg12 : memref<128x64xf32, #tpu.memory_space<vmem>>) offsets(%dma_start3A_611 : memref<128xi32, #tpu.memory_space<vmem>>) semaphore(%arg18 : memref<!tpu.dma_semaphore, #tpu.memory_space<semaphore_mem>>)
        %dma_wait3A_615 = arith.constant 20 : i32
        %dma_wait3A_616 = arith.constant 0 : i32
        %dma_wait3A_617 = tpu.memref_slice %arg7[%dma_wait3A_615, %dma_wait3A_616] : memref<32x128xi32, #tpu.memory_space<vmem>> -> memref<1x128xi32, #tpu.memory_space<vmem>>
        %dma_wait3A_618 = tpu.memref_squeeze %dma_wait3A_617 : memref<1x128xi32, #tpu.memory_space<vmem>> -> memref<128xi32, #tpu.memory_space<vmem>>
        %dma_wait3A_619 = arith.constant 0 : i32
        %dma_wait3A_620 = arith.constant 0 : i32
        %dma_wait3A_621 = tpu.memref_slice %arg4[%dma_wait3A_619, %dma_wait3A_620] : memref<10000x64xf32, #tpu.memory_space<hbm>> -> memref<10000x64xf32, #tpu.memory_space<hbm>>
        tpu.wait_indirect_dma semaphore(%arg15 : memref<!tpu.dma_semaphore, #tpu.memory_space<semaphore_mem>>) src(%dma_wait3A_621 : memref<10000x64xf32, #tpu.memory_space<hbm>>) dst(%arg9 : memref<128x64xf32, #tpu.memory_space<vmem>>)
        %dma_start3A_622 = arith.constant 20 : i32
        %dma_start3A_623 = arith.constant 0 : i32
        %dma_start3A_624 = tpu.memref_slice %arg8[%dma_start3A_622, %dma_start3A_623] : memref<32x128xi32, #tpu.memory_space<vmem>> -> memref<1x128xi32, #tpu.memory_space<vmem>>
        %dma_start3A_625 = tpu.memref_squeeze %dma_start3A_624 : memref<1x128xi32, #tpu.memory_space<vmem>> -> memref<128xi32, #tpu.memory_space<vmem>>
        %dma_start3A_626 = arith.constant 0 : i32
        %dma_start3A_627 = arith.constant 0 : i32
        %dma_start3A_628 = tpu.memref_slice %arg14[%dma_start3A_626, %dma_start3A_627] : memref<10128x64xf32, #tpu.memory_space<vmem_shared>> -> memref<10128x64xf32, #tpu.memory_space<vmem_shared>>
        tpu.enqueue_indirect_dma source(%arg9 : memref<128x64xf32, #tpu.memory_space<vmem>>) target(%dma_start3A_628 : memref<10128x64xf32, #tpu.memory_space<vmem_shared>>) offsets(%dma_start3A_625 : memref<128xi32, #tpu.memory_space<vmem>>) semaphore(%arg19 : memref<!tpu.dma_semaphore, #tpu.memory_space<semaphore_mem>>) {add = true}
        %dma_wait3A_629 = arith.constant 20 : i32
        %dma_wait3A_630 = arith.constant 0 : i32
        %dma_wait3A_631 = tpu.memref_slice %arg8[%dma_wait3A_629, %dma_wait3A_630] : memref<32x128xi32, #tpu.memory_space<vmem>> -> memref<1x128xi32, #tpu.memory_space<vmem>>
        %dma_wait3A_632 = tpu.memref_squeeze %dma_wait3A_631 : memref<1x128xi32, #tpu.memory_space<vmem>> -> memref<128xi32, #tpu.memory_space<vmem>>
        %dma_wait3A_633 = arith.constant 0 : i32
        %dma_wait3A_634 = arith.constant 0 : i32
        %dma_wait3A_635 = tpu.memref_slice %arg14[%dma_wait3A_633, %dma_wait3A_634] : memref<10128x64xf32, #tpu.memory_space<vmem_shared>> -> memref<10128x64xf32, #tpu.memory_space<vmem_shared>>
        tpu.wait_indirect_dma semaphore(%arg19 : memref<!tpu.dma_semaphore, #tpu.memory_space<semaphore_mem>>) src(%arg9 : memref<128x64xf32, #tpu.memory_space<vmem>>) dst(%dma_wait3A_635 : memref<10128x64xf32, #tpu.memory_space<vmem_shared>>)
        %dma_start3A_636 = arith.constant 24 : i32
        %dma_start3A_637 = arith.constant 0 : i32
        %dma_start3A_638 = tpu.memref_slice %arg7[%dma_start3A_636, %dma_start3A_637] : memref<32x128xi32, #tpu.memory_space<vmem>> -> memref<1x128xi32, #tpu.memory_space<vmem>>
        %dma_start3A_639 = tpu.memref_squeeze %dma_start3A_638 : memref<1x128xi32, #tpu.memory_space<vmem>> -> memref<128xi32, #tpu.memory_space<vmem>>
        %dma_start3A_640 = arith.constant 0 : i32
        %dma_start3A_641 = arith.constant 0 : i32
        %dma_start3A_642 = tpu.memref_slice %arg4[%dma_start3A_640, %dma_start3A_641] : memref<10000x64xf32, #tpu.memory_space<hbm>> -> memref<10000x64xf32, #tpu.memory_space<hbm>>
        tpu.enqueue_indirect_dma source(%dma_start3A_642 : memref<10000x64xf32, #tpu.memory_space<hbm>>) target(%arg9 : memref<128x64xf32, #tpu.memory_space<vmem>>) offsets(%dma_start3A_639 : memref<128xi32, #tpu.memory_space<vmem>>) semaphore(%arg15 : memref<!tpu.dma_semaphore, #tpu.memory_space<semaphore_mem>>)
        %dma_wait3A_643 = arith.constant 21 : i32
        %dma_wait3A_644 = arith.constant 0 : i32
        %dma_wait3A_645 = tpu.memref_slice %arg7[%dma_wait3A_643, %dma_wait3A_644] : memref<32x128xi32, #tpu.memory_space<vmem>> -> memref<1x128xi32, #tpu.memory_space<vmem>>
        %dma_wait3A_646 = tpu.memref_squeeze %dma_wait3A_645 : memref<1x128xi32, #tpu.memory_space<vmem>> -> memref<128xi32, #tpu.memory_space<vmem>>
        %dma_wait3A_647 = arith.constant 0 : i32
        %dma_wait3A_648 = arith.constant 0 : i32
        %dma_wait3A_649 = tpu.memref_slice %arg4[%dma_wait3A_647, %dma_wait3A_648] : memref<10000x64xf32, #tpu.memory_space<hbm>> -> memref<10000x64xf32, #tpu.memory_space<hbm>>
        tpu.wait_indirect_dma semaphore(%arg16 : memref<!tpu.dma_semaphore, #tpu.memory_space<semaphore_mem>>) src(%dma_wait3A_649 : memref<10000x64xf32, #tpu.memory_space<hbm>>) dst(%arg10 : memref<128x64xf32, #tpu.memory_space<vmem>>)
        %dma_start3A_650 = arith.constant 21 : i32
        %dma_start3A_651 = arith.constant 0 : i32
        %dma_start3A_652 = tpu.memref_slice %arg8[%dma_start3A_650, %dma_start3A_651] : memref<32x128xi32, #tpu.memory_space<vmem>> -> memref<1x128xi32, #tpu.memory_space<vmem>>
        %dma_start3A_653 = tpu.memref_squeeze %dma_start3A_652 : memref<1x128xi32, #tpu.memory_space<vmem>> -> memref<128xi32, #tpu.memory_space<vmem>>
        %dma_start3A_654 = arith.constant 0 : i32
        %dma_start3A_655 = arith.constant 0 : i32
        %dma_start3A_656 = tpu.memref_slice %arg14[%dma_start3A_654, %dma_start3A_655] : memref<10128x64xf32, #tpu.memory_space<vmem_shared>> -> memref<10128x64xf32, #tpu.memory_space<vmem_shared>>
        tpu.enqueue_indirect_dma source(%arg10 : memref<128x64xf32, #tpu.memory_space<vmem>>) target(%dma_start3A_656 : memref<10128x64xf32, #tpu.memory_space<vmem_shared>>) offsets(%dma_start3A_653 : memref<128xi32, #tpu.memory_space<vmem>>) semaphore(%arg20 : memref<!tpu.dma_semaphore, #tpu.memory_space<semaphore_mem>>) {add = true}
        %dma_wait3A_657 = arith.constant 21 : i32
        %dma_wait3A_658 = arith.constant 0 : i32
        %dma_wait3A_659 = tpu.memref_slice %arg8[%dma_wait3A_657, %dma_wait3A_658] : memref<32x128xi32, #tpu.memory_space<vmem>> -> memref<1x128xi32, #tpu.memory_space<vmem>>
        %dma_wait3A_660 = tpu.memref_squeeze %dma_wait3A_659 : memref<1x128xi32, #tpu.memory_space<vmem>> -> memref<128xi32, #tpu.memory_space<vmem>>
        %dma_wait3A_661 = arith.constant 0 : i32
        %dma_wait3A_662 = arith.constant 0 : i32
        %dma_wait3A_663 = tpu.memref_slice %arg14[%dma_wait3A_661, %dma_wait3A_662] : memref<10128x64xf32, #tpu.memory_space<vmem_shared>> -> memref<10128x64xf32, #tpu.memory_space<vmem_shared>>
        tpu.wait_indirect_dma semaphore(%arg20 : memref<!tpu.dma_semaphore, #tpu.memory_space<semaphore_mem>>) src(%arg10 : memref<128x64xf32, #tpu.memory_space<vmem>>) dst(%dma_wait3A_663 : memref<10128x64xf32, #tpu.memory_space<vmem_shared>>)
        %dma_start3A_664 = arith.constant 25 : i32
        %dma_start3A_665 = arith.constant 0 : i32
        %dma_start3A_666 = tpu.memref_slice %arg7[%dma_start3A_664, %dma_start3A_665] : memref<32x128xi32, #tpu.memory_space<vmem>> -> memref<1x128xi32, #tpu.memory_space<vmem>>
        %dma_start3A_667 = tpu.memref_squeeze %dma_start3A_666 : memref<1x128xi32, #tpu.memory_space<vmem>> -> memref<128xi32, #tpu.memory_space<vmem>>
        %dma_start3A_668 = arith.constant 0 : i32
        %dma_start3A_669 = arith.constant 0 : i32
        %dma_start3A_670 = tpu.memref_slice %arg4[%dma_start3A_668, %dma_start3A_669] : memref<10000x64xf32, #tpu.memory_space<hbm>> -> memref<10000x64xf32, #tpu.memory_space<hbm>>
        tpu.enqueue_indirect_dma source(%dma_start3A_670 : memref<10000x64xf32, #tpu.memory_space<hbm>>) target(%arg10 : memref<128x64xf32, #tpu.memory_space<vmem>>) offsets(%dma_start3A_667 : memref<128xi32, #tpu.memory_space<vmem>>) semaphore(%arg16 : memref<!tpu.dma_semaphore, #tpu.memory_space<semaphore_mem>>)
        %dma_wait3A_671 = arith.constant 22 : i32
        %dma_wait3A_672 = arith.constant 0 : i32
        %dma_wait3A_673 = tpu.memref_slice %arg7[%dma_wait3A_671, %dma_wait3A_672] : memref<32x128xi32, #tpu.memory_space<vmem>> -> memref<1x128xi32, #tpu.memory_space<vmem>>
        %dma_wait3A_674 = tpu.memref_squeeze %dma_wait3A_673 : memref<1x128xi32, #tpu.memory_space<vmem>> -> memref<128xi32, #tpu.memory_space<vmem>>
        %dma_wait3A_675 = arith.constant 0 : i32
        %dma_wait3A_676 = arith.constant 0 : i32
        %dma_wait3A_677 = tpu.memref_slice %arg4[%dma_wait3A_675, %dma_wait3A_676] : memref<10000x64xf32, #tpu.memory_space<hbm>> -> memref<10000x64xf32, #tpu.memory_space<hbm>>
        tpu.wait_indirect_dma semaphore(%arg17 : memref<!tpu.dma_semaphore, #tpu.memory_space<semaphore_mem>>) src(%dma_wait3A_677 : memref<10000x64xf32, #tpu.memory_space<hbm>>) dst(%arg11 : memref<128x64xf32, #tpu.memory_space<vmem>>)
        %dma_start3A_678 = arith.constant 22 : i32
        %dma_start3A_679 = arith.constant 0 : i32
        %dma_start3A_680 = tpu.memref_slice %arg8[%dma_start3A_678, %dma_start3A_679] : memref<32x128xi32, #tpu.memory_space<vmem>> -> memref<1x128xi32, #tpu.memory_space<vmem>>
        %dma_start3A_681 = tpu.memref_squeeze %dma_start3A_680 : memref<1x128xi32, #tpu.memory_space<vmem>> -> memref<128xi32, #tpu.memory_space<vmem>>
        %dma_start3A_682 = arith.constant 0 : i32
        %dma_start3A_683 = arith.constant 0 : i32
        %dma_start3A_684 = tpu.memref_slice %arg14[%dma_start3A_682, %dma_start3A_683] : memref<10128x64xf32, #tpu.memory_space<vmem_shared>> -> memref<10128x64xf32, #tpu.memory_space<vmem_shared>>
        tpu.enqueue_indirect_dma source(%arg11 : memref<128x64xf32, #tpu.memory_space<vmem>>) target(%dma_start3A_684 : memref<10128x64xf32, #tpu.memory_space<vmem_shared>>) offsets(%dma_start3A_681 : memref<128xi32, #tpu.memory_space<vmem>>) semaphore(%arg21 : memref<!tpu.dma_semaphore, #tpu.memory_space<semaphore_mem>>) {add = true}
        %dma_wait3A_685 = arith.constant 22 : i32
        %dma_wait3A_686 = arith.constant 0 : i32
        %dma_wait3A_687 = tpu.memref_slice %arg8[%dma_wait3A_685, %dma_wait3A_686] : memref<32x128xi32, #tpu.memory_space<vmem>> -> memref<1x128xi32, #tpu.memory_space<vmem>>
        %dma_wait3A_688 = tpu.memref_squeeze %dma_wait3A_687 : memref<1x128xi32, #tpu.memory_space<vmem>> -> memref<128xi32, #tpu.memory_space<vmem>>
        %dma_wait3A_689 = arith.constant 0 : i32
        %dma_wait3A_690 = arith.constant 0 : i32
        %dma_wait3A_691 = tpu.memref_slice %arg14[%dma_wait3A_689, %dma_wait3A_690] : memref<10128x64xf32, #tpu.memory_space<vmem_shared>> -> memref<10128x64xf32, #tpu.memory_space<vmem_shared>>
        tpu.wait_indirect_dma semaphore(%arg21 : memref<!tpu.dma_semaphore, #tpu.memory_space<semaphore_mem>>) src(%arg11 : memref<128x64xf32, #tpu.memory_space<vmem>>) dst(%dma_wait3A_691 : memref<10128x64xf32, #tpu.memory_space<vmem_shared>>)
        %dma_start3A_692 = arith.constant 26 : i32
        %dma_start3A_693 = arith.constant 0 : i32
        %dma_start3A_694 = tpu.memref_slice %arg7[%dma_start3A_692, %dma_start3A_693] : memref<32x128xi32, #tpu.memory_space<vmem>> -> memref<1x128xi32, #tpu.memory_space<vmem>>
        %dma_start3A_695 = tpu.memref_squeeze %dma_start3A_694 : memref<1x128xi32, #tpu.memory_space<vmem>> -> memref<128xi32, #tpu.memory_space<vmem>>
        %dma_start3A_696 = arith.constant 0 : i32
        %dma_start3A_697 = arith.constant 0 : i32
        %dma_start3A_698 = tpu.memref_slice %arg4[%dma_start3A_696, %dma_start3A_697] : memref<10000x64xf32, #tpu.memory_space<hbm>> -> memref<10000x64xf32, #tpu.memory_space<hbm>>
        tpu.enqueue_indirect_dma source(%dma_start3A_698 : memref<10000x64xf32, #tpu.memory_space<hbm>>) target(%arg11 : memref<128x64xf32, #tpu.memory_space<vmem>>) offsets(%dma_start3A_695 : memref<128xi32, #tpu.memory_space<vmem>>) semaphore(%arg17 : memref<!tpu.dma_semaphore, #tpu.memory_space<semaphore_mem>>)
        %dma_wait3A_699 = arith.constant 23 : i32
        %dma_wait3A_700 = arith.constant 0 : i32
        %dma_wait3A_701 = tpu.memref_slice %arg7[%dma_wait3A_699, %dma_wait3A_700] : memref<32x128xi32, #tpu.memory_space<vmem>> -> memref<1x128xi32, #tpu.memory_space<vmem>>
        %dma_wait3A_702 = tpu.memref_squeeze %dma_wait3A_701 : memref<1x128xi32, #tpu.memory_space<vmem>> -> memref<128xi32, #tpu.memory_space<vmem>>
        %dma_wait3A_703 = arith.constant 0 : i32
        %dma_wait3A_704 = arith.constant 0 : i32
        %dma_wait3A_705 = tpu.memref_slice %arg4[%dma_wait3A_703, %dma_wait3A_704] : memref<10000x64xf32, #tpu.memory_space<hbm>> -> memref<10000x64xf32, #tpu.memory_space<hbm>>
        tpu.wait_indirect_dma semaphore(%arg18 : memref<!tpu.dma_semaphore, #tpu.memory_space<semaphore_mem>>) src(%dma_wait3A_705 : memref<10000x64xf32, #tpu.memory_space<hbm>>) dst(%arg12 : memref<128x64xf32, #tpu.memory_space<vmem>>)
        %dma_start3A_706 = arith.constant 23 : i32
        %dma_start3A_707 = arith.constant 0 : i32
        %dma_start3A_708 = tpu.memref_slice %arg8[%dma_start3A_706, %dma_start3A_707] : memref<32x128xi32, #tpu.memory_space<vmem>> -> memref<1x128xi32, #tpu.memory_space<vmem>>
        %dma_start3A_709 = tpu.memref_squeeze %dma_start3A_708 : memref<1x128xi32, #tpu.memory_space<vmem>> -> memref<128xi32, #tpu.memory_space<vmem>>
        %dma_start3A_710 = arith.constant 0 : i32
        %dma_start3A_711 = arith.constant 0 : i32
        %dma_start3A_712 = tpu.memref_slice %arg14[%dma_start3A_710, %dma_start3A_711] : memref<10128x64xf32, #tpu.memory_space<vmem_shared>> -> memref<10128x64xf32, #tpu.memory_space<vmem_shared>>
        tpu.enqueue_indirect_dma source(%arg12 : memref<128x64xf32, #tpu.memory_space<vmem>>) target(%dma_start3A_712 : memref<10128x64xf32, #tpu.memory_space<vmem_shared>>) offsets(%dma_start3A_709 : memref<128xi32, #tpu.memory_space<vmem>>) semaphore(%arg22 : memref<!tpu.dma_semaphore, #tpu.memory_space<semaphore_mem>>) {add = true}
        %dma_wait3A_713 = arith.constant 23 : i32
        %dma_wait3A_714 = arith.constant 0 : i32
        %dma_wait3A_715 = tpu.memref_slice %arg8[%dma_wait3A_713, %dma_wait3A_714] : memref<32x128xi32, #tpu.memory_space<vmem>> -> memref<1x128xi32, #tpu.memory_space<vmem>>
        %dma_wait3A_716 = tpu.memref_squeeze %dma_wait3A_715 : memref<1x128xi32, #tpu.memory_space<vmem>> -> memref<128xi32, #tpu.memory_space<vmem>>
        %dma_wait3A_717 = arith.constant 0 : i32
        %dma_wait3A_718 = arith.constant 0 : i32
        %dma_wait3A_719 = tpu.memref_slice %arg14[%dma_wait3A_717, %dma_wait3A_718] : memref<10128x64xf32, #tpu.memory_space<vmem_shared>> -> memref<10128x64xf32, #tpu.memory_space<vmem_shared>>
        tpu.wait_indirect_dma semaphore(%arg22 : memref<!tpu.dma_semaphore, #tpu.memory_space<semaphore_mem>>) src(%arg12 : memref<128x64xf32, #tpu.memory_space<vmem>>) dst(%dma_wait3A_719 : memref<10128x64xf32, #tpu.memory_space<vmem_shared>>)
        %dma_start3A_720 = arith.constant 27 : i32
        %dma_start3A_721 = arith.constant 0 : i32
        %dma_start3A_722 = tpu.memref_slice %arg7[%dma_start3A_720, %dma_start3A_721] : memref<32x128xi32, #tpu.memory_space<vmem>> -> memref<1x128xi32, #tpu.memory_space<vmem>>
        %dma_start3A_723 = tpu.memref_squeeze %dma_start3A_722 : memref<1x128xi32, #tpu.memory_space<vmem>> -> memref<128xi32, #tpu.memory_space<vmem>>
        %dma_start3A_724 = arith.constant 0 : i32
        %dma_start3A_725 = arith.constant 0 : i32
        %dma_start3A_726 = tpu.memref_slice %arg4[%dma_start3A_724, %dma_start3A_725] : memref<10000x64xf32, #tpu.memory_space<hbm>> -> memref<10000x64xf32, #tpu.memory_space<hbm>>
        tpu.enqueue_indirect_dma source(%dma_start3A_726 : memref<10000x64xf32, #tpu.memory_space<hbm>>) target(%arg12 : memref<128x64xf32, #tpu.memory_space<vmem>>) offsets(%dma_start3A_723 : memref<128xi32, #tpu.memory_space<vmem>>) semaphore(%arg18 : memref<!tpu.dma_semaphore, #tpu.memory_space<semaphore_mem>>)
        %dma_wait3A_727 = arith.constant 24 : i32
        %dma_wait3A_728 = arith.constant 0 : i32
        %dma_wait3A_729 = tpu.memref_slice %arg7[%dma_wait3A_727, %dma_wait3A_728] : memref<32x128xi32, #tpu.memory_space<vmem>> -> memref<1x128xi32, #tpu.memory_space<vmem>>
        %dma_wait3A_730 = tpu.memref_squeeze %dma_wait3A_729 : memref<1x128xi32, #tpu.memory_space<vmem>> -> memref<128xi32, #tpu.memory_space<vmem>>
        %dma_wait3A_731 = arith.constant 0 : i32
        %dma_wait3A_732 = arith.constant 0 : i32
        %dma_wait3A_733 = tpu.memref_slice %arg4[%dma_wait3A_731, %dma_wait3A_732] : memref<10000x64xf32, #tpu.memory_space<hbm>> -> memref<10000x64xf32, #tpu.memory_space<hbm>>
        tpu.wait_indirect_dma semaphore(%arg15 : memref<!tpu.dma_semaphore, #tpu.memory_space<semaphore_mem>>) src(%dma_wait3A_733 : memref<10000x64xf32, #tpu.memory_space<hbm>>) dst(%arg9 : memref<128x64xf32, #tpu.memory_space<vmem>>)
        %dma_start3A_734 = arith.constant 24 : i32
        %dma_start3A_735 = arith.constant 0 : i32
        %dma_start3A_736 = tpu.memref_slice %arg8[%dma_start3A_734, %dma_start3A_735] : memref<32x128xi32, #tpu.memory_space<vmem>> -> memref<1x128xi32, #tpu.memory_space<vmem>>
        %dma_start3A_737 = tpu.memref_squeeze %dma_start3A_736 : memref<1x128xi32, #tpu.memory_space<vmem>> -> memref<128xi32, #tpu.memory_space<vmem>>
        %dma_start3A_738 = arith.constant 0 : i32
        %dma_start3A_739 = arith.constant 0 : i32
        %dma_start3A_740 = tpu.memref_slice %arg14[%dma_start3A_738, %dma_start3A_739] : memref<10128x64xf32, #tpu.memory_space<vmem_shared>> -> memref<10128x64xf32, #tpu.memory_space<vmem_shared>>
        tpu.enqueue_indirect_dma source(%arg9 : memref<128x64xf32, #tpu.memory_space<vmem>>) target(%dma_start3A_740 : memref<10128x64xf32, #tpu.memory_space<vmem_shared>>) offsets(%dma_start3A_737 : memref<128xi32, #tpu.memory_space<vmem>>) semaphore(%arg19 : memref<!tpu.dma_semaphore, #tpu.memory_space<semaphore_mem>>) {add = true}
        %dma_wait3A_741 = arith.constant 24 : i32
        %dma_wait3A_742 = arith.constant 0 : i32
        %dma_wait3A_743 = tpu.memref_slice %arg8[%dma_wait3A_741, %dma_wait3A_742] : memref<32x128xi32, #tpu.memory_space<vmem>> -> memref<1x128xi32, #tpu.memory_space<vmem>>
        %dma_wait3A_744 = tpu.memref_squeeze %dma_wait3A_743 : memref<1x128xi32, #tpu.memory_space<vmem>> -> memref<128xi32, #tpu.memory_space<vmem>>
        %dma_wait3A_745 = arith.constant 0 : i32
        %dma_wait3A_746 = arith.constant 0 : i32
        %dma_wait3A_747 = tpu.memref_slice %arg14[%dma_wait3A_745, %dma_wait3A_746] : memref<10128x64xf32, #tpu.memory_space<vmem_shared>> -> memref<10128x64xf32, #tpu.memory_space<vmem_shared>>
        tpu.wait_indirect_dma semaphore(%arg19 : memref<!tpu.dma_semaphore, #tpu.memory_space<semaphore_mem>>) src(%arg9 : memref<128x64xf32, #tpu.memory_space<vmem>>) dst(%dma_wait3A_747 : memref<10128x64xf32, #tpu.memory_space<vmem_shared>>)
        %dma_start3A_748 = arith.constant 28 : i32
        %dma_start3A_749 = arith.constant 0 : i32
        %dma_start3A_750 = tpu.memref_slice %arg7[%dma_start3A_748, %dma_start3A_749] : memref<32x128xi32, #tpu.memory_space<vmem>> -> memref<1x128xi32, #tpu.memory_space<vmem>>
        %dma_start3A_751 = tpu.memref_squeeze %dma_start3A_750 : memref<1x128xi32, #tpu.memory_space<vmem>> -> memref<128xi32, #tpu.memory_space<vmem>>
        %dma_start3A_752 = arith.constant 0 : i32
        %dma_start3A_753 = arith.constant 0 : i32
        %dma_start3A_754 = tpu.memref_slice %arg4[%dma_start3A_752, %dma_start3A_753] : memref<10000x64xf32, #tpu.memory_space<hbm>> -> memref<10000x64xf32, #tpu.memory_space<hbm>>
        tpu.enqueue_indirect_dma source(%dma_start3A_754 : memref<10000x64xf32, #tpu.memory_space<hbm>>) target(%arg9 : memref<128x64xf32, #tpu.memory_space<vmem>>) offsets(%dma_start3A_751 : memref<128xi32, #tpu.memory_space<vmem>>) semaphore(%arg15 : memref<!tpu.dma_semaphore, #tpu.memory_space<semaphore_mem>>)
        %dma_wait3A_755 = arith.constant 25 : i32
        %dma_wait3A_756 = arith.constant 0 : i32
        %dma_wait3A_757 = tpu.memref_slice %arg7[%dma_wait3A_755, %dma_wait3A_756] : memref<32x128xi32, #tpu.memory_space<vmem>> -> memref<1x128xi32, #tpu.memory_space<vmem>>
        %dma_wait3A_758 = tpu.memref_squeeze %dma_wait3A_757 : memref<1x128xi32, #tpu.memory_space<vmem>> -> memref<128xi32, #tpu.memory_space<vmem>>
        %dma_wait3A_759 = arith.constant 0 : i32
        %dma_wait3A_760 = arith.constant 0 : i32
        %dma_wait3A_761 = tpu.memref_slice %arg4[%dma_wait3A_759, %dma_wait3A_760] : memref<10000x64xf32, #tpu.memory_space<hbm>> -> memref<10000x64xf32, #tpu.memory_space<hbm>>
        tpu.wait_indirect_dma semaphore(%arg16 : memref<!tpu.dma_semaphore, #tpu.memory_space<semaphore_mem>>) src(%dma_wait3A_761 : memref<10000x64xf32, #tpu.memory_space<hbm>>) dst(%arg10 : memref<128x64xf32, #tpu.memory_space<vmem>>)
        %dma_start3A_762 = arith.constant 25 : i32
        %dma_start3A_763 = arith.constant 0 : i32
        %dma_start3A_764 = tpu.memref_slice %arg8[%dma_start3A_762, %dma_start3A_763] : memref<32x128xi32, #tpu.memory_space<vmem>> -> memref<1x128xi32, #tpu.memory_space<vmem>>
        %dma_start3A_765 = tpu.memref_squeeze %dma_start3A_764 : memref<1x128xi32, #tpu.memory_space<vmem>> -> memref<128xi32, #tpu.memory_space<vmem>>
        %dma_start3A_766 = arith.constant 0 : i32
        %dma_start3A_767 = arith.constant 0 : i32
        %dma_start3A_768 = tpu.memref_slice %arg14[%dma_start3A_766, %dma_start3A_767] : memref<10128x64xf32, #tpu.memory_space<vmem_shared>> -> memref<10128x64xf32, #tpu.memory_space<vmem_shared>>
        tpu.enqueue_indirect_dma source(%arg10 : memref<128x64xf32, #tpu.memory_space<vmem>>) target(%dma_start3A_768 : memref<10128x64xf32, #tpu.memory_space<vmem_shared>>) offsets(%dma_start3A_765 : memref<128xi32, #tpu.memory_space<vmem>>) semaphore(%arg20 : memref<!tpu.dma_semaphore, #tpu.memory_space<semaphore_mem>>) {add = true}
        %dma_wait3A_769 = arith.constant 25 : i32
        %dma_wait3A_770 = arith.constant 0 : i32
        %dma_wait3A_771 = tpu.memref_slice %arg8[%dma_wait3A_769, %dma_wait3A_770] : memref<32x128xi32, #tpu.memory_space<vmem>> -> memref<1x128xi32, #tpu.memory_space<vmem>>
        %dma_wait3A_772 = tpu.memref_squeeze %dma_wait3A_771 : memref<1x128xi32, #tpu.memory_space<vmem>> -> memref<128xi32, #tpu.memory_space<vmem>>
        %dma_wait3A_773 = arith.constant 0 : i32
        %dma_wait3A_774 = arith.constant 0 : i32
        %dma_wait3A_775 = tpu.memref_slice %arg14[%dma_wait3A_773, %dma_wait3A_774] : memref<10128x64xf32, #tpu.memory_space<vmem_shared>> -> memref<10128x64xf32, #tpu.memory_space<vmem_shared>>
        tpu.wait_indirect_dma semaphore(%arg20 : memref<!tpu.dma_semaphore, #tpu.memory_space<semaphore_mem>>) src(%arg10 : memref<128x64xf32, #tpu.memory_space<vmem>>) dst(%dma_wait3A_775 : memref<10128x64xf32, #tpu.memory_space<vmem_shared>>)
        %dma_start3A_776 = arith.constant 29 : i32
        %dma_start3A_777 = arith.constant 0 : i32
        %dma_start3A_778 = tpu.memref_slice %arg7[%dma_start3A_776, %dma_start3A_777] : memref<32x128xi32, #tpu.memory_space<vmem>> -> memref<1x128xi32, #tpu.memory_space<vmem>>
        %dma_start3A_779 = tpu.memref_squeeze %dma_start3A_778 : memref<1x128xi32, #tpu.memory_space<vmem>> -> memref<128xi32, #tpu.memory_space<vmem>>
        %dma_start3A_780 = arith.constant 0 : i32
        %dma_start3A_781 = arith.constant 0 : i32
        %dma_start3A_782 = tpu.memref_slice %arg4[%dma_start3A_780, %dma_start3A_781] : memref<10000x64xf32, #tpu.memory_space<hbm>> -> memref<10000x64xf32, #tpu.memory_space<hbm>>
        tpu.enqueue_indirect_dma source(%dma_start3A_782 : memref<10000x64xf32, #tpu.memory_space<hbm>>) target(%arg10 : memref<128x64xf32, #tpu.memory_space<vmem>>) offsets(%dma_start3A_779 : memref<128xi32, #tpu.memory_space<vmem>>) semaphore(%arg16 : memref<!tpu.dma_semaphore, #tpu.memory_space<semaphore_mem>>)
        %dma_wait3A_783 = arith.constant 26 : i32
        %dma_wait3A_784 = arith.constant 0 : i32
        %dma_wait3A_785 = tpu.memref_slice %arg7[%dma_wait3A_783, %dma_wait3A_784] : memref<32x128xi32, #tpu.memory_space<vmem>> -> memref<1x128xi32, #tpu.memory_space<vmem>>
        %dma_wait3A_786 = tpu.memref_squeeze %dma_wait3A_785 : memref<1x128xi32, #tpu.memory_space<vmem>> -> memref<128xi32, #tpu.memory_space<vmem>>
        %dma_wait3A_787 = arith.constant 0 : i32
        %dma_wait3A_788 = arith.constant 0 : i32
        %dma_wait3A_789 = tpu.memref_slice %arg4[%dma_wait3A_787, %dma_wait3A_788] : memref<10000x64xf32, #tpu.memory_space<hbm>> -> memref<10000x64xf32, #tpu.memory_space<hbm>>
        tpu.wait_indirect_dma semaphore(%arg17 : memref<!tpu.dma_semaphore, #tpu.memory_space<semaphore_mem>>) src(%dma_wait3A_789 : memref<10000x64xf32, #tpu.memory_space<hbm>>) dst(%arg11 : memref<128x64xf32, #tpu.memory_space<vmem>>)
        %dma_start3A_790 = arith.constant 26 : i32
        %dma_start3A_791 = arith.constant 0 : i32
        %dma_start3A_792 = tpu.memref_slice %arg8[%dma_start3A_790, %dma_start3A_791] : memref<32x128xi32, #tpu.memory_space<vmem>> -> memref<1x128xi32, #tpu.memory_space<vmem>>
        %dma_start3A_793 = tpu.memref_squeeze %dma_start3A_792 : memref<1x128xi32, #tpu.memory_space<vmem>> -> memref<128xi32, #tpu.memory_space<vmem>>
        %dma_start3A_794 = arith.constant 0 : i32
        %dma_start3A_795 = arith.constant 0 : i32
        %dma_start3A_796 = tpu.memref_slice %arg14[%dma_start3A_794, %dma_start3A_795] : memref<10128x64xf32, #tpu.memory_space<vmem_shared>> -> memref<10128x64xf32, #tpu.memory_space<vmem_shared>>
        tpu.enqueue_indirect_dma source(%arg11 : memref<128x64xf32, #tpu.memory_space<vmem>>) target(%dma_start3A_796 : memref<10128x64xf32, #tpu.memory_space<vmem_shared>>) offsets(%dma_start3A_793 : memref<128xi32, #tpu.memory_space<vmem>>) semaphore(%arg21 : memref<!tpu.dma_semaphore, #tpu.memory_space<semaphore_mem>>) {add = true}
        %dma_wait3A_797 = arith.constant 26 : i32
        %dma_wait3A_798 = arith.constant 0 : i32
        %dma_wait3A_799 = tpu.memref_slice %arg8[%dma_wait3A_797, %dma_wait3A_798] : memref<32x128xi32, #tpu.memory_space<vmem>> -> memref<1x128xi32, #tpu.memory_space<vmem>>
        %dma_wait3A_800 = tpu.memref_squeeze %dma_wait3A_799 : memref<1x128xi32, #tpu.memory_space<vmem>> -> memref<128xi32, #tpu.memory_space<vmem>>
        %dma_wait3A_801 = arith.constant 0 : i32
        %dma_wait3A_802 = arith.constant 0 : i32
        %dma_wait3A_803 = tpu.memref_slice %arg14[%dma_wait3A_801, %dma_wait3A_802] : memref<10128x64xf32, #tpu.memory_space<vmem_shared>> -> memref<10128x64xf32, #tpu.memory_space<vmem_shared>>
        tpu.wait_indirect_dma semaphore(%arg21 : memref<!tpu.dma_semaphore, #tpu.memory_space<semaphore_mem>>) src(%arg11 : memref<128x64xf32, #tpu.memory_space<vmem>>) dst(%dma_wait3A_803 : memref<10128x64xf32, #tpu.memory_space<vmem_shared>>)
        %dma_start3A_804 = arith.constant 30 : i32
        %dma_start3A_805 = arith.constant 0 : i32
        %dma_start3A_806 = tpu.memref_slice %arg7[%dma_start3A_804, %dma_start3A_805] : memref<32x128xi32, #tpu.memory_space<vmem>> -> memref<1x128xi32, #tpu.memory_space<vmem>>
        %dma_start3A_807 = tpu.memref_squeeze %dma_start3A_806 : memref<1x128xi32, #tpu.memory_space<vmem>> -> memref<128xi32, #tpu.memory_space<vmem>>
        %dma_start3A_808 = arith.constant 0 : i32
        %dma_start3A_809 = arith.constant 0 : i32
        %dma_start3A_810 = tpu.memref_slice %arg4[%dma_start3A_808, %dma_start3A_809] : memref<10000x64xf32, #tpu.memory_space<hbm>> -> memref<10000x64xf32, #tpu.memory_space<hbm>>
        tpu.enqueue_indirect_dma source(%dma_start3A_810 : memref<10000x64xf32, #tpu.memory_space<hbm>>) target(%arg11 : memref<128x64xf32, #tpu.memory_space<vmem>>) offsets(%dma_start3A_807 : memref<128xi32, #tpu.memory_space<vmem>>) semaphore(%arg17 : memref<!tpu.dma_semaphore, #tpu.memory_space<semaphore_mem>>)
        %dma_wait3A_811 = arith.constant 27 : i32
        %dma_wait3A_812 = arith.constant 0 : i32
        %dma_wait3A_813 = tpu.memref_slice %arg7[%dma_wait3A_811, %dma_wait3A_812] : memref<32x128xi32, #tpu.memory_space<vmem>> -> memref<1x128xi32, #tpu.memory_space<vmem>>
        %dma_wait3A_814 = tpu.memref_squeeze %dma_wait3A_813 : memref<1x128xi32, #tpu.memory_space<vmem>> -> memref<128xi32, #tpu.memory_space<vmem>>
        %dma_wait3A_815 = arith.constant 0 : i32
        %dma_wait3A_816 = arith.constant 0 : i32
        %dma_wait3A_817 = tpu.memref_slice %arg4[%dma_wait3A_815, %dma_wait3A_816] : memref<10000x64xf32, #tpu.memory_space<hbm>> -> memref<10000x64xf32, #tpu.memory_space<hbm>>
        tpu.wait_indirect_dma semaphore(%arg18 : memref<!tpu.dma_semaphore, #tpu.memory_space<semaphore_mem>>) src(%dma_wait3A_817 : memref<10000x64xf32, #tpu.memory_space<hbm>>) dst(%arg12 : memref<128x64xf32, #tpu.memory_space<vmem>>)
        %dma_start3A_818 = arith.constant 27 : i32
        %dma_start3A_819 = arith.constant 0 : i32
        %dma_start3A_820 = tpu.memref_slice %arg8[%dma_start3A_818, %dma_start3A_819] : memref<32x128xi32, #tpu.memory_space<vmem>> -> memref<1x128xi32, #tpu.memory_space<vmem>>
        %dma_start3A_821 = tpu.memref_squeeze %dma_start3A_820 : memref<1x128xi32, #tpu.memory_space<vmem>> -> memref<128xi32, #tpu.memory_space<vmem>>
        %dma_start3A_822 = arith.constant 0 : i32
        %dma_start3A_823 = arith.constant 0 : i32
        %dma_start3A_824 = tpu.memref_slice %arg14[%dma_start3A_822, %dma_start3A_823] : memref<10128x64xf32, #tpu.memory_space<vmem_shared>> -> memref<10128x64xf32, #tpu.memory_space<vmem_shared>>
        tpu.enqueue_indirect_dma source(%arg12 : memref<128x64xf32, #tpu.memory_space<vmem>>) target(%dma_start3A_824 : memref<10128x64xf32, #tpu.memory_space<vmem_shared>>) offsets(%dma_start3A_821 : memref<128xi32, #tpu.memory_space<vmem>>) semaphore(%arg22 : memref<!tpu.dma_semaphore, #tpu.memory_space<semaphore_mem>>) {add = true}
        %dma_wait3A_825 = arith.constant 27 : i32
        %dma_wait3A_826 = arith.constant 0 : i32
        %dma_wait3A_827 = tpu.memref_slice %arg8[%dma_wait3A_825, %dma_wait3A_826] : memref<32x128xi32, #tpu.memory_space<vmem>> -> memref<1x128xi32, #tpu.memory_space<vmem>>
        %dma_wait3A_828 = tpu.memref_squeeze %dma_wait3A_827 : memref<1x128xi32, #tpu.memory_space<vmem>> -> memref<128xi32, #tpu.memory_space<vmem>>
        %dma_wait3A_829 = arith.constant 0 : i32
        %dma_wait3A_830 = arith.constant 0 : i32
        %dma_wait3A_831 = tpu.memref_slice %arg14[%dma_wait3A_829, %dma_wait3A_830] : memref<10128x64xf32, #tpu.memory_space<vmem_shared>> -> memref<10128x64xf32, #tpu.memory_space<vmem_shared>>
        tpu.wait_indirect_dma semaphore(%arg22 : memref<!tpu.dma_semaphore, #tpu.memory_space<semaphore_mem>>) src(%arg12 : memref<128x64xf32, #tpu.memory_space<vmem>>) dst(%dma_wait3A_831 : memref<10128x64xf32, #tpu.memory_space<vmem_shared>>)
        %dma_start3A_832 = arith.constant 31 : i32
        %dma_start3A_833 = arith.constant 0 : i32
        %dma_start3A_834 = tpu.memref_slice %arg7[%dma_start3A_832, %dma_start3A_833] : memref<32x128xi32, #tpu.memory_space<vmem>> -> memref<1x128xi32, #tpu.memory_space<vmem>>
        %dma_start3A_835 = tpu.memref_squeeze %dma_start3A_834 : memref<1x128xi32, #tpu.memory_space<vmem>> -> memref<128xi32, #tpu.memory_space<vmem>>
        %dma_start3A_836 = arith.constant 0 : i32
        %dma_start3A_837 = arith.constant 0 : i32
        %dma_start3A_838 = tpu.memref_slice %arg4[%dma_start3A_836, %dma_start3A_837] : memref<10000x64xf32, #tpu.memory_space<hbm>> -> memref<10000x64xf32, #tpu.memory_space<hbm>>
        tpu.enqueue_indirect_dma source(%dma_start3A_838 : memref<10000x64xf32, #tpu.memory_space<hbm>>) target(%arg12 : memref<128x64xf32, #tpu.memory_space<vmem>>) offsets(%dma_start3A_835 : memref<128xi32, #tpu.memory_space<vmem>>) semaphore(%arg18 : memref<!tpu.dma_semaphore, #tpu.memory_space<semaphore_mem>>)
        %dma_wait3A_839 = arith.constant 28 : i32
        %dma_wait3A_840 = arith.constant 0 : i32
        %dma_wait3A_841 = tpu.memref_slice %arg7[%dma_wait3A_839, %dma_wait3A_840] : memref<32x128xi32, #tpu.memory_space<vmem>> -> memref<1x128xi32, #tpu.memory_space<vmem>>
        %dma_wait3A_842 = tpu.memref_squeeze %dma_wait3A_841 : memref<1x128xi32, #tpu.memory_space<vmem>> -> memref<128xi32, #tpu.memory_space<vmem>>
        %dma_wait3A_843 = arith.constant 0 : i32
        %dma_wait3A_844 = arith.constant 0 : i32
        %dma_wait3A_845 = tpu.memref_slice %arg4[%dma_wait3A_843, %dma_wait3A_844] : memref<10000x64xf32, #tpu.memory_space<hbm>> -> memref<10000x64xf32, #tpu.memory_space<hbm>>
        tpu.wait_indirect_dma semaphore(%arg15 : memref<!tpu.dma_semaphore, #tpu.memory_space<semaphore_mem>>) src(%dma_wait3A_845 : memref<10000x64xf32, #tpu.memory_space<hbm>>) dst(%arg9 : memref<128x64xf32, #tpu.memory_space<vmem>>)
        %dma_start3A_846 = arith.constant 28 : i32
        %dma_start3A_847 = arith.constant 0 : i32
        %dma_start3A_848 = tpu.memref_slice %arg8[%dma_start3A_846, %dma_start3A_847] : memref<32x128xi32, #tpu.memory_space<vmem>> -> memref<1x128xi32, #tpu.memory_space<vmem>>
        %dma_start3A_849 = tpu.memref_squeeze %dma_start3A_848 : memref<1x128xi32, #tpu.memory_space<vmem>> -> memref<128xi32, #tpu.memory_space<vmem>>
        %dma_start3A_850 = arith.constant 0 : i32
        %dma_start3A_851 = arith.constant 0 : i32
        %dma_start3A_852 = tpu.memref_slice %arg14[%dma_start3A_850, %dma_start3A_851] : memref<10128x64xf32, #tpu.memory_space<vmem_shared>> -> memref<10128x64xf32, #tpu.memory_space<vmem_shared>>
        tpu.enqueue_indirect_dma source(%arg9 : memref<128x64xf32, #tpu.memory_space<vmem>>) target(%dma_start3A_852 : memref<10128x64xf32, #tpu.memory_space<vmem_shared>>) offsets(%dma_start3A_849 : memref<128xi32, #tpu.memory_space<vmem>>) semaphore(%arg19 : memref<!tpu.dma_semaphore, #tpu.memory_space<semaphore_mem>>) {add = true}
        %dma_wait3A_853 = arith.constant 28 : i32
        %dma_wait3A_854 = arith.constant 0 : i32
        %dma_wait3A_855 = tpu.memref_slice %arg8[%dma_wait3A_853, %dma_wait3A_854] : memref<32x128xi32, #tpu.memory_space<vmem>> -> memref<1x128xi32, #tpu.memory_space<vmem>>
        %dma_wait3A_856 = tpu.memref_squeeze %dma_wait3A_855 : memref<1x128xi32, #tpu.memory_space<vmem>> -> memref<128xi32, #tpu.memory_space<vmem>>
        %dma_wait3A_857 = arith.constant 0 : i32
        %dma_wait3A_858 = arith.constant 0 : i32
        %dma_wait3A_859 = tpu.memref_slice %arg14[%dma_wait3A_857, %dma_wait3A_858] : memref<10128x64xf32, #tpu.memory_space<vmem_shared>> -> memref<10128x64xf32, #tpu.memory_space<vmem_shared>>
        tpu.wait_indirect_dma semaphore(%arg19 : memref<!tpu.dma_semaphore, #tpu.memory_space<semaphore_mem>>) src(%arg9 : memref<128x64xf32, #tpu.memory_space<vmem>>) dst(%dma_wait3A_859 : memref<10128x64xf32, #tpu.memory_space<vmem_shared>>)
        %dma_wait3A_860 = arith.constant 29 : i32
        %dma_wait3A_861 = arith.constant 0 : i32
        %dma_wait3A_862 = tpu.memref_slice %arg7[%dma_wait3A_860, %dma_wait3A_861] : memref<32x128xi32, #tpu.memory_space<vmem>> -> memref<1x128xi32, #tpu.memory_space<vmem>>
        %dma_wait3A_863 = tpu.memref_squeeze %dma_wait3A_862 : memref<1x128xi32, #tpu.memory_space<vmem>> -> memref<128xi32, #tpu.memory_space<vmem>>
        %dma_wait3A_864 = arith.constant 0 : i32
        %dma_wait3A_865 = arith.constant 0 : i32
        %dma_wait3A_866 = tpu.memref_slice %arg4[%dma_wait3A_864, %dma_wait3A_865] : memref<10000x64xf32, #tpu.memory_space<hbm>> -> memref<10000x64xf32, #tpu.memory_space<hbm>>
        tpu.wait_indirect_dma semaphore(%arg16 : memref<!tpu.dma_semaphore, #tpu.memory_space<semaphore_mem>>) src(%dma_wait3A_866 : memref<10000x64xf32, #tpu.memory_space<hbm>>) dst(%arg10 : memref<128x64xf32, #tpu.memory_space<vmem>>)
        %dma_start3A_867 = arith.constant 29 : i32
        %dma_start3A_868 = arith.constant 0 : i32
        %dma_start3A_869 = tpu.memref_slice %arg8[%dma_start3A_867, %dma_start3A_868] : memref<32x128xi32, #tpu.memory_space<vmem>> -> memref<1x128xi32, #tpu.memory_space<vmem>>
        %dma_start3A_870 = tpu.memref_squeeze %dma_start3A_869 : memref<1x128xi32, #tpu.memory_space<vmem>> -> memref<128xi32, #tpu.memory_space<vmem>>
        %dma_start3A_871 = arith.constant 0 : i32
        %dma_start3A_872 = arith.constant 0 : i32
        %dma_start3A_873 = tpu.memref_slice %arg14[%dma_start3A_871, %dma_start3A_872] : memref<10128x64xf32, #tpu.memory_space<vmem_shared>> -> memref<10128x64xf32, #tpu.memory_space<vmem_shared>>
        tpu.enqueue_indirect_dma source(%arg10 : memref<128x64xf32, #tpu.memory_space<vmem>>) target(%dma_start3A_873 : memref<10128x64xf32, #tpu.memory_space<vmem_shared>>) offsets(%dma_start3A_870 : memref<128xi32, #tpu.memory_space<vmem>>) semaphore(%arg20 : memref<!tpu.dma_semaphore, #tpu.memory_space<semaphore_mem>>) {add = true}
        %dma_wait3A_874 = arith.constant 29 : i32
        %dma_wait3A_875 = arith.constant 0 : i32
        %dma_wait3A_876 = tpu.memref_slice %arg8[%dma_wait3A_874, %dma_wait3A_875] : memref<32x128xi32, #tpu.memory_space<vmem>> -> memref<1x128xi32, #tpu.memory_space<vmem>>
        %dma_wait3A_877 = tpu.memref_squeeze %dma_wait3A_876 : memref<1x128xi32, #tpu.memory_space<vmem>> -> memref<128xi32, #tpu.memory_space<vmem>>
        %dma_wait3A_878 = arith.constant 0 : i32
        %dma_wait3A_879 = arith.constant 0 : i32
        %dma_wait3A_880 = tpu.memref_slice %arg14[%dma_wait3A_878, %dma_wait3A_879] : memref<10128x64xf32, #tpu.memory_space<vmem_shared>> -> memref<10128x64xf32, #tpu.memory_space<vmem_shared>>
        tpu.wait_indirect_dma semaphore(%arg20 : memref<!tpu.dma_semaphore, #tpu.memory_space<semaphore_mem>>) src(%arg10 : memref<128x64xf32, #tpu.memory_space<vmem>>) dst(%dma_wait3A_880 : memref<10128x64xf32, #tpu.memory_space<vmem_shared>>)
        %dma_wait3A_881 = arith.constant 30 : i32
        %dma_wait3A_882 = arith.constant 0 : i32
        %dma_wait3A_883 = tpu.memref_slice %arg7[%dma_wait3A_881, %dma_wait3A_882] : memref<32x128xi32, #tpu.memory_space<vmem>> -> memref<1x128xi32, #tpu.memory_space<vmem>>
        %dma_wait3A_884 = tpu.memref_squeeze %dma_wait3A_883 : memref<1x128xi32, #tpu.memory_space<vmem>> -> memref<128xi32, #tpu.memory_space<vmem>>
        %dma_wait3A_885 = arith.constant 0 : i32
        %dma_wait3A_886 = arith.constant 0 : i32
        %dma_wait3A_887 = tpu.memref_slice %arg4[%dma_wait3A_885, %dma_wait3A_886] : memref<10000x64xf32, #tpu.memory_space<hbm>> -> memref<10000x64xf32, #tpu.memory_space<hbm>>
        tpu.wait_indirect_dma semaphore(%arg17 : memref<!tpu.dma_semaphore, #tpu.memory_space<semaphore_mem>>) src(%dma_wait3A_887 : memref<10000x64xf32, #tpu.memory_space<hbm>>) dst(%arg11 : memref<128x64xf32, #tpu.memory_space<vmem>>)
        %dma_start3A_888 = arith.constant 30 : i32
        %dma_start3A_889 = arith.constant 0 : i32
        %dma_start3A_890 = tpu.memref_slice %arg8[%dma_start3A_888, %dma_start3A_889] : memref<32x128xi32, #tpu.memory_space<vmem>> -> memref<1x128xi32, #tpu.memory_space<vmem>>
        %dma_start3A_891 = tpu.memref_squeeze %dma_start3A_890 : memref<1x128xi32, #tpu.memory_space<vmem>> -> memref<128xi32, #tpu.memory_space<vmem>>
        %dma_start3A_892 = arith.constant 0 : i32
        %dma_start3A_893 = arith.constant 0 : i32
        %dma_start3A_894 = tpu.memref_slice %arg14[%dma_start3A_892, %dma_start3A_893] : memref<10128x64xf32, #tpu.memory_space<vmem_shared>> -> memref<10128x64xf32, #tpu.memory_space<vmem_shared>>
        tpu.enqueue_indirect_dma source(%arg11 : memref<128x64xf32, #tpu.memory_space<vmem>>) target(%dma_start3A_894 : memref<10128x64xf32, #tpu.memory_space<vmem_shared>>) offsets(%dma_start3A_891 : memref<128xi32, #tpu.memory_space<vmem>>) semaphore(%arg21 : memref<!tpu.dma_semaphore, #tpu.memory_space<semaphore_mem>>) {add = true}
        %dma_wait3A_895 = arith.constant 30 : i32
        %dma_wait3A_896 = arith.constant 0 : i32
        %dma_wait3A_897 = tpu.memref_slice %arg8[%dma_wait3A_895, %dma_wait3A_896] : memref<32x128xi32, #tpu.memory_space<vmem>> -> memref<1x128xi32, #tpu.memory_space<vmem>>
        %dma_wait3A_898 = tpu.memref_squeeze %dma_wait3A_897 : memref<1x128xi32, #tpu.memory_space<vmem>> -> memref<128xi32, #tpu.memory_space<vmem>>
        %dma_wait3A_899 = arith.constant 0 : i32
        %dma_wait3A_900 = arith.constant 0 : i32
        %dma_wait3A_901 = tpu.memref_slice %arg14[%dma_wait3A_899, %dma_wait3A_900] : memref<10128x64xf32, #tpu.memory_space<vmem_shared>> -> memref<10128x64xf32, #tpu.memory_space<vmem_shared>>
        tpu.wait_indirect_dma semaphore(%arg21 : memref<!tpu.dma_semaphore, #tpu.memory_space<semaphore_mem>>) src(%arg11 : memref<128x64xf32, #tpu.memory_space<vmem>>) dst(%dma_wait3A_901 : memref<10128x64xf32, #tpu.memory_space<vmem_shared>>)
        %dma_wait3A_902 = arith.constant 31 : i32
        %dma_wait3A_903 = arith.constant 0 : i32
        %dma_wait3A_904 = tpu.memref_slice %arg7[%dma_wait3A_902, %dma_wait3A_903] : memref<32x128xi32, #tpu.memory_space<vmem>> -> memref<1x128xi32, #tpu.memory_space<vmem>>
        %dma_wait3A_905 = tpu.memref_squeeze %dma_wait3A_904 : memref<1x128xi32, #tpu.memory_space<vmem>> -> memref<128xi32, #tpu.memory_space<vmem>>
        %dma_wait3A_906 = arith.constant 0 : i32
        %dma_wait3A_907 = arith.constant 0 : i32
        %dma_wait3A_908 = tpu.memref_slice %arg4[%dma_wait3A_906, %dma_wait3A_907] : memref<10000x64xf32, #tpu.memory_space<hbm>> -> memref<10000x64xf32, #tpu.memory_space<hbm>>
        tpu.wait_indirect_dma semaphore(%arg18 : memref<!tpu.dma_semaphore, #tpu.memory_space<semaphore_mem>>) src(%dma_wait3A_908 : memref<10000x64xf32, #tpu.memory_space<hbm>>) dst(%arg12 : memref<128x64xf32, #tpu.memory_space<vmem>>)
        %dma_start3A_909 = arith.constant 31 : i32
        %dma_start3A_910 = arith.constant 0 : i32
        %dma_start3A_911 = tpu.memref_slice %arg8[%dma_start3A_909, %dma_start3A_910] : memref<32x128xi32, #tpu.memory_space<vmem>> -> memref<1x128xi32, #tpu.memory_space<vmem>>
        %dma_start3A_912 = tpu.memref_squeeze %dma_start3A_911 : memref<1x128xi32, #tpu.memory_space<vmem>> -> memref<128xi32, #tpu.memory_space<vmem>>
        %dma_start3A_913 = arith.constant 0 : i32
        %dma_start3A_914 = arith.constant 0 : i32
        %dma_start3A_915 = tpu.memref_slice %arg14[%dma_start3A_913, %dma_start3A_914] : memref<10128x64xf32, #tpu.memory_space<vmem_shared>> -> memref<10128x64xf32, #tpu.memory_space<vmem_shared>>
        tpu.enqueue_indirect_dma source(%arg12 : memref<128x64xf32, #tpu.memory_space<vmem>>) target(%dma_start3A_915 : memref<10128x64xf32, #tpu.memory_space<vmem_shared>>) offsets(%dma_start3A_912 : memref<128xi32, #tpu.memory_space<vmem>>) semaphore(%arg22 : memref<!tpu.dma_semaphore, #tpu.memory_space<semaphore_mem>>) {add = true}
        %dma_wait3A_916 = arith.constant 31 : i32
        %dma_wait3A_917 = arith.constant 0 : i32
        %dma_wait3A_918 = tpu.memref_slice %arg8[%dma_wait3A_916, %dma_wait3A_917] : memref<32x128xi32, #tpu.memory_space<vmem>> -> memref<1x128xi32, #tpu.memory_space<vmem>>
        %dma_wait3A_919 = tpu.memref_squeeze %dma_wait3A_918 : memref<1x128xi32, #tpu.memory_space<vmem>> -> memref<128xi32, #tpu.memory_space<vmem>>
        %dma_wait3A_920 = arith.constant 0 : i32
        %dma_wait3A_921 = arith.constant 0 : i32
        %dma_wait3A_922 = tpu.memref_slice %arg14[%dma_wait3A_920, %dma_wait3A_921] : memref<10128x64xf32, #tpu.memory_space<vmem_shared>> -> memref<10128x64xf32, #tpu.memory_space<vmem_shared>>
        tpu.wait_indirect_dma semaphore(%arg22 : memref<!tpu.dma_semaphore, #tpu.memory_space<semaphore_mem>>) src(%arg12 : memref<128x64xf32, #tpu.memory_space<vmem>>) dst(%dma_wait3A_922 : memref<10128x64xf32, #tpu.memory_space<vmem_shared>>)
      } else {
      }
    }
    %scan3A_11 = arith.constant 3 : i32
    %barrier3A_12 = arith.constant 0 : index
    tpu.barrier barrier_id(%barrier3A_12)
    %scan3A_13 = arith.constant 0 : i32
    %scan3A_14 = arith.constant 0 : i32
    %scan3A_15 = arith.constant 8 : i32
    %scan3A_16 = arith.addi %scan3A_14, %scan3A_15 : i32
    %scan3A_17 = arith.constant 1 : i32
    scf.for %scan3A_19 = %scan3A_14 to %scan3A_16 step %scan3A_17  : i32 {
      %mul3A_20 = arith.constant 16 : i32
      %mul3A_21 = arith.muli %scan3A_19, %mul3A_20 : i32
      %add3A_22 = arith.addi %arg1, %mul3A_21 : i32
      %lt3A = arith.constant 125 : i32
      %lt3A_23 = arith.cmpi slt, %add3A_22, %lt3A : i32
      %convert_element_type3A = arith.extui %lt3A_23 : i1 to i32
      %cond3A = arith.constant 0 : i32
      %cond3A_24 = arith.cmpi ne, %convert_element_type3A, %cond3A : i32
      scf.if %cond3A_24 {
        %mul3A_25 = arith.constant 80 : i32
        %mul3A_26 = arith.muli %add3A_22, %mul3A_25 : i32
        "tpu.region"() ({
          %run_scoped3A = tpu.sem_alloc : memref<!tpu.dma_semaphore, #tpu.memory_space<semaphore_mem>>
          %dma_start3A = arith.constant 0 : i32
          %dma_start3A_29 = tpu.memref_slice %arg14[%mul3A_26, %dma_start3A] : memref<10128x64xf32, #tpu.memory_space<vmem_shared>> -> memref<80x64xf32, #tpu.memory_space<vmem_shared>>
          %dma_start3A_30 = arith.constant 0 : i32
          %dma_start3A_31 = tpu.memref_slice %arg14[%mul3A_26, %dma_start3A_30] : memref<10128x64xf32, #tpu.memory_space<vmem_shared>> -> memref<80x64xf32, #tpu.memory_space<vmem_shared>>
          tpu.enqueue_dma source(%dma_start3A_31 : memref<80x64xf32, #tpu.memory_space<vmem_shared>>) target(%arg13 : memref<80x64xf32, #tpu.memory_space<vmem>>) target_semaphore(%run_scoped3A : memref<!tpu.dma_semaphore, #tpu.memory_space<semaphore_mem>>)
          %dma_wait3A = arith.constant 0 : i32
          %dma_wait3A_32 = tpu.memref_slice %arg14[%mul3A_26, %dma_wait3A] : memref<10128x64xf32, #tpu.memory_space<vmem_shared>> -> memref<80x64xf32, #tpu.memory_space<vmem_shared>>
          %dma_wait3A_33 = arith.constant 0 : i32
          %dma_wait3A_34 = tpu.memref_slice %arg14[%mul3A_26, %dma_wait3A_33] : memref<10128x64xf32, #tpu.memory_space<vmem_shared>> -> memref<80x64xf32, #tpu.memory_space<vmem_shared>>
          tpu.wait_dma2 semaphore(%run_scoped3A : memref<!tpu.dma_semaphore, #tpu.memory_space<semaphore_mem>>) src(%dma_wait3A_34 : memref<80x64xf32, #tpu.memory_space<vmem_shared>>) dst(%arg13 : memref<80x64xf32, #tpu.memory_space<vmem>>)
          tpu.yield
        }) : () -> ()
        %mul3A_27 = arith.constant 80 : i32
        %mul3A_28 = arith.muli %add3A_22, %mul3A_27 : i32
        "tpu.region"() ({
          %run_scoped3A = tpu.sem_alloc : memref<!tpu.dma_semaphore, #tpu.memory_space<semaphore_mem>>
          %dma_start3A = arith.constant 0 : i32
          %dma_start3A_29 = tpu.memref_slice %arg6[%arg0, %mul3A_28, %dma_start3A] : memref<2x10000x64xf32, #tpu.memory_space<hbm>> -> memref<1x80x64xf32, #tpu.memory_space<hbm>>
          %dma_start3A_30 = tpu.memref_squeeze %dma_start3A_29 : memref<1x80x64xf32, #tpu.memory_space<hbm>> -> memref<80x64xf32, #tpu.memory_space<hbm>>
          %dma_start3A_31 = arith.constant 0 : i32
          %dma_start3A_32 = tpu.memref_slice %arg6[%arg0, %mul3A_28, %dma_start3A_31] : memref<2x10000x64xf32, #tpu.memory_space<hbm>> -> memref<1x80x64xf32, #tpu.memory_space<hbm>>
          %dma_start3A_33 = tpu.memref_squeeze %dma_start3A_32 : memref<1x80x64xf32, #tpu.memory_space<hbm>> -> memref<80x64xf32, #tpu.memory_space<hbm>>
          tpu.enqueue_dma source(%arg13 : memref<80x64xf32, #tpu.memory_space<vmem>>) target(%dma_start3A_33 : memref<80x64xf32, #tpu.memory_space<hbm>>) target_semaphore(%run_scoped3A : memref<!tpu.dma_semaphore, #tpu.memory_space<semaphore_mem>>)
          %dma_wait3A = arith.constant 0 : i32
          %dma_wait3A_34 = tpu.memref_slice %arg6[%arg0, %mul3A_28, %dma_wait3A] : memref<2x10000x64xf32, #tpu.memory_space<hbm>> -> memref<1x80x64xf32, #tpu.memory_space<hbm>>
          %dma_wait3A_35 = tpu.memref_squeeze %dma_wait3A_34 : memref<1x80x64xf32, #tpu.memory_space<hbm>> -> memref<80x64xf32, #tpu.memory_space<hbm>>
          %dma_wait3A_36 = arith.constant 0 : i32
          %dma_wait3A_37 = tpu.memref_slice %arg6[%arg0, %mul3A_28, %dma_wait3A_36] : memref<2x10000x64xf32, #tpu.memory_space<hbm>> -> memref<1x80x64xf32, #tpu.memory_space<hbm>>
          %dma_wait3A_38 = tpu.memref_squeeze %dma_wait3A_37 : memref<1x80x64xf32, #tpu.memory_space<hbm>> -> memref<80x64xf32, #tpu.memory_space<hbm>>
          tpu.wait_dma2 semaphore(%run_scoped3A : memref<!tpu.dma_semaphore, #tpu.memory_space<semaphore_mem>>) src(%arg13 : memref<80x64xf32, #tpu.memory_space<vmem>>) dst(%dma_wait3A_38 : memref<80x64xf32, #tpu.memory_space<hbm>>)
          tpu.yield
        }) : () -> ()
      } else {
      }
    }
    %scan3A_18 = arith.constant 8 : i32
    return
  }
}

#map = affine_map<(d0, d1) -> (0, 0)>
#map1 = affine_map<(d0, d1) -> (0, 0, 0)>
module attributes {stable_mosaic.version = 14 : i64} {
  func.func @k(%arg0: i32, %arg1: i32, %arg2: memref<2528x128xi32, #tpu.memory_space<hbm>>, %arg3: memref<2528x128xi32, #tpu.memory_space<hbm>>, %arg4: memref<10000x128xf32, #tpu.memory_space<hbm>>, %arg5: memref<80x128xf32, #tpu.memory_space<hbm>>, %arg6: memref<2x10000x128xf32, #tpu.memory_space<hbm>>, %arg7: memref<16x128xi32, #tpu.memory_space<vmem>>, %arg8: memref<16x128xi32, #tpu.memory_space<vmem>>, %arg9: memref<128x128xf32, #tpu.memory_space<vmem>>, %arg10: memref<128x128xf32, #tpu.memory_space<vmem>>, %arg11: memref<80x128xf32, #tpu.memory_space<vmem>>, %arg12: memref<10128x128xf32, #tpu.memory_space<vmem_shared>>, %arg13: memref<!tpu.dma_semaphore, #tpu.memory_space<semaphore_mem>>, %arg14: memref<!tpu.dma_semaphore, #tpu.memory_space<semaphore_mem>>, %arg15: memref<!tpu.dma_semaphore, #tpu.memory_space<semaphore_mem>>, %arg16: memref<!tpu.dma_semaphore, #tpu.memory_space<semaphore_mem>>) attributes {dimension_semantics = [#tpu.dimension_semantics<core_parallel>, #tpu.dimension_semantics<subcore_parallel>], iteration_bounds = array<i64: 2, 16>, scalar_prefetch = 0 : i64, scratch_operands = 10 : i64, tpu.core_type = #tpu.core_type<sc_vector_subcore>, window_params = [{transform_indices = #map}, {transform_indices = #map}, {transform_indices = #map}, {transform_indices = #map}, {transform_indices = #map1}]} {
    %mul3A = arith.constant 2 : i32
    %mul3A_0 = arith.muli %arg1, %mul3A : i32
    %add3A = arith.addi %mul3A_0, %arg0 : i32
    %scan3A = arith.constant 0 : i32
    %scan3A_1 = arith.constant 0 : i32
    %scan3A_2 = arith.constant 8 : i32
    %scan3A_3 = arith.addi %scan3A_1, %scan3A_2 : i32
    %scan3A_4 = arith.constant 1 : i32
    scf.for %scan3A_19 = %scan3A_1 to %scan3A_3 step %scan3A_4  : i32 {
      %mul3A_20 = arith.constant 16 : i32
      %mul3A_21 = arith.muli %scan3A_19, %mul3A_20 : i32
      %add3A_22 = arith.addi %arg1, %mul3A_21 : i32
      %lt3A = arith.constant 125 : i32
      %lt3A_23 = arith.cmpi slt, %add3A_22, %lt3A : i32
      %convert_element_type3A = arith.extui %lt3A_23 : i1 to i32
      %cond3A = arith.constant 0 : i32
      %cond3A_24 = arith.cmpi ne, %convert_element_type3A, %cond3A : i32
      scf.if %cond3A_24 {
        %mul3A_25 = arith.constant 80 : i32
        %mul3A_26 = arith.muli %add3A_22, %mul3A_25 : i32
        "tpu.region"() ({
          %run_scoped3A = tpu.sem_alloc : memref<!tpu.dma_semaphore, #tpu.memory_space<semaphore_mem>>
          %dma_start3A = arith.constant 0 : i32
          %dma_start3A_27 = tpu.memref_slice %arg12[%mul3A_26, %dma_start3A] : memref<10128x128xf32, #tpu.memory_space<vmem_shared>> -> memref<80x128xf32, #tpu.memory_space<vmem_shared>>
          tpu.enqueue_dma source(%arg5 : memref<80x128xf32, #tpu.memory_space<hbm>>) target(%dma_start3A_27 : memref<80x128xf32, #tpu.memory_space<vmem_shared>>) target_semaphore(%run_scoped3A : memref<!tpu.dma_semaphore, #tpu.memory_space<semaphore_mem>>)
          %dma_wait3A = arith.constant 0 : i32
          %dma_wait3A_28 = tpu.memref_slice %arg12[%mul3A_26, %dma_wait3A] : memref<10128x128xf32, #tpu.memory_space<vmem_shared>> -> memref<80x128xf32, #tpu.memory_space<vmem_shared>>
          tpu.wait_dma2 semaphore(%run_scoped3A : memref<!tpu.dma_semaphore, #tpu.memory_space<semaphore_mem>>) src(%arg5 : memref<80x128xf32, #tpu.memory_space<hbm>>) dst(%dma_wait3A_28 : memref<80x128xf32, #tpu.memory_space<vmem_shared>>)
          tpu.yield
        }) : () -> ()
      } else {
      }
    }
    %scan3A_5 = arith.constant 8 : i32
    %barrier3A = arith.constant 0 : index
    tpu.barrier barrier_id(%barrier3A)
    %scan3A_6 = arith.constant 0 : i32
    %scan3A_7 = arith.constant 0 : i32
    %scan3A_8 = arith.constant 5 : i32
    %scan3A_9 = arith.addi %scan3A_7, %scan3A_8 : i32
    %scan3A_10 = arith.constant 1 : i32
    scf.for %scan3A_19 = %scan3A_7 to %scan3A_9 step %scan3A_10  : i32 {
      %mul3A_20 = arith.constant 32 : i32
      %mul3A_21 = arith.muli %scan3A_19, %mul3A_20 : i32
      %add3A_22 = arith.addi %add3A, %mul3A_21 : i32
      %lt3A = arith.constant 158 : i32
      %lt3A_23 = arith.cmpi slt, %add3A_22, %lt3A : i32
      %convert_element_type3A = arith.extui %lt3A_23 : i1 to i32
      %cond3A = arith.constant 0 : i32
      %cond3A_24 = arith.cmpi ne, %convert_element_type3A, %cond3A : i32
      scf.if %cond3A_24 {
        %mul3A_25 = arith.constant 16 : i32
        %mul3A_26 = arith.muli %add3A_22, %mul3A_25 : i32
        "tpu.region"() ({
          %run_scoped3A = tpu.sem_alloc : memref<!tpu.dma_semaphore, #tpu.memory_space<semaphore_mem>>
          %dma_start3A_475 = arith.constant 0 : i32
          %dma_start3A_476 = tpu.memref_slice %arg2[%mul3A_26, %dma_start3A_475] : memref<2528x128xi32, #tpu.memory_space<hbm>> -> memref<16x128xi32, #tpu.memory_space<hbm>>
          %dma_start3A_477 = arith.constant 0 : i32
          %dma_start3A_478 = tpu.memref_slice %arg2[%mul3A_26, %dma_start3A_477] : memref<2528x128xi32, #tpu.memory_space<hbm>> -> memref<16x128xi32, #tpu.memory_space<hbm>>
          tpu.enqueue_dma source(%dma_start3A_478 : memref<16x128xi32, #tpu.memory_space<hbm>>) target(%arg7 : memref<16x128xi32, #tpu.memory_space<vmem>>) target_semaphore(%run_scoped3A : memref<!tpu.dma_semaphore, #tpu.memory_space<semaphore_mem>>)
          %dma_wait3A_479 = arith.constant 0 : i32
          %dma_wait3A_480 = tpu.memref_slice %arg2[%mul3A_26, %dma_wait3A_479] : memref<2528x128xi32, #tpu.memory_space<hbm>> -> memref<16x128xi32, #tpu.memory_space<hbm>>
          %dma_wait3A_481 = arith.constant 0 : i32
          %dma_wait3A_482 = tpu.memref_slice %arg2[%mul3A_26, %dma_wait3A_481] : memref<2528x128xi32, #tpu.memory_space<hbm>> -> memref<16x128xi32, #tpu.memory_space<hbm>>
          tpu.wait_dma2 semaphore(%run_scoped3A : memref<!tpu.dma_semaphore, #tpu.memory_space<semaphore_mem>>) src(%dma_wait3A_482 : memref<16x128xi32, #tpu.memory_space<hbm>>) dst(%arg7 : memref<16x128xi32, #tpu.memory_space<vmem>>)
          tpu.yield
        }) : () -> ()
        %mul3A_27 = arith.constant 16 : i32
        %mul3A_28 = arith.muli %add3A_22, %mul3A_27 : i32
        "tpu.region"() ({
          %run_scoped3A = tpu.sem_alloc : memref<!tpu.dma_semaphore, #tpu.memory_space<semaphore_mem>>
          %dma_start3A_475 = arith.constant 0 : i32
          %dma_start3A_476 = tpu.memref_slice %arg3[%mul3A_28, %dma_start3A_475] : memref<2528x128xi32, #tpu.memory_space<hbm>> -> memref<16x128xi32, #tpu.memory_space<hbm>>
          %dma_start3A_477 = arith.constant 0 : i32
          %dma_start3A_478 = tpu.memref_slice %arg3[%mul3A_28, %dma_start3A_477] : memref<2528x128xi32, #tpu.memory_space<hbm>> -> memref<16x128xi32, #tpu.memory_space<hbm>>
          tpu.enqueue_dma source(%dma_start3A_478 : memref<16x128xi32, #tpu.memory_space<hbm>>) target(%arg8 : memref<16x128xi32, #tpu.memory_space<vmem>>) target_semaphore(%run_scoped3A : memref<!tpu.dma_semaphore, #tpu.memory_space<semaphore_mem>>)
          %dma_wait3A_479 = arith.constant 0 : i32
          %dma_wait3A_480 = tpu.memref_slice %arg3[%mul3A_28, %dma_wait3A_479] : memref<2528x128xi32, #tpu.memory_space<hbm>> -> memref<16x128xi32, #tpu.memory_space<hbm>>
          %dma_wait3A_481 = arith.constant 0 : i32
          %dma_wait3A_482 = tpu.memref_slice %arg3[%mul3A_28, %dma_wait3A_481] : memref<2528x128xi32, #tpu.memory_space<hbm>> -> memref<16x128xi32, #tpu.memory_space<hbm>>
          tpu.wait_dma2 semaphore(%run_scoped3A : memref<!tpu.dma_semaphore, #tpu.memory_space<semaphore_mem>>) src(%dma_wait3A_482 : memref<16x128xi32, #tpu.memory_space<hbm>>) dst(%arg8 : memref<16x128xi32, #tpu.memory_space<vmem>>)
          tpu.yield
        }) : () -> ()
        %dma_start3A = arith.constant 0 : i32
        %dma_start3A_29 = arith.constant 0 : i32
        %dma_start3A_30 = tpu.memref_slice %arg7[%dma_start3A, %dma_start3A_29] : memref<16x128xi32, #tpu.memory_space<vmem>> -> memref<1x128xi32, #tpu.memory_space<vmem>>
        %dma_start3A_31 = tpu.memref_squeeze %dma_start3A_30 : memref<1x128xi32, #tpu.memory_space<vmem>> -> memref<128xi32, #tpu.memory_space<vmem>>
        %dma_start3A_32 = arith.constant 0 : i32
        %dma_start3A_33 = arith.constant 0 : i32
        %dma_start3A_34 = tpu.memref_slice %arg4[%dma_start3A_32, %dma_start3A_33] : memref<10000x128xf32, #tpu.memory_space<hbm>> -> memref<10000x128xf32, #tpu.memory_space<hbm>>
        tpu.enqueue_indirect_dma source(%dma_start3A_34 : memref<10000x128xf32, #tpu.memory_space<hbm>>) target(%arg9 : memref<128x128xf32, #tpu.memory_space<vmem>>) offsets(%dma_start3A_31 : memref<128xi32, #tpu.memory_space<vmem>>) semaphore(%arg13 : memref<!tpu.dma_semaphore, #tpu.memory_space<semaphore_mem>>)
        %dma_start3A_35 = arith.constant 1 : i32
        %dma_start3A_36 = arith.constant 0 : i32
        %dma_start3A_37 = tpu.memref_slice %arg7[%dma_start3A_35, %dma_start3A_36] : memref<16x128xi32, #tpu.memory_space<vmem>> -> memref<1x128xi32, #tpu.memory_space<vmem>>
        %dma_start3A_38 = tpu.memref_squeeze %dma_start3A_37 : memref<1x128xi32, #tpu.memory_space<vmem>> -> memref<128xi32, #tpu.memory_space<vmem>>
        %dma_start3A_39 = arith.constant 0 : i32
        %dma_start3A_40 = arith.constant 0 : i32
        %dma_start3A_41 = tpu.memref_slice %arg4[%dma_start3A_39, %dma_start3A_40] : memref<10000x128xf32, #tpu.memory_space<hbm>> -> memref<10000x128xf32, #tpu.memory_space<hbm>>
        tpu.enqueue_indirect_dma source(%dma_start3A_41 : memref<10000x128xf32, #tpu.memory_space<hbm>>) target(%arg10 : memref<128x128xf32, #tpu.memory_space<vmem>>) offsets(%dma_start3A_38 : memref<128xi32, #tpu.memory_space<vmem>>) semaphore(%arg14 : memref<!tpu.dma_semaphore, #tpu.memory_space<semaphore_mem>>)
        %dma_wait3A = arith.constant 0 : i32
        %dma_wait3A_42 = arith.constant 0 : i32
        %dma_wait3A_43 = tpu.memref_slice %arg7[%dma_wait3A, %dma_wait3A_42] : memref<16x128xi32, #tpu.memory_space<vmem>> -> memref<1x128xi32, #tpu.memory_space<vmem>>
        %dma_wait3A_44 = tpu.memref_squeeze %dma_wait3A_43 : memref<1x128xi32, #tpu.memory_space<vmem>> -> memref<128xi32, #tpu.memory_space<vmem>>
        %dma_wait3A_45 = arith.constant 0 : i32
        %dma_wait3A_46 = arith.constant 0 : i32
        %dma_wait3A_47 = tpu.memref_slice %arg4[%dma_wait3A_45, %dma_wait3A_46] : memref<10000x128xf32, #tpu.memory_space<hbm>> -> memref<10000x128xf32, #tpu.memory_space<hbm>>
        tpu.wait_indirect_dma semaphore(%arg13 : memref<!tpu.dma_semaphore, #tpu.memory_space<semaphore_mem>>) src(%dma_wait3A_47 : memref<10000x128xf32, #tpu.memory_space<hbm>>) dst(%arg9 : memref<128x128xf32, #tpu.memory_space<vmem>>)
        %dma_start3A_48 = arith.constant 0 : i32
        %dma_start3A_49 = arith.constant 0 : i32
        %dma_start3A_50 = tpu.memref_slice %arg8[%dma_start3A_48, %dma_start3A_49] : memref<16x128xi32, #tpu.memory_space<vmem>> -> memref<1x128xi32, #tpu.memory_space<vmem>>
        %dma_start3A_51 = tpu.memref_squeeze %dma_start3A_50 : memref<1x128xi32, #tpu.memory_space<vmem>> -> memref<128xi32, #tpu.memory_space<vmem>>
        %dma_start3A_52 = arith.constant 0 : i32
        %dma_start3A_53 = arith.constant 0 : i32
        %dma_start3A_54 = tpu.memref_slice %arg12[%dma_start3A_52, %dma_start3A_53] : memref<10128x128xf32, #tpu.memory_space<vmem_shared>> -> memref<10128x128xf32, #tpu.memory_space<vmem_shared>>
        tpu.enqueue_indirect_dma source(%arg9 : memref<128x128xf32, #tpu.memory_space<vmem>>) target(%dma_start3A_54 : memref<10128x128xf32, #tpu.memory_space<vmem_shared>>) offsets(%dma_start3A_51 : memref<128xi32, #tpu.memory_space<vmem>>) semaphore(%arg15 : memref<!tpu.dma_semaphore, #tpu.memory_space<semaphore_mem>>) {add = true}
        %dma_wait3A_55 = arith.constant 0 : i32
        %dma_wait3A_56 = arith.constant 0 : i32
        %dma_wait3A_57 = tpu.memref_slice %arg8[%dma_wait3A_55, %dma_wait3A_56] : memref<16x128xi32, #tpu.memory_space<vmem>> -> memref<1x128xi32, #tpu.memory_space<vmem>>
        %dma_wait3A_58 = tpu.memref_squeeze %dma_wait3A_57 : memref<1x128xi32, #tpu.memory_space<vmem>> -> memref<128xi32, #tpu.memory_space<vmem>>
        %dma_wait3A_59 = arith.constant 0 : i32
        %dma_wait3A_60 = arith.constant 0 : i32
        %dma_wait3A_61 = tpu.memref_slice %arg12[%dma_wait3A_59, %dma_wait3A_60] : memref<10128x128xf32, #tpu.memory_space<vmem_shared>> -> memref<10128x128xf32, #tpu.memory_space<vmem_shared>>
        tpu.wait_indirect_dma semaphore(%arg15 : memref<!tpu.dma_semaphore, #tpu.memory_space<semaphore_mem>>) src(%arg9 : memref<128x128xf32, #tpu.memory_space<vmem>>) dst(%dma_wait3A_61 : memref<10128x128xf32, #tpu.memory_space<vmem_shared>>)
        %dma_start3A_62 = arith.constant 2 : i32
        %dma_start3A_63 = arith.constant 0 : i32
        %dma_start3A_64 = tpu.memref_slice %arg7[%dma_start3A_62, %dma_start3A_63] : memref<16x128xi32, #tpu.memory_space<vmem>> -> memref<1x128xi32, #tpu.memory_space<vmem>>
        %dma_start3A_65 = tpu.memref_squeeze %dma_start3A_64 : memref<1x128xi32, #tpu.memory_space<vmem>> -> memref<128xi32, #tpu.memory_space<vmem>>
        %dma_start3A_66 = arith.constant 0 : i32
        %dma_start3A_67 = arith.constant 0 : i32
        %dma_start3A_68 = tpu.memref_slice %arg4[%dma_start3A_66, %dma_start3A_67] : memref<10000x128xf32, #tpu.memory_space<hbm>> -> memref<10000x128xf32, #tpu.memory_space<hbm>>
        tpu.enqueue_indirect_dma source(%dma_start3A_68 : memref<10000x128xf32, #tpu.memory_space<hbm>>) target(%arg9 : memref<128x128xf32, #tpu.memory_space<vmem>>) offsets(%dma_start3A_65 : memref<128xi32, #tpu.memory_space<vmem>>) semaphore(%arg13 : memref<!tpu.dma_semaphore, #tpu.memory_space<semaphore_mem>>)
        %dma_wait3A_69 = arith.constant 1 : i32
        %dma_wait3A_70 = arith.constant 0 : i32
        %dma_wait3A_71 = tpu.memref_slice %arg7[%dma_wait3A_69, %dma_wait3A_70] : memref<16x128xi32, #tpu.memory_space<vmem>> -> memref<1x128xi32, #tpu.memory_space<vmem>>
        %dma_wait3A_72 = tpu.memref_squeeze %dma_wait3A_71 : memref<1x128xi32, #tpu.memory_space<vmem>> -> memref<128xi32, #tpu.memory_space<vmem>>
        %dma_wait3A_73 = arith.constant 0 : i32
        %dma_wait3A_74 = arith.constant 0 : i32
        %dma_wait3A_75 = tpu.memref_slice %arg4[%dma_wait3A_73, %dma_wait3A_74] : memref<10000x128xf32, #tpu.memory_space<hbm>> -> memref<10000x128xf32, #tpu.memory_space<hbm>>
        tpu.wait_indirect_dma semaphore(%arg14 : memref<!tpu.dma_semaphore, #tpu.memory_space<semaphore_mem>>) src(%dma_wait3A_75 : memref<10000x128xf32, #tpu.memory_space<hbm>>) dst(%arg10 : memref<128x128xf32, #tpu.memory_space<vmem>>)
        %dma_start3A_76 = arith.constant 1 : i32
        %dma_start3A_77 = arith.constant 0 : i32
        %dma_start3A_78 = tpu.memref_slice %arg8[%dma_start3A_76, %dma_start3A_77] : memref<16x128xi32, #tpu.memory_space<vmem>> -> memref<1x128xi32, #tpu.memory_space<vmem>>
        %dma_start3A_79 = tpu.memref_squeeze %dma_start3A_78 : memref<1x128xi32, #tpu.memory_space<vmem>> -> memref<128xi32, #tpu.memory_space<vmem>>
        %dma_start3A_80 = arith.constant 0 : i32
        %dma_start3A_81 = arith.constant 0 : i32
        %dma_start3A_82 = tpu.memref_slice %arg12[%dma_start3A_80, %dma_start3A_81] : memref<10128x128xf32, #tpu.memory_space<vmem_shared>> -> memref<10128x128xf32, #tpu.memory_space<vmem_shared>>
        tpu.enqueue_indirect_dma source(%arg10 : memref<128x128xf32, #tpu.memory_space<vmem>>) target(%dma_start3A_82 : memref<10128x128xf32, #tpu.memory_space<vmem_shared>>) offsets(%dma_start3A_79 : memref<128xi32, #tpu.memory_space<vmem>>) semaphore(%arg16 : memref<!tpu.dma_semaphore, #tpu.memory_space<semaphore_mem>>) {add = true}
        %dma_wait3A_83 = arith.constant 1 : i32
        %dma_wait3A_84 = arith.constant 0 : i32
        %dma_wait3A_85 = tpu.memref_slice %arg8[%dma_wait3A_83, %dma_wait3A_84] : memref<16x128xi32, #tpu.memory_space<vmem>> -> memref<1x128xi32, #tpu.memory_space<vmem>>
        %dma_wait3A_86 = tpu.memref_squeeze %dma_wait3A_85 : memref<1x128xi32, #tpu.memory_space<vmem>> -> memref<128xi32, #tpu.memory_space<vmem>>
        %dma_wait3A_87 = arith.constant 0 : i32
        %dma_wait3A_88 = arith.constant 0 : i32
        %dma_wait3A_89 = tpu.memref_slice %arg12[%dma_wait3A_87, %dma_wait3A_88] : memref<10128x128xf32, #tpu.memory_space<vmem_shared>> -> memref<10128x128xf32, #tpu.memory_space<vmem_shared>>
        tpu.wait_indirect_dma semaphore(%arg16 : memref<!tpu.dma_semaphore, #tpu.memory_space<semaphore_mem>>) src(%arg10 : memref<128x128xf32, #tpu.memory_space<vmem>>) dst(%dma_wait3A_89 : memref<10128x128xf32, #tpu.memory_space<vmem_shared>>)
        %dma_start3A_90 = arith.constant 3 : i32
        %dma_start3A_91 = arith.constant 0 : i32
        %dma_start3A_92 = tpu.memref_slice %arg7[%dma_start3A_90, %dma_start3A_91] : memref<16x128xi32, #tpu.memory_space<vmem>> -> memref<1x128xi32, #tpu.memory_space<vmem>>
        %dma_start3A_93 = tpu.memref_squeeze %dma_start3A_92 : memref<1x128xi32, #tpu.memory_space<vmem>> -> memref<128xi32, #tpu.memory_space<vmem>>
        %dma_start3A_94 = arith.constant 0 : i32
        %dma_start3A_95 = arith.constant 0 : i32
        %dma_start3A_96 = tpu.memref_slice %arg4[%dma_start3A_94, %dma_start3A_95] : memref<10000x128xf32, #tpu.memory_space<hbm>> -> memref<10000x128xf32, #tpu.memory_space<hbm>>
        tpu.enqueue_indirect_dma source(%dma_start3A_96 : memref<10000x128xf32, #tpu.memory_space<hbm>>) target(%arg10 : memref<128x128xf32, #tpu.memory_space<vmem>>) offsets(%dma_start3A_93 : memref<128xi32, #tpu.memory_space<vmem>>) semaphore(%arg14 : memref<!tpu.dma_semaphore, #tpu.memory_space<semaphore_mem>>)
        %dma_wait3A_97 = arith.constant 2 : i32
        %dma_wait3A_98 = arith.constant 0 : i32
        %dma_wait3A_99 = tpu.memref_slice %arg7[%dma_wait3A_97, %dma_wait3A_98] : memref<16x128xi32, #tpu.memory_space<vmem>> -> memref<1x128xi32, #tpu.memory_space<vmem>>
        %dma_wait3A_100 = tpu.memref_squeeze %dma_wait3A_99 : memref<1x128xi32, #tpu.memory_space<vmem>> -> memref<128xi32, #tpu.memory_space<vmem>>
        %dma_wait3A_101 = arith.constant 0 : i32
        %dma_wait3A_102 = arith.constant 0 : i32
        %dma_wait3A_103 = tpu.memref_slice %arg4[%dma_wait3A_101, %dma_wait3A_102] : memref<10000x128xf32, #tpu.memory_space<hbm>> -> memref<10000x128xf32, #tpu.memory_space<hbm>>
        tpu.wait_indirect_dma semaphore(%arg13 : memref<!tpu.dma_semaphore, #tpu.memory_space<semaphore_mem>>) src(%dma_wait3A_103 : memref<10000x128xf32, #tpu.memory_space<hbm>>) dst(%arg9 : memref<128x128xf32, #tpu.memory_space<vmem>>)
        %dma_start3A_104 = arith.constant 2 : i32
        %dma_start3A_105 = arith.constant 0 : i32
        %dma_start3A_106 = tpu.memref_slice %arg8[%dma_start3A_104, %dma_start3A_105] : memref<16x128xi32, #tpu.memory_space<vmem>> -> memref<1x128xi32, #tpu.memory_space<vmem>>
        %dma_start3A_107 = tpu.memref_squeeze %dma_start3A_106 : memref<1x128xi32, #tpu.memory_space<vmem>> -> memref<128xi32, #tpu.memory_space<vmem>>
        %dma_start3A_108 = arith.constant 0 : i32
        %dma_start3A_109 = arith.constant 0 : i32
        %dma_start3A_110 = tpu.memref_slice %arg12[%dma_start3A_108, %dma_start3A_109] : memref<10128x128xf32, #tpu.memory_space<vmem_shared>> -> memref<10128x128xf32, #tpu.memory_space<vmem_shared>>
        tpu.enqueue_indirect_dma source(%arg9 : memref<128x128xf32, #tpu.memory_space<vmem>>) target(%dma_start3A_110 : memref<10128x128xf32, #tpu.memory_space<vmem_shared>>) offsets(%dma_start3A_107 : memref<128xi32, #tpu.memory_space<vmem>>) semaphore(%arg15 : memref<!tpu.dma_semaphore, #tpu.memory_space<semaphore_mem>>) {add = true}
        %dma_wait3A_111 = arith.constant 2 : i32
        %dma_wait3A_112 = arith.constant 0 : i32
        %dma_wait3A_113 = tpu.memref_slice %arg8[%dma_wait3A_111, %dma_wait3A_112] : memref<16x128xi32, #tpu.memory_space<vmem>> -> memref<1x128xi32, #tpu.memory_space<vmem>>
        %dma_wait3A_114 = tpu.memref_squeeze %dma_wait3A_113 : memref<1x128xi32, #tpu.memory_space<vmem>> -> memref<128xi32, #tpu.memory_space<vmem>>
        %dma_wait3A_115 = arith.constant 0 : i32
        %dma_wait3A_116 = arith.constant 0 : i32
        %dma_wait3A_117 = tpu.memref_slice %arg12[%dma_wait3A_115, %dma_wait3A_116] : memref<10128x128xf32, #tpu.memory_space<vmem_shared>> -> memref<10128x128xf32, #tpu.memory_space<vmem_shared>>
        tpu.wait_indirect_dma semaphore(%arg15 : memref<!tpu.dma_semaphore, #tpu.memory_space<semaphore_mem>>) src(%arg9 : memref<128x128xf32, #tpu.memory_space<vmem>>) dst(%dma_wait3A_117 : memref<10128x128xf32, #tpu.memory_space<vmem_shared>>)
        %dma_start3A_118 = arith.constant 4 : i32
        %dma_start3A_119 = arith.constant 0 : i32
        %dma_start3A_120 = tpu.memref_slice %arg7[%dma_start3A_118, %dma_start3A_119] : memref<16x128xi32, #tpu.memory_space<vmem>> -> memref<1x128xi32, #tpu.memory_space<vmem>>
        %dma_start3A_121 = tpu.memref_squeeze %dma_start3A_120 : memref<1x128xi32, #tpu.memory_space<vmem>> -> memref<128xi32, #tpu.memory_space<vmem>>
        %dma_start3A_122 = arith.constant 0 : i32
        %dma_start3A_123 = arith.constant 0 : i32
        %dma_start3A_124 = tpu.memref_slice %arg4[%dma_start3A_122, %dma_start3A_123] : memref<10000x128xf32, #tpu.memory_space<hbm>> -> memref<10000x128xf32, #tpu.memory_space<hbm>>
        tpu.enqueue_indirect_dma source(%dma_start3A_124 : memref<10000x128xf32, #tpu.memory_space<hbm>>) target(%arg9 : memref<128x128xf32, #tpu.memory_space<vmem>>) offsets(%dma_start3A_121 : memref<128xi32, #tpu.memory_space<vmem>>) semaphore(%arg13 : memref<!tpu.dma_semaphore, #tpu.memory_space<semaphore_mem>>)
        %dma_wait3A_125 = arith.constant 3 : i32
        %dma_wait3A_126 = arith.constant 0 : i32
        %dma_wait3A_127 = tpu.memref_slice %arg7[%dma_wait3A_125, %dma_wait3A_126] : memref<16x128xi32, #tpu.memory_space<vmem>> -> memref<1x128xi32, #tpu.memory_space<vmem>>
        %dma_wait3A_128 = tpu.memref_squeeze %dma_wait3A_127 : memref<1x128xi32, #tpu.memory_space<vmem>> -> memref<128xi32, #tpu.memory_space<vmem>>
        %dma_wait3A_129 = arith.constant 0 : i32
        %dma_wait3A_130 = arith.constant 0 : i32
        %dma_wait3A_131 = tpu.memref_slice %arg4[%dma_wait3A_129, %dma_wait3A_130] : memref<10000x128xf32, #tpu.memory_space<hbm>> -> memref<10000x128xf32, #tpu.memory_space<hbm>>
        tpu.wait_indirect_dma semaphore(%arg14 : memref<!tpu.dma_semaphore, #tpu.memory_space<semaphore_mem>>) src(%dma_wait3A_131 : memref<10000x128xf32, #tpu.memory_space<hbm>>) dst(%arg10 : memref<128x128xf32, #tpu.memory_space<vmem>>)
        %dma_start3A_132 = arith.constant 3 : i32
        %dma_start3A_133 = arith.constant 0 : i32
        %dma_start3A_134 = tpu.memref_slice %arg8[%dma_start3A_132, %dma_start3A_133] : memref<16x128xi32, #tpu.memory_space<vmem>> -> memref<1x128xi32, #tpu.memory_space<vmem>>
        %dma_start3A_135 = tpu.memref_squeeze %dma_start3A_134 : memref<1x128xi32, #tpu.memory_space<vmem>> -> memref<128xi32, #tpu.memory_space<vmem>>
        %dma_start3A_136 = arith.constant 0 : i32
        %dma_start3A_137 = arith.constant 0 : i32
        %dma_start3A_138 = tpu.memref_slice %arg12[%dma_start3A_136, %dma_start3A_137] : memref<10128x128xf32, #tpu.memory_space<vmem_shared>> -> memref<10128x128xf32, #tpu.memory_space<vmem_shared>>
        tpu.enqueue_indirect_dma source(%arg10 : memref<128x128xf32, #tpu.memory_space<vmem>>) target(%dma_start3A_138 : memref<10128x128xf32, #tpu.memory_space<vmem_shared>>) offsets(%dma_start3A_135 : memref<128xi32, #tpu.memory_space<vmem>>) semaphore(%arg16 : memref<!tpu.dma_semaphore, #tpu.memory_space<semaphore_mem>>) {add = true}
        %dma_wait3A_139 = arith.constant 3 : i32
        %dma_wait3A_140 = arith.constant 0 : i32
        %dma_wait3A_141 = tpu.memref_slice %arg8[%dma_wait3A_139, %dma_wait3A_140] : memref<16x128xi32, #tpu.memory_space<vmem>> -> memref<1x128xi32, #tpu.memory_space<vmem>>
        %dma_wait3A_142 = tpu.memref_squeeze %dma_wait3A_141 : memref<1x128xi32, #tpu.memory_space<vmem>> -> memref<128xi32, #tpu.memory_space<vmem>>
        %dma_wait3A_143 = arith.constant 0 : i32
        %dma_wait3A_144 = arith.constant 0 : i32
        %dma_wait3A_145 = tpu.memref_slice %arg12[%dma_wait3A_143, %dma_wait3A_144] : memref<10128x128xf32, #tpu.memory_space<vmem_shared>> -> memref<10128x128xf32, #tpu.memory_space<vmem_shared>>
        tpu.wait_indirect_dma semaphore(%arg16 : memref<!tpu.dma_semaphore, #tpu.memory_space<semaphore_mem>>) src(%arg10 : memref<128x128xf32, #tpu.memory_space<vmem>>) dst(%dma_wait3A_145 : memref<10128x128xf32, #tpu.memory_space<vmem_shared>>)
        %dma_start3A_146 = arith.constant 5 : i32
        %dma_start3A_147 = arith.constant 0 : i32
        %dma_start3A_148 = tpu.memref_slice %arg7[%dma_start3A_146, %dma_start3A_147] : memref<16x128xi32, #tpu.memory_space<vmem>> -> memref<1x128xi32, #tpu.memory_space<vmem>>
        %dma_start3A_149 = tpu.memref_squeeze %dma_start3A_148 : memref<1x128xi32, #tpu.memory_space<vmem>> -> memref<128xi32, #tpu.memory_space<vmem>>
        %dma_start3A_150 = arith.constant 0 : i32
        %dma_start3A_151 = arith.constant 0 : i32
        %dma_start3A_152 = tpu.memref_slice %arg4[%dma_start3A_150, %dma_start3A_151] : memref<10000x128xf32, #tpu.memory_space<hbm>> -> memref<10000x128xf32, #tpu.memory_space<hbm>>
        tpu.enqueue_indirect_dma source(%dma_start3A_152 : memref<10000x128xf32, #tpu.memory_space<hbm>>) target(%arg10 : memref<128x128xf32, #tpu.memory_space<vmem>>) offsets(%dma_start3A_149 : memref<128xi32, #tpu.memory_space<vmem>>) semaphore(%arg14 : memref<!tpu.dma_semaphore, #tpu.memory_space<semaphore_mem>>)
        %dma_wait3A_153 = arith.constant 4 : i32
        %dma_wait3A_154 = arith.constant 0 : i32
        %dma_wait3A_155 = tpu.memref_slice %arg7[%dma_wait3A_153, %dma_wait3A_154] : memref<16x128xi32, #tpu.memory_space<vmem>> -> memref<1x128xi32, #tpu.memory_space<vmem>>
        %dma_wait3A_156 = tpu.memref_squeeze %dma_wait3A_155 : memref<1x128xi32, #tpu.memory_space<vmem>> -> memref<128xi32, #tpu.memory_space<vmem>>
        %dma_wait3A_157 = arith.constant 0 : i32
        %dma_wait3A_158 = arith.constant 0 : i32
        %dma_wait3A_159 = tpu.memref_slice %arg4[%dma_wait3A_157, %dma_wait3A_158] : memref<10000x128xf32, #tpu.memory_space<hbm>> -> memref<10000x128xf32, #tpu.memory_space<hbm>>
        tpu.wait_indirect_dma semaphore(%arg13 : memref<!tpu.dma_semaphore, #tpu.memory_space<semaphore_mem>>) src(%dma_wait3A_159 : memref<10000x128xf32, #tpu.memory_space<hbm>>) dst(%arg9 : memref<128x128xf32, #tpu.memory_space<vmem>>)
        %dma_start3A_160 = arith.constant 4 : i32
        %dma_start3A_161 = arith.constant 0 : i32
        %dma_start3A_162 = tpu.memref_slice %arg8[%dma_start3A_160, %dma_start3A_161] : memref<16x128xi32, #tpu.memory_space<vmem>> -> memref<1x128xi32, #tpu.memory_space<vmem>>
        %dma_start3A_163 = tpu.memref_squeeze %dma_start3A_162 : memref<1x128xi32, #tpu.memory_space<vmem>> -> memref<128xi32, #tpu.memory_space<vmem>>
        %dma_start3A_164 = arith.constant 0 : i32
        %dma_start3A_165 = arith.constant 0 : i32
        %dma_start3A_166 = tpu.memref_slice %arg12[%dma_start3A_164, %dma_start3A_165] : memref<10128x128xf32, #tpu.memory_space<vmem_shared>> -> memref<10128x128xf32, #tpu.memory_space<vmem_shared>>
        tpu.enqueue_indirect_dma source(%arg9 : memref<128x128xf32, #tpu.memory_space<vmem>>) target(%dma_start3A_166 : memref<10128x128xf32, #tpu.memory_space<vmem_shared>>) offsets(%dma_start3A_163 : memref<128xi32, #tpu.memory_space<vmem>>) semaphore(%arg15 : memref<!tpu.dma_semaphore, #tpu.memory_space<semaphore_mem>>) {add = true}
        %dma_wait3A_167 = arith.constant 4 : i32
        %dma_wait3A_168 = arith.constant 0 : i32
        %dma_wait3A_169 = tpu.memref_slice %arg8[%dma_wait3A_167, %dma_wait3A_168] : memref<16x128xi32, #tpu.memory_space<vmem>> -> memref<1x128xi32, #tpu.memory_space<vmem>>
        %dma_wait3A_170 = tpu.memref_squeeze %dma_wait3A_169 : memref<1x128xi32, #tpu.memory_space<vmem>> -> memref<128xi32, #tpu.memory_space<vmem>>
        %dma_wait3A_171 = arith.constant 0 : i32
        %dma_wait3A_172 = arith.constant 0 : i32
        %dma_wait3A_173 = tpu.memref_slice %arg12[%dma_wait3A_171, %dma_wait3A_172] : memref<10128x128xf32, #tpu.memory_space<vmem_shared>> -> memref<10128x128xf32, #tpu.memory_space<vmem_shared>>
        tpu.wait_indirect_dma semaphore(%arg15 : memref<!tpu.dma_semaphore, #tpu.memory_space<semaphore_mem>>) src(%arg9 : memref<128x128xf32, #tpu.memory_space<vmem>>) dst(%dma_wait3A_173 : memref<10128x128xf32, #tpu.memory_space<vmem_shared>>)
        %dma_start3A_174 = arith.constant 6 : i32
        %dma_start3A_175 = arith.constant 0 : i32
        %dma_start3A_176 = tpu.memref_slice %arg7[%dma_start3A_174, %dma_start3A_175] : memref<16x128xi32, #tpu.memory_space<vmem>> -> memref<1x128xi32, #tpu.memory_space<vmem>>
        %dma_start3A_177 = tpu.memref_squeeze %dma_start3A_176 : memref<1x128xi32, #tpu.memory_space<vmem>> -> memref<128xi32, #tpu.memory_space<vmem>>
        %dma_start3A_178 = arith.constant 0 : i32
        %dma_start3A_179 = arith.constant 0 : i32
        %dma_start3A_180 = tpu.memref_slice %arg4[%dma_start3A_178, %dma_start3A_179] : memref<10000x128xf32, #tpu.memory_space<hbm>> -> memref<10000x128xf32, #tpu.memory_space<hbm>>
        tpu.enqueue_indirect_dma source(%dma_start3A_180 : memref<10000x128xf32, #tpu.memory_space<hbm>>) target(%arg9 : memref<128x128xf32, #tpu.memory_space<vmem>>) offsets(%dma_start3A_177 : memref<128xi32, #tpu.memory_space<vmem>>) semaphore(%arg13 : memref<!tpu.dma_semaphore, #tpu.memory_space<semaphore_mem>>)
        %dma_wait3A_181 = arith.constant 5 : i32
        %dma_wait3A_182 = arith.constant 0 : i32
        %dma_wait3A_183 = tpu.memref_slice %arg7[%dma_wait3A_181, %dma_wait3A_182] : memref<16x128xi32, #tpu.memory_space<vmem>> -> memref<1x128xi32, #tpu.memory_space<vmem>>
        %dma_wait3A_184 = tpu.memref_squeeze %dma_wait3A_183 : memref<1x128xi32, #tpu.memory_space<vmem>> -> memref<128xi32, #tpu.memory_space<vmem>>
        %dma_wait3A_185 = arith.constant 0 : i32
        %dma_wait3A_186 = arith.constant 0 : i32
        %dma_wait3A_187 = tpu.memref_slice %arg4[%dma_wait3A_185, %dma_wait3A_186] : memref<10000x128xf32, #tpu.memory_space<hbm>> -> memref<10000x128xf32, #tpu.memory_space<hbm>>
        tpu.wait_indirect_dma semaphore(%arg14 : memref<!tpu.dma_semaphore, #tpu.memory_space<semaphore_mem>>) src(%dma_wait3A_187 : memref<10000x128xf32, #tpu.memory_space<hbm>>) dst(%arg10 : memref<128x128xf32, #tpu.memory_space<vmem>>)
        %dma_start3A_188 = arith.constant 5 : i32
        %dma_start3A_189 = arith.constant 0 : i32
        %dma_start3A_190 = tpu.memref_slice %arg8[%dma_start3A_188, %dma_start3A_189] : memref<16x128xi32, #tpu.memory_space<vmem>> -> memref<1x128xi32, #tpu.memory_space<vmem>>
        %dma_start3A_191 = tpu.memref_squeeze %dma_start3A_190 : memref<1x128xi32, #tpu.memory_space<vmem>> -> memref<128xi32, #tpu.memory_space<vmem>>
        %dma_start3A_192 = arith.constant 0 : i32
        %dma_start3A_193 = arith.constant 0 : i32
        %dma_start3A_194 = tpu.memref_slice %arg12[%dma_start3A_192, %dma_start3A_193] : memref<10128x128xf32, #tpu.memory_space<vmem_shared>> -> memref<10128x128xf32, #tpu.memory_space<vmem_shared>>
        tpu.enqueue_indirect_dma source(%arg10 : memref<128x128xf32, #tpu.memory_space<vmem>>) target(%dma_start3A_194 : memref<10128x128xf32, #tpu.memory_space<vmem_shared>>) offsets(%dma_start3A_191 : memref<128xi32, #tpu.memory_space<vmem>>) semaphore(%arg16 : memref<!tpu.dma_semaphore, #tpu.memory_space<semaphore_mem>>) {add = true}
        %dma_wait3A_195 = arith.constant 5 : i32
        %dma_wait3A_196 = arith.constant 0 : i32
        %dma_wait3A_197 = tpu.memref_slice %arg8[%dma_wait3A_195, %dma_wait3A_196] : memref<16x128xi32, #tpu.memory_space<vmem>> -> memref<1x128xi32, #tpu.memory_space<vmem>>
        %dma_wait3A_198 = tpu.memref_squeeze %dma_wait3A_197 : memref<1x128xi32, #tpu.memory_space<vmem>> -> memref<128xi32, #tpu.memory_space<vmem>>
        %dma_wait3A_199 = arith.constant 0 : i32
        %dma_wait3A_200 = arith.constant 0 : i32
        %dma_wait3A_201 = tpu.memref_slice %arg12[%dma_wait3A_199, %dma_wait3A_200] : memref<10128x128xf32, #tpu.memory_space<vmem_shared>> -> memref<10128x128xf32, #tpu.memory_space<vmem_shared>>
        tpu.wait_indirect_dma semaphore(%arg16 : memref<!tpu.dma_semaphore, #tpu.memory_space<semaphore_mem>>) src(%arg10 : memref<128x128xf32, #tpu.memory_space<vmem>>) dst(%dma_wait3A_201 : memref<10128x128xf32, #tpu.memory_space<vmem_shared>>)
        %dma_start3A_202 = arith.constant 7 : i32
        %dma_start3A_203 = arith.constant 0 : i32
        %dma_start3A_204 = tpu.memref_slice %arg7[%dma_start3A_202, %dma_start3A_203] : memref<16x128xi32, #tpu.memory_space<vmem>> -> memref<1x128xi32, #tpu.memory_space<vmem>>
        %dma_start3A_205 = tpu.memref_squeeze %dma_start3A_204 : memref<1x128xi32, #tpu.memory_space<vmem>> -> memref<128xi32, #tpu.memory_space<vmem>>
        %dma_start3A_206 = arith.constant 0 : i32
        %dma_start3A_207 = arith.constant 0 : i32
        %dma_start3A_208 = tpu.memref_slice %arg4[%dma_start3A_206, %dma_start3A_207] : memref<10000x128xf32, #tpu.memory_space<hbm>> -> memref<10000x128xf32, #tpu.memory_space<hbm>>
        tpu.enqueue_indirect_dma source(%dma_start3A_208 : memref<10000x128xf32, #tpu.memory_space<hbm>>) target(%arg10 : memref<128x128xf32, #tpu.memory_space<vmem>>) offsets(%dma_start3A_205 : memref<128xi32, #tpu.memory_space<vmem>>) semaphore(%arg14 : memref<!tpu.dma_semaphore, #tpu.memory_space<semaphore_mem>>)
        %dma_wait3A_209 = arith.constant 6 : i32
        %dma_wait3A_210 = arith.constant 0 : i32
        %dma_wait3A_211 = tpu.memref_slice %arg7[%dma_wait3A_209, %dma_wait3A_210] : memref<16x128xi32, #tpu.memory_space<vmem>> -> memref<1x128xi32, #tpu.memory_space<vmem>>
        %dma_wait3A_212 = tpu.memref_squeeze %dma_wait3A_211 : memref<1x128xi32, #tpu.memory_space<vmem>> -> memref<128xi32, #tpu.memory_space<vmem>>
        %dma_wait3A_213 = arith.constant 0 : i32
        %dma_wait3A_214 = arith.constant 0 : i32
        %dma_wait3A_215 = tpu.memref_slice %arg4[%dma_wait3A_213, %dma_wait3A_214] : memref<10000x128xf32, #tpu.memory_space<hbm>> -> memref<10000x128xf32, #tpu.memory_space<hbm>>
        tpu.wait_indirect_dma semaphore(%arg13 : memref<!tpu.dma_semaphore, #tpu.memory_space<semaphore_mem>>) src(%dma_wait3A_215 : memref<10000x128xf32, #tpu.memory_space<hbm>>) dst(%arg9 : memref<128x128xf32, #tpu.memory_space<vmem>>)
        %dma_start3A_216 = arith.constant 6 : i32
        %dma_start3A_217 = arith.constant 0 : i32
        %dma_start3A_218 = tpu.memref_slice %arg8[%dma_start3A_216, %dma_start3A_217] : memref<16x128xi32, #tpu.memory_space<vmem>> -> memref<1x128xi32, #tpu.memory_space<vmem>>
        %dma_start3A_219 = tpu.memref_squeeze %dma_start3A_218 : memref<1x128xi32, #tpu.memory_space<vmem>> -> memref<128xi32, #tpu.memory_space<vmem>>
        %dma_start3A_220 = arith.constant 0 : i32
        %dma_start3A_221 = arith.constant 0 : i32
        %dma_start3A_222 = tpu.memref_slice %arg12[%dma_start3A_220, %dma_start3A_221] : memref<10128x128xf32, #tpu.memory_space<vmem_shared>> -> memref<10128x128xf32, #tpu.memory_space<vmem_shared>>
        tpu.enqueue_indirect_dma source(%arg9 : memref<128x128xf32, #tpu.memory_space<vmem>>) target(%dma_start3A_222 : memref<10128x128xf32, #tpu.memory_space<vmem_shared>>) offsets(%dma_start3A_219 : memref<128xi32, #tpu.memory_space<vmem>>) semaphore(%arg15 : memref<!tpu.dma_semaphore, #tpu.memory_space<semaphore_mem>>) {add = true}
        %dma_wait3A_223 = arith.constant 6 : i32
        %dma_wait3A_224 = arith.constant 0 : i32
        %dma_wait3A_225 = tpu.memref_slice %arg8[%dma_wait3A_223, %dma_wait3A_224] : memref<16x128xi32, #tpu.memory_space<vmem>> -> memref<1x128xi32, #tpu.memory_space<vmem>>
        %dma_wait3A_226 = tpu.memref_squeeze %dma_wait3A_225 : memref<1x128xi32, #tpu.memory_space<vmem>> -> memref<128xi32, #tpu.memory_space<vmem>>
        %dma_wait3A_227 = arith.constant 0 : i32
        %dma_wait3A_228 = arith.constant 0 : i32
        %dma_wait3A_229 = tpu.memref_slice %arg12[%dma_wait3A_227, %dma_wait3A_228] : memref<10128x128xf32, #tpu.memory_space<vmem_shared>> -> memref<10128x128xf32, #tpu.memory_space<vmem_shared>>
        tpu.wait_indirect_dma semaphore(%arg15 : memref<!tpu.dma_semaphore, #tpu.memory_space<semaphore_mem>>) src(%arg9 : memref<128x128xf32, #tpu.memory_space<vmem>>) dst(%dma_wait3A_229 : memref<10128x128xf32, #tpu.memory_space<vmem_shared>>)
        %dma_start3A_230 = arith.constant 8 : i32
        %dma_start3A_231 = arith.constant 0 : i32
        %dma_start3A_232 = tpu.memref_slice %arg7[%dma_start3A_230, %dma_start3A_231] : memref<16x128xi32, #tpu.memory_space<vmem>> -> memref<1x128xi32, #tpu.memory_space<vmem>>
        %dma_start3A_233 = tpu.memref_squeeze %dma_start3A_232 : memref<1x128xi32, #tpu.memory_space<vmem>> -> memref<128xi32, #tpu.memory_space<vmem>>
        %dma_start3A_234 = arith.constant 0 : i32
        %dma_start3A_235 = arith.constant 0 : i32
        %dma_start3A_236 = tpu.memref_slice %arg4[%dma_start3A_234, %dma_start3A_235] : memref<10000x128xf32, #tpu.memory_space<hbm>> -> memref<10000x128xf32, #tpu.memory_space<hbm>>
        tpu.enqueue_indirect_dma source(%dma_start3A_236 : memref<10000x128xf32, #tpu.memory_space<hbm>>) target(%arg9 : memref<128x128xf32, #tpu.memory_space<vmem>>) offsets(%dma_start3A_233 : memref<128xi32, #tpu.memory_space<vmem>>) semaphore(%arg13 : memref<!tpu.dma_semaphore, #tpu.memory_space<semaphore_mem>>)
        %dma_wait3A_237 = arith.constant 7 : i32
        %dma_wait3A_238 = arith.constant 0 : i32
        %dma_wait3A_239 = tpu.memref_slice %arg7[%dma_wait3A_237, %dma_wait3A_238] : memref<16x128xi32, #tpu.memory_space<vmem>> -> memref<1x128xi32, #tpu.memory_space<vmem>>
        %dma_wait3A_240 = tpu.memref_squeeze %dma_wait3A_239 : memref<1x128xi32, #tpu.memory_space<vmem>> -> memref<128xi32, #tpu.memory_space<vmem>>
        %dma_wait3A_241 = arith.constant 0 : i32
        %dma_wait3A_242 = arith.constant 0 : i32
        %dma_wait3A_243 = tpu.memref_slice %arg4[%dma_wait3A_241, %dma_wait3A_242] : memref<10000x128xf32, #tpu.memory_space<hbm>> -> memref<10000x128xf32, #tpu.memory_space<hbm>>
        tpu.wait_indirect_dma semaphore(%arg14 : memref<!tpu.dma_semaphore, #tpu.memory_space<semaphore_mem>>) src(%dma_wait3A_243 : memref<10000x128xf32, #tpu.memory_space<hbm>>) dst(%arg10 : memref<128x128xf32, #tpu.memory_space<vmem>>)
        %dma_start3A_244 = arith.constant 7 : i32
        %dma_start3A_245 = arith.constant 0 : i32
        %dma_start3A_246 = tpu.memref_slice %arg8[%dma_start3A_244, %dma_start3A_245] : memref<16x128xi32, #tpu.memory_space<vmem>> -> memref<1x128xi32, #tpu.memory_space<vmem>>
        %dma_start3A_247 = tpu.memref_squeeze %dma_start3A_246 : memref<1x128xi32, #tpu.memory_space<vmem>> -> memref<128xi32, #tpu.memory_space<vmem>>
        %dma_start3A_248 = arith.constant 0 : i32
        %dma_start3A_249 = arith.constant 0 : i32
        %dma_start3A_250 = tpu.memref_slice %arg12[%dma_start3A_248, %dma_start3A_249] : memref<10128x128xf32, #tpu.memory_space<vmem_shared>> -> memref<10128x128xf32, #tpu.memory_space<vmem_shared>>
        tpu.enqueue_indirect_dma source(%arg10 : memref<128x128xf32, #tpu.memory_space<vmem>>) target(%dma_start3A_250 : memref<10128x128xf32, #tpu.memory_space<vmem_shared>>) offsets(%dma_start3A_247 : memref<128xi32, #tpu.memory_space<vmem>>) semaphore(%arg16 : memref<!tpu.dma_semaphore, #tpu.memory_space<semaphore_mem>>) {add = true}
        %dma_wait3A_251 = arith.constant 7 : i32
        %dma_wait3A_252 = arith.constant 0 : i32
        %dma_wait3A_253 = tpu.memref_slice %arg8[%dma_wait3A_251, %dma_wait3A_252] : memref<16x128xi32, #tpu.memory_space<vmem>> -> memref<1x128xi32, #tpu.memory_space<vmem>>
        %dma_wait3A_254 = tpu.memref_squeeze %dma_wait3A_253 : memref<1x128xi32, #tpu.memory_space<vmem>> -> memref<128xi32, #tpu.memory_space<vmem>>
        %dma_wait3A_255 = arith.constant 0 : i32
        %dma_wait3A_256 = arith.constant 0 : i32
        %dma_wait3A_257 = tpu.memref_slice %arg12[%dma_wait3A_255, %dma_wait3A_256] : memref<10128x128xf32, #tpu.memory_space<vmem_shared>> -> memref<10128x128xf32, #tpu.memory_space<vmem_shared>>
        tpu.wait_indirect_dma semaphore(%arg16 : memref<!tpu.dma_semaphore, #tpu.memory_space<semaphore_mem>>) src(%arg10 : memref<128x128xf32, #tpu.memory_space<vmem>>) dst(%dma_wait3A_257 : memref<10128x128xf32, #tpu.memory_space<vmem_shared>>)
        %dma_start3A_258 = arith.constant 9 : i32
        %dma_start3A_259 = arith.constant 0 : i32
        %dma_start3A_260 = tpu.memref_slice %arg7[%dma_start3A_258, %dma_start3A_259] : memref<16x128xi32, #tpu.memory_space<vmem>> -> memref<1x128xi32, #tpu.memory_space<vmem>>
        %dma_start3A_261 = tpu.memref_squeeze %dma_start3A_260 : memref<1x128xi32, #tpu.memory_space<vmem>> -> memref<128xi32, #tpu.memory_space<vmem>>
        %dma_start3A_262 = arith.constant 0 : i32
        %dma_start3A_263 = arith.constant 0 : i32
        %dma_start3A_264 = tpu.memref_slice %arg4[%dma_start3A_262, %dma_start3A_263] : memref<10000x128xf32, #tpu.memory_space<hbm>> -> memref<10000x128xf32, #tpu.memory_space<hbm>>
        tpu.enqueue_indirect_dma source(%dma_start3A_264 : memref<10000x128xf32, #tpu.memory_space<hbm>>) target(%arg10 : memref<128x128xf32, #tpu.memory_space<vmem>>) offsets(%dma_start3A_261 : memref<128xi32, #tpu.memory_space<vmem>>) semaphore(%arg14 : memref<!tpu.dma_semaphore, #tpu.memory_space<semaphore_mem>>)
        %dma_wait3A_265 = arith.constant 8 : i32
        %dma_wait3A_266 = arith.constant 0 : i32
        %dma_wait3A_267 = tpu.memref_slice %arg7[%dma_wait3A_265, %dma_wait3A_266] : memref<16x128xi32, #tpu.memory_space<vmem>> -> memref<1x128xi32, #tpu.memory_space<vmem>>
        %dma_wait3A_268 = tpu.memref_squeeze %dma_wait3A_267 : memref<1x128xi32, #tpu.memory_space<vmem>> -> memref<128xi32, #tpu.memory_space<vmem>>
        %dma_wait3A_269 = arith.constant 0 : i32
        %dma_wait3A_270 = arith.constant 0 : i32
        %dma_wait3A_271 = tpu.memref_slice %arg4[%dma_wait3A_269, %dma_wait3A_270] : memref<10000x128xf32, #tpu.memory_space<hbm>> -> memref<10000x128xf32, #tpu.memory_space<hbm>>
        tpu.wait_indirect_dma semaphore(%arg13 : memref<!tpu.dma_semaphore, #tpu.memory_space<semaphore_mem>>) src(%dma_wait3A_271 : memref<10000x128xf32, #tpu.memory_space<hbm>>) dst(%arg9 : memref<128x128xf32, #tpu.memory_space<vmem>>)
        %dma_start3A_272 = arith.constant 8 : i32
        %dma_start3A_273 = arith.constant 0 : i32
        %dma_start3A_274 = tpu.memref_slice %arg8[%dma_start3A_272, %dma_start3A_273] : memref<16x128xi32, #tpu.memory_space<vmem>> -> memref<1x128xi32, #tpu.memory_space<vmem>>
        %dma_start3A_275 = tpu.memref_squeeze %dma_start3A_274 : memref<1x128xi32, #tpu.memory_space<vmem>> -> memref<128xi32, #tpu.memory_space<vmem>>
        %dma_start3A_276 = arith.constant 0 : i32
        %dma_start3A_277 = arith.constant 0 : i32
        %dma_start3A_278 = tpu.memref_slice %arg12[%dma_start3A_276, %dma_start3A_277] : memref<10128x128xf32, #tpu.memory_space<vmem_shared>> -> memref<10128x128xf32, #tpu.memory_space<vmem_shared>>
        tpu.enqueue_indirect_dma source(%arg9 : memref<128x128xf32, #tpu.memory_space<vmem>>) target(%dma_start3A_278 : memref<10128x128xf32, #tpu.memory_space<vmem_shared>>) offsets(%dma_start3A_275 : memref<128xi32, #tpu.memory_space<vmem>>) semaphore(%arg15 : memref<!tpu.dma_semaphore, #tpu.memory_space<semaphore_mem>>) {add = true}
        %dma_wait3A_279 = arith.constant 8 : i32
        %dma_wait3A_280 = arith.constant 0 : i32
        %dma_wait3A_281 = tpu.memref_slice %arg8[%dma_wait3A_279, %dma_wait3A_280] : memref<16x128xi32, #tpu.memory_space<vmem>> -> memref<1x128xi32, #tpu.memory_space<vmem>>
        %dma_wait3A_282 = tpu.memref_squeeze %dma_wait3A_281 : memref<1x128xi32, #tpu.memory_space<vmem>> -> memref<128xi32, #tpu.memory_space<vmem>>
        %dma_wait3A_283 = arith.constant 0 : i32
        %dma_wait3A_284 = arith.constant 0 : i32
        %dma_wait3A_285 = tpu.memref_slice %arg12[%dma_wait3A_283, %dma_wait3A_284] : memref<10128x128xf32, #tpu.memory_space<vmem_shared>> -> memref<10128x128xf32, #tpu.memory_space<vmem_shared>>
        tpu.wait_indirect_dma semaphore(%arg15 : memref<!tpu.dma_semaphore, #tpu.memory_space<semaphore_mem>>) src(%arg9 : memref<128x128xf32, #tpu.memory_space<vmem>>) dst(%dma_wait3A_285 : memref<10128x128xf32, #tpu.memory_space<vmem_shared>>)
        %dma_start3A_286 = arith.constant 10 : i32
        %dma_start3A_287 = arith.constant 0 : i32
        %dma_start3A_288 = tpu.memref_slice %arg7[%dma_start3A_286, %dma_start3A_287] : memref<16x128xi32, #tpu.memory_space<vmem>> -> memref<1x128xi32, #tpu.memory_space<vmem>>
        %dma_start3A_289 = tpu.memref_squeeze %dma_start3A_288 : memref<1x128xi32, #tpu.memory_space<vmem>> -> memref<128xi32, #tpu.memory_space<vmem>>
        %dma_start3A_290 = arith.constant 0 : i32
        %dma_start3A_291 = arith.constant 0 : i32
        %dma_start3A_292 = tpu.memref_slice %arg4[%dma_start3A_290, %dma_start3A_291] : memref<10000x128xf32, #tpu.memory_space<hbm>> -> memref<10000x128xf32, #tpu.memory_space<hbm>>
        tpu.enqueue_indirect_dma source(%dma_start3A_292 : memref<10000x128xf32, #tpu.memory_space<hbm>>) target(%arg9 : memref<128x128xf32, #tpu.memory_space<vmem>>) offsets(%dma_start3A_289 : memref<128xi32, #tpu.memory_space<vmem>>) semaphore(%arg13 : memref<!tpu.dma_semaphore, #tpu.memory_space<semaphore_mem>>)
        %dma_wait3A_293 = arith.constant 9 : i32
        %dma_wait3A_294 = arith.constant 0 : i32
        %dma_wait3A_295 = tpu.memref_slice %arg7[%dma_wait3A_293, %dma_wait3A_294] : memref<16x128xi32, #tpu.memory_space<vmem>> -> memref<1x128xi32, #tpu.memory_space<vmem>>
        %dma_wait3A_296 = tpu.memref_squeeze %dma_wait3A_295 : memref<1x128xi32, #tpu.memory_space<vmem>> -> memref<128xi32, #tpu.memory_space<vmem>>
        %dma_wait3A_297 = arith.constant 0 : i32
        %dma_wait3A_298 = arith.constant 0 : i32
        %dma_wait3A_299 = tpu.memref_slice %arg4[%dma_wait3A_297, %dma_wait3A_298] : memref<10000x128xf32, #tpu.memory_space<hbm>> -> memref<10000x128xf32, #tpu.memory_space<hbm>>
        tpu.wait_indirect_dma semaphore(%arg14 : memref<!tpu.dma_semaphore, #tpu.memory_space<semaphore_mem>>) src(%dma_wait3A_299 : memref<10000x128xf32, #tpu.memory_space<hbm>>) dst(%arg10 : memref<128x128xf32, #tpu.memory_space<vmem>>)
        %dma_start3A_300 = arith.constant 9 : i32
        %dma_start3A_301 = arith.constant 0 : i32
        %dma_start3A_302 = tpu.memref_slice %arg8[%dma_start3A_300, %dma_start3A_301] : memref<16x128xi32, #tpu.memory_space<vmem>> -> memref<1x128xi32, #tpu.memory_space<vmem>>
        %dma_start3A_303 = tpu.memref_squeeze %dma_start3A_302 : memref<1x128xi32, #tpu.memory_space<vmem>> -> memref<128xi32, #tpu.memory_space<vmem>>
        %dma_start3A_304 = arith.constant 0 : i32
        %dma_start3A_305 = arith.constant 0 : i32
        %dma_start3A_306 = tpu.memref_slice %arg12[%dma_start3A_304, %dma_start3A_305] : memref<10128x128xf32, #tpu.memory_space<vmem_shared>> -> memref<10128x128xf32, #tpu.memory_space<vmem_shared>>
        tpu.enqueue_indirect_dma source(%arg10 : memref<128x128xf32, #tpu.memory_space<vmem>>) target(%dma_start3A_306 : memref<10128x128xf32, #tpu.memory_space<vmem_shared>>) offsets(%dma_start3A_303 : memref<128xi32, #tpu.memory_space<vmem>>) semaphore(%arg16 : memref<!tpu.dma_semaphore, #tpu.memory_space<semaphore_mem>>) {add = true}
        %dma_wait3A_307 = arith.constant 9 : i32
        %dma_wait3A_308 = arith.constant 0 : i32
        %dma_wait3A_309 = tpu.memref_slice %arg8[%dma_wait3A_307, %dma_wait3A_308] : memref<16x128xi32, #tpu.memory_space<vmem>> -> memref<1x128xi32, #tpu.memory_space<vmem>>
        %dma_wait3A_310 = tpu.memref_squeeze %dma_wait3A_309 : memref<1x128xi32, #tpu.memory_space<vmem>> -> memref<128xi32, #tpu.memory_space<vmem>>
        %dma_wait3A_311 = arith.constant 0 : i32
        %dma_wait3A_312 = arith.constant 0 : i32
        %dma_wait3A_313 = tpu.memref_slice %arg12[%dma_wait3A_311, %dma_wait3A_312] : memref<10128x128xf32, #tpu.memory_space<vmem_shared>> -> memref<10128x128xf32, #tpu.memory_space<vmem_shared>>
        tpu.wait_indirect_dma semaphore(%arg16 : memref<!tpu.dma_semaphore, #tpu.memory_space<semaphore_mem>>) src(%arg10 : memref<128x128xf32, #tpu.memory_space<vmem>>) dst(%dma_wait3A_313 : memref<10128x128xf32, #tpu.memory_space<vmem_shared>>)
        %dma_start3A_314 = arith.constant 11 : i32
        %dma_start3A_315 = arith.constant 0 : i32
        %dma_start3A_316 = tpu.memref_slice %arg7[%dma_start3A_314, %dma_start3A_315] : memref<16x128xi32, #tpu.memory_space<vmem>> -> memref<1x128xi32, #tpu.memory_space<vmem>>
        %dma_start3A_317 = tpu.memref_squeeze %dma_start3A_316 : memref<1x128xi32, #tpu.memory_space<vmem>> -> memref<128xi32, #tpu.memory_space<vmem>>
        %dma_start3A_318 = arith.constant 0 : i32
        %dma_start3A_319 = arith.constant 0 : i32
        %dma_start3A_320 = tpu.memref_slice %arg4[%dma_start3A_318, %dma_start3A_319] : memref<10000x128xf32, #tpu.memory_space<hbm>> -> memref<10000x128xf32, #tpu.memory_space<hbm>>
        tpu.enqueue_indirect_dma source(%dma_start3A_320 : memref<10000x128xf32, #tpu.memory_space<hbm>>) target(%arg10 : memref<128x128xf32, #tpu.memory_space<vmem>>) offsets(%dma_start3A_317 : memref<128xi32, #tpu.memory_space<vmem>>) semaphore(%arg14 : memref<!tpu.dma_semaphore, #tpu.memory_space<semaphore_mem>>)
        %dma_wait3A_321 = arith.constant 10 : i32
        %dma_wait3A_322 = arith.constant 0 : i32
        %dma_wait3A_323 = tpu.memref_slice %arg7[%dma_wait3A_321, %dma_wait3A_322] : memref<16x128xi32, #tpu.memory_space<vmem>> -> memref<1x128xi32, #tpu.memory_space<vmem>>
        %dma_wait3A_324 = tpu.memref_squeeze %dma_wait3A_323 : memref<1x128xi32, #tpu.memory_space<vmem>> -> memref<128xi32, #tpu.memory_space<vmem>>
        %dma_wait3A_325 = arith.constant 0 : i32
        %dma_wait3A_326 = arith.constant 0 : i32
        %dma_wait3A_327 = tpu.memref_slice %arg4[%dma_wait3A_325, %dma_wait3A_326] : memref<10000x128xf32, #tpu.memory_space<hbm>> -> memref<10000x128xf32, #tpu.memory_space<hbm>>
        tpu.wait_indirect_dma semaphore(%arg13 : memref<!tpu.dma_semaphore, #tpu.memory_space<semaphore_mem>>) src(%dma_wait3A_327 : memref<10000x128xf32, #tpu.memory_space<hbm>>) dst(%arg9 : memref<128x128xf32, #tpu.memory_space<vmem>>)
        %dma_start3A_328 = arith.constant 10 : i32
        %dma_start3A_329 = arith.constant 0 : i32
        %dma_start3A_330 = tpu.memref_slice %arg8[%dma_start3A_328, %dma_start3A_329] : memref<16x128xi32, #tpu.memory_space<vmem>> -> memref<1x128xi32, #tpu.memory_space<vmem>>
        %dma_start3A_331 = tpu.memref_squeeze %dma_start3A_330 : memref<1x128xi32, #tpu.memory_space<vmem>> -> memref<128xi32, #tpu.memory_space<vmem>>
        %dma_start3A_332 = arith.constant 0 : i32
        %dma_start3A_333 = arith.constant 0 : i32
        %dma_start3A_334 = tpu.memref_slice %arg12[%dma_start3A_332, %dma_start3A_333] : memref<10128x128xf32, #tpu.memory_space<vmem_shared>> -> memref<10128x128xf32, #tpu.memory_space<vmem_shared>>
        tpu.enqueue_indirect_dma source(%arg9 : memref<128x128xf32, #tpu.memory_space<vmem>>) target(%dma_start3A_334 : memref<10128x128xf32, #tpu.memory_space<vmem_shared>>) offsets(%dma_start3A_331 : memref<128xi32, #tpu.memory_space<vmem>>) semaphore(%arg15 : memref<!tpu.dma_semaphore, #tpu.memory_space<semaphore_mem>>) {add = true}
        %dma_wait3A_335 = arith.constant 10 : i32
        %dma_wait3A_336 = arith.constant 0 : i32
        %dma_wait3A_337 = tpu.memref_slice %arg8[%dma_wait3A_335, %dma_wait3A_336] : memref<16x128xi32, #tpu.memory_space<vmem>> -> memref<1x128xi32, #tpu.memory_space<vmem>>
        %dma_wait3A_338 = tpu.memref_squeeze %dma_wait3A_337 : memref<1x128xi32, #tpu.memory_space<vmem>> -> memref<128xi32, #tpu.memory_space<vmem>>
        %dma_wait3A_339 = arith.constant 0 : i32
        %dma_wait3A_340 = arith.constant 0 : i32
        %dma_wait3A_341 = tpu.memref_slice %arg12[%dma_wait3A_339, %dma_wait3A_340] : memref<10128x128xf32, #tpu.memory_space<vmem_shared>> -> memref<10128x128xf32, #tpu.memory_space<vmem_shared>>
        tpu.wait_indirect_dma semaphore(%arg15 : memref<!tpu.dma_semaphore, #tpu.memory_space<semaphore_mem>>) src(%arg9 : memref<128x128xf32, #tpu.memory_space<vmem>>) dst(%dma_wait3A_341 : memref<10128x128xf32, #tpu.memory_space<vmem_shared>>)
        %dma_start3A_342 = arith.constant 12 : i32
        %dma_start3A_343 = arith.constant 0 : i32
        %dma_start3A_344 = tpu.memref_slice %arg7[%dma_start3A_342, %dma_start3A_343] : memref<16x128xi32, #tpu.memory_space<vmem>> -> memref<1x128xi32, #tpu.memory_space<vmem>>
        %dma_start3A_345 = tpu.memref_squeeze %dma_start3A_344 : memref<1x128xi32, #tpu.memory_space<vmem>> -> memref<128xi32, #tpu.memory_space<vmem>>
        %dma_start3A_346 = arith.constant 0 : i32
        %dma_start3A_347 = arith.constant 0 : i32
        %dma_start3A_348 = tpu.memref_slice %arg4[%dma_start3A_346, %dma_start3A_347] : memref<10000x128xf32, #tpu.memory_space<hbm>> -> memref<10000x128xf32, #tpu.memory_space<hbm>>
        tpu.enqueue_indirect_dma source(%dma_start3A_348 : memref<10000x128xf32, #tpu.memory_space<hbm>>) target(%arg9 : memref<128x128xf32, #tpu.memory_space<vmem>>) offsets(%dma_start3A_345 : memref<128xi32, #tpu.memory_space<vmem>>) semaphore(%arg13 : memref<!tpu.dma_semaphore, #tpu.memory_space<semaphore_mem>>)
        %dma_wait3A_349 = arith.constant 11 : i32
        %dma_wait3A_350 = arith.constant 0 : i32
        %dma_wait3A_351 = tpu.memref_slice %arg7[%dma_wait3A_349, %dma_wait3A_350] : memref<16x128xi32, #tpu.memory_space<vmem>> -> memref<1x128xi32, #tpu.memory_space<vmem>>
        %dma_wait3A_352 = tpu.memref_squeeze %dma_wait3A_351 : memref<1x128xi32, #tpu.memory_space<vmem>> -> memref<128xi32, #tpu.memory_space<vmem>>
        %dma_wait3A_353 = arith.constant 0 : i32
        %dma_wait3A_354 = arith.constant 0 : i32
        %dma_wait3A_355 = tpu.memref_slice %arg4[%dma_wait3A_353, %dma_wait3A_354] : memref<10000x128xf32, #tpu.memory_space<hbm>> -> memref<10000x128xf32, #tpu.memory_space<hbm>>
        tpu.wait_indirect_dma semaphore(%arg14 : memref<!tpu.dma_semaphore, #tpu.memory_space<semaphore_mem>>) src(%dma_wait3A_355 : memref<10000x128xf32, #tpu.memory_space<hbm>>) dst(%arg10 : memref<128x128xf32, #tpu.memory_space<vmem>>)
        %dma_start3A_356 = arith.constant 11 : i32
        %dma_start3A_357 = arith.constant 0 : i32
        %dma_start3A_358 = tpu.memref_slice %arg8[%dma_start3A_356, %dma_start3A_357] : memref<16x128xi32, #tpu.memory_space<vmem>> -> memref<1x128xi32, #tpu.memory_space<vmem>>
        %dma_start3A_359 = tpu.memref_squeeze %dma_start3A_358 : memref<1x128xi32, #tpu.memory_space<vmem>> -> memref<128xi32, #tpu.memory_space<vmem>>
        %dma_start3A_360 = arith.constant 0 : i32
        %dma_start3A_361 = arith.constant 0 : i32
        %dma_start3A_362 = tpu.memref_slice %arg12[%dma_start3A_360, %dma_start3A_361] : memref<10128x128xf32, #tpu.memory_space<vmem_shared>> -> memref<10128x128xf32, #tpu.memory_space<vmem_shared>>
        tpu.enqueue_indirect_dma source(%arg10 : memref<128x128xf32, #tpu.memory_space<vmem>>) target(%dma_start3A_362 : memref<10128x128xf32, #tpu.memory_space<vmem_shared>>) offsets(%dma_start3A_359 : memref<128xi32, #tpu.memory_space<vmem>>) semaphore(%arg16 : memref<!tpu.dma_semaphore, #tpu.memory_space<semaphore_mem>>) {add = true}
        %dma_wait3A_363 = arith.constant 11 : i32
        %dma_wait3A_364 = arith.constant 0 : i32
        %dma_wait3A_365 = tpu.memref_slice %arg8[%dma_wait3A_363, %dma_wait3A_364] : memref<16x128xi32, #tpu.memory_space<vmem>> -> memref<1x128xi32, #tpu.memory_space<vmem>>
        %dma_wait3A_366 = tpu.memref_squeeze %dma_wait3A_365 : memref<1x128xi32, #tpu.memory_space<vmem>> -> memref<128xi32, #tpu.memory_space<vmem>>
        %dma_wait3A_367 = arith.constant 0 : i32
        %dma_wait3A_368 = arith.constant 0 : i32
        %dma_wait3A_369 = tpu.memref_slice %arg12[%dma_wait3A_367, %dma_wait3A_368] : memref<10128x128xf32, #tpu.memory_space<vmem_shared>> -> memref<10128x128xf32, #tpu.memory_space<vmem_shared>>
        tpu.wait_indirect_dma semaphore(%arg16 : memref<!tpu.dma_semaphore, #tpu.memory_space<semaphore_mem>>) src(%arg10 : memref<128x128xf32, #tpu.memory_space<vmem>>) dst(%dma_wait3A_369 : memref<10128x128xf32, #tpu.memory_space<vmem_shared>>)
        %dma_start3A_370 = arith.constant 13 : i32
        %dma_start3A_371 = arith.constant 0 : i32
        %dma_start3A_372 = tpu.memref_slice %arg7[%dma_start3A_370, %dma_start3A_371] : memref<16x128xi32, #tpu.memory_space<vmem>> -> memref<1x128xi32, #tpu.memory_space<vmem>>
        %dma_start3A_373 = tpu.memref_squeeze %dma_start3A_372 : memref<1x128xi32, #tpu.memory_space<vmem>> -> memref<128xi32, #tpu.memory_space<vmem>>
        %dma_start3A_374 = arith.constant 0 : i32
        %dma_start3A_375 = arith.constant 0 : i32
        %dma_start3A_376 = tpu.memref_slice %arg4[%dma_start3A_374, %dma_start3A_375] : memref<10000x128xf32, #tpu.memory_space<hbm>> -> memref<10000x128xf32, #tpu.memory_space<hbm>>
        tpu.enqueue_indirect_dma source(%dma_start3A_376 : memref<10000x128xf32, #tpu.memory_space<hbm>>) target(%arg10 : memref<128x128xf32, #tpu.memory_space<vmem>>) offsets(%dma_start3A_373 : memref<128xi32, #tpu.memory_space<vmem>>) semaphore(%arg14 : memref<!tpu.dma_semaphore, #tpu.memory_space<semaphore_mem>>)
        %dma_wait3A_377 = arith.constant 12 : i32
        %dma_wait3A_378 = arith.constant 0 : i32
        %dma_wait3A_379 = tpu.memref_slice %arg7[%dma_wait3A_377, %dma_wait3A_378] : memref<16x128xi32, #tpu.memory_space<vmem>> -> memref<1x128xi32, #tpu.memory_space<vmem>>
        %dma_wait3A_380 = tpu.memref_squeeze %dma_wait3A_379 : memref<1x128xi32, #tpu.memory_space<vmem>> -> memref<128xi32, #tpu.memory_space<vmem>>
        %dma_wait3A_381 = arith.constant 0 : i32
        %dma_wait3A_382 = arith.constant 0 : i32
        %dma_wait3A_383 = tpu.memref_slice %arg4[%dma_wait3A_381, %dma_wait3A_382] : memref<10000x128xf32, #tpu.memory_space<hbm>> -> memref<10000x128xf32, #tpu.memory_space<hbm>>
        tpu.wait_indirect_dma semaphore(%arg13 : memref<!tpu.dma_semaphore, #tpu.memory_space<semaphore_mem>>) src(%dma_wait3A_383 : memref<10000x128xf32, #tpu.memory_space<hbm>>) dst(%arg9 : memref<128x128xf32, #tpu.memory_space<vmem>>)
        %dma_start3A_384 = arith.constant 12 : i32
        %dma_start3A_385 = arith.constant 0 : i32
        %dma_start3A_386 = tpu.memref_slice %arg8[%dma_start3A_384, %dma_start3A_385] : memref<16x128xi32, #tpu.memory_space<vmem>> -> memref<1x128xi32, #tpu.memory_space<vmem>>
        %dma_start3A_387 = tpu.memref_squeeze %dma_start3A_386 : memref<1x128xi32, #tpu.memory_space<vmem>> -> memref<128xi32, #tpu.memory_space<vmem>>
        %dma_start3A_388 = arith.constant 0 : i32
        %dma_start3A_389 = arith.constant 0 : i32
        %dma_start3A_390 = tpu.memref_slice %arg12[%dma_start3A_388, %dma_start3A_389] : memref<10128x128xf32, #tpu.memory_space<vmem_shared>> -> memref<10128x128xf32, #tpu.memory_space<vmem_shared>>
        tpu.enqueue_indirect_dma source(%arg9 : memref<128x128xf32, #tpu.memory_space<vmem>>) target(%dma_start3A_390 : memref<10128x128xf32, #tpu.memory_space<vmem_shared>>) offsets(%dma_start3A_387 : memref<128xi32, #tpu.memory_space<vmem>>) semaphore(%arg15 : memref<!tpu.dma_semaphore, #tpu.memory_space<semaphore_mem>>) {add = true}
        %dma_wait3A_391 = arith.constant 12 : i32
        %dma_wait3A_392 = arith.constant 0 : i32
        %dma_wait3A_393 = tpu.memref_slice %arg8[%dma_wait3A_391, %dma_wait3A_392] : memref<16x128xi32, #tpu.memory_space<vmem>> -> memref<1x128xi32, #tpu.memory_space<vmem>>
        %dma_wait3A_394 = tpu.memref_squeeze %dma_wait3A_393 : memref<1x128xi32, #tpu.memory_space<vmem>> -> memref<128xi32, #tpu.memory_space<vmem>>
        %dma_wait3A_395 = arith.constant 0 : i32
        %dma_wait3A_396 = arith.constant 0 : i32
        %dma_wait3A_397 = tpu.memref_slice %arg12[%dma_wait3A_395, %dma_wait3A_396] : memref<10128x128xf32, #tpu.memory_space<vmem_shared>> -> memref<10128x128xf32, #tpu.memory_space<vmem_shared>>
        tpu.wait_indirect_dma semaphore(%arg15 : memref<!tpu.dma_semaphore, #tpu.memory_space<semaphore_mem>>) src(%arg9 : memref<128x128xf32, #tpu.memory_space<vmem>>) dst(%dma_wait3A_397 : memref<10128x128xf32, #tpu.memory_space<vmem_shared>>)
        %dma_start3A_398 = arith.constant 14 : i32
        %dma_start3A_399 = arith.constant 0 : i32
        %dma_start3A_400 = tpu.memref_slice %arg7[%dma_start3A_398, %dma_start3A_399] : memref<16x128xi32, #tpu.memory_space<vmem>> -> memref<1x128xi32, #tpu.memory_space<vmem>>
        %dma_start3A_401 = tpu.memref_squeeze %dma_start3A_400 : memref<1x128xi32, #tpu.memory_space<vmem>> -> memref<128xi32, #tpu.memory_space<vmem>>
        %dma_start3A_402 = arith.constant 0 : i32
        %dma_start3A_403 = arith.constant 0 : i32
        %dma_start3A_404 = tpu.memref_slice %arg4[%dma_start3A_402, %dma_start3A_403] : memref<10000x128xf32, #tpu.memory_space<hbm>> -> memref<10000x128xf32, #tpu.memory_space<hbm>>
        tpu.enqueue_indirect_dma source(%dma_start3A_404 : memref<10000x128xf32, #tpu.memory_space<hbm>>) target(%arg9 : memref<128x128xf32, #tpu.memory_space<vmem>>) offsets(%dma_start3A_401 : memref<128xi32, #tpu.memory_space<vmem>>) semaphore(%arg13 : memref<!tpu.dma_semaphore, #tpu.memory_space<semaphore_mem>>)
        %dma_wait3A_405 = arith.constant 13 : i32
        %dma_wait3A_406 = arith.constant 0 : i32
        %dma_wait3A_407 = tpu.memref_slice %arg7[%dma_wait3A_405, %dma_wait3A_406] : memref<16x128xi32, #tpu.memory_space<vmem>> -> memref<1x128xi32, #tpu.memory_space<vmem>>
        %dma_wait3A_408 = tpu.memref_squeeze %dma_wait3A_407 : memref<1x128xi32, #tpu.memory_space<vmem>> -> memref<128xi32, #tpu.memory_space<vmem>>
        %dma_wait3A_409 = arith.constant 0 : i32
        %dma_wait3A_410 = arith.constant 0 : i32
        %dma_wait3A_411 = tpu.memref_slice %arg4[%dma_wait3A_409, %dma_wait3A_410] : memref<10000x128xf32, #tpu.memory_space<hbm>> -> memref<10000x128xf32, #tpu.memory_space<hbm>>
        tpu.wait_indirect_dma semaphore(%arg14 : memref<!tpu.dma_semaphore, #tpu.memory_space<semaphore_mem>>) src(%dma_wait3A_411 : memref<10000x128xf32, #tpu.memory_space<hbm>>) dst(%arg10 : memref<128x128xf32, #tpu.memory_space<vmem>>)
        %dma_start3A_412 = arith.constant 13 : i32
        %dma_start3A_413 = arith.constant 0 : i32
        %dma_start3A_414 = tpu.memref_slice %arg8[%dma_start3A_412, %dma_start3A_413] : memref<16x128xi32, #tpu.memory_space<vmem>> -> memref<1x128xi32, #tpu.memory_space<vmem>>
        %dma_start3A_415 = tpu.memref_squeeze %dma_start3A_414 : memref<1x128xi32, #tpu.memory_space<vmem>> -> memref<128xi32, #tpu.memory_space<vmem>>
        %dma_start3A_416 = arith.constant 0 : i32
        %dma_start3A_417 = arith.constant 0 : i32
        %dma_start3A_418 = tpu.memref_slice %arg12[%dma_start3A_416, %dma_start3A_417] : memref<10128x128xf32, #tpu.memory_space<vmem_shared>> -> memref<10128x128xf32, #tpu.memory_space<vmem_shared>>
        tpu.enqueue_indirect_dma source(%arg10 : memref<128x128xf32, #tpu.memory_space<vmem>>) target(%dma_start3A_418 : memref<10128x128xf32, #tpu.memory_space<vmem_shared>>) offsets(%dma_start3A_415 : memref<128xi32, #tpu.memory_space<vmem>>) semaphore(%arg16 : memref<!tpu.dma_semaphore, #tpu.memory_space<semaphore_mem>>) {add = true}
        %dma_wait3A_419 = arith.constant 13 : i32
        %dma_wait3A_420 = arith.constant 0 : i32
        %dma_wait3A_421 = tpu.memref_slice %arg8[%dma_wait3A_419, %dma_wait3A_420] : memref<16x128xi32, #tpu.memory_space<vmem>> -> memref<1x128xi32, #tpu.memory_space<vmem>>
        %dma_wait3A_422 = tpu.memref_squeeze %dma_wait3A_421 : memref<1x128xi32, #tpu.memory_space<vmem>> -> memref<128xi32, #tpu.memory_space<vmem>>
        %dma_wait3A_423 = arith.constant 0 : i32
        %dma_wait3A_424 = arith.constant 0 : i32
        %dma_wait3A_425 = tpu.memref_slice %arg12[%dma_wait3A_423, %dma_wait3A_424] : memref<10128x128xf32, #tpu.memory_space<vmem_shared>> -> memref<10128x128xf32, #tpu.memory_space<vmem_shared>>
        tpu.wait_indirect_dma semaphore(%arg16 : memref<!tpu.dma_semaphore, #tpu.memory_space<semaphore_mem>>) src(%arg10 : memref<128x128xf32, #tpu.memory_space<vmem>>) dst(%dma_wait3A_425 : memref<10128x128xf32, #tpu.memory_space<vmem_shared>>)
        %dma_start3A_426 = arith.constant 15 : i32
        %dma_start3A_427 = arith.constant 0 : i32
        %dma_start3A_428 = tpu.memref_slice %arg7[%dma_start3A_426, %dma_start3A_427] : memref<16x128xi32, #tpu.memory_space<vmem>> -> memref<1x128xi32, #tpu.memory_space<vmem>>
        %dma_start3A_429 = tpu.memref_squeeze %dma_start3A_428 : memref<1x128xi32, #tpu.memory_space<vmem>> -> memref<128xi32, #tpu.memory_space<vmem>>
        %dma_start3A_430 = arith.constant 0 : i32
        %dma_start3A_431 = arith.constant 0 : i32
        %dma_start3A_432 = tpu.memref_slice %arg4[%dma_start3A_430, %dma_start3A_431] : memref<10000x128xf32, #tpu.memory_space<hbm>> -> memref<10000x128xf32, #tpu.memory_space<hbm>>
        tpu.enqueue_indirect_dma source(%dma_start3A_432 : memref<10000x128xf32, #tpu.memory_space<hbm>>) target(%arg10 : memref<128x128xf32, #tpu.memory_space<vmem>>) offsets(%dma_start3A_429 : memref<128xi32, #tpu.memory_space<vmem>>) semaphore(%arg14 : memref<!tpu.dma_semaphore, #tpu.memory_space<semaphore_mem>>)
        %dma_wait3A_433 = arith.constant 14 : i32
        %dma_wait3A_434 = arith.constant 0 : i32
        %dma_wait3A_435 = tpu.memref_slice %arg7[%dma_wait3A_433, %dma_wait3A_434] : memref<16x128xi32, #tpu.memory_space<vmem>> -> memref<1x128xi32, #tpu.memory_space<vmem>>
        %dma_wait3A_436 = tpu.memref_squeeze %dma_wait3A_435 : memref<1x128xi32, #tpu.memory_space<vmem>> -> memref<128xi32, #tpu.memory_space<vmem>>
        %dma_wait3A_437 = arith.constant 0 : i32
        %dma_wait3A_438 = arith.constant 0 : i32
        %dma_wait3A_439 = tpu.memref_slice %arg4[%dma_wait3A_437, %dma_wait3A_438] : memref<10000x128xf32, #tpu.memory_space<hbm>> -> memref<10000x128xf32, #tpu.memory_space<hbm>>
        tpu.wait_indirect_dma semaphore(%arg13 : memref<!tpu.dma_semaphore, #tpu.memory_space<semaphore_mem>>) src(%dma_wait3A_439 : memref<10000x128xf32, #tpu.memory_space<hbm>>) dst(%arg9 : memref<128x128xf32, #tpu.memory_space<vmem>>)
        %dma_start3A_440 = arith.constant 14 : i32
        %dma_start3A_441 = arith.constant 0 : i32
        %dma_start3A_442 = tpu.memref_slice %arg8[%dma_start3A_440, %dma_start3A_441] : memref<16x128xi32, #tpu.memory_space<vmem>> -> memref<1x128xi32, #tpu.memory_space<vmem>>
        %dma_start3A_443 = tpu.memref_squeeze %dma_start3A_442 : memref<1x128xi32, #tpu.memory_space<vmem>> -> memref<128xi32, #tpu.memory_space<vmem>>
        %dma_start3A_444 = arith.constant 0 : i32
        %dma_start3A_445 = arith.constant 0 : i32
        %dma_start3A_446 = tpu.memref_slice %arg12[%dma_start3A_444, %dma_start3A_445] : memref<10128x128xf32, #tpu.memory_space<vmem_shared>> -> memref<10128x128xf32, #tpu.memory_space<vmem_shared>>
        tpu.enqueue_indirect_dma source(%arg9 : memref<128x128xf32, #tpu.memory_space<vmem>>) target(%dma_start3A_446 : memref<10128x128xf32, #tpu.memory_space<vmem_shared>>) offsets(%dma_start3A_443 : memref<128xi32, #tpu.memory_space<vmem>>) semaphore(%arg15 : memref<!tpu.dma_semaphore, #tpu.memory_space<semaphore_mem>>) {add = true}
        %dma_wait3A_447 = arith.constant 14 : i32
        %dma_wait3A_448 = arith.constant 0 : i32
        %dma_wait3A_449 = tpu.memref_slice %arg8[%dma_wait3A_447, %dma_wait3A_448] : memref<16x128xi32, #tpu.memory_space<vmem>> -> memref<1x128xi32, #tpu.memory_space<vmem>>
        %dma_wait3A_450 = tpu.memref_squeeze %dma_wait3A_449 : memref<1x128xi32, #tpu.memory_space<vmem>> -> memref<128xi32, #tpu.memory_space<vmem>>
        %dma_wait3A_451 = arith.constant 0 : i32
        %dma_wait3A_452 = arith.constant 0 : i32
        %dma_wait3A_453 = tpu.memref_slice %arg12[%dma_wait3A_451, %dma_wait3A_452] : memref<10128x128xf32, #tpu.memory_space<vmem_shared>> -> memref<10128x128xf32, #tpu.memory_space<vmem_shared>>
        tpu.wait_indirect_dma semaphore(%arg15 : memref<!tpu.dma_semaphore, #tpu.memory_space<semaphore_mem>>) src(%arg9 : memref<128x128xf32, #tpu.memory_space<vmem>>) dst(%dma_wait3A_453 : memref<10128x128xf32, #tpu.memory_space<vmem_shared>>)
        %dma_wait3A_454 = arith.constant 15 : i32
        %dma_wait3A_455 = arith.constant 0 : i32
        %dma_wait3A_456 = tpu.memref_slice %arg7[%dma_wait3A_454, %dma_wait3A_455] : memref<16x128xi32, #tpu.memory_space<vmem>> -> memref<1x128xi32, #tpu.memory_space<vmem>>
        %dma_wait3A_457 = tpu.memref_squeeze %dma_wait3A_456 : memref<1x128xi32, #tpu.memory_space<vmem>> -> memref<128xi32, #tpu.memory_space<vmem>>
        %dma_wait3A_458 = arith.constant 0 : i32
        %dma_wait3A_459 = arith.constant 0 : i32
        %dma_wait3A_460 = tpu.memref_slice %arg4[%dma_wait3A_458, %dma_wait3A_459] : memref<10000x128xf32, #tpu.memory_space<hbm>> -> memref<10000x128xf32, #tpu.memory_space<hbm>>
        tpu.wait_indirect_dma semaphore(%arg14 : memref<!tpu.dma_semaphore, #tpu.memory_space<semaphore_mem>>) src(%dma_wait3A_460 : memref<10000x128xf32, #tpu.memory_space<hbm>>) dst(%arg10 : memref<128x128xf32, #tpu.memory_space<vmem>>)
        %dma_start3A_461 = arith.constant 15 : i32
        %dma_start3A_462 = arith.constant 0 : i32
        %dma_start3A_463 = tpu.memref_slice %arg8[%dma_start3A_461, %dma_start3A_462] : memref<16x128xi32, #tpu.memory_space<vmem>> -> memref<1x128xi32, #tpu.memory_space<vmem>>
        %dma_start3A_464 = tpu.memref_squeeze %dma_start3A_463 : memref<1x128xi32, #tpu.memory_space<vmem>> -> memref<128xi32, #tpu.memory_space<vmem>>
        %dma_start3A_465 = arith.constant 0 : i32
        %dma_start3A_466 = arith.constant 0 : i32
        %dma_start3A_467 = tpu.memref_slice %arg12[%dma_start3A_465, %dma_start3A_466] : memref<10128x128xf32, #tpu.memory_space<vmem_shared>> -> memref<10128x128xf32, #tpu.memory_space<vmem_shared>>
        tpu.enqueue_indirect_dma source(%arg10 : memref<128x128xf32, #tpu.memory_space<vmem>>) target(%dma_start3A_467 : memref<10128x128xf32, #tpu.memory_space<vmem_shared>>) offsets(%dma_start3A_464 : memref<128xi32, #tpu.memory_space<vmem>>) semaphore(%arg16 : memref<!tpu.dma_semaphore, #tpu.memory_space<semaphore_mem>>) {add = true}
        %dma_wait3A_468 = arith.constant 15 : i32
        %dma_wait3A_469 = arith.constant 0 : i32
        %dma_wait3A_470 = tpu.memref_slice %arg8[%dma_wait3A_468, %dma_wait3A_469] : memref<16x128xi32, #tpu.memory_space<vmem>> -> memref<1x128xi32, #tpu.memory_space<vmem>>
        %dma_wait3A_471 = tpu.memref_squeeze %dma_wait3A_470 : memref<1x128xi32, #tpu.memory_space<vmem>> -> memref<128xi32, #tpu.memory_space<vmem>>
        %dma_wait3A_472 = arith.constant 0 : i32
        %dma_wait3A_473 = arith.constant 0 : i32
        %dma_wait3A_474 = tpu.memref_slice %arg12[%dma_wait3A_472, %dma_wait3A_473] : memref<10128x128xf32, #tpu.memory_space<vmem_shared>> -> memref<10128x128xf32, #tpu.memory_space<vmem_shared>>
        tpu.wait_indirect_dma semaphore(%arg16 : memref<!tpu.dma_semaphore, #tpu.memory_space<semaphore_mem>>) src(%arg10 : memref<128x128xf32, #tpu.memory_space<vmem>>) dst(%dma_wait3A_474 : memref<10128x128xf32, #tpu.memory_space<vmem_shared>>)
      } else {
      }
    }
    %scan3A_11 = arith.constant 5 : i32
    %barrier3A_12 = arith.constant 0 : index
    tpu.barrier barrier_id(%barrier3A_12)
    %scan3A_13 = arith.constant 0 : i32
    %scan3A_14 = arith.constant 0 : i32
    %scan3A_15 = arith.constant 8 : i32
    %scan3A_16 = arith.addi %scan3A_14, %scan3A_15 : i32
    %scan3A_17 = arith.constant 1 : i32
    scf.for %scan3A_19 = %scan3A_14 to %scan3A_16 step %scan3A_17  : i32 {
      %mul3A_20 = arith.constant 16 : i32
      %mul3A_21 = arith.muli %scan3A_19, %mul3A_20 : i32
      %add3A_22 = arith.addi %arg1, %mul3A_21 : i32
      %lt3A = arith.constant 125 : i32
      %lt3A_23 = arith.cmpi slt, %add3A_22, %lt3A : i32
      %convert_element_type3A = arith.extui %lt3A_23 : i1 to i32
      %cond3A = arith.constant 0 : i32
      %cond3A_24 = arith.cmpi ne, %convert_element_type3A, %cond3A : i32
      scf.if %cond3A_24 {
        %mul3A_25 = arith.constant 80 : i32
        %mul3A_26 = arith.muli %add3A_22, %mul3A_25 : i32
        "tpu.region"() ({
          %run_scoped3A = tpu.sem_alloc : memref<!tpu.dma_semaphore, #tpu.memory_space<semaphore_mem>>
          %dma_start3A = arith.constant 0 : i32
          %dma_start3A_29 = tpu.memref_slice %arg12[%mul3A_26, %dma_start3A] : memref<10128x128xf32, #tpu.memory_space<vmem_shared>> -> memref<80x128xf32, #tpu.memory_space<vmem_shared>>
          %dma_start3A_30 = arith.constant 0 : i32
          %dma_start3A_31 = tpu.memref_slice %arg12[%mul3A_26, %dma_start3A_30] : memref<10128x128xf32, #tpu.memory_space<vmem_shared>> -> memref<80x128xf32, #tpu.memory_space<vmem_shared>>
          tpu.enqueue_dma source(%dma_start3A_31 : memref<80x128xf32, #tpu.memory_space<vmem_shared>>) target(%arg11 : memref<80x128xf32, #tpu.memory_space<vmem>>) target_semaphore(%run_scoped3A : memref<!tpu.dma_semaphore, #tpu.memory_space<semaphore_mem>>)
          %dma_wait3A = arith.constant 0 : i32
          %dma_wait3A_32 = tpu.memref_slice %arg12[%mul3A_26, %dma_wait3A] : memref<10128x128xf32, #tpu.memory_space<vmem_shared>> -> memref<80x128xf32, #tpu.memory_space<vmem_shared>>
          %dma_wait3A_33 = arith.constant 0 : i32
          %dma_wait3A_34 = tpu.memref_slice %arg12[%mul3A_26, %dma_wait3A_33] : memref<10128x128xf32, #tpu.memory_space<vmem_shared>> -> memref<80x128xf32, #tpu.memory_space<vmem_shared>>
          tpu.wait_dma2 semaphore(%run_scoped3A : memref<!tpu.dma_semaphore, #tpu.memory_space<semaphore_mem>>) src(%dma_wait3A_34 : memref<80x128xf32, #tpu.memory_space<vmem_shared>>) dst(%arg11 : memref<80x128xf32, #tpu.memory_space<vmem>>)
          tpu.yield
        }) : () -> ()
        %mul3A_27 = arith.constant 80 : i32
        %mul3A_28 = arith.muli %add3A_22, %mul3A_27 : i32
        "tpu.region"() ({
          %run_scoped3A = tpu.sem_alloc : memref<!tpu.dma_semaphore, #tpu.memory_space<semaphore_mem>>
          %dma_start3A = arith.constant 0 : i32
          %dma_start3A_29 = tpu.memref_slice %arg6[%arg0, %mul3A_28, %dma_start3A] : memref<2x10000x128xf32, #tpu.memory_space<hbm>> -> memref<1x80x128xf32, #tpu.memory_space<hbm>>
          %dma_start3A_30 = tpu.memref_squeeze %dma_start3A_29 : memref<1x80x128xf32, #tpu.memory_space<hbm>> -> memref<80x128xf32, #tpu.memory_space<hbm>>
          %dma_start3A_31 = arith.constant 0 : i32
          %dma_start3A_32 = tpu.memref_slice %arg6[%arg0, %mul3A_28, %dma_start3A_31] : memref<2x10000x128xf32, #tpu.memory_space<hbm>> -> memref<1x80x128xf32, #tpu.memory_space<hbm>>
          %dma_start3A_33 = tpu.memref_squeeze %dma_start3A_32 : memref<1x80x128xf32, #tpu.memory_space<hbm>> -> memref<80x128xf32, #tpu.memory_space<hbm>>
          tpu.enqueue_dma source(%arg11 : memref<80x128xf32, #tpu.memory_space<vmem>>) target(%dma_start3A_33 : memref<80x128xf32, #tpu.memory_space<hbm>>) target_semaphore(%run_scoped3A : memref<!tpu.dma_semaphore, #tpu.memory_space<semaphore_mem>>)
          %dma_wait3A = arith.constant 0 : i32
          %dma_wait3A_34 = tpu.memref_slice %arg6[%arg0, %mul3A_28, %dma_wait3A] : memref<2x10000x128xf32, #tpu.memory_space<hbm>> -> memref<1x80x128xf32, #tpu.memory_space<hbm>>
          %dma_wait3A_35 = tpu.memref_squeeze %dma_wait3A_34 : memref<1x80x128xf32, #tpu.memory_space<hbm>> -> memref<80x128xf32, #tpu.memory_space<hbm>>
          %dma_wait3A_36 = arith.constant 0 : i32
          %dma_wait3A_37 = tpu.memref_slice %arg6[%arg0, %mul3A_28, %dma_wait3A_36] : memref<2x10000x128xf32, #tpu.memory_space<hbm>> -> memref<1x80x128xf32, #tpu.memory_space<hbm>>
          %dma_wait3A_38 = tpu.memref_squeeze %dma_wait3A_37 : memref<1x80x128xf32, #tpu.memory_space<hbm>> -> memref<80x128xf32, #tpu.memory_space<hbm>>
          tpu.wait_dma2 semaphore(%run_scoped3A : memref<!tpu.dma_semaphore, #tpu.memory_space<semaphore_mem>>) src(%arg11 : memref<80x128xf32, #tpu.memory_space<vmem>>) dst(%dma_wait3A_38 : memref<80x128xf32, #tpu.memory_space<hbm>>)
          tpu.yield
        }) : () -> ()
      } else {
      }
    }
    %scan3A_18 = arith.constant 8 : i32
    return
  }
}

module attributes {stable_mosaic.version = 14 : i64} {
  func.func @body(%arg0: memref<2x10000x16xf32, #tpu.memory_space<vmem>>, %arg1: memref<10000x128xf32, #tpu.memory_space<vmem>>, %arg2: memref<128x64xf32, #tpu.memory_space<vmem>>, %arg3: memref<10000x1xf32, #tpu.memory_space<vmem>>, %arg4: memref<10000x64xf32, #tpu.memory_space<vmem>>) attributes {dimension_semantics = [], scalar_prefetch = 0 : i64, scratch_operands = 0 : i64, tpu.core_type = #tpu.core_type<tc>} {
    %get3A = arith.constant 0 : index
    %get3A_0 = arith.constant 0 : index
    %get3A_1 = arith.constant 0 : index
    %get3A_2 = vector.load %arg0[%get3A, %get3A_0, %get3A_1] : memref<2x10000x16xf32, #tpu.memory_space<vmem>>, vector<1x10000x16xf32>
    %get3A_3 = vector.shape_cast %get3A_2 : vector<1x10000x16xf32> to vector<10000x16xf32>
    %get3A_4 = arith.constant 1 : index
    %get3A_5 = arith.constant 0 : index
    %get3A_6 = arith.constant 0 : index
    %get3A_7 = vector.load %arg0[%get3A_4, %get3A_5, %get3A_6] : memref<2x10000x16xf32, #tpu.memory_space<vmem>>, vector<1x10000x16xf32>
    %get3A_8 = vector.shape_cast %get3A_7 : vector<1x10000x16xf32> to vector<10000x16xf32>
    %add3A = arith.addf %get3A_3, %get3A_8 : vector<10000x16xf32>
    %slice3A = vector.extract_strided_slice %add3A {offsets = [0, 0], sizes = [10000, 1], strides = [1, 1]} : vector<10000x16xf32> to vector<10000x1xf32>
    %add3A_9 = arith.constant 1.000000e+00 : f32
    %add3A_10 = vector.broadcast %add3A_9 : f32 to vector<10000x1xf32>
    %add3A_11 = arith.addf %slice3A, %add3A_10 : vector<10000x1xf32>
    %rsqrt3A = math.rsqrt %add3A_11 : vector<10000x1xf32>
    %swap3A = arith.constant 0 : index
    %swap3A_12 = arith.constant 0 : index
    %swap3A_13 = vector.load %arg3[%swap3A, %swap3A_12] : memref<10000x1xf32, #tpu.memory_space<vmem>>, vector<10000x1xf32>
    tpu.vector_store %arg3[%swap3A, %swap3A_12], %rsqrt3A {strides = array<i32>} : memref<10000x1xf32, #tpu.memory_space<vmem>>, vector<10000x1xf32>,
    %get3A_14 = arith.constant 0 : index
    %get3A_15 = arith.constant 0 : index
    %get3A_16 = vector.load %arg1[%get3A_14, %get3A_15] : memref<10000x128xf32, #tpu.memory_space<vmem>>, vector<10000x128xf32>
    %get3A_17 = arith.constant 0 : index
    %get3A_18 = arith.constant 0 : index
    %get3A_19 = vector.load %arg2[%get3A_17, %get3A_18] : memref<128x64xf32, #tpu.memory_space<vmem>>, vector<128x64xf32>
    %dot_general3A = arith.constant dense<0.000000e+00> : vector<10000x64xf32>
    %dot_general3A_20 = tpu.matmul %get3A_16, %get3A_19, %dot_general3A {dimension_numbers = #tpu.dot_dimension_numbers<[1], [0], [0], [1], [0, 0, 1, 1], [], []>, transpose_lhs_hint = false} : vector<10000x128xf32>, vector<128x64xf32>, vector<10000x64xf32> -> vector<10000x64xf32>
    %mul3A = vector.broadcast %rsqrt3A : vector<10000x1xf32> to vector<10000x64xf32>
    %mul3A_21 = arith.mulf %dot_general3A_20, %mul3A : vector<10000x64xf32>
    %swap3A_22 = arith.constant 0 : index
    %swap3A_23 = arith.constant 0 : index
    %swap3A_24 = vector.load %arg4[%swap3A_22, %swap3A_23] : memref<10000x64xf32, #tpu.memory_space<vmem>>, vector<10000x64xf32>
    tpu.vector_store %arg4[%swap3A_22, %swap3A_23], %mul3A_21 {strides = array<i32>} : memref<10000x64xf32, #tpu.memory_space<vmem>>, vector<10000x64xf32>,
    return
  }
}

module attributes {stable_mosaic.version = 14 : i64} {
  func.func @body(%arg0: memref<2x10000x64xf32, #tpu.memory_space<vmem>>, %arg1: memref<10000x64xf32, #tpu.memory_space<vmem>>, %arg2: memref<10000x1xf32, #tpu.memory_space<vmem>>, %arg3: memref<1x64xf32, #tpu.memory_space<vmem>>, %arg4: memref<64x128xf32, #tpu.memory_space<vmem>>, %arg5: memref<10000x128xf32, #tpu.memory_space<vmem>>) attributes {dimension_semantics = [], scalar_prefetch = 0 : i64, scratch_operands = 0 : i64, tpu.core_type = #tpu.core_type<tc>} {
    %get3A = arith.constant 0 : index
    %get3A_0 = arith.constant 0 : index
    %get3A_1 = vector.load %arg2[%get3A, %get3A_0] : memref<10000x1xf32, #tpu.memory_space<vmem>>, vector<10000x1xf32>
    %get3A_2 = arith.constant 0 : index
    %get3A_3 = arith.constant 0 : index
    %get3A_4 = arith.constant 0 : index
    %get3A_5 = vector.load %arg0[%get3A_2, %get3A_3, %get3A_4] : memref<2x10000x64xf32, #tpu.memory_space<vmem>>, vector<1x10000x64xf32>
    %get3A_6 = vector.shape_cast %get3A_5 : vector<1x10000x64xf32> to vector<10000x64xf32>
    %get3A_7 = arith.constant 1 : index
    %get3A_8 = arith.constant 0 : index
    %get3A_9 = arith.constant 0 : index
    %get3A_10 = vector.load %arg0[%get3A_7, %get3A_8, %get3A_9] : memref<2x10000x64xf32, #tpu.memory_space<vmem>>, vector<1x10000x64xf32>
    %get3A_11 = vector.shape_cast %get3A_10 : vector<1x10000x64xf32> to vector<10000x64xf32>
    %add3A = arith.addf %get3A_6, %get3A_11 : vector<10000x64xf32>
    %get3A_12 = arith.constant 0 : index
    %get3A_13 = arith.constant 0 : index
    %get3A_14 = vector.load %arg1[%get3A_12, %get3A_13] : memref<10000x64xf32, #tpu.memory_space<vmem>>, vector<10000x64xf32>
    %add3A_15 = arith.addf %add3A, %get3A_14 : vector<10000x64xf32>
    %mul3A = vector.broadcast %get3A_1 : vector<10000x1xf32> to vector<10000x64xf32>
    %mul3A_16 = arith.mulf %mul3A, %add3A_15 : vector<10000x64xf32>
    %get3A_17 = arith.constant 0 : index
    %get3A_18 = arith.constant 0 : index
    %get3A_19 = vector.load %arg3[%get3A_17, %get3A_18] : memref<1x64xf32, #tpu.memory_space<vmem>>, vector<1x64xf32>
    %add3A_20 = vector.broadcast %get3A_19 : vector<1x64xf32> to vector<10000x64xf32>
    %add3A_21 = arith.addf %mul3A_16, %add3A_20 : vector<10000x64xf32>
    %max3A = arith.constant 0.000000e+00 : f32
    %max3A_22 = vector.broadcast %max3A : f32 to vector<10000x64xf32>
    %max3A_23 = arith.maximumf %add3A_21, %max3A_22 : vector<10000x64xf32>
    %get3A_24 = arith.constant 0 : index
    %get3A_25 = arith.constant 0 : index
    %get3A_26 = vector.load %arg4[%get3A_24, %get3A_25] : memref<64x128xf32, #tpu.memory_space<vmem>>, vector<64x128xf32>
    %dot_general3A = arith.constant dense<0.000000e+00> : vector<10000x128xf32>
    %dot_general3A_27 = tpu.matmul %max3A_23, %get3A_26, %dot_general3A {dimension_numbers = #tpu.dot_dimension_numbers<[1], [0], [0], [1], [0, 0, 1, 1], [], []>, transpose_lhs_hint = false} : vector<10000x64xf32>, vector<64x128xf32>, vector<10000x128xf32> -> vector<10000x128xf32>
    %mul3A_28 = vector.broadcast %get3A_1 : vector<10000x1xf32> to vector<10000x128xf32>
    %mul3A_29 = arith.mulf %mul3A_28, %dot_general3A_27 : vector<10000x128xf32>
    %swap3A = arith.constant 0 : index
    %swap3A_30 = arith.constant 0 : index
    %swap3A_31 = vector.load %arg5[%swap3A, %swap3A_30] : memref<10000x128xf32, #tpu.memory_space<vmem>>, vector<10000x128xf32>
    tpu.vector_store %arg5[%swap3A, %swap3A_30], %mul3A_29 {strides = array<i32>} : memref<10000x128xf32, #tpu.memory_space<vmem>>, vector<10000x128xf32>,
    return
  }
}

module attributes {stable_mosaic.version = 14 : i64} {
  func.func @body(%arg0: memref<2x10000x128xf32, #tpu.memory_space<vmem>>, %arg1: memref<10000x128xf32, #tpu.memory_space<vmem>>, %arg2: memref<10000x1xf32, #tpu.memory_space<vmem>>, %arg3: memref<1x128xf32, #tpu.memory_space<vmem>>, %arg4: memref<10000x128xf32, #tpu.memory_space<vmem>>) attributes {dimension_semantics = [], scalar_prefetch = 0 : i64, scratch_operands = 0 : i64, tpu.core_type = #tpu.core_type<tc>} {
    %get3A = arith.constant 0 : index
    %get3A_0 = arith.constant 0 : index
    %get3A_1 = arith.constant 0 : index
    %get3A_2 = vector.load %arg0[%get3A, %get3A_0, %get3A_1] : memref<2x10000x128xf32, #tpu.memory_space<vmem>>, vector<1x10000x128xf32>
    %get3A_3 = vector.shape_cast %get3A_2 : vector<1x10000x128xf32> to vector<10000x128xf32>
    %get3A_4 = arith.constant 1 : index
    %get3A_5 = arith.constant 0 : index
    %get3A_6 = arith.constant 0 : index
    %get3A_7 = vector.load %arg0[%get3A_4, %get3A_5, %get3A_6] : memref<2x10000x128xf32, #tpu.memory_space<vmem>>, vector<1x10000x128xf32>
    %get3A_8 = vector.shape_cast %get3A_7 : vector<1x10000x128xf32> to vector<10000x128xf32>
    %add3A = arith.addf %get3A_3, %get3A_8 : vector<10000x128xf32>
    %get3A_9 = arith.constant 0 : index
    %get3A_10 = arith.constant 0 : index
    %get3A_11 = vector.load %arg1[%get3A_9, %get3A_10] : memref<10000x128xf32, #tpu.memory_space<vmem>>, vector<10000x128xf32>
    %add3A_12 = arith.addf %add3A, %get3A_11 : vector<10000x128xf32>
    %get3A_13 = arith.constant 0 : index
    %get3A_14 = arith.constant 0 : index
    %get3A_15 = vector.load %arg2[%get3A_13, %get3A_14] : memref<10000x1xf32, #tpu.memory_space<vmem>>, vector<10000x1xf32>
    %mul3A = vector.broadcast %get3A_15 : vector<10000x1xf32> to vector<10000x128xf32>
    %mul3A_16 = arith.mulf %mul3A, %add3A_12 : vector<10000x128xf32>
    %get3A_17 = arith.constant 0 : index
    %get3A_18 = arith.constant 0 : index
    %get3A_19 = vector.load %arg3[%get3A_17, %get3A_18] : memref<1x128xf32, #tpu.memory_space<vmem>>, vector<1x128xf32>
    %add3A_20 = vector.broadcast %get3A_19 : vector<1x128xf32> to vector<10000x128xf32>
    %add3A_21 = arith.addf %mul3A_16, %add3A_20 : vector<10000x128xf32>
    %swap3A = arith.constant 0 : index
    %swap3A_22 = arith.constant 0 : index
    %swap3A_23 = vector.load %arg4[%swap3A, %swap3A_22] : memref<10000x128xf32, #tpu.memory_space<vmem>>, vector<10000x128xf32>
    tpu.vector_store %arg4[%swap3A, %swap3A_22], %add3A_21 {strides = array<i32>} : memref<10000x128xf32, #tpu.memory_space<vmem>>, vector<10000x128xf32>,
    return
  }
}

</mosaic_0001>

<sc_bundles>
// kernel: kernel.11.cloned.1.call-start
scs
__scs_entry_jumppad:
0x0: {  	(pc) =	sbr.rel $0x88, $3  }
0x1: {  	(tag) =	ssettag $0x0;
	lr =	simm.s32 $0x1  }
0x2: {  	[smem:$0x3F9B] =	sst lr;
	_ =	strace $0xD0000000  }
0x3: {  	_ = 	snop  }
0x4: {  	_ = 	snop  }
0x5: {  	_ = 	snop  }
0x6: {  	_ = 	snop  }
0x7: {  	_ = 	snop  }
__scs_overlays_trampoline_lowered:
0x8: {  	[smem:$0x3FAA] =	sst s0  }
0x9: {  	[smem:$0x3FAB] =	sst s1  }
0xa: {  	[smem:$0x3FAC] =	sst s2  }
0xb: {  	[smem:$0x3FAD] =	sst s3  }
0xc: {  	[smem:$0x3FAE] =	sst s4  }
0xd: {  	[smem:$0x3FAF] =	sst s5  }
0xe: {  	[smem:$0x3FB0] =	sst s6  }
0xf: {  	[smem:$0x3FB1] =	sst s7  }
0x10: {  	[smem:$0x3FB2] =	sst s8  }
0x11: {  	[smem:$0x3FB3] =	sst s9;
	s0 =	simm.s32 @!p0 $0x0  }
0x12: {  	s1 =	sld [smem:$0x3F99];
	s0 =	simm.s32 @p0 $0x1  }
0x13: {  	[smem:$0x3FB4] =	sst s0;
	s0 =	simm.s32 @!p1 $0x0  }
0x14: {  	s2 =	sld [smem:$0x3F98];
	s0 =	simm.s32 @p1 $0x1  }
0x15: {  	[smem:$0x3FB5] =	sst s0;
	s0 =	simm.s32 @!p2 $0x0  }
0x16: {  	s3 =	sld [smem:$0x3FDB];
	s0 =	simm.s32 @p2 $0x1  }
0x17: {  	s4 =	simm.s32 $0x1BF5;
	[smem:$0x3FB7] =	sst s0  }
0x18: {  	s0 =	sld [smem:$0x3F9A];
	_ =	swait.ge [sflag:s4], $0x0  }
0x19: {  	s7 =	sld [smem:$0x3F9B]  }
0x1a: {  	s8 =	sadd.s32 $0xFFFFE003, lr  }
0x1b: {  	s9 =	sadd.s32 $0xFFFFFEF7, lr;
	s5 =	simm.s32 $0xFFFFFFFF;
	p2 =	slt.u32 s8, $0xFFFFF086  }
0x1c: {  	p1 =	slt.u32 s9, $0xF7A;
	s5 =	simm.s32 @!p2 $0x0  }
0x1d: {  	s5 =	simm.s32 @p1 $0x1;
	p0 =	seq.s32 s7, s2  }
0x1e: {  	s7 =	smul.u32 @!p0 $0xF7A, s2;
	p2 =	seq.s32 @!p0 s5, $0x0  }
0x1f: {  	s9 =	smul.u32 $0xF7A, s1;
	s8 =	simm.s32 @!p0 $0x1BF5;
	p2 =	por !p2, p0  }
0x20: {  	[sflag:s8] =	ssyncset.s32 @!p0 $0xFFFFF086;
	s6 =	sadd.s32 @!p0 s3, s7;
	s7 =	simm.s32 @!p0 $0x108  }
0x21: {  	s3 =	sadd.s32 s3, s9;
	s6 =	sadd.s32 @!p0 $0x88, s6;
	s7 =	simm.s32 @p2 $0x1082  }
0x22: {  	[simem:s7], [sflag:s8] =	dma.local @!p0 [hbm:s6], $0xF7A  }
0x23: {  	s9 =	sor.u32 $0xD0000000, s2;
	s6 =	simm.s32 $0x108;
	_ =	swait.ge @!p0 [sflag:s8], $0x0  }
0x24: {  	s3 =	sadd.s32 $0x88, s3;
	s6 =	simm.s32 @!p1 $0x1082;
	[sflag:s4] =	ssyncset.s32 $0xFFFFF086  }
0x25: {  	[simem:s6], [sflag:s4] =	dma.local [hbm:s3], $0xF7A  }
0x26: {  	[smem:$0x3F9B] =	sst s1;
	(tag) =	ssettag s2;
	_ =	strace s9  }
0x27: {  	s1 =	sld [smem:$0x3FAB]  }
0x28: {  	s2 =	sld [smem:$0x3FAC]  }
0x29: {  	s4 =	sld [smem:$0x3FAE]  }
0x2a: {  	p0 =	seq.s32 s5, $0x0;
	s5 =	sld [smem:$0x3FAF]  }
0x2b: {  	s6 =	sld [smem:$0x3FB0]  }
0x2c: {  	s7 =	sld [smem:$0x3FB1]  }
0x2d: {  	s3 =	simm.s32 $0x108;
	s8 =	sld [smem:$0x3FB2]  }
0x2e: {  	s3 =	simm.s32 @!p0 $0x1082;
	s9 =	sld [smem:$0x3FB3]  }
0x2f: {  	lr =	sadd.s32 s0, s3;
	s0 =	sld [smem:$0x3FAA]  }
0x30: {  	s3 =	sld [smem:$0x3FAD]  }
0x31: {  	[smem:$0x3FB6] =	sst s10  }
0x32: {  	s10 =	sld [smem:$0x3FB4];
	_ =	sdelay $0x3  }
0x33: {  	p0 =	seq.s32 s10, $0x1;
	s10 =	sld [smem:$0x3FB6];
	_ =	sdelay $0x3  }
0x34: {  	[smem:$0x3FB6] =	sst s10  }
0x35: {  	s10 =	sld [smem:$0x3FB5];
	_ =	sdelay $0x3  }
0x36: {  	p1 =	seq.s32 s10, $0x1;
	s10 =	sld [smem:$0x3FB6];
	_ =	sdelay $0x3  }
0x37: {  	[smem:$0x3FB6] =	sst s10  }
0x38: {  	s10 =	sld [smem:$0x3FB7]  }
0x39: {  	_ = 	snop;
	(pc) =	sbr.ind lr, $3  }
0x3a: {  	_ = 	snop  }
0x3b: {  	_ = 	snop  }
0x3c: {  	p2 =	seq.s32 s10, $0x1;
	s10 =	sld [smem:$0x3FB6]  }
0x3d: {  	_ =	shalt  }
0x3e: {  	_ =	shalt  }
0x3f: {  	_ =	shalt  }
0x40: {  	_ =	shalt  }
0x41: {  	_ =	shalt  }
0x42: {  	_ =	shalt  }
0x43: {  	_ =	shalt  }
0x44: {  	_ =	shalt  }
0x45: {  	_ =	shalt  }
0x46: {  	_ =	shalt  }
0x47: {  	_ =	shalt  }
0x48: {  	_ =	shalt  }
0x49: {  	_ =	shalt  }
0x4a: {  	_ =	shalt  }
0x4b: {  	_ =	shalt  }
0x4c: {  	_ =	shalt  }
0x4d: {  	_ =	shalt  }
0x4e: {  	_ =	shalt  }
0x4f: {  	_ =	shalt  }
0x50: {  	_ =	shalt  }
0x51: {  	_ =	shalt  }
0x52: {  	_ =	shalt  }
0x53: {  	_ =	shalt  }
0x54: {  	_ =	shalt  }
0x55: {  	_ =	shalt  }
0x56: {  	_ =	shalt  }
0x57: {  	_ =	shalt  }
0x58: {  	_ =	shalt  }
0x59: {  	_ =	shalt  }
0x5a: {  	_ =	shalt  }
0x5b: {  	_ =	shalt  }
0x5c: {  	_ =	shalt  }
0x5d: {  	_ =	shalt  }
0x5e: {  	_ =	shalt  }
0x5f: {  	_ =	shalt  }
0x60: {  	_ =	shalt  }
0x61: {  	_ =	shalt  }
0x62: {  	_ =	shalt  }
0x63: {  	_ =	shalt  }
0x64: {  	_ =	shalt  }
0x65: {  	_ =	shalt  }
0x66: {  	_ =	shalt  }
0x67: {  	_ =	shalt  }
0x68: {  	_ =	shalt  }
0x69: {  	_ =	shalt  }
0x6a: {  	_ =	shalt  }
0x6b: {  	_ =	shalt  }
0x6c: {  	_ =	shalt  }
0x6d: {  	_ =	shalt  }
0x6e: {  	_ =	shalt  }
0x6f: {  	_ =	shalt  }
0x70: {  	_ =	shalt  }
0x71: {  	_ =	shalt  }
0x72: {  	_ =	shalt  }
0x73: {  	_ =	shalt  }
0x74: {  	_ =	shalt  }
0x75: {  	_ =	shalt  }
0x76: {  	_ =	shalt  }
0x77: {  	_ =	shalt  }
0x78: {  	_ =	shalt  }
0x79: {  	_ =	shalt  }
0x7a: {  	_ =	shalt  }
0x7b: {  	_ =	shalt  }
0x7c: {  	_ =	shalt  }
0x7d: {  	_ =	shalt  }
0x7e: {  	_ =	shalt  }
0x7f: {  	_ =	shalt  }
0x80: {  	_ =	shalt  }
0x81: {  	_ =	shalt  }
0x82: {  	_ =	shalt  }
0x83: {  	_ =	shalt  }
0x84: {  	_ =	shalt  }
0x85: {  	_ =	shalt  }
0x86: {  	_ =	shalt  }
0x87: {  	_ =	shalt  }
.Lfunc_end0:
.L_simem_size_0:
called_computation.1_lowered:
.L_overlay_start_0:
0x88: {  	s2 =	sld [smem:$0x3FD9]  }
0x89: {  	s3 =	sld [smem:$0x3FFE];
	_ =	sdelay $0x1  }
0x8a: {  	s1 =	srdreg.scid  }
0x8b: {  	s0 =	sand.u32 $0x1, s1  }
0x8c: {  	s17 =	sshll.u32 s0, $0xA;
	s2 =	sadd.s32 s3, s2  }
0x8d: {  	s2 =	sadd.s32 s2, s17  }
0x8e: {  	[smem:$0x3FC2] =	sst s2  }
0x8f: {  	_ = 	snop  }
0x90: {  	s2 =	sld [smem:$0x3FD0];
	(tm) =	ssettm $0x1  }
0x91: {  	s18 =	sld [smem:$0x3FFB];
	_ =	sdelay $0x3  }
0x92: {  	_ =	strace s18  }
0x93: {  	s3 =	sld [smem:$0x3FFC];
	_ =	sdelay $0x3  }
0x94: {  	_ =	strace s3  }
0x95: {  	s3 =	sld [smem:$0x3FFD];
	_ =	sdelay $0x3  }
0x96: {  	_ =	strace s3  }
0x97: {  	_ =	strace $0x8FFFFFFF  }
0x98: {  	s19 =	sld [smem:$0x3FDB];
	_ =	sdelay $0x1  }
0x99: {  	s4 =	simm.s32 $_scs_section_size  }
0x9a: {  	s5 =	simm.s32 $_size__tile_overlayer_lowered;
	s6 =	simm.s32 $_tile_overlayer_lowered  }
0x9b: {  	s22 =	simm.s32 $0x1BFF;
	s21 =	sshll.u32 s6, $0x1;
	s3 =	sadd.s32 s4, s19  }
0x9c: {  	s7 =	simm.s32 $0x0;
	s20 =	sshll.u32 s5, $0x1;
	s5 =	sadd.s32 s21, s3  }
0x9d: {  	[timem:s7], [sflag:s22] =	dma.local [hbm:s5], s20  }
0x9e: {  	_ =	swait.ge [sflag:s22], s20  }
0x9f: {  	s4 =	ssub.s32 $0x0, s20;
	[sflag:s22] =	ssyncset.done $0x0  }
0xa0: {  	[sflag:s22] =	ssyncadd.s32 s4;
	_ =	sdelay $0x1  }
0xa1: {  	s23 =	simm.s32 $0x1B8B  }
0xa2: {  	_ =	swait.ge [sflag:s23], $0x1  }
0xa3: {  	[sflag:s23] =	ssyncset.done $0x0  }
0xa4: {  	s25 =	simm.s32 $0x1B8E;
	s24 =	sld [smem:$0x3FFE];
	[sflag:s23] =	ssyncadd.s32 $0xFFFFFFFF  }
0xa5: {  	s26 =	simm.s32 $execute0_lowered;
	[smem:$0x3FD2] =	sst s25  }
0xa6: {  	s5 =	sshll.u32 s26, $0x1;
	_ =	strace $0x80000049;
	[dreg:$0x1] =	wrdreg $0xFFFFFFFF  }
0xa7: {  	s28 =	simm.s32 $_size_execute0_lowered;
	s3 =	sadd.s32 s3, s5;
	[dreg:$0x0] =	wrdreg $0x0  }
0xa8: {  	s5 =	sshll.u32 s28, $0x1;
	[dreg:$0x2] =	wrdreg s3  }
0xa9: {  	[dreg:$0x3] =	wrdreg s5  }
0xaa: {  	[dreg:$0x4] =	wrdreg $0xC0  }
0xab: {  	_ =	task [dreg:s7], $0x5FFFF  }
0xac: {  	[dreg:$0x1] =	wrdreg $0xFFFFFFFF  }
0xad: {  	[dreg:$0x0] =	wrdreg $0x60  }
0xae: {  	[dreg:$0x2] =	wrdreg s24  }
0xaf: {  	[dreg:$0x3] =	wrdreg s2  }
0xb0: {  	[dreg:$0x4] =	wrdreg $0xB4000  }
0xb1: {  	[dreg:$0x5] =	wrdreg $0x9  }
0xb2: {  	_ =	task.clear_ibuf [dreg:s7], $0x6FFFF;
	_ =	strace $0x90000049  }
0xb3: {  	s29 =	simm.s32 $0x9;
	_ =	strace $0x8000004B  }
0xb4: {  	_ =	swait.ge [sflag:s29], $0x1  }
0xb5: {  	[sflag:s29] =	ssyncadd.s32 $0xFFFFFFFF  }
0xb6: {  	_ =	strace $0x9000004B  }
0xb7: {  	_ =	sfence  }
0xb8: {  	s30 =	sld [smem:$0x0];
	_ =	sdelay $0x2  }
0xb9: {  	s31 =	sshll.u32 s1, $0xD;
	s1 =	sshrl.u32 s1, $0x2  }
0xba: {  	s3 =	sand.u32 $0x4000, s31;
	s1 =	sadd.s32 s1, s30  }
0xbb: {  	s0 =	sor.u32 s3, s0;
	s1 =	sshll.u32 s1, $0x11  }
0xbc: {  	s0 =	sor.u32 s1, s0  }
0xbd: {  	s0 =	sadd.s32 $0x8F2B, s0  }
0xbe: {  	[sflag:s0] =	ssyncadd.remote.s32 $0x1  }
0xbf: {  	_ =	sfence.sel $0xFFFF  }
0xc0: {  	[dreg:$0x0] =	wrdreg $0xFFFFFFFF;
	(pc) =	sbr.abs _section_cstart, $3  }
0xc1: {  	[dreg:$0x1] =	wrdreg $0xFFFFFFFF  }
0xc2: {  	_ =	task.clear_ibuf [dreg:s7], $0x2FFFF;
	_ =	strace $0x9FFFFFFF  }
0xc3: {  	(tm) =	ssettm $0x7FFFFFFF  }
tec
execute0_lowered:
.L_overlay_start_1:
0x0: {  	(tag) =	ssettag $0x1  }
0x1: {  	s0 =	srdreg.scid;
	s6 =	rddreg [dreg:$0x1];
	s1 =	simm.s32 $0x0  }
0x2: {  	s22 =	stileid.u32;
	s28 =	simm.s32 $0x3;
	s30 =	simm.s32 $0x7  }
0x3: {  	s29 =	simm.s32 $0x1F80;
	s31 =	simm.s32 $0xA;
	s7 =	sand.u32 $0x1, s0  }
0x4: {  	[smem:$0x7FF] =	sst s1;
	s16 =	sor.u32 $0x50, s22;
	s8 =	smul.u32 $0x9C400, s7  }
0x5: {  	s17 =	sor.u32 $0x60, s22;
	s0 =	ssub.s32 $0x2, s7;
	s19 =	smul.u32 $0x1400, s16  }
0x6: {  	s10 =	sor.u32 $0x10, s22;
	s20 =	smul.u32 $0x1400, s17;
	s2 =	sshrl.u32 s0, $0x1  }
0x7: {  	s12 =	sor.u32 $0x20, s22;
	s9 =	ssub.s32 s0, s2;
	s0 =	smul.u32 $0x1400, s22  }
0x8: {  	s14 =	sor.u32 $0x30, s22;
	s18 =	sor.u32 $0x70, s22;
	s2 =	smul.u32 $0x1400, s10  }
0x9: {  	s15 =	sor.u32 $0x40, s22;
	p0 =	sgt.u32 s18, $0x7C;
	s25 =	sadd.s32 s8, s19  }
0xa: {  	s26 =	sadd.s32 s8, s20;
	s3 =	sadd.s32 s8, s0;
	s21 =	sadd.s32 s8, s2  }
0xb: {  	s4 =	sshrl.u32 s3, $0x3;
	s3 =	smul.u32 $0x1400, s12;
	s5 =	sshrl.u32 s21, $0x3  }
0xc: {  	s9 =	smax.u32 s9, $0x1;
	s4 =	sadd.s32 s6, s4;
	s5 =	sadd.s32 s6, s5  }
0xd: {  	[dreg:$0x4] =	wrdreg s4;
	s11 =	sadd.s32 s8, s3;
	s4 =	smul.u32 $0x1400, s14  }
0xe: {  	[dreg:$0x5] =	wrdreg s5;
	s5 =	smul.u32 $0x1400, s15;
	s11 =	sshrl.u32 s11, $0x3  }
0xf: {  	s21 =	smul.u32 $0x1400, s18;
	s11 =	sadd.s32 s6, s11;
	s23 =	sadd.s32 s8, s4  }
0x10: {  	s13 =	sadd.s32 s8, s5;
	[dreg:$0x6] =	wrdreg s11;
	s11 =	sshrl.u32 s23, $0x3  }
0x11: {  	s24 =	sshrl.u32 s13, $0x3;
	s13 =	sshrl.u32 s26, $0x3;
	s11 =	sadd.s32 s6, s11  }
0x12: {  	s15 =	smul.u32 $0x5000, s15;
	s23 =	sadd.s32 s6, s13;
	[dreg:$0x7] =	wrdreg s11  }
0x13: {  	s8 =	sadd.s32 s8, s21;
	s11 =	sadd.s32 s6, s24;
	[dreg:$0xa] =	wrdreg s23  }
0x14: {  	s8 =	sshrl.u32 s8, $0x3;
	s26 =	sshll.u32 s22, $0x1;
	[dreg:$0x8] =	wrdreg s11  }
0x15: {  	s11 =	sshrl.u32 s25, $0x3;
	s25 =	sshll.u32 s7, $0x9;
	s7 =	sor.u32 s7, s26  }
0x16: {  	s24 =	sshll.u32 s22, $0xA;
	s11 =	sadd.s32 s6, s11;
	[dreg:$0xc] =	wrdreg s7  }
0x17: {  	s23 =	smul.u32 $0x5000, s22;
	s6 =	sadd.s32 s6, s8;
	[dreg:$0x9] =	wrdreg s11  }
0x18: {  	s26 =	smul.u32 $0x5000, s14;
	s14 =	sshll.u32 s22, $0x6;
	[dreg:$0xb] =	wrdreg s6  }
0x19: {  	s22 =	smul.u32 $0x5000, s16;
	s7 =	sshrl.u32 s23, $0x2;
	s6 =	rddreg [dreg:$0x0]  }
0x1a: {  	s23 =	smul.u32 $0x5000, s17;
	s11 =	rddreg [dreg:$0x2];
	s8 =	sadd.s32 s24, s6  }
0x1b: {  	_ =	strace $0x8000004A;
	s13 =	sadd.s32 $0x16000, s6;
	s6 =	sadd.s32 $0x29A00, s6  }
0x1c: {  	s24 =	smul.u32 $0x5000, s10;
	[dreg:$0xe] =	wrdreg s9;
	s7 =	sadd.s32 s7, s11  }
0x1d: {  	s10 =	sshrl.u32 s26, $0x2;
	s0 =	sadd.s32 s0, s11;
	[dreg:$0xd] =	wrdreg s6  }
0x1e: {  	s26 =	sadd.s32 s3, s11;
	s3 =	sadd.s32 s5, s11;
	[dreg:$0x10] =	wrdreg s0  }
0x1f: {  	s5 =	sadd.s32 s20, s11;
	s17 =	sadd.s32 s21, s11;
	[dreg:$0x12] =	wrdreg s26  }
0x20: {  	s8 =	sadd.s32 s25, s8;
	s25 =	smul.u32 $0x5000, s12;
	[dreg:$0x14] =	wrdreg s3  }
0x21: {  	s12 =	sor.u32 $0x1C09, s14;
	s10 =	sadd.s32 s10, s11;
	[dreg:$0x16] =	wrdreg s5  }
0x22: {  	s14 =	sshrl.u32 s22, $0x2;
	[dreg:$0x17] =	wrdreg s17;
	s5 =	simm.s32 $0x1000  }
0x23: {  	s17 =	simm.s32 $0x8000;
	[dreg:$0xf] =	wrdreg s12;
	s6 =	sshrl.u32 s24, $0x2  }
0x24: {  	s12 =	sshrl.u32 s15, $0x2;
	s24 =	smul.u32 $0x5000, s18;
	s14 =	sadd.s32 s14, s11  }
0x25: {  	s15 =	sshrl.u32 s23, $0x2;
	s26 =	sadd.s32 $0x2400, s8;
	s18 =	sshrl.u32 s7, $0x3  }
0x26: {  	s21 =	sshrl.u32 s10, $0x3;
	s7 =	simm.s32 $0x2000;
	s10 =	simm.s32 $0x4  }
0x27: {  	s6 =	sadd.s32 s6, s11;
	s9 =	sshrl.u32 s25, $0x2;
	s12 =	sadd.s32 s12, s11  }
0x28: {  	s15 =	sadd.s32 s15, s11;
	s25 =	sadd.s32 s2, s11;
	[dreg:$0x18] =	wrdreg s18  }
0x29: {  	s2 =	sadd.s32 s4, s11;
	s4 =	sadd.s32 s19, s11;
	[dreg:$0x1b] =	wrdreg s21  }
0x2a: {  	s23 =	sshrl.u32 s14, $0x3;
	s18 =	simm.s32 $0x1;
	[dreg:$0x11] =	wrdreg s25  }
0x2b: {  	s21 =	simm.s32 $0x2;
	s14 =	simm.s32 $0x0;
	[dreg:$0x13] =	wrdreg s2  }
0x2c: {  	s9 =	sadd.s32 s9, s11;
	s16 =	sshrl.u32 s24, $0x2;
	[dreg:$0x15] =	wrdreg s4  }
0x2d: {  	s25 =	sadd.s32 $0xC200, s8;
	s19 =	sshrl.u32 s6, $0x3;
	s22 =	sshrl.u32 s12, $0x3  }
0x2e: {  	[dreg:$0x1d] =	wrdreg s23;
	s24 =	sshrl.u32 s15, $0x3;
	s4 =	simm.s32 $0x9  }
0x2f: {  	s6 =	simm.s32 $0x80;
	s8 =	simm.s32 $0x4000;
	s12 =	simm.s32 $0x6000  }
0x30: {  	s23 =	simm.s32 $0x6;
	s2 =	simm.s32 $0x8;
	[dreg:$0x19] =	wrdreg s19  }
.Ltmp0:
0x31: {  	s15 =	simm.s32 $0xF80;
	[dreg:$0x1c] =	wrdreg s22;
	(pc) =	sbr.rel .LBB2_1-.Ltmp0, $4  }
0x32: {  	s16 =	sadd.s32 s16, s11;
	s20 =	sshrl.u32 s9, $0x3;
	[dreg:$0x1e] =	wrdreg s24  }
0x33: {  	s19 =	simm.s32 $0x5;
	s9 =	simm.s32 $0x1D80;
	s22 =	simm.s32 $0x1E80  }
0x34: {  	s24 =	simm.s32 $0x1F00;
	[dreg:$0x1a] =	wrdreg s20;
	s0 =	sshrl.u32 @!p0 s16, $0x3  }
0x35: {  	s16 =	simm.s32 $0xF00;
	s20 =	simm.s32 $0x1E00;
	[dreg:$0x1f] =	wrdreg s0  }
.LBB2_5:
0x36: {  	[bflag:$0x0] =	sbarrier.arrive $0xFFFF  }
0x37: {  	s3 =	simm.s32 $0xA000;
	s0 =	rddreg [dreg:$0x10]  }
0x38: {  	[tilespmem:s3], [sflag:$0xA] =	stream.linear.gather [spmem:s0], $0x1400, $0x38;
	[tilespmem:$0x15240] =	vst v63  }
0x39: {  	_ =	swait.ge [sflag:s31], $0x1400  }
0x3a: {  	[sflag:s31] =	ssyncset.done $0x0  }
0x3b: {  	s14 =	rddreg [dreg:$0x4];
	[sflag:s31] =	ssyncadd.s32 $0xFFFFEC00  }
0x3c: {  	[hbm4b:s14+s1] =	stream.linear.scatter [tilespmem:s3], [sflag:$0x9], $0x1400, $0x38;
	[tilespmem:$0x15240] =	vst v63  }
0x3d: {  	_ =	swait.ge [sflag:s4], $0x1400  }
0x3e: {  	[sflag:s4] =	ssyncset.done $0x0  }
0x3f: {  	s14 =	rddreg [dreg:$0x11];
	[sflag:s4] =	ssyncadd.s32 $0xFFFFEC00  }
0x40: {  	[tilespmem:s3], [sflag:$0xA] =	stream.linear.gather [spmem:s14], $0x1400, $0x38;
	[tilespmem:$0x15240] =	vst v63  }
0x41: {  	_ =	swait.ge [sflag:s31], $0x1400  }
0x42: {  	[sflag:s31] =	ssyncset.done $0x0  }
0x43: {  	s14 =	rddreg [dreg:$0x5];
	[sflag:s31] =	ssyncadd.s32 $0xFFFFEC00  }
0x44: {  	[hbm4b:s14+s1] =	stream.linear.scatter [tilespmem:s3], [sflag:$0x9], $0x1400, $0x38;
	[tilespmem:$0x15240] =	vst v63  }
0x45: {  	_ =	swait.ge [sflag:s4], $0x1400  }
0x46: {  	[sflag:s4] =	ssyncset.done $0x0  }
0x47: {  	s14 =	rddreg [dreg:$0x12];
	[sflag:s4] =	ssyncadd.s32 $0xFFFFEC00  }
0x48: {  	[tilespmem:s3], [sflag:$0xA] =	stream.linear.gather [spmem:s14], $0x1400, $0x38;
	[tilespmem:$0x15240] =	vst v63  }
0x49: {  	_ =	swait.ge [sflag:s31], $0x1400  }
0x4a: {  	[sflag:s31] =	ssyncset.done $0x0  }
0x4b: {  	s14 =	rddreg [dreg:$0x6];
	[sflag:s31] =	ssyncadd.s32 $0xFFFFEC00  }
0x4c: {  	[hbm4b:s14+s1] =	stream.linear.scatter [tilespmem:s3], [sflag:$0x9], $0x1400, $0x38;
	[tilespmem:$0x15240] =	vst v63  }
0x4d: {  	_ =	swait.ge [sflag:s4], $0x1400  }
0x4e: {  	[sflag:s4] =	ssyncset.done $0x0  }
0x4f: {  	s14 =	rddreg [dreg:$0x13];
	[sflag:s4] =	ssyncadd.s32 $0xFFFFEC00  }
0x50: {  	[tilespmem:s3], [sflag:$0xA] =	stream.linear.gather [spmem:s14], $0x1400, $0x38;
	[tilespmem:$0x15240] =	vst v63  }
0x51: {  	_ =	swait.ge [sflag:s31], $0x1400  }
0x52: {  	[sflag:s31] =	ssyncset.done $0x0  }
0x53: {  	s14 =	rddreg [dreg:$0x7];
	[sflag:s31] =	ssyncadd.s32 $0xFFFFEC00  }
0x54: {  	[hbm4b:s14+s1] =	stream.linear.scatter [tilespmem:s3], [sflag:$0x9], $0x1400, $0x38;
	[tilespmem:$0x15240] =	vst v63  }
0x55: {  	_ =	swait.ge [sflag:s4], $0x1400  }
0x56: {  	[sflag:s4] =	ssyncset.done $0x0  }
0x57: {  	s14 =	rddreg [dreg:$0x14];
	[sflag:s4] =	ssyncadd.s32 $0xFFFFEC00  }
0x58: {  	[tilespmem:s3], [sflag:$0xA] =	stream.linear.gather [spmem:s14], $0x1400, $0x38;
	[tilespmem:$0x15240] =	vst v63  }
0x59: {  	_ =	swait.ge [sflag:s31], $0x1400  }
0x5a: {  	[sflag:s31] =	ssyncset.done $0x0  }
0x5b: {  	s14 =	rddreg [dreg:$0x8];
	[sflag:s31] =	ssyncadd.s32 $0xFFFFEC00  }
0x5c: {  	[hbm4b:s14+s1] =	stream.linear.scatter [tilespmem:s3], [sflag:$0x9], $0x1400, $0x38;
	[tilespmem:$0x15240] =	vst v63  }
0x5d: {  	_ =	swait.ge [sflag:s4], $0x1400  }
0x5e: {  	[sflag:s4] =	ssyncset.done $0x0  }
0x5f: {  	s14 =	rddreg [dreg:$0x15];
	[sflag:s4] =	ssyncadd.s32 $0xFFFFEC00  }
0x60: {  	[tilespmem:s3], [sflag:$0xA] =	stream.linear.gather [spmem:s14], $0x1400, $0x38;
	[tilespmem:$0x15240] =	vst v63  }
0x61: {  	_ =	swait.ge [sflag:s31], $0x1400  }
0x62: {  	[sflag:s31] =	ssyncset.done $0x0  }
0x63: {  	s14 =	rddreg [dreg:$0x9];
	[sflag:s31] =	ssyncadd.s32 $0xFFFFEC00  }
0x64: {  	[hbm4b:s14+s1] =	stream.linear.scatter [tilespmem:s3], [sflag:$0x9], $0x1400, $0x38;
	[tilespmem:$0x15240] =	vst v63  }
0x65: {  	_ =	swait.ge [sflag:s4], $0x1400  }
0x66: {  	[sflag:s4] =	ssyncset.done $0x0  }
0x67: {  	s14 =	rddreg [dreg:$0x16];
	[sflag:s4] =	ssyncadd.s32 $0xFFFFEC00  }
0x68: {  	[tilespmem:s3], [sflag:$0xA] =	stream.linear.gather [spmem:s14], $0x1400, $0x38;
	[tilespmem:$0x15240] =	vst v63  }
0x69: {  	_ =	swait.ge [sflag:s31], $0x1400  }
0x6a: {  	[sflag:s31] =	ssyncset.done $0x0  }
0x6b: {  	s14 =	rddreg [dreg:$0xa];
	[sflag:s31] =	ssyncadd.s32 $0xFFFFEC00  }
0x6c: {  	[hbm4b:s14+s1] =	stream.linear.scatter [tilespmem:s3], [sflag:$0x9], $0x1400, $0x38;
	[tilespmem:$0x15240] =	vst v63  }
0x6d: {  	_ =	swait.ge [sflag:s4], $0x1400  }
0x6e: {  	[sflag:s4] =	ssyncset.done $0x0  }
0x6f: {  	s0 =	simm.s32 @!p0 $0xA000;
	s3 =	rddreg [dreg:$0x17];
	[sflag:s4] =	ssyncadd.s32 $0xFFFFEC00  }
0x70: {  	[tilespmem:s0], [sflag:$0xA] =	stream.linear.gather @!p0 [spmem:s3], $0x1400, $0x38;
	[tilespmem:$0x15240] =	vst v63  }
0x71: {  	s3 =	simm.s32 @!p0 $0xA  }
0x72: {  	_ =	swait.ge @!p0 [sflag:s3], $0x1400  }
0x73: {  	[sflag:s3] =	ssyncset.done @!p0 $0x0  }
0x74: {  	s14 =	rddreg [dreg:$0xb];
	[sflag:s3] =	ssyncadd.s32 @!p0 $0xFFFFEC00;
	s3 =	simm.s32 @!p0 $0x0  }
0x75: {  	[hbm4b:s14+s3] =	stream.linear.scatter @!p0 [tilespmem:s0], [sflag:$0x9], $0x1400, $0x38;
	[tilespmem:$0x15240] =	vst v63  }
0x76: {  	s0 =	simm.s32 @!p0 $0x9  }
0x77: {  	_ =	swait.ge @!p0 [sflag:s0], $0x1400  }
0x78: {  	s3 =	sld [smem:$0x7FD];
	_ =	sdelay $0x2  }
0x79: {  	s14 =	sadd.s32 $0x1, s3;
	s3 =	rddreg [dreg:$0xe]  }
0x7a: {  	p1 =	sne.s32 s14, s3  }
.Ltmp1:
0x7b: {  	_ = 	snop;
	(pc) =	sbr.rel @!p1 .LBB2_6-.Ltmp1, $3  }
0x7c: {  	_ =	sdelay $0x1  }
0x7d: {  	[sflag:s0] =	ssyncset.done @!p0 $0x0  }
0x7e: {  	[sflag:s0] =	ssyncadd.s32 @!p0 $0xFFFFEC00  }
.LBB2_1:
0x7f: {  	[smem:$0x7FD] =	sst s14  }
0x80: {  	s0 =	rddreg [dreg:$0xd]  }
0x81: {  	s3 =	rddreg [dreg:$0xf]  }
0x82: {  	s14 =	rddreg [dreg:$0x18]  }
0x83: {  	[spmem:s14], [sflag:s3] =	dma.local [hbm:s0], $0x280  }
0x84: {  	_ =	swait.ge [sflag:s4], $0x280  }
0x85: {  	[sflag:s4] =	ssyncset.done $0x0  }
0x86: {  	s14 =	rddreg [dreg:$0x19];
	[sflag:s4] =	ssyncadd.s32 $0xFFFFFD80  }
0x87: {  	[spmem:s14], [sflag:s3] =	dma.local [hbm:s0], $0x280  }
0x88: {  	_ =	swait.ge [sflag:s4], $0x280  }
0x89: {  	[sflag:s4] =	ssyncset.done $0x0  }
0x8a: {  	s14 =	rddreg [dreg:$0x1a];
	[sflag:s4] =	ssyncadd.s32 $0xFFFFFD80  }
0x8b: {  	[spmem:s14], [sflag:s3] =	dma.local [hbm:s0], $0x280  }
0x8c: {  	_ =	swait.ge [sflag:s4], $0x280  }
0x8d: {  	[sflag:s4] =	ssyncset.done $0x0  }
0x8e: {  	s14 =	rddreg [dreg:$0x1b];
	[sflag:s4] =	ssyncadd.s32 $0xFFFFFD80  }
0x8f: {  	[spmem:s14], [sflag:s3] =	dma.local [hbm:s0], $0x280  }
0x90: {  	_ =	swait.ge [sflag:s4], $0x280  }
0x91: {  	[sflag:s4] =	ssyncset.done $0x0  }
0x92: {  	s14 =	rddreg [dreg:$0x1c];
	[sflag:s4] =	ssyncadd.s32 $0xFFFFFD80  }
0x93: {  	[spmem:s14], [sflag:s3] =	dma.local [hbm:s0], $0x280  }
0x94: {  	_ =	swait.ge [sflag:s4], $0x280  }
0x95: {  	[sflag:s4] =	ssyncset.done $0x0  }
0x96: {  	s14 =	rddreg [dreg:$0x1d];
	[sflag:s4] =	ssyncadd.s32 $0xFFFFFD80  }
0x97: {  	[spmem:s14], [sflag:s3] =	dma.local [hbm:s0], $0x280  }
0x98: {  	_ =	swait.ge [sflag:s4], $0x280  }
0x99: {  	[sflag:s4] =	ssyncset.done $0x0  }
0x9a: {  	s14 =	rddreg [dreg:$0x1e];
	[sflag:s4] =	ssyncadd.s32 $0xFFFFFD80  }
0x9b: {  	[spmem:s14], [sflag:s3] =	dma.local [hbm:s0], $0x280  }
0x9c: {  	_ =	swait.ge [sflag:s4], $0x280  }
0x9d: {  	[sflag:s4] =	ssyncset.done $0x0  }
0x9e: {  	s14 =	rddreg [dreg:$0x1f];
	[sflag:s4] =	ssyncadd.s32 $0xFFFFFD80  }
0x9f: {  	[spmem:s14], [sflag:s3] =	dma.local @!p0 [hbm:s0], $0x280  }
0xa0: {  	s0 =	simm.s32 @!p0 $0x9  }
.Ltmp2:
0xa1: {  	_ =	swait.ge @!p0 [sflag:s0], $0x280;
	(pc) =	sbr.rel .LBB2_2-.Ltmp2, $4  }
0xa2: {  	[sflag:s0] =	ssyncset.done @!p0 $0x0  }
0xa3: {  	[sflag:s0] =	ssyncadd.s32 @!p0 $0xFFFFFD80  }
0xa4: {  	[bflag:$0x0] =	sbarrier.arrive $0xFFFF  }
0xa5: {  	s3 =	simm.s32 $0x0;
	s0 =	rddreg [dreg:$0xc]  }
.LBB2_4:
0xa6: {  	s3 =	sadd.s32 $0x4000, s3  }
0xa7: {  	p1 =	sne.s32 s3, $0xC000  }
.Ltmp3:
0xa8: {  	_ = 	snop;
	(pc) =	sbr.rel @!p1 .LBB2_5-.Ltmp3, $2  }
0xa9: {  	_ =	sdelay $0x2  }
0xaa: {  	s0 =	sadd.s32 $0x20, s0  }
.LBB2_2:
0xab: {  	p1 =	sgt.u32 s0, $0x4E  }
.Ltmp4:
0xac: {  	_ = 	snop;
	(pc) =	sbr.rel @p1 .LBB2_4-.Ltmp4, $1  }
0xad: {  	_ =	sdelay $0x3  }
0xae: {  	s14 =	sadd.s32 s3, s26  }
0xaf: {  	[tilespmem:s1], [sflag:$0x9] =	stream.linear.gather [hbm4b:s14+s1], $0x1000, $0x38;
	[tilespmem:$0x15240] =	vst v63  }
0xb0: {  	_ =	swait.ge [sflag:s4], $0x1000  }
0xb1: {  	[sflag:s4] =	ssyncset.done $0x0  }
0xb2: {  	s14 =	sadd.s32 s3, s25;
	[sflag:s4] =	ssyncadd.s32 $0xFFFFF000  }
0xb3: {  	[tilespmem:s5], [sflag:$0x9] =	stream.linear.gather [hbm4b:s14+s1], $0x1000, $0x38;
	[tilespmem:$0x15240] =	vst v63  }
0xb4: {  	_ =	swait.ge [sflag:s4], $0x1000  }
0xb5: {  	[sflag:s4] =	ssyncset.done $0x0  }
0xb6: {  	[sflag:s4] =	ssyncadd.s32 $0xFFFFF000  }
0xb7: {  	[tilespmem:s7], [sflag:$0x1] =	stream.indirect.gather [hbm4b:s13+s6], $0x40, s1, s6, $0xb8;
	[tilespmem:$0x15240] =	vst v63  }
0xb8: {  	_ = 	snop  }
0xb9: {  	[tilespmem:s8], [sflag:$0x2] =	stream.indirect.gather [hbm4b:s13+s6], $0x40, s6, s6, $0xb8;
	[tilespmem:$0x15240] =	vst v63  }
0xba: {  	s14 =	simm.s32 $0x100  }
0xbb: {  	[tilespmem:s12], [sflag:$0x3] =	stream.indirect.gather [hbm4b:s13+s6], $0x40, s14, s6, $0xb8;
	[tilespmem:$0x15240] =	vst v63  }
0xbc: {  	s14 =	simm.s32 $0x180  }
0xbd: {  	[tilespmem:s17], [sflag:$0x4] =	stream.indirect.gather [hbm4b:s13+s6], $0x40, s14, s6, $0xb8;
	[tilespmem:$0x15240] =	vst v63  }
0xbe: {  	_ =	swait.ge [sflag:s18], $0x2000  }
0xbf: {  	[sflag:s18] =	ssyncset.done $0x0  }
0xc0: {  	[sflag:s18] =	ssyncadd.s32 $0xFFFFE000  }
0xc1: {  	[spmem:s11] =	stream.indirect.scatter.add.f32 [tilespmem:s7], [sflag:$0x5], $0x40, s5, s6, $0xb8;
	[tilespmem:$0x15240] =	vst v63  }
0xc2: {  	_ =	swait.ge [sflag:s19], $0x2000  }
0xc3: {  	[sflag:s19] =	ssyncset.done $0x0  }
0xc4: {  	s14 =	simm.s32 $0x200;
	[sflag:s19] =	ssyncadd.s32 $0xFFFFE000  }
0xc5: {  	[tilespmem:s7], [sflag:$0x1] =	stream.indirect.gather [hbm4b:s13+s6], $0x40, s14, s6, $0xb8;
	[tilespmem:$0x15240] =	vst v63  }
0xc6: {  	_ =	swait.ge [sflag:s21], $0x2000  }
0xc7: {  	[sflag:s21] =	ssyncset.done $0x0  }
0xc8: {  	s14 =	simm.s32 $0x1080;
	[sflag:s21] =	ssyncadd.s32 $0xFFFFE000  }
0xc9: {  	[spmem:s11] =	stream.indirect.scatter.add.f32 [tilespmem:s8], [sflag:$0x6], $0x40, s14, s6, $0xb8;
	[tilespmem:$0x15240] =	vst v63  }
0xca: {  	_ =	swait.ge [sflag:s23], $0x2000  }
0xcb: {  	[sflag:s23] =	ssyncset.done $0x0  }
0xcc: {  	s14 =	simm.s32 $0x280;
	[sflag:s23] =	ssyncadd.s32 $0xFFFFE000  }
0xcd: {  	[tilespmem:s8], [sflag:$0x2] =	stream.indirect.gather [hbm4b:s13+s6], $0x40, s14, s6, $0xb8;
	[tilespmem:$0x15240] =	vst v63  }
0xce: {  	_ =	swait.ge [sflag:s28], $0x2000  }
0xcf: {  	[sflag:s28] =	ssyncset.done $0x0  }
0xd0: {  	s14 =	simm.s32 $0x1100;
	[sflag:s28] =	ssyncadd.s32 $0xFFFFE000  }
0xd1: {  	[spmem:s11] =	stream.indirect.scatter.add.f32 [tilespmem:s12], [sflag:$0x7], $0x40, s14, s6, $0xb8;
	[tilespmem:$0x15240] =	vst v63  }
0xd2: {  	_ =	swait.ge [sflag:s30], $0x2000  }
0xd3: {  	[sflag:s30] =	ssyncset.done $0x0  }
0xd4: {  	s14 =	simm.s32 $0x300;
	[sflag:s30] =	ssyncadd.s32 $0xFFFFE000  }
0xd5: {  	[tilespmem:s12], [sflag:$0x3] =	stream.indirect.gather [hbm4b:s13+s6], $0x40, s14, s6, $0xb8;
	[tilespmem:$0x15240] =	vst v63  }
0xd6: {  	_ =	swait.ge [sflag:s10], $0x2000  }
0xd7: {  	[sflag:s10] =	ssyncset.done $0x0  }
0xd8: {  	s14 =	simm.s32 $0x1180;
	[sflag:s10] =	ssyncadd.s32 $0xFFFFE000  }
0xd9: {  	[spmem:s11] =	stream.indirect.scatter.add.f32 [tilespmem:s17], [sflag:$0x8], $0x40, s14, s6, $0xb8;
	[tilespmem:$0x15240] =	vst v63  }
0xda: {  	_ =	swait.ge [sflag:s2], $0x2000  }
0xdb: {  	[sflag:s2] =	ssyncset.done $0x0  }
0xdc: {  	s14 =	simm.s32 $0x380;
	[sflag:s2] =	ssyncadd.s32 $0xFFFFE000  }
0xdd: {  	[tilespmem:s17], [sflag:$0x4] =	stream.indirect.gather [hbm4b:s13+s6], $0x40, s14, s6, $0xb8;
	[tilespmem:$0x15240] =	vst v63  }
0xde: {  	_ =	swait.ge [sflag:s18], $0x2000  }
0xdf: {  	[sflag:s18] =	ssyncset.done $0x0  }
0xe0: {  	s14 =	simm.s32 $0x1200;
	[sflag:s18] =	ssyncadd.s32 $0xFFFFE000  }
0xe1: {  	[spmem:s11] =	stream.indirect.scatter.add.f32 [tilespmem:s7], [sflag:$0x5], $0x40, s14, s6, $0xb8;
	[tilespmem:$0x15240] =	vst v63  }
0xe2: {  	_ =	swait.ge [sflag:s19], $0x2000  }
0xe3: {  	[sflag:s19] =	ssyncset.done $0x0  }
0xe4: {  	s14 =	simm.s32 $0x400;
	[sflag:s19] =	ssyncadd.s32 $0xFFFFE000  }
0xe5: {  	[tilespmem:s7], [sflag:$0x1] =	stream.indirect.gather [hbm4b:s13+s6], $0x40, s14, s6, $0xb8;
	[tilespmem:$0x15240] =	vst v63  }
0xe6: {  	_ =	swait.ge [sflag:s21], $0x2000  }
0xe7: {  	[sflag:s21] =	ssyncset.done $0x0  }
0xe8: {  	s14 =	simm.s32 $0x1280;
	[sflag:s21] =	ssyncadd.s32 $0xFFFFE000  }
0xe9: {  	[spmem:s11] =	stream.indirect.scatter.add.f32 [tilespmem:s8], [sflag:$0x6], $0x40, s14, s6, $0xb8;
	[tilespmem:$0x15240] =	vst v63  }
0xea: {  	_ =	swait.ge [sflag:s23], $0x2000  }
0xeb: {  	[sflag:s23] =	ssyncset.done $0x0  }
0xec: {  	s14 =	simm.s32 $0x480;
	[sflag:s23] =	ssyncadd.s32 $0xFFFFE000  }
0xed: {  	[tilespmem:s8], [sflag:$0x2] =	stream.indirect.gather [hbm4b:s13+s6], $0x40, s14, s6, $0xb8;
	[tilespmem:$0x15240] =	vst v63  }
0xee: {  	_ =	swait.ge [sflag:s28], $0x2000  }
0xef: {  	[sflag:s28] =	ssyncset.done $0x0  }
0xf0: {  	s14 =	simm.s32 $0x1300;
	[sflag:s28] =	ssyncadd.s32 $0xFFFFE000  }
0xf1: {  	[spmem:s11] =	stream.indirect.scatter.add.f32 [tilespmem:s12], [sflag:$0x7], $0x40, s14, s6, $0xb8;
	[tilespmem:$0x15240] =	vst v63  }
0xf2: {  	_ =	swait.ge [sflag:s30], $0x2000  }
0xf3: {  	[sflag:s30] =	ssyncset.done $0x0  }
0xf4: {  	s14 =	simm.s32 $0x500;
	[sflag:s30] =	ssyncadd.s32 $0xFFFFE000  }
0xf5: {  	[tilespmem:s12], [sflag:$0x3] =	stream.indirect.gather [hbm4b:s13+s6], $0x40, s14, s6, $0xb8;
	[tilespmem:$0x15240] =	vst v63  }
0xf6: {  	_ =	swait.ge [sflag:s10], $0x2000  }
0xf7: {  	[sflag:s10] =	ssyncset.done $0x0  }
0xf8: {  	s14 =	simm.s32 $0x1380;
	[sflag:s10] =	ssyncadd.s32 $0xFFFFE000  }
0xf9: {  	[spmem:s11] =	stream.indirect.scatter.add.f32 [tilespmem:s17], [sflag:$0x8], $0x40, s14, s6, $0xb8;
	[tilespmem:$0x15240] =	vst v63  }
0xfa: {  	_ =	swait.ge [sflag:s2], $0x2000  }
0xfb: {  	[sflag:s2] =	ssyncset.done $0x0  }
0xfc: {  	s14 =	simm.s32 $0x580;
	[sflag:s2] =	ssyncadd.s32 $0xFFFFE000  }
0xfd: {  	[tilespmem:s17], [sflag:$0x4] =	stream.indirect.gather [hbm4b:s13+s6], $0x40, s14, s6, $0xb8;
	[tilespmem:$0x15240] =	vst v63  }
0xfe: {  	_ =	swait.ge [sflag:s18], $0x2000  }
0xff: {  	[sflag:s18] =	ssyncset.done $0x0  }
0x100: {  	s14 =	simm.s32 $0x1400;
	[sflag:s18] =	ssyncadd.s32 $0xFFFFE000  }
0x101: {  	[spmem:s11] =	stream.indirect.scatter.add.f32 [tilespmem:s7], [sflag:$0x5], $0x40, s14, s6, $0xb8;
	[tilespmem:$0x15240] =	vst v63  }
0x102: {  	_ =	swait.ge [sflag:s19], $0x2000  }
0x103: {  	[sflag:s19] =	ssyncset.done $0x0  }
0x104: {  	s14 =	simm.s32 $0x600;
	[sflag:s19] =	ssyncadd.s32 $0xFFFFE000  }
0x105: {  	[tilespmem:s7], [sflag:$0x1] =	stream.indirect.gather [hbm4b:s13+s6], $0x40, s14, s6, $0xb8;
	[tilespmem:$0x15240] =	vst v63  }
0x106: {  	_ =	swait.ge [sflag:s21], $0x2000  }
0x107: {  	[sflag:s21] =	ssyncset.done $0x0  }
0x108: {  	s14 =	simm.s32 $0x1480;
	[sflag:s21] =	ssyncadd.s32 $0xFFFFE000  }
0x109: {  	[spmem:s11] =	stream.indirect.scatter.add.f32 [tilespmem:s8], [sflag:$0x6], $0x40, s14, s6, $0xb8;
	[tilespmem:$0x15240] =	vst v63  }
0x10a: {  	_ =	swait.ge [sflag:s23], $0x2000  }
0x10b: {  	[sflag:s23] =	ssyncset.done $0x0  }
0x10c: {  	s14 =	simm.s32 $0x680;
	[sflag:s23] =	ssyncadd.s32 $0xFFFFE000  }
0x10d: {  	[tilespmem:s8], [sflag:$0x2] =	stream.indirect.gather [hbm4b:s13+s6], $0x40, s14, s6, $0xb8;
	[tilespmem:$0x15240] =	vst v63  }
0x10e: {  	_ =	swait.ge [sflag:s28], $0x2000  }
0x10f: {  	[sflag:s28] =	ssyncset.done $0x0  }
0x110: {  	s14 =	simm.s32 $0x1500;
	[sflag:s28] =	ssyncadd.s32 $0xFFFFE000  }
0x111: {  	[spmem:s11] =	stream.indirect.scatter.add.f32 [tilespmem:s12], [sflag:$0x7], $0x40, s14, s6, $0xb8;
	[tilespmem:$0x15240] =	vst v63  }
0x112: {  	_ =	swait.ge [sflag:s30], $0x2000  }
0x113: {  	[sflag:s30] =	ssyncset.done $0x0  }
0x114: {  	s14 =	simm.s32 $0x700;
	[sflag:s30] =	ssyncadd.s32 $0xFFFFE000  }
0x115: {  	[tilespmem:s12], [sflag:$0x3] =	stream.indirect.gather [hbm4b:s13+s6], $0x40, s14, s6, $0xb8;
	[tilespmem:$0x15240] =	vst v63  }
0x116: {  	_ =	swait.ge [sflag:s10], $0x2000  }
0x117: {  	[sflag:s10] =	ssyncset.done $0x0  }
0x118: {  	s14 =	simm.s32 $0x1580;
	[sflag:s10] =	ssyncadd.s32 $0xFFFFE000  }
0x119: {  	[spmem:s11] =	stream.indirect.scatter.add.f32 [tilespmem:s17], [sflag:$0x8], $0x40, s14, s6, $0xb8;
	[tilespmem:$0x15240] =	vst v63  }
0x11a: {  	_ =	swait.ge [sflag:s2], $0x2000  }
0x11b: {  	[sflag:s2] =	ssyncset.done $0x0  }
0x11c: {  	s14 =	simm.s32 $0x780;
	[sflag:s2] =	ssyncadd.s32 $0xFFFFE000  }
0x11d: {  	[tilespmem:s17], [sflag:$0x4] =	stream.indirect.gather [hbm4b:s13+s6], $0x40, s14, s6, $0xb8;
	[tilespmem:$0x15240] =	vst v63  }
0x11e: {  	_ =	swait.ge [sflag:s18], $0x2000  }
0x11f: {  	[sflag:s18] =	ssyncset.done $0x0  }
0x120: {  	s14 =	simm.s32 $0x1600;
	[sflag:s18] =	ssyncadd.s32 $0xFFFFE000  }
0x121: {  	[spmem:s11] =	stream.indirect.scatter.add.f32 [tilespmem:s7], [sflag:$0x5], $0x40, s14, s6, $0xb8;
	[tilespmem:$0x15240] =	vst v63  }
0x122: {  	_ =	swait.ge [sflag:s19], $0x2000  }
0x123: {  	[sflag:s19] =	ssyncset.done $0x0  }
0x124: {  	s14 =	simm.s32 $0x800;
	[sflag:s19] =	ssyncadd.s32 $0xFFFFE000  }
0x125: {  	[tilespmem:s7], [sflag:$0x1] =	stream.indirect.gather [hbm4b:s13+s6], $0x40, s14, s6, $0xb8;
	[tilespmem:$0x15240] =	vst v63  }
0x126: {  	_ =	swait.ge [sflag:s21], $0x2000  }
0x127: {  	[sflag:s21] =	ssyncset.done $0x0  }
0x128: {  	s14 =	simm.s32 $0x1680;
	[sflag:s21] =	ssyncadd.s32 $0xFFFFE000  }
0x129: {  	[spmem:s11] =	stream.indirect.scatter.add.f32 [tilespmem:s8], [sflag:$0x6], $0x40, s14, s6, $0xb8;
	[tilespmem:$0x15240] =	vst v63  }
0x12a: {  	_ =	swait.ge [sflag:s23], $0x2000  }
0x12b: {  	[sflag:s23] =	ssyncset.done $0x0  }
0x12c: {  	s14 =	simm.s32 $0x880;
	[sflag:s23] =	ssyncadd.s32 $0xFFFFE000  }
0x12d: {  	[tilespmem:s8], [sflag:$0x2] =	stream.indirect.gather [hbm4b:s13+s6], $0x40, s14, s6, $0xb8;
	[tilespmem:$0x15240] =	vst v63  }
0x12e: {  	_ =	swait.ge [sflag:s28], $0x2000  }
0x12f: {  	[sflag:s28] =	ssyncset.done $0x0  }
0x130: {  	s14 =	simm.s32 $0x1700;
	[sflag:s28] =	ssyncadd.s32 $0xFFFFE000  }
0x131: {  	[spmem:s11] =	stream.indirect.scatter.add.f32 [tilespmem:s12], [sflag:$0x7], $0x40, s14, s6, $0xb8;
	[tilespmem:$0x15240] =	vst v63  }
0x132: {  	_ =	swait.ge [sflag:s30], $0x2000  }
0x133: {  	[sflag:s30] =	ssyncset.done $0x0  }
0x134: {  	s14 =	simm.s32 $0x900;
	[sflag:s30] =	ssyncadd.s32 $0xFFFFE000  }
0x135: {  	[tilespmem:s12], [sflag:$0x3] =	stream.indirect.gather [hbm4b:s13+s6], $0x40, s14, s6, $0xb8;
	[tilespmem:$0x15240] =	vst v63  }
0x136: {  	_ =	swait.ge [sflag:s10], $0x2000  }
0x137: {  	[sflag:s10] =	ssyncset.done $0x0  }
0x138: {  	s14 =	simm.s32 $0x1780;
	[sflag:s10] =	ssyncadd.s32 $0xFFFFE000  }
0x139: {  	[spmem:s11] =	stream.indirect.scatter.add.f32 [tilespmem:s17], [sflag:$0x8], $0x40, s14, s6, $0xb8;
	[tilespmem:$0x15240] =	vst v63  }
0x13a: {  	_ =	swait.ge [sflag:s2], $0x2000  }
0x13b: {  	[sflag:s2] =	ssyncset.done $0x0  }
0x13c: {  	s14 =	simm.s32 $0x980;
	[sflag:s2] =	ssyncadd.s32 $0xFFFFE000  }
0x13d: {  	[tilespmem:s17], [sflag:$0x4] =	stream.indirect.gather [hbm4b:s13+s6], $0x40, s14, s6, $0xb8;
	[tilespmem:$0x15240] =	vst v63  }
0x13e: {  	_ =	swait.ge [sflag:s18], $0x2000  }
0x13f: {  	[sflag:s18] =	ssyncset.done $0x0  }
0x140: {  	s14 =	simm.s32 $0x1800;
	[sflag:s18] =	ssyncadd.s32 $0xFFFFE000  }
0x141: {  	[spmem:s11] =	stream.indirect.scatter.add.f32 [tilespmem:s7], [sflag:$0x5], $0x40, s14, s6, $0xb8;
	[tilespmem:$0x15240] =	vst v63  }
0x142: {  	_ =	swait.ge [sflag:s19], $0x2000  }
0x143: {  	[sflag:s19] =	ssyncset.done $0x0  }
0x144: {  	s14 =	simm.s32 $0xA00;
	[sflag:s19] =	ssyncadd.s32 $0xFFFFE000  }
0x145: {  	[tilespmem:s7], [sflag:$0x1] =	stream.indirect.gather [hbm4b:s13+s6], $0x40, s14, s6, $0xb8;
	[tilespmem:$0x15240] =	vst v63  }
0x146: {  	_ =	swait.ge [sflag:s21], $0x2000  }
0x147: {  	[sflag:s21] =	ssyncset.done $0x0  }
0x148: {  	s14 =	simm.s32 $0x1880;
	[sflag:s21] =	ssyncadd.s32 $0xFFFFE000  }
0x149: {  	[spmem:s11] =	stream.indirect.scatter.add.f32 [tilespmem:s8], [sflag:$0x6], $0x40, s14, s6, $0xb8;
	[tilespmem:$0x15240] =	vst v63  }
0x14a: {  	_ =	swait.ge [sflag:s23], $0x2000  }
0x14b: {  	[sflag:s23] =	ssyncset.done $0x0  }
0x14c: {  	s14 =	simm.s32 $0xA80;
	[sflag:s23] =	ssyncadd.s32 $0xFFFFE000  }
0x14d: {  	[tilespmem:s8], [sflag:$0x2] =	stream.indirect.gather [hbm4b:s13+s6], $0x40, s14, s6, $0xb8;
	[tilespmem:$0x15240] =	vst v63  }
0x14e: {  	_ =	swait.ge [sflag:s28], $0x2000  }
0x14f: {  	[sflag:s28] =	ssyncset.done $0x0  }
0x150: {  	s14 =	simm.s32 $0x1900;
	[sflag:s28] =	ssyncadd.s32 $0xFFFFE000  }
0x151: {  	[spmem:s11] =	stream.indirect.scatter.add.f32 [tilespmem:s12], [sflag:$0x7], $0x40, s14, s6, $0xb8;
	[tilespmem:$0x15240] =	vst v63  }
0x152: {  	_ =	swait.ge [sflag:s30], $0x2000  }
0x153: {  	[sflag:s30] =	ssyncset.done $0x0  }
0x154: {  	s14 =	simm.s32 $0xB00;
	[sflag:s30] =	ssyncadd.s32 $0xFFFFE000  }
0x155: {  	[tilespmem:s12], [sflag:$0x3] =	stream.indirect.gather [hbm4b:s13+s6], $0x40, s14, s6, $0xb8;
	[tilespmem:$0x15240] =	vst v63  }
0x156: {  	_ =	swait.ge [sflag:s10], $0x2000  }
0x157: {  	[sflag:s10] =	ssyncset.done $0x0  }
0x158: {  	s14 =	simm.s32 $0x1980;
	[sflag:s10] =	ssyncadd.s32 $0xFFFFE000  }
0x159: {  	[spmem:s11] =	stream.indirect.scatter.add.f32 [tilespmem:s17], [sflag:$0x8], $0x40, s14, s6, $0xb8;
	[tilespmem:$0x15240] =	vst v63  }
0x15a: {  	_ =	swait.ge [sflag:s2], $0x2000  }
0x15b: {  	[sflag:s2] =	ssyncset.done $0x0  }
0x15c: {  	s14 =	simm.s32 $0xB80;
	[sflag:s2] =	ssyncadd.s32 $0xFFFFE000  }
0x15d: {  	[tilespmem:s17], [sflag:$0x4] =	stream.indirect.gather [hbm4b:s13+s6], $0x40, s14, s6, $0xb8;
	[tilespmem:$0x15240] =	vst v63  }
0x15e: {  	_ =	swait.ge [sflag:s18], $0x2000  }
0x15f: {  	[sflag:s18] =	ssyncset.done $0x0  }
0x160: {  	s14 =	simm.s32 $0x1A00;
	[sflag:s18] =	ssyncadd.s32 $0xFFFFE000  }
0x161: {  	[spmem:s11] =	stream.indirect.scatter.add.f32 [tilespmem:s7], [sflag:$0x5], $0x40, s14, s6, $0xb8;
	[tilespmem:$0x15240] =	vst v63  }
0x162: {  	_ =	swait.ge [sflag:s19], $0x2000  }
0x163: {  	[sflag:s19] =	ssyncset.done $0x0  }
0x164: {  	s14 =	simm.s32 $0xC00;
	[sflag:s19] =	ssyncadd.s32 $0xFFFFE000  }
0x165: {  	[tilespmem:s7], [sflag:$0x1] =	stream.indirect.gather [hbm4b:s13+s6], $0x40, s14, s6, $0xb8;
	[tilespmem:$0x15240] =	vst v63  }
0x166: {  	_ =	swait.ge [sflag:s21], $0x2000  }
0x167: {  	[sflag:s21] =	ssyncset.done $0x0  }
0x168: {  	s14 =	simm.s32 $0x1A80;
	[sflag:s21] =	ssyncadd.s32 $0xFFFFE000  }
0x169: {  	[spmem:s11] =	stream.indirect.scatter.add.f32 [tilespmem:s8], [sflag:$0x6], $0x40, s14, s6, $0xb8;
	[tilespmem:$0x15240] =	vst v63  }
0x16a: {  	_ =	swait.ge [sflag:s23], $0x2000  }
0x16b: {  	[sflag:s23] =	ssyncset.done $0x0  }
0x16c: {  	s14 =	simm.s32 $0xC80;
	[sflag:s23] =	ssyncadd.s32 $0xFFFFE000  }
0x16d: {  	[tilespmem:s8], [sflag:$0x2] =	stream.indirect.gather [hbm4b:s13+s6], $0x40, s14, s6, $0xb8;
	[tilespmem:$0x15240] =	vst v63  }
0x16e: {  	_ =	swait.ge [sflag:s28], $0x2000  }
0x16f: {  	[sflag:s28] =	ssyncset.done $0x0  }
0x170: {  	s14 =	simm.s32 $0x1B00;
	[sflag:s28] =	ssyncadd.s32 $0xFFFFE000  }
0x171: {  	[spmem:s11] =	stream.indirect.scatter.add.f32 [tilespmem:s12], [sflag:$0x7], $0x40, s14, s6, $0xb8;
	[tilespmem:$0x15240] =	vst v63  }
0x172: {  	_ =	swait.ge [sflag:s30], $0x2000  }
0x173: {  	[sflag:s30] =	ssyncset.done $0x0  }
0x174: {  	s14 =	simm.s32 $0xD00;
	[sflag:s30] =	ssyncadd.s32 $0xFFFFE000  }
0x175: {  	[tilespmem:s12], [sflag:$0x3] =	stream.indirect.gather [hbm4b:s13+s6], $0x40, s14, s6, $0xb8;
	[tilespmem:$0x15240] =	vst v63  }
0x176: {  	_ =	swait.ge [sflag:s10], $0x2000  }
0x177: {  	[sflag:s10] =	ssyncset.done $0x0  }
0x178: {  	s14 =	simm.s32 $0x1B80;
	[sflag:s10] =	ssyncadd.s32 $0xFFFFE000  }
0x179: {  	[spmem:s11] =	stream.indirect.scatter.add.f32 [tilespmem:s17], [sflag:$0x8], $0x40, s14, s6, $0xb8;
	[tilespmem:$0x15240] =	vst v63  }
0x17a: {  	_ =	swait.ge [sflag:s2], $0x2000  }
0x17b: {  	[sflag:s2] =	ssyncset.done $0x0  }
0x17c: {  	s14 =	simm.s32 $0xD80;
	[sflag:s2] =	ssyncadd.s32 $0xFFFFE000  }
0x17d: {  	[tilespmem:s17], [sflag:$0x4] =	stream.indirect.gather [hbm4b:s13+s6], $0x40, s14, s6, $0xb8;
	[tilespmem:$0x15240] =	vst v63  }
0x17e: {  	_ =	swait.ge [sflag:s18], $0x2000  }
0x17f: {  	[sflag:s18] =	ssyncset.done $0x0  }
0x180: {  	s14 =	simm.s32 $0x1C00;
	[sflag:s18] =	ssyncadd.s32 $0xFFFFE000  }
0x181: {  	[spmem:s11] =	stream.indirect.scatter.add.f32 [tilespmem:s7], [sflag:$0x5], $0x40, s14, s6, $0xb8;
	[tilespmem:$0x15240] =	vst v63  }
0x182: {  	_ =	swait.ge [sflag:s19], $0x2000  }
0x183: {  	[sflag:s19] =	ssyncset.done $0x0  }
0x184: {  	s14 =	simm.s32 $0xE00;
	[sflag:s19] =	ssyncadd.s32 $0xFFFFE000  }
0x185: {  	[tilespmem:s7], [sflag:$0x1] =	stream.indirect.gather [hbm4b:s13+s6], $0x40, s14, s6, $0xb8;
	[tilespmem:$0x15240] =	vst v63  }
0x186: {  	_ =	swait.ge [sflag:s21], $0x2000  }
0x187: {  	[sflag:s21] =	ssyncset.done $0x0  }
0x188: {  	s14 =	simm.s32 $0x1C80;
	[sflag:s21] =	ssyncadd.s32 $0xFFFFE000  }
0x189: {  	[spmem:s11] =	stream.indirect.scatter.add.f32 [tilespmem:s8], [sflag:$0x6], $0x40, s14, s6, $0xb8;
	[tilespmem:$0x15240] =	vst v63  }
0x18a: {  	_ =	swait.ge [sflag:s23], $0x2000  }
0x18b: {  	[sflag:s23] =	ssyncset.done $0x0  }
0x18c: {  	s14 =	simm.s32 $0xE80;
	[sflag:s23] =	ssyncadd.s32 $0xFFFFE000  }
0x18d: {  	[tilespmem:s8], [sflag:$0x2] =	stream.indirect.gather [hbm4b:s13+s6], $0x40, s14, s6, $0xb8;
	[tilespmem:$0x15240] =	vst v63  }
0x18e: {  	_ =	swait.ge [sflag:s28], $0x2000  }
0x18f: {  	[sflag:s28] =	ssyncset.done $0x0  }
0x190: {  	s14 =	simm.s32 $0x1D00;
	[sflag:s28] =	ssyncadd.s32 $0xFFFFE000  }
0x191: {  	[spmem:s11] =	stream.indirect.scatter.add.f32 [tilespmem:s12], [sflag:$0x7], $0x40, s14, s6, $0xb8;
	[tilespmem:$0x15240] =	vst v63  }
0x192: {  	_ =	swait.ge [sflag:s30], $0x2000  }
0x193: {  	[sflag:s30] =	ssyncset.done $0x0  }
0x194: {  	[sflag:s30] =	ssyncadd.s32 $0xFFFFE000  }
0x195: {  	[tilespmem:s12], [sflag:$0x3] =	stream.indirect.gather [hbm4b:s13+s6], $0x40, s16, s6, $0xb8;
	[tilespmem:$0x15240] =	vst v63  }
0x196: {  	_ =	swait.ge [sflag:s10], $0x2000  }
0x197: {  	[sflag:s10] =	ssyncset.done $0x0  }
0x198: {  	[sflag:s10] =	ssyncadd.s32 $0xFFFFE000  }
0x199: {  	[spmem:s11] =	stream.indirect.scatter.add.f32 [tilespmem:s17], [sflag:$0x8], $0x40, s9, s6, $0xb8;
	[tilespmem:$0x15240] =	vst v63  }
0x19a: {  	_ =	swait.ge [sflag:s2], $0x2000  }
0x19b: {  	[sflag:s2] =	ssyncset.done $0x0  }
0x19c: {  	[sflag:s2] =	ssyncadd.s32 $0xFFFFE000  }
0x19d: {  	[tilespmem:s17], [sflag:$0x4] =	stream.indirect.gather [hbm4b:s13+s6], $0x40, s15, s6, $0xb8;
	[tilespmem:$0x15240] =	vst v63  }
0x19e: {  	_ =	swait.ge [sflag:s18], $0x2000  }
0x19f: {  	[sflag:s18] =	ssyncset.done $0x0  }
0x1a0: {  	[sflag:s18] =	ssyncadd.s32 $0xFFFFE000  }
0x1a1: {  	[spmem:s11] =	stream.indirect.scatter.add.f32 [tilespmem:s7], [sflag:$0x5], $0x40, s20, s6, $0xb8;
	[tilespmem:$0x15240] =	vst v63  }
0x1a2: {  	_ =	swait.ge [sflag:s19], $0x2000  }
0x1a3: {  	[sflag:s19] =	ssyncset.done $0x0  }
0x1a4: {  	[sflag:s19] =	ssyncadd.s32 $0xFFFFE000  }
0x1a5: {  	_ =	swait.ge [sflag:s21], $0x2000  }
0x1a6: {  	[sflag:s21] =	ssyncset.done $0x0  }
0x1a7: {  	[sflag:s21] =	ssyncadd.s32 $0xFFFFE000  }
0x1a8: {  	[spmem:s11] =	stream.indirect.scatter.add.f32 [tilespmem:s8], [sflag:$0x6], $0x40, s22, s6, $0xb8;
	[tilespmem:$0x15240] =	vst v63  }
0x1a9: {  	_ =	swait.ge [sflag:s23], $0x2000  }
0x1aa: {  	[sflag:s23] =	ssyncset.done $0x0  }
0x1ab: {  	[sflag:s23] =	ssyncadd.s32 $0xFFFFE000  }
0x1ac: {  	_ =	swait.ge [sflag:s28], $0x2000  }
0x1ad: {  	[sflag:s28] =	ssyncset.done $0x0  }
0x1ae: {  	[sflag:s28] =	ssyncadd.s32 $0xFFFFE000  }
0x1af: {  	[spmem:s11] =	stream.indirect.scatter.add.f32 [tilespmem:s12], [sflag:$0x7], $0x40, s24, s6, $0xb8;
	[tilespmem:$0x15240] =	vst v63  }
0x1b0: {  	_ =	swait.ge [sflag:s30], $0x2000  }
0x1b1: {  	[sflag:s30] =	ssyncset.done $0x0  }
0x1b2: {  	[sflag:s30] =	ssyncadd.s32 $0xFFFFE000  }
0x1b3: {  	_ =	swait.ge [sflag:s10], $0x2000  }
0x1b4: {  	[sflag:s10] =	ssyncset.done $0x0  }
.Ltmp5:
0x1b5: {  	[sflag:s10] =	ssyncadd.s32 $0xFFFFE000;
	(pc) =	sbr.rel .LBB2_4-.Ltmp5, $4  }
0x1b6: {  	[spmem:s11] =	stream.indirect.scatter.add.f32 [tilespmem:s17], [sflag:$0x8], $0x40, s29, s6, $0xb8;
	[tilespmem:$0x15240] =	vst v63  }
0x1b7: {  	_ =	swait.ge [sflag:s2], $0x2000  }
0x1b8: {  	[sflag:s2] =	ssyncset.done $0x0  }
0x1b9: {  	[sflag:s2] =	ssyncadd.s32 $0xFFFFE000  }
.LBB2_6:
0x1ba: {  	_ =	sfence.sel $0x180000  }
0x1bb: {  	[bflag:$0x0] =	sbarrier.arrive $0xFFFF  }
0x1bc: {  	_ =	strace $0x9000004A  }
0x1bd: {  	s0 =	stileid.u32;
	[bflag:$0x2] =	sbarrier.arrive $0xFFFF  }
0x1be: {  	p0 =	sne.s32 s0, $0x0;
	s0 =	rddreg [dreg:$0x3]  }
0x1bf: {  	s0 =	sadd.s32 @!p0 $0x100000, s0  }
0x1c0: {  	[sflag:s0] =	ssyncadd.tile.s32 @!p0 $0x1;
	_ =	shalt  }
.Lfunc_end2:
_tile_overlayer_lowered:
.L_overlay_start_2:
0x1c1: {  	(tag) =	ssettag $0x2  }
0x1c2: {  	s0 =	rddreg [dreg:$0x0];
	s2 =	stileid.u32  }
0x1c3: {  	s1 =	rddreg [dreg:$0x1];
	p0 =	sne.s32 s2, $0x0  }
0x1c4: {  	s3 =	rddreg [dreg:$0x2];
	[bflag:$0x3] =	sbarrier.arrive $0xFFFF;
	s2 =	simm.s32 @!p0 $0x1C09  }
0x1c5: {  	[timem:s3], [sflag:s2] =	dma.local @!p0 [hbm:s0], s1  }
0x1c6: {  	s0 =	simm.s32 @!p0 $0x9  }
0x1c7: {  	_ =	swait.ge @!p0 [sflag:s0], s1  }
0x1c8: {  	s1 =	ssub.s32 @!p0 $0x0, s1;
	[sflag:s0] =	ssyncset.done @!p0 $0x0  }
0x1c9: {  	[sflag:s0] =	ssyncadd.s32 @!p0 s1  }
0x1ca: {  	[bflag:$0x3] =	sbarrier.arrive $0xFFFF  }
0x1cb: {  	_ =	shalt  }

// kernel: kernel.14.cloned.1.call-start
scs
__scs_entry_jumppad:
0x0: {  	(pc) =	sbr.rel $0x88, $3  }
0x1: {  	(tag) =	ssettag $0x0;
	lr =	simm.s32 $0x1  }
0x2: {  	[smem:$0x3F9B] =	sst lr;
	_ =	strace $0xD0000000  }
0x3: {  	_ = 	snop  }
0x4: {  	_ = 	snop  }
0x5: {  	_ = 	snop  }
0x6: {  	_ = 	snop  }
0x7: {  	_ = 	snop  }
__scs_overlays_trampoline_lowered:
0x8: {  	[smem:$0x3FAA] =	sst s0  }
0x9: {  	[smem:$0x3FAB] =	sst s1  }
0xa: {  	[smem:$0x3FAC] =	sst s2  }
0xb: {  	[smem:$0x3FAD] =	sst s3  }
0xc: {  	[smem:$0x3FAE] =	sst s4  }
0xd: {  	[smem:$0x3FAF] =	sst s5  }
0xe: {  	[smem:$0x3FB0] =	sst s6  }
0xf: {  	[smem:$0x3FB1] =	sst s7  }
0x10: {  	[smem:$0x3FB2] =	sst s8  }
0x11: {  	[smem:$0x3FB3] =	sst s9;
	s0 =	simm.s32 @!p0 $0x0  }
0x12: {  	s1 =	sld [smem:$0x3F99];
	s0 =	simm.s32 @p0 $0x1  }
0x13: {  	[smem:$0x3FB4] =	sst s0;
	s0 =	simm.s32 @!p1 $0x0  }
0x14: {  	s2 =	sld [smem:$0x3F98];
	s0 =	simm.s32 @p1 $0x1  }
0x15: {  	[smem:$0x3FB5] =	sst s0;
	s0 =	simm.s32 @!p2 $0x0  }
0x16: {  	s3 =	sld [smem:$0x3FDB];
	s0 =	simm.s32 @p2 $0x1  }
0x17: {  	s4 =	simm.s32 $0x1BF5;
	[smem:$0x3FB7] =	sst s0  }
0x18: {  	s0 =	sld [smem:$0x3F9A];
	_ =	swait.ge [sflag:s4], $0x0  }
0x19: {  	s7 =	sld [smem:$0x3F9B]  }
0x1a: {  	s8 =	sadd.s32 $0xFFFFE003, lr  }
0x1b: {  	s9 =	sadd.s32 $0xFFFFFEF7, lr;
	s5 =	simm.s32 $0xFFFFFFFF;
	p2 =	slt.u32 s8, $0xFFFFF086  }
0x1c: {  	p1 =	slt.u32 s9, $0xF7A;
	s5 =	simm.s32 @!p2 $0x0  }
0x1d: {  	s5 =	simm.s32 @p1 $0x1;
	p0 =	seq.s32 s7, s2  }
0x1e: {  	s7 =	smul.u32 @!p0 $0xF7A, s2;
	p2 =	seq.s32 @!p0 s5, $0x0  }
0x1f: {  	s9 =	smul.u32 $0xF7A, s1;
	s8 =	simm.s32 @!p0 $0x1BF5;
	p2 =	por !p2, p0  }
0x20: {  	[sflag:s8] =	ssyncset.s32 @!p0 $0xFFFFF086;
	s6 =	sadd.s32 @!p0 s3, s7;
	s7 =	simm.s32 @!p0 $0x108  }
0x21: {  	s3 =	sadd.s32 s3, s9;
	s6 =	sadd.s32 @!p0 $0x88, s6;
	s7 =	simm.s32 @p2 $0x1082  }
0x22: {  	[simem:s7], [sflag:s8] =	dma.local @!p0 [hbm:s6], $0xF7A  }
0x23: {  	s9 =	sor.u32 $0xD0000000, s2;
	s6 =	simm.s32 $0x108;
	_ =	swait.ge @!p0 [sflag:s8], $0x0  }
0x24: {  	s3 =	sadd.s32 $0x88, s3;
	s6 =	simm.s32 @!p1 $0x1082;
	[sflag:s4] =	ssyncset.s32 $0xFFFFF086  }
0x25: {  	[simem:s6], [sflag:s4] =	dma.local [hbm:s3], $0xF7A  }
0x26: {  	[smem:$0x3F9B] =	sst s1;
	(tag) =	ssettag s2;
	_ =	strace s9  }
0x27: {  	s1 =	sld [smem:$0x3FAB]  }
0x28: {  	s2 =	sld [smem:$0x3FAC]  }
0x29: {  	s4 =	sld [smem:$0x3FAE]  }
0x2a: {  	p0 =	seq.s32 s5, $0x0;
	s5 =	sld [smem:$0x3FAF]  }
0x2b: {  	s6 =	sld [smem:$0x3FB0]  }
0x2c: {  	s7 =	sld [smem:$0x3FB1]  }
0x2d: {  	s3 =	simm.s32 $0x108;
	s8 =	sld [smem:$0x3FB2]  }
0x2e: {  	s3 =	simm.s32 @!p0 $0x1082;
	s9 =	sld [smem:$0x3FB3]  }
0x2f: {  	lr =	sadd.s32 s0, s3;
	s0 =	sld [smem:$0x3FAA]  }
0x30: {  	s3 =	sld [smem:$0x3FAD]  }
0x31: {  	[smem:$0x3FB6] =	sst s10  }
0x32: {  	s10 =	sld [smem:$0x3FB4];
	_ =	sdelay $0x3  }
0x33: {  	p0 =	seq.s32 s10, $0x1;
	s10 =	sld [smem:$0x3FB6];
	_ =	sdelay $0x3  }
0x34: {  	[smem:$0x3FB6] =	sst s10  }
0x35: {  	s10 =	sld [smem:$0x3FB5];
	_ =	sdelay $0x3  }
0x36: {  	p1 =	seq.s32 s10, $0x1;
	s10 =	sld [smem:$0x3FB6];
	_ =	sdelay $0x3  }
0x37: {  	[smem:$0x3FB6] =	sst s10  }
0x38: {  	s10 =	sld [smem:$0x3FB7]  }
0x39: {  	_ = 	snop;
	(pc) =	sbr.ind lr, $3  }
0x3a: {  	_ = 	snop  }
0x3b: {  	_ = 	snop  }
0x3c: {  	p2 =	seq.s32 s10, $0x1;
	s10 =	sld [smem:$0x3FB6]  }
0x3d: {  	_ =	shalt  }
0x3e: {  	_ =	shalt  }
0x3f: {  	_ =	shalt  }
0x40: {  	_ =	shalt  }
0x41: {  	_ =	shalt  }
0x42: {  	_ =	shalt  }
0x43: {  	_ =	shalt  }
0x44: {  	_ =	shalt  }
0x45: {  	_ =	shalt  }
0x46: {  	_ =	shalt  }
0x47: {  	_ =	shalt  }
0x48: {  	_ =	shalt  }
0x49: {  	_ =	shalt  }
0x4a: {  	_ =	shalt  }
0x4b: {  	_ =	shalt  }
0x4c: {  	_ =	shalt  }
0x4d: {  	_ =	shalt  }
0x4e: {  	_ =	shalt  }
0x4f: {  	_ =	shalt  }
0x50: {  	_ =	shalt  }
0x51: {  	_ =	shalt  }
0x52: {  	_ =	shalt  }
0x53: {  	_ =	shalt  }
0x54: {  	_ =	shalt  }
0x55: {  	_ =	shalt  }
0x56: {  	_ =	shalt  }
0x57: {  	_ =	shalt  }
0x58: {  	_ =	shalt  }
0x59: {  	_ =	shalt  }
0x5a: {  	_ =	shalt  }
0x5b: {  	_ =	shalt  }
0x5c: {  	_ =	shalt  }
0x5d: {  	_ =	shalt  }
0x5e: {  	_ =	shalt  }
0x5f: {  	_ =	shalt  }
0x60: {  	_ =	shalt  }
0x61: {  	_ =	shalt  }
0x62: {  	_ =	shalt  }
0x63: {  	_ =	shalt  }
0x64: {  	_ =	shalt  }
0x65: {  	_ =	shalt  }
0x66: {  	_ =	shalt  }
0x67: {  	_ =	shalt  }
0x68: {  	_ =	shalt  }
0x69: {  	_ =	shalt  }
0x6a: {  	_ =	shalt  }
0x6b: {  	_ =	shalt  }
0x6c: {  	_ =	shalt  }
0x6d: {  	_ =	shalt  }
0x6e: {  	_ =	shalt  }
0x6f: {  	_ =	shalt  }
0x70: {  	_ =	shalt  }
0x71: {  	_ =	shalt  }
0x72: {  	_ =	shalt  }
0x73: {  	_ =	shalt  }
0x74: {  	_ =	shalt  }
0x75: {  	_ =	shalt  }
0x76: {  	_ =	shalt  }
0x77: {  	_ =	shalt  }
0x78: {  	_ =	shalt  }
0x79: {  	_ =	shalt  }
0x7a: {  	_ =	shalt  }
0x7b: {  	_ =	shalt  }
0x7c: {  	_ =	shalt  }
0x7d: {  	_ =	shalt  }
0x7e: {  	_ =	shalt  }
0x7f: {  	_ =	shalt  }
0x80: {  	_ =	shalt  }
0x81: {  	_ =	shalt  }
0x82: {  	_ =	shalt  }
0x83: {  	_ =	shalt  }
0x84: {  	_ =	shalt  }
0x85: {  	_ =	shalt  }
0x86: {  	_ =	shalt  }
0x87: {  	_ =	shalt  }
.Lfunc_end0:
.L_simem_size_0:
called_computation.2_lowered:
.L_overlay_start_0:
0x88: {  	s2 =	sld [smem:$0x3FD9]  }
0x89: {  	s3 =	sld [smem:$0x3FFE];
	_ =	sdelay $0x1  }
0x8a: {  	s1 =	srdreg.scid  }
0x8b: {  	s0 =	sand.u32 $0x1, s1  }
0x8c: {  	s17 =	sshll.u32 s0, $0xA;
	s2 =	sadd.s32 s3, s2  }
0x8d: {  	s2 =	sadd.s32 s2, s17  }
0x8e: {  	[smem:$0x3FC2] =	sst s2  }
0x8f: {  	_ = 	snop  }
0x90: {  	s2 =	sld [smem:$0x3FD0];
	(tm) =	ssettm $0x1  }
0x91: {  	s18 =	sld [smem:$0x3FFB];
	_ =	sdelay $0x3  }
0x92: {  	_ =	strace s18  }
0x93: {  	s3 =	sld [smem:$0x3FFC];
	_ =	sdelay $0x3  }
0x94: {  	_ =	strace s3  }
0x95: {  	s3 =	sld [smem:$0x3FFD];
	_ =	sdelay $0x3  }
0x96: {  	_ =	strace s3  }
0x97: {  	_ =	strace $0x8FFFFFFF  }
0x98: {  	s19 =	sld [smem:$0x3FDB];
	_ =	sdelay $0x1  }
0x99: {  	s4 =	simm.s32 $_scs_section_size  }
0x9a: {  	s5 =	simm.s32 $_size__tile_overlayer_lowered;
	s6 =	simm.s32 $_tile_overlayer_lowered  }
0x9b: {  	s22 =	simm.s32 $0x1BFF;
	s21 =	sshll.u32 s6, $0x1;
	s3 =	sadd.s32 s4, s19  }
0x9c: {  	s7 =	simm.s32 $0x0;
	s20 =	sshll.u32 s5, $0x1;
	s5 =	sadd.s32 s21, s3  }
0x9d: {  	[timem:s7], [sflag:s22] =	dma.local [hbm:s5], s20  }
0x9e: {  	_ =	swait.ge [sflag:s22], s20  }
0x9f: {  	s4 =	ssub.s32 $0x0, s20;
	[sflag:s22] =	ssyncset.done $0x0  }
0xa0: {  	[sflag:s22] =	ssyncadd.s32 s4;
	_ =	sdelay $0x1  }
0xa1: {  	s23 =	simm.s32 $0x1B8B  }
0xa2: {  	_ =	swait.ge [sflag:s23], $0x1  }
0xa3: {  	[sflag:s23] =	ssyncset.done $0x0  }
0xa4: {  	s25 =	simm.s32 $0x1B8E;
	s24 =	sld [smem:$0x3FFE];
	[sflag:s23] =	ssyncadd.s32 $0xFFFFFFFF  }
0xa5: {  	s26 =	simm.s32 $execute0_lowered;
	[smem:$0x3FD2] =	sst s25  }
0xa6: {  	s5 =	sshll.u32 s26, $0x1;
	_ =	strace $0x8000004C;
	[dreg:$0x1] =	wrdreg $0xFFFFFFFF  }
0xa7: {  	s28 =	simm.s32 $_size_execute0_lowered;
	s3 =	sadd.s32 s3, s5;
	[dreg:$0x0] =	wrdreg $0x0  }
0xa8: {  	s5 =	sshll.u32 s28, $0x1;
	[dreg:$0x2] =	wrdreg s3  }
0xa9: {  	[dreg:$0x3] =	wrdreg s5  }
0xaa: {  	[dreg:$0x4] =	wrdreg $0xC0  }
0xab: {  	_ =	task [dreg:s7], $0x5FFFF  }
0xac: {  	[dreg:$0x1] =	wrdreg $0xFFFFFFFF  }
0xad: {  	[dreg:$0x0] =	wrdreg $0x60  }
0xae: {  	[dreg:$0x2] =	wrdreg s24  }
0xaf: {  	[dreg:$0x3] =	wrdreg s2  }
0xb0: {  	[dreg:$0x4] =	wrdreg $0xB8000  }
0xb1: {  	[dreg:$0x5] =	wrdreg $0x9  }
0xb2: {  	_ =	task.clear_ibuf [dreg:s7], $0x6FFFF;
	_ =	strace $0x9000004C  }
0xb3: {  	s29 =	simm.s32 $0x9;
	_ =	strace $0x8000004E  }
0xb4: {  	_ =	swait.ge [sflag:s29], $0x1  }
0xb5: {  	[sflag:s29] =	ssyncadd.s32 $0xFFFFFFFF  }
0xb6: {  	_ =	strace $0x9000004E  }
0xb7: {  	_ =	sfence  }
0xb8: {  	s30 =	sld [smem:$0x0];
	_ =	sdelay $0x2  }
0xb9: {  	s31 =	sshll.u32 s1, $0xD;
	s1 =	sshrl.u32 s1, $0x2  }
0xba: {  	s3 =	sand.u32 $0x4000, s31;
	s1 =	sadd.s32 s1, s30  }
0xbb: {  	s0 =	sor.u32 s3, s0;
	s1 =	sshll.u32 s1, $0x11  }
0xbc: {  	s0 =	sor.u32 s1, s0  }
0xbd: {  	s0 =	sadd.s32 $0x8F2B, s0  }
0xbe: {  	[sflag:s0] =	ssyncadd.remote.s32 $0x1  }
0xbf: {  	_ =	sfence.sel $0xFFFF  }
0xc0: {  	[dreg:$0x0] =	wrdreg $0xFFFFFFFF;
	(pc) =	sbr.abs _section_cstart, $3  }
0xc1: {  	[dreg:$0x1] =	wrdreg $0xFFFFFFFF  }
0xc2: {  	_ =	task.clear_ibuf [dreg:s7], $0x2FFFF;
	_ =	strace $0x9FFFFFFF  }
0xc3: {  	(tm) =	ssettm $0x7FFFFFFF  }
tec
execute0_lowered:
.L_overlay_start_1:
0x0: {  	(tag) =	ssettag $0x1  }
0x1: {  	s0 =	srdreg.scid;
	s5 =	rddreg [dreg:$0x0]  }
0x2: {  	s1 =	simm.s32 $0x0;
	s26 =	stileid.u32;
	s6 =	sand.u32 $0x1, s0  }
0x3: {  	s28 =	simm.s32 $0x700;
	s15 =	sor.u32 $0x40, s26;
	s9 =	smul.u32 $0x138800, s6  }
0x4: {  	s29 =	simm.s32 $0xE80;
	s16 =	sor.u32 $0x50, s26;
	s19 =	smul.u32 $0x2800, s15  }
0x5: {  	s30 =	simm.s32 $0x780;
	s17 =	sor.u32 $0x60, s26;
	s20 =	smul.u32 $0x2800, s16  }
0x6: {  	s31 =	simm.s32 $0xF00;
	s18 =	sor.u32 $0x70, s26;
	s22 =	smul.u32 $0x2800, s17  }
0x7: {  	[smem:$0x7FF] =	sst s1;
	s7 =	sadd.s32 $0x16600, s5;
	s23 =	smul.u32 $0x2800, s18  }
0x8: {  	s11 =	sor.u32 $0x10, s26;
	s0 =	ssub.s32 $0x2, s6;
	s16 =	smul.u32 $0xA000, s16  }
0x9: {  	s13 =	sor.u32 $0x20, s26;
	s17 =	smul.u32 $0xA000, s17;
	s2 =	sshrl.u32 s0, $0x1  }
0xa: {  	s14 =	sor.u32 $0x30, s26;
	s8 =	ssub.s32 s0, s2;
	s0 =	smul.u32 $0x2800, s26  }
0xb: {  	s6 =	sshll.u32 s6, $0x8;
	p0 =	sgt.u32 s18, $0x7C;
	s2 =	smul.u32 $0x2800, s11  }
0xc: {  	s18 =	smul.u32 $0xA000, s18;
	s21 =	sadd.s32 s9, s19;
	s24 =	sadd.s32 s9, s20  }
0xd: {  	s21 =	sshrl.u32 s21, $0x3;
	s3 =	sadd.s32 s9, s0;
	s10 =	sadd.s32 s9, s2  }
0xe: {  	s4 =	sshrl.u32 s3, $0x3;
	s3 =	smul.u32 $0x2800, s13;
	s10 =	sshrl.u32 s10, $0x3  }
0xf: {  	s24 =	sshrl.u32 s24, $0x3;
	s4 =	sadd.s32 s7, s4;
	s10 =	sadd.s32 s7, s10  }
0x10: {  	[dreg:$0x4] =	wrdreg s4;
	s4 =	smul.u32 $0x2800, s14;
	s25 =	sadd.s32 s9, s3  }
0x11: {  	s8 =	smax.u32 s8, $0x1;
	[dreg:$0x5] =	wrdreg s10;
	s10 =	sshrl.u32 s25, $0x3  }
0x12: {  	s25 =	sadd.s32 s9, s22;
	s12 =	sadd.s32 s9, s4;
	s10 =	sadd.s32 s7, s10  }
0x13: {  	s25 =	sshrl.u32 s25, $0x3;
	s9 =	sadd.s32 s9, s23;
	s12 =	sshrl.u32 s12, $0x3  }
0x14: {  	[dreg:$0x6] =	wrdreg s10;
	s10 =	sadd.s32 s7, s21;
	s9 =	sshrl.u32 s9, $0x3  }
0x15: {  	s21 =	sshll.u32 s26, $0x9;
	s12 =	sadd.s32 s7, s12;
	[dreg:$0x8] =	wrdreg s10  }
0x16: {  	s10 =	sadd.s32 s7, s24;
	s24 =	sadd.s32 s21, s5;
	[dreg:$0x7] =	wrdreg s12  }
0x17: {  	s21 =	smul.u32 $0xA000, s11;
	s5 =	sadd.s32 $0x16000, s5;
	[dreg:$0x9] =	wrdreg s10  }
0x18: {  	s11 =	smul.u32 $0xA000, s14;
	s12 =	sadd.s32 s7, s25;
	s10 =	rddreg [dreg:$0x1]  }
0x19: {  	s14 =	smul.u32 $0xA000, s15;
	s7 =	sadd.s32 s7, s9;
	[dreg:$0xa] =	wrdreg s12  }
0x1a: {  	s15 =	sshll.u32 s26, $0x6;
	s25 =	smul.u32 $0xA000, s26;
	[dreg:$0xb] =	wrdreg s7  }
0x1b: {  	s6 =	sadd.s32 s6, s24;
	s26 =	sshll.u32 s26, $0x1;
	s12 =	rddreg [dreg:$0x2]  }
0x1c: {  	s7 =	sshrl.u32 s21, $0x2;
	_ =	strace $0x8000004D;
	[dreg:$0xc] =	wrdreg s5  }
0x1d: {  	s24 =	sshrl.u32 s25, $0x2;
	s25 =	smul.u32 $0xA000, s13;
	[dreg:$0xd] =	wrdreg s8  }
0x1e: {  	s13 =	sor.u32 $0x1C05, s15;
	s7 =	sadd.s32 s7, s12;
	s8 =	sshrl.u32 s11, $0x2  }
0x1f: {  	s11 =	sshrl.u32 s14, $0x2;
	s14 =	sshrl.u32 s17, $0x2;
	s15 =	sshrl.u32 s18, $0x2  }
0x20: {  	s0 =	sadd.s32 s0, s12;
	s21 =	sadd.s32 s2, s12;
	s2 =	sadd.s32 s19, s12  }
0x21: {  	[dreg:$0x1f] =	wrdreg s26;
	s26 =	simm.s32 $0xE00;
	s5 =	sadd.s32 s24, s12  }
0x22: {  	[dreg:$0xe] =	wrdreg s13;
	s8 =	sadd.s32 s8, s12;
	s11 =	sadd.s32 s11, s12  }
0x23: {  	s13 =	sshrl.u32 s16, $0x2;
	s14 =	sadd.s32 s14, s12;
	[dreg:$0xf] =	wrdreg s0  }
0x24: {  	s15 =	sadd.s32 s15, s12;
	[dreg:$0x10] =	wrdreg s21;
	s24 =	sadd.s32 s3, s12  }
0x25: {  	[dreg:$0x13] =	wrdreg s2;
	s3 =	sadd.s32 s20, s12;
	s16 =	sadd.s32 s23, s12  }
0x26: {  	s18 =	sshrl.u32 s7, $0x3;
	s7 =	simm.s32 $0x1000;
	[dreg:$0x11] =	wrdreg s24  }
0x27: {  	s9 =	sshrl.u32 s25, $0x2;
	s13 =	sadd.s32 s13, s12;
	[dreg:$0x14] =	wrdreg s3  }
0x28: {  	s25 =	sadd.s32 s4, s12;
	s4 =	sadd.s32 s22, s12;
	[dreg:$0x16] =	wrdreg s16  }
0x29: {  	s24 =	sadd.s32 $0xC200, s6;
	s17 =	sshrl.u32 s5, $0x3;
	[dreg:$0x18] =	wrdreg s18  }
0x2a: {  	s20 =	sshrl.u32 s8, $0x3;
	s21 =	sshrl.u32 s11, $0x3;
	[dreg:$0x12] =	wrdreg s25  }
0x2b: {  	s23 =	sshrl.u32 s14, $0x3;
	s0 =	sshrl.u32 @!p0 s15, $0x3;
	[dreg:$0x15] =	wrdreg s4  }
0x2c: {  	s5 =	simm.s32 $0x800;
	s8 =	simm.s32 $0x5000;
	[dreg:$0x17] =	wrdreg s17  }
0x2d: {  	s11 =	simm.s32 $0x1;
	s14 =	simm.s32 $0x3;
	[dreg:$0x1a] =	wrdreg s20  }
0x2e: {  	s15 =	simm.s32 $0x500;
	s16 =	simm.s32 $0xC80;
	[dreg:$0x1b] =	wrdreg s21  }
0x2f: {  	s18 =	simm.s32 $0x580;
	s9 =	sadd.s32 s9, s12;
	[dreg:$0x1d] =	wrdreg s23  }
0x30: {  	s25 =	sadd.s32 $0x2400, s6;
	s22 =	sshrl.u32 s13, $0x3;
	[dreg:$0x1e] =	wrdreg s0  }
.Ltmp0:
0x31: {  	s4 =	simm.s32 $0x5;
	s6 =	simm.s32 $0x80;
	(pc) =	sbr.rel .LBB2_1-.Ltmp0, $4  }
0x32: {  	s17 =	simm.s32 $0x2;
	s20 =	simm.s32 $0xD00;
	s21 =	simm.s32 $0x600  }
0x33: {  	s23 =	simm.s32 $0x680;
	s0 =	simm.s32 $0x6;
	s13 =	simm.s32 $0x0  }
0x34: {  	s19 =	sshrl.u32 s9, $0x3;
	[dreg:$0x1c] =	wrdreg s22;
	s22 =	simm.s32 $0xD80  }
0x35: {  	s9 =	simm.s32 $0xF80;
	[dreg:$0x19] =	wrdreg s19;
	s19 =	simm.s32 $0x4  }
.LBB2_5:
0x36: {  	[bflag:$0x0] =	sbarrier.arrive $0xFFFF  }
0x37: {  	s3 =	simm.s32 $0x9000;
	s2 =	rddreg [dreg:$0xf]  }
0x38: {  	[tilespmem:s3], [sflag:$0x6] =	stream.linear.gather [spmem:s2], $0x2800, $0x38;
	[tilespmem:$0x1F480] =	vst v63  }
0x39: {  	_ =	swait.ge [sflag:s0], $0x2800  }
0x3a: {  	[sflag:s0] =	ssyncset.done $0x0  }
0x3b: {  	s13 =	rddreg [dreg:$0x4];
	[sflag:s0] =	ssyncadd.s32 $0xFFFFD800  }
0x3c: {  	[hbm4b:s13+s1] =	stream.linear.scatter [tilespmem:s3], [sflag:$0x5], $0x2800, $0x38;
	[tilespmem:$0x1F480] =	vst v63  }
0x3d: {  	_ =	swait.ge [sflag:s4], $0x2800  }
0x3e: {  	[sflag:s4] =	ssyncset.done $0x0  }
0x3f: {  	s13 =	rddreg [dreg:$0x10];
	[sflag:s4] =	ssyncadd.s32 $0xFFFFD800  }
0x40: {  	[tilespmem:s3], [sflag:$0x6] =	stream.linear.gather [spmem:s13], $0x2800, $0x38;
	[tilespmem:$0x1F480] =	vst v63  }
0x41: {  	_ =	swait.ge [sflag:s0], $0x2800  }
0x42: {  	[sflag:s0] =	ssyncset.done $0x0  }
0x43: {  	s13 =	rddreg [dreg:$0x5];
	[sflag:s0] =	ssyncadd.s32 $0xFFFFD800  }
0x44: {  	[hbm4b:s13+s1] =	stream.linear.scatter [tilespmem:s3], [sflag:$0x5], $0x2800, $0x38;
	[tilespmem:$0x1F480] =	vst v63  }
0x45: {  	_ =	swait.ge [sflag:s4], $0x2800  }
0x46: {  	[sflag:s4] =	ssyncset.done $0x0  }
0x47: {  	s13 =	rddreg [dreg:$0x11];
	[sflag:s4] =	ssyncadd.s32 $0xFFFFD800  }
0x48: {  	[tilespmem:s3], [sflag:$0x6] =	stream.linear.gather [spmem:s13], $0x2800, $0x38;
	[tilespmem:$0x1F480] =	vst v63  }
0x49: {  	_ =	swait.ge [sflag:s0], $0x2800  }
0x4a: {  	[sflag:s0] =	ssyncset.done $0x0  }
0x4b: {  	s13 =	rddreg [dreg:$0x6];
	[sflag:s0] =	ssyncadd.s32 $0xFFFFD800  }
0x4c: {  	[hbm4b:s13+s1] =	stream.linear.scatter [tilespmem:s3], [sflag:$0x5], $0x2800, $0x38;
	[tilespmem:$0x1F480] =	vst v63  }
0x4d: {  	_ =	swait.ge [sflag:s4], $0x2800  }
0x4e: {  	[sflag:s4] =	ssyncset.done $0x0  }
0x4f: {  	s13 =	rddreg [dreg:$0x12];
	[sflag:s4] =	ssyncadd.s32 $0xFFFFD800  }
0x50: {  	[tilespmem:s3], [sflag:$0x6] =	stream.linear.gather [spmem:s13], $0x2800, $0x38;
	[tilespmem:$0x1F480] =	vst v63  }
0x51: {  	_ =	swait.ge [sflag:s0], $0x2800  }
0x52: {  	[sflag:s0] =	ssyncset.done $0x0  }
0x53: {  	s13 =	rddreg [dreg:$0x7];
	[sflag:s0] =	ssyncadd.s32 $0xFFFFD800  }
0x54: {  	[hbm4b:s13+s1] =	stream.linear.scatter [tilespmem:s3], [sflag:$0x5], $0x2800, $0x38;
	[tilespmem:$0x1F480] =	vst v63  }
0x55: {  	_ =	swait.ge [sflag:s4], $0x2800  }
0x56: {  	[sflag:s4] =	ssyncset.done $0x0  }
0x57: {  	s13 =	rddreg [dreg:$0x13];
	[sflag:s4] =	ssyncadd.s32 $0xFFFFD800  }
0x58: {  	[tilespmem:s3], [sflag:$0x6] =	stream.linear.gather [spmem:s13], $0x2800, $0x38;
	[tilespmem:$0x1F480] =	vst v63  }
0x59: {  	_ =	swait.ge [sflag:s0], $0x2800  }
0x5a: {  	[sflag:s0] =	ssyncset.done $0x0  }
0x5b: {  	s13 =	rddreg [dreg:$0x8];
	[sflag:s0] =	ssyncadd.s32 $0xFFFFD800  }
0x5c: {  	[hbm4b:s13+s1] =	stream.linear.scatter [tilespmem:s3], [sflag:$0x5], $0x2800, $0x38;
	[tilespmem:$0x1F480] =	vst v63  }
0x5d: {  	_ =	swait.ge [sflag:s4], $0x2800  }
0x5e: {  	[sflag:s4] =	ssyncset.done $0x0  }
0x5f: {  	s13 =	rddreg [dreg:$0x14];
	[sflag:s4] =	ssyncadd.s32 $0xFFFFD800  }
0x60: {  	[tilespmem:s3], [sflag:$0x6] =	stream.linear.gather [spmem:s13], $0x2800, $0x38;
	[tilespmem:$0x1F480] =	vst v63  }
0x61: {  	_ =	swait.ge [sflag:s0], $0x2800  }
0x62: {  	[sflag:s0] =	ssyncset.done $0x0  }
0x63: {  	s13 =	rddreg [dreg:$0x9];
	[sflag:s0] =	ssyncadd.s32 $0xFFFFD800  }
0x64: {  	[hbm4b:s13+s1] =	stream.linear.scatter [tilespmem:s3], [sflag:$0x5], $0x2800, $0x38;
	[tilespmem:$0x1F480] =	vst v63  }
0x65: {  	_ =	swait.ge [sflag:s4], $0x2800  }
0x66: {  	[sflag:s4] =	ssyncset.done $0x0  }
0x67: {  	s13 =	rddreg [dreg:$0x15];
	[sflag:s4] =	ssyncadd.s32 $0xFFFFD800  }
0x68: {  	[tilespmem:s3], [sflag:$0x6] =	stream.linear.gather [spmem:s13], $0x2800, $0x38;
	[tilespmem:$0x1F480] =	vst v63  }
0x69: {  	_ =	swait.ge [sflag:s0], $0x2800  }
0x6a: {  	[sflag:s0] =	ssyncset.done $0x0  }
0x6b: {  	s13 =	rddreg [dreg:$0xa];
	[sflag:s0] =	ssyncadd.s32 $0xFFFFD800  }
0x6c: {  	[hbm4b:s13+s1] =	stream.linear.scatter [tilespmem:s3], [sflag:$0x5], $0x2800, $0x38;
	[tilespmem:$0x1F480] =	vst v63  }
0x6d: {  	_ =	swait.ge [sflag:s4], $0x2800  }
0x6e: {  	[sflag:s4] =	ssyncset.done $0x0  }
0x6f: {  	s2 =	simm.s32 @!p0 $0x9000;
	s3 =	rddreg [dreg:$0x16];
	[sflag:s4] =	ssyncadd.s32 $0xFFFFD800  }
0x70: {  	[tilespmem:s2], [sflag:$0x6] =	stream.linear.gather @!p0 [spmem:s3], $0x2800, $0x38;
	[tilespmem:$0x1F480] =	vst v63  }
0x71: {  	s3 =	simm.s32 @!p0 $0x6  }
0x72: {  	_ =	swait.ge @!p0 [sflag:s3], $0x2800  }
0x73: {  	[sflag:s3] =	ssyncset.done @!p0 $0x0  }
0x74: {  	s13 =	rddreg [dreg:$0xb];
	[sflag:s3] =	ssyncadd.s32 @!p0 $0xFFFFD800;
	s3 =	simm.s32 @!p0 $0x0  }
0x75: {  	[hbm4b:s13+s3] =	stream.linear.scatter @!p0 [tilespmem:s2], [sflag:$0x5], $0x2800, $0x38;
	[tilespmem:$0x1F480] =	vst v63  }
0x76: {  	s2 =	simm.s32 @!p0 $0x5  }
0x77: {  	_ =	swait.ge @!p0 [sflag:s2], $0x2800  }
0x78: {  	s3 =	sld [smem:$0x7FD];
	_ =	sdelay $0x2  }
0x79: {  	s13 =	sadd.s32 $0x1, s3;
	s3 =	rddreg [dreg:$0xd]  }
0x7a: {  	p1 =	sne.s32 s13, s3  }
.Ltmp1:
0x7b: {  	_ = 	snop;
	(pc) =	sbr.rel @!p1 .LBB2_6-.Ltmp1, $3  }
0x7c: {  	_ =	sdelay $0x1  }
0x7d: {  	[sflag:s2] =	ssyncset.done @!p0 $0x0  }
0x7e: {  	[sflag:s2] =	ssyncadd.s32 @!p0 $0xFFFFD800  }
.LBB2_1:
0x7f: {  	[smem:$0x7FD] =	sst s13  }
0x80: {  	s2 =	rddreg [dreg:$0xc]  }
0x81: {  	s3 =	rddreg [dreg:$0xe]  }
0x82: {  	s13 =	rddreg [dreg:$0x17]  }
0x83: {  	[spmem:s13], [sflag:s3] =	dma.local [hbm:s2], $0x500  }
0x84: {  	_ =	swait.ge [sflag:s4], $0x500  }
0x85: {  	[sflag:s4] =	ssyncset.done $0x0  }
0x86: {  	s13 =	rddreg [dreg:$0x18];
	[sflag:s4] =	ssyncadd.s32 $0xFFFFFB00  }
0x87: {  	[spmem:s13], [sflag:s3] =	dma.local [hbm:s2], $0x500  }
0x88: {  	_ =	swait.ge [sflag:s4], $0x500  }
0x89: {  	[sflag:s4] =	ssyncset.done $0x0  }
0x8a: {  	s13 =	rddreg [dreg:$0x19];
	[sflag:s4] =	ssyncadd.s32 $0xFFFFFB00  }
0x8b: {  	[spmem:s13], [sflag:s3] =	dma.local [hbm:s2], $0x500  }
0x8c: {  	_ =	swait.ge [sflag:s4], $0x500  }
0x8d: {  	[sflag:s4] =	ssyncset.done $0x0  }
0x8e: {  	s13 =	rddreg [dreg:$0x1a];
	[sflag:s4] =	ssyncadd.s32 $0xFFFFFB00  }
0x8f: {  	[spmem:s13], [sflag:s3] =	dma.local [hbm:s2], $0x500  }
0x90: {  	_ =	swait.ge [sflag:s4], $0x500  }
0x91: {  	[sflag:s4] =	ssyncset.done $0x0  }
0x92: {  	s13 =	rddreg [dreg:$0x1b];
	[sflag:s4] =	ssyncadd.s32 $0xFFFFFB00  }
0x93: {  	[spmem:s13], [sflag:s3] =	dma.local [hbm:s2], $0x500  }
0x94: {  	_ =	swait.ge [sflag:s4], $0x500  }
0x95: {  	[sflag:s4] =	ssyncset.done $0x0  }
0x96: {  	s13 =	rddreg [dreg:$0x1c];
	[sflag:s4] =	ssyncadd.s32 $0xFFFFFB00  }
0x97: {  	[spmem:s13], [sflag:s3] =	dma.local [hbm:s2], $0x500  }
0x98: {  	_ =	swait.ge [sflag:s4], $0x500  }
0x99: {  	[sflag:s4] =	ssyncset.done $0x0  }
0x9a: {  	s13 =	rddreg [dreg:$0x1d];
	[sflag:s4] =	ssyncadd.s32 $0xFFFFFB00  }
0x9b: {  	[spmem:s13], [sflag:s3] =	dma.local [hbm:s2], $0x500  }
0x9c: {  	_ =	swait.ge [sflag:s4], $0x500  }
0x9d: {  	[sflag:s4] =	ssyncset.done $0x0  }
0x9e: {  	s13 =	rddreg [dreg:$0x1e];
	[sflag:s4] =	ssyncadd.s32 $0xFFFFFB00  }
0x9f: {  	[spmem:s13], [sflag:s3] =	dma.local @!p0 [hbm:s2], $0x500  }
0xa0: {  	s2 =	simm.s32 @!p0 $0x5  }
.Ltmp2:
0xa1: {  	_ =	swait.ge @!p0 [sflag:s2], $0x500;
	(pc) =	sbr.rel .LBB2_2-.Ltmp2, $4  }
0xa2: {  	[sflag:s2] =	ssyncset.done @!p0 $0x0  }
0xa3: {  	[sflag:s2] =	ssyncadd.s32 @!p0 $0xFFFFFB00  }
0xa4: {  	[bflag:$0x0] =	sbarrier.arrive $0xFFFF  }
0xa5: {  	s3 =	simm.s32 $0x0;
	s2 =	rddreg [dreg:$0x1f]  }
.LBB2_4:
0xa6: {  	s3 =	sadd.s32 $0x2000, s3  }
0xa7: {  	p1 =	sne.s32 s3, $0xA000  }
.Ltmp3:
0xa8: {  	_ = 	snop;
	(pc) =	sbr.rel @!p1 .LBB2_5-.Ltmp3, $2  }
0xa9: {  	_ =	sdelay $0x2  }
0xaa: {  	s2 =	sadd.s32 $0x20, s2  }
.LBB2_2:
0xab: {  	p1 =	sgt.u32 s2, $0x9D  }
.Ltmp4:
0xac: {  	_ = 	snop;
	(pc) =	sbr.rel @p1 .LBB2_4-.Ltmp4, $1  }
0xad: {  	_ =	sdelay $0x3  }
0xae: {  	s13 =	sadd.s32 s3, s25  }
0xaf: {  	[tilespmem:s1], [sflag:$0x5] =	stream.linear.gather [hbm4b:s13+s1], $0x800, $0x38;
	[tilespmem:$0x1F480] =	vst v63  }
0xb0: {  	_ =	swait.ge [sflag:s4], $0x800  }
0xb1: {  	[sflag:s4] =	ssyncset.done $0x0  }
0xb2: {  	s13 =	sadd.s32 s3, s24;
	[sflag:s4] =	ssyncadd.s32 $0xFFFFF800  }
0xb3: {  	[tilespmem:s5], [sflag:$0x5] =	stream.linear.gather [hbm4b:s13+s1], $0x800, $0x38;
	[tilespmem:$0x1F480] =	vst v63  }
0xb4: {  	_ =	swait.ge [sflag:s4], $0x800  }
0xb5: {  	[sflag:s4] =	ssyncset.done $0x0  }
0xb6: {  	[sflag:s4] =	ssyncadd.s32 $0xFFFFF800  }
0xb7: {  	[tilespmem:s7], [sflag:$0x1] =	stream.indirect.gather [hbm4b:s10+s6], $0x80, s1, s6, $0xb8;
	[tilespmem:$0x1F480] =	vst v63  }
0xb8: {  	_ = 	snop  }
0xb9: {  	[tilespmem:s8], [sflag:$0x2] =	stream.indirect.gather [hbm4b:s10+s6], $0x80, s6, s6, $0xb8;
	[tilespmem:$0x1F480] =	vst v63  }
0xba: {  	_ =	swait.ge [sflag:s11], $0x4000  }
0xbb: {  	[sflag:s11] =	ssyncset.done $0x0  }
0xbc: {  	[sflag:s11] =	ssyncadd.s32 $0xFFFFC000  }
0xbd: {  	[spmem:s12] =	stream.indirect.scatter.add.f32 [tilespmem:s7], [sflag:$0x3], $0x80, s5, s6, $0xb8;
	[tilespmem:$0x1F480] =	vst v63  }
0xbe: {  	_ =	swait.ge [sflag:s14], $0x4000  }
0xbf: {  	[sflag:s14] =	ssyncset.done $0x0  }
0xc0: {  	s13 =	simm.s32 $0x100;
	[sflag:s14] =	ssyncadd.s32 $0xFFFFC000  }
0xc1: {  	[tilespmem:s7], [sflag:$0x1] =	stream.indirect.gather [hbm4b:s10+s6], $0x80, s13, s6, $0xb8;
	[tilespmem:$0x1F480] =	vst v63  }
0xc2: {  	_ =	swait.ge [sflag:s17], $0x4000  }
0xc3: {  	[sflag:s17] =	ssyncset.done $0x0  }
0xc4: {  	s13 =	simm.s32 $0x880;
	[sflag:s17] =	ssyncadd.s32 $0xFFFFC000  }
0xc5: {  	[spmem:s12] =	stream.indirect.scatter.add.f32 [tilespmem:s8], [sflag:$0x4], $0x80, s13, s6, $0xb8;
	[tilespmem:$0x1F480] =	vst v63  }
0xc6: {  	_ =	swait.ge [sflag:s19], $0x4000  }
0xc7: {  	[sflag:s19] =	ssyncset.done $0x0  }
0xc8: {  	s13 =	simm.s32 $0x180;
	[sflag:s19] =	ssyncadd.s32 $0xFFFFC000  }
0xc9: {  	[tilespmem:s8], [sflag:$0x2] =	stream.indirect.gather [hbm4b:s10+s6], $0x80, s13, s6, $0xb8;
	[tilespmem:$0x1F480] =	vst v63  }
0xca: {  	_ =	swait.ge [sflag:s11], $0x4000  }
0xcb: {  	[sflag:s11] =	ssyncset.done $0x0  }
0xcc: {  	s13 =	simm.s32 $0x900;
	[sflag:s11] =	ssyncadd.s32 $0xFFFFC000  }
0xcd: {  	[spmem:s12] =	stream.indirect.scatter.add.f32 [tilespmem:s7], [sflag:$0x3], $0x80, s13, s6, $0xb8;
	[tilespmem:$0x1F480] =	vst v63  }
0xce: {  	_ =	swait.ge [sflag:s14], $0x4000  }
0xcf: {  	[sflag:s14] =	ssyncset.done $0x0  }
0xd0: {  	s13 =	simm.s32 $0x200;
	[sflag:s14] =	ssyncadd.s32 $0xFFFFC000  }
0xd1: {  	[tilespmem:s7], [sflag:$0x1] =	stream.indirect.gather [hbm4b:s10+s6], $0x80, s13, s6, $0xb8;
	[tilespmem:$0x1F480] =	vst v63  }
0xd2: {  	_ =	swait.ge [sflag:s17], $0x4000  }
0xd3: {  	[sflag:s17] =	ssyncset.done $0x0  }
0xd4: {  	s13 =	simm.s32 $0x980;
	[sflag:s17] =	ssyncadd.s32 $0xFFFFC000  }
0xd5: {  	[spmem:s12] =	stream.indirect.scatter.add.f32 [tilespmem:s8], [sflag:$0x4], $0x80, s13, s6, $0xb8;
	[tilespmem:$0x1F480] =	vst v63  }
0xd6: {  	_ =	swait.ge [sflag:s19], $0x4000  }
0xd7: {  	[sflag:s19] =	ssyncset.done $0x0  }
0xd8: {  	s13 =	simm.s32 $0x280;
	[sflag:s19] =	ssyncadd.s32 $0xFFFFC000  }
0xd9: {  	[tilespmem:s8], [sflag:$0x2] =	stream.indirect.gather [hbm4b:s10+s6], $0x80, s13, s6, $0xb8;
	[tilespmem:$0x1F480] =	vst v63  }
0xda: {  	_ =	swait.ge [sflag:s11], $0x4000  }
0xdb: {  	[sflag:s11] =	ssyncset.done $0x0  }
0xdc: {  	s13 =	simm.s32 $0xA00;
	[sflag:s11] =	ssyncadd.s32 $0xFFFFC000  }
0xdd: {  	[spmem:s12] =	stream.indirect.scatter.add.f32 [tilespmem:s7], [sflag:$0x3], $0x80, s13, s6, $0xb8;
	[tilespmem:$0x1F480] =	vst v63  }
0xde: {  	_ =	swait.ge [sflag:s14], $0x4000  }
0xdf: {  	[sflag:s14] =	ssyncset.done $0x0  }
0xe0: {  	s13 =	simm.s32 $0x300;
	[sflag:s14] =	ssyncadd.s32 $0xFFFFC000  }
0xe1: {  	[tilespmem:s7], [sflag:$0x1] =	stream.indirect.gather [hbm4b:s10+s6], $0x80, s13, s6, $0xb8;
	[tilespmem:$0x1F480] =	vst v63  }
0xe2: {  	_ =	swait.ge [sflag:s17], $0x4000  }
0xe3: {  	[sflag:s17] =	ssyncset.done $0x0  }
0xe4: {  	s13 =	simm.s32 $0xA80;
	[sflag:s17] =	ssyncadd.s32 $0xFFFFC000  }
0xe5: {  	[spmem:s12] =	stream.indirect.scatter.add.f32 [tilespmem:s8], [sflag:$0x4], $0x80, s13, s6, $0xb8;
	[tilespmem:$0x1F480] =	vst v63  }
0xe6: {  	_ =	swait.ge [sflag:s19], $0x4000  }
0xe7: {  	[sflag:s19] =	ssyncset.done $0x0  }
0xe8: {  	s13 =	simm.s32 $0x380;
	[sflag:s19] =	ssyncadd.s32 $0xFFFFC000  }
0xe9: {  	[tilespmem:s8], [sflag:$0x2] =	stream.indirect.gather [hbm4b:s10+s6], $0x80, s13, s6, $0xb8;
	[tilespmem:$0x1F480] =	vst v63  }
0xea: {  	_ =	swait.ge [sflag:s11], $0x4000  }
0xeb: {  	[sflag:s11] =	ssyncset.done $0x0  }
0xec: {  	s13 =	simm.s32 $0xB00;
	[sflag:s11] =	ssyncadd.s32 $0xFFFFC000  }
0xed: {  	[spmem:s12] =	stream.indirect.scatter.add.f32 [tilespmem:s7], [sflag:$0x3], $0x80, s13, s6, $0xb8;
	[tilespmem:$0x1F480] =	vst v63  }
0xee: {  	_ =	swait.ge [sflag:s14], $0x4000  }
0xef: {  	[sflag:s14] =	ssyncset.done $0x0  }
0xf0: {  	s13 =	simm.s32 $0x400;
	[sflag:s14] =	ssyncadd.s32 $0xFFFFC000  }
0xf1: {  	[tilespmem:s7], [sflag:$0x1] =	stream.indirect.gather [hbm4b:s10+s6], $0x80, s13, s6, $0xb8;
	[tilespmem:$0x1F480] =	vst v63  }
0xf2: {  	_ =	swait.ge [sflag:s17], $0x4000  }
0xf3: {  	[sflag:s17] =	ssyncset.done $0x0  }
0xf4: {  	s13 =	simm.s32 $0xB80;
	[sflag:s17] =	ssyncadd.s32 $0xFFFFC000  }
0xf5: {  	[spmem:s12] =	stream.indirect.scatter.add.f32 [tilespmem:s8], [sflag:$0x4], $0x80, s13, s6, $0xb8;
	[tilespmem:$0x1F480] =	vst v63  }
0xf6: {  	_ =	swait.ge [sflag:s19], $0x4000  }
0xf7: {  	[sflag:s19] =	ssyncset.done $0x0  }
0xf8: {  	s13 =	simm.s32 $0x480;
	[sflag:s19] =	ssyncadd.s32 $0xFFFFC000  }
0xf9: {  	[tilespmem:s8], [sflag:$0x2] =	stream.indirect.gather [hbm4b:s10+s6], $0x80, s13, s6, $0xb8;
	[tilespmem:$0x1F480] =	vst v63  }
0xfa: {  	_ =	swait.ge [sflag:s11], $0x4000  }
0xfb: {  	[sflag:s11] =	ssyncset.done $0x0  }
0xfc: {  	s13 =	simm.s32 $0xC00;
	[sflag:s11] =	ssyncadd.s32 $0xFFFFC000  }
0xfd: {  	[spmem:s12] =	stream.indirect.scatter.add.f32 [tilespmem:s7], [sflag:$0x3], $0x80, s13, s6, $0xb8;
	[tilespmem:$0x1F480] =	vst v63  }
0xfe: {  	_ =	swait.ge [sflag:s14], $0x4000  }
0xff: {  	[sflag:s14] =	ssyncset.done $0x0  }
0x100: {  	[sflag:s14] =	ssyncadd.s32 $0xFFFFC000  }
0x101: {  	[tilespmem:s7], [sflag:$0x1] =	stream.indirect.gather [hbm4b:s10+s6], $0x80, s15, s6, $0xb8;
	[tilespmem:$0x1F480] =	vst v63  }
0x102: {  	_ =	swait.ge [sflag:s17], $0x4000  }
0x103: {  	[sflag:s17] =	ssyncset.done $0x0  }
0x104: {  	[sflag:s17] =	ssyncadd.s32 $0xFFFFC000  }
0x105: {  	[spmem:s12] =	stream.indirect.scatter.add.f32 [tilespmem:s8], [sflag:$0x4], $0x80, s16, s6, $0xb8;
	[tilespmem:$0x1F480] =	vst v63  }
0x106: {  	_ =	swait.ge [sflag:s19], $0x4000  }
0x107: {  	[sflag:s19] =	ssyncset.done $0x0  }
0x108: {  	[sflag:s19] =	ssyncadd.s32 $0xFFFFC000  }
0x109: {  	[tilespmem:s8], [sflag:$0x2] =	stream.indirect.gather [hbm4b:s10+s6], $0x80, s18, s6, $0xb8;
	[tilespmem:$0x1F480] =	vst v63  }
0x10a: {  	_ =	swait.ge [sflag:s11], $0x4000  }
0x10b: {  	[sflag:s11] =	ssyncset.done $0x0  }
0x10c: {  	[sflag:s11] =	ssyncadd.s32 $0xFFFFC000  }
0x10d: {  	[spmem:s12] =	stream.indirect.scatter.add.f32 [tilespmem:s7], [sflag:$0x3], $0x80, s20, s6, $0xb8;
	[tilespmem:$0x1F480] =	vst v63  }
0x10e: {  	_ =	swait.ge [sflag:s14], $0x4000  }
0x10f: {  	[sflag:s14] =	ssyncset.done $0x0  }
0x110: {  	[sflag:s14] =	ssyncadd.s32 $0xFFFFC000  }
0x111: {  	[tilespmem:s7], [sflag:$0x1] =	stream.indirect.gather [hbm4b:s10+s6], $0x80, s21, s6, $0xb8;
	[tilespmem:$0x1F480] =	vst v63  }
0x112: {  	_ =	swait.ge [sflag:s17], $0x4000  }
0x113: {  	[sflag:s17] =	ssyncset.done $0x0  }
0x114: {  	[sflag:s17] =	ssyncadd.s32 $0xFFFFC000  }
0x115: {  	[spmem:s12] =	stream.indirect.scatter.add.f32 [tilespmem:s8], [sflag:$0x4], $0x80, s22, s6, $0xb8;
	[tilespmem:$0x1F480] =	vst v63  }
0x116: {  	_ =	swait.ge [sflag:s19], $0x4000  }
0x117: {  	[sflag:s19] =	ssyncset.done $0x0  }
0x118: {  	[sflag:s19] =	ssyncadd.s32 $0xFFFFC000  }
0x119: {  	[tilespmem:s8], [sflag:$0x2] =	stream.indirect.gather [hbm4b:s10+s6], $0x80, s23, s6, $0xb8;
	[tilespmem:$0x1F480] =	vst v63  }
0x11a: {  	_ =	swait.ge [sflag:s11], $0x4000  }
0x11b: {  	[sflag:s11] =	ssyncset.done $0x0  }
0x11c: {  	[sflag:s11] =	ssyncadd.s32 $0xFFFFC000  }
0x11d: {  	[spmem:s12] =	stream.indirect.scatter.add.f32 [tilespmem:s7], [sflag:$0x3], $0x80, s26, s6, $0xb8;
	[tilespmem:$0x1F480] =	vst v63  }
0x11e: {  	_ =	swait.ge [sflag:s14], $0x4000  }
0x11f: {  	[sflag:s14] =	ssyncset.done $0x0  }
0x120: {  	[sflag:s14] =	ssyncadd.s32 $0xFFFFC000  }
0x121: {  	[tilespmem:s7], [sflag:$0x1] =	stream.indirect.gather [hbm4b:s10+s6], $0x80, s28, s6, $0xb8;
	[tilespmem:$0x1F480] =	vst v63  }
0x122: {  	_ =	swait.ge [sflag:s17], $0x4000  }
0x123: {  	[sflag:s17] =	ssyncset.done $0x0  }
0x124: {  	[sflag:s17] =	ssyncadd.s32 $0xFFFFC000  }
0x125: {  	[spmem:s12] =	stream.indirect.scatter.add.f32 [tilespmem:s8], [sflag:$0x4], $0x80, s29, s6, $0xb8;
	[tilespmem:$0x1F480] =	vst v63  }
0x126: {  	_ =	swait.ge [sflag:s19], $0x4000  }
0x127: {  	[sflag:s19] =	ssyncset.done $0x0  }
0x128: {  	[sflag:s19] =	ssyncadd.s32 $0xFFFFC000  }
0x129: {  	[tilespmem:s8], [sflag:$0x2] =	stream.indirect.gather [hbm4b:s10+s6], $0x80, s30, s6, $0xb8;
	[tilespmem:$0x1F480] =	vst v63  }
0x12a: {  	_ =	swait.ge [sflag:s11], $0x4000  }
0x12b: {  	[sflag:s11] =	ssyncset.done $0x0  }
0x12c: {  	[sflag:s11] =	ssyncadd.s32 $0xFFFFC000  }
0x12d: {  	[spmem:s12] =	stream.indirect.scatter.add.f32 [tilespmem:s7], [sflag:$0x3], $0x80, s31, s6, $0xb8;
	[tilespmem:$0x1F480] =	vst v63  }
0x12e: {  	_ =	swait.ge [sflag:s14], $0x4000  }
0x12f: {  	[sflag:s14] =	ssyncset.done $0x0  }
0x130: {  	[sflag:s14] =	ssyncadd.s32 $0xFFFFC000  }
0x131: {  	_ =	swait.ge [sflag:s17], $0x4000  }
0x132: {  	[sflag:s17] =	ssyncset.done $0x0  }
.Ltmp5:
0x133: {  	[sflag:s17] =	ssyncadd.s32 $0xFFFFC000;
	(pc) =	sbr.rel .LBB2_4-.Ltmp5, $4  }
0x134: {  	[spmem:s12] =	stream.indirect.scatter.add.f32 [tilespmem:s8], [sflag:$0x4], $0x80, s9, s6, $0xb8;
	[tilespmem:$0x1F480] =	vst v63  }
0x135: {  	_ =	swait.ge [sflag:s19], $0x4000  }
0x136: {  	[sflag:s19] =	ssyncset.done $0x0  }
0x137: {  	[sflag:s19] =	ssyncadd.s32 $0xFFFFC000  }
.LBB2_6:
0x138: {  	_ =	sfence.sel $0x180000  }
0x139: {  	[bflag:$0x0] =	sbarrier.arrive $0xFFFF  }
0x13a: {  	_ =	strace $0x9000004D  }
0x13b: {  	s0 =	stileid.u32;
	[bflag:$0x2] =	sbarrier.arrive $0xFFFF  }
0x13c: {  	p0 =	sne.s32 s0, $0x0;
	s0 =	rddreg [dreg:$0x3]  }
0x13d: {  	s0 =	sadd.s32 @!p0 $0x100000, s0  }
0x13e: {  	[sflag:s0] =	ssyncadd.tile.s32 @!p0 $0x1;
	_ =	shalt  }
.Lfunc_end2:
_tile_overlayer_lowered:
.L_overlay_start_2:
0x13f: {  	(tag) =	ssettag $0x2  }
0x140: {  	s0 =	rddreg [dreg:$0x0];
	s2 =	stileid.u32  }
0x141: {  	s1 =	rddreg [dreg:$0x1];
	p0 =	sne.s32 s2, $0x0  }
0x142: {  	s3 =	rddreg [dreg:$0x2];
	[bflag:$0x3] =	sbarrier.arrive $0xFFFF;
	s2 =	simm.s32 @!p0 $0x1C05  }
0x143: {  	[timem:s3], [sflag:s2] =	dma.local @!p0 [hbm:s0], s1  }
0x144: {  	s0 =	simm.s32 @!p0 $0x5  }
0x145: {  	_ =	swait.ge @!p0 [sflag:s0], s1  }
0x146: {  	s1 =	ssub.s32 @!p0 $0x0, s1;
	[sflag:s0] =	ssyncset.done @!p0 $0x0  }
0x147: {  	[sflag:s0] =	ssyncadd.s32 @!p0 s1  }
0x148: {  	[bflag:$0x3] =	sbarrier.arrive $0xFFFF  }
0x149: {  	_ =	shalt  }

// kernel: kernel.8.cloned.1.call-start
scs
__scs_entry_jumppad:
0x0: {  	(pc) =	sbr.rel $0x88, $3  }
0x1: {  	(tag) =	ssettag $0x0;
	lr =	simm.s32 $0x1  }
0x2: {  	[smem:$0x3F9B] =	sst lr;
	_ =	strace $0xD0000000  }
0x3: {  	_ = 	snop  }
0x4: {  	_ = 	snop  }
0x5: {  	_ = 	snop  }
0x6: {  	_ = 	snop  }
0x7: {  	_ = 	snop  }
__scs_overlays_trampoline_lowered:
0x8: {  	[smem:$0x3FAA] =	sst s0  }
0x9: {  	[smem:$0x3FAB] =	sst s1  }
0xa: {  	[smem:$0x3FAC] =	sst s2  }
0xb: {  	[smem:$0x3FAD] =	sst s3  }
0xc: {  	[smem:$0x3FAE] =	sst s4  }
0xd: {  	[smem:$0x3FAF] =	sst s5  }
0xe: {  	[smem:$0x3FB0] =	sst s6  }
0xf: {  	[smem:$0x3FB1] =	sst s7  }
0x10: {  	[smem:$0x3FB2] =	sst s8  }
0x11: {  	[smem:$0x3FB3] =	sst s9;
	s0 =	simm.s32 @!p0 $0x0  }
0x12: {  	s1 =	sld [smem:$0x3F99];
	s0 =	simm.s32 @p0 $0x1  }
0x13: {  	[smem:$0x3FB4] =	sst s0;
	s0 =	simm.s32 @!p1 $0x0  }
0x14: {  	s2 =	sld [smem:$0x3F98];
	s0 =	simm.s32 @p1 $0x1  }
0x15: {  	[smem:$0x3FB5] =	sst s0;
	s0 =	simm.s32 @!p2 $0x0  }
0x16: {  	s3 =	sld [smem:$0x3FDB];
	s0 =	simm.s32 @p2 $0x1  }
0x17: {  	s4 =	simm.s32 $0x1BF5;
	[smem:$0x3FB7] =	sst s0  }
0x18: {  	s0 =	sld [smem:$0x3F9A];
	_ =	swait.ge [sflag:s4], $0x0  }
0x19: {  	s7 =	sld [smem:$0x3F9B]  }
0x1a: {  	s8 =	sadd.s32 $0xFFFFE003, lr  }
0x1b: {  	s9 =	sadd.s32 $0xFFFFFEF7, lr;
	s5 =	simm.s32 $0xFFFFFFFF;
	p2 =	slt.u32 s8, $0xFFFFF086  }
0x1c: {  	p1 =	slt.u32 s9, $0xF7A;
	s5 =	simm.s32 @!p2 $0x0  }
0x1d: {  	s5 =	simm.s32 @p1 $0x1;
	p0 =	seq.s32 s7, s2  }
0x1e: {  	s7 =	smul.u32 @!p0 $0xF7A, s2;
	p2 =	seq.s32 @!p0 s5, $0x0  }
0x1f: {  	s9 =	smul.u32 $0xF7A, s1;
	s8 =	simm.s32 @!p0 $0x1BF5;
	p2 =	por !p2, p0  }
0x20: {  	[sflag:s8] =	ssyncset.s32 @!p0 $0xFFFFF086;
	s6 =	sadd.s32 @!p0 s3, s7;
	s7 =	simm.s32 @!p0 $0x108  }
0x21: {  	s3 =	sadd.s32 s3, s9;
	s6 =	sadd.s32 @!p0 $0x88, s6;
	s7 =	simm.s32 @p2 $0x1082  }
0x22: {  	[simem:s7], [sflag:s8] =	dma.local @!p0 [hbm:s6], $0xF7A  }
0x23: {  	s9 =	sor.u32 $0xD0000000, s2;
	s6 =	simm.s32 $0x108;
	_ =	swait.ge @!p0 [sflag:s8], $0x0  }
0x24: {  	s3 =	sadd.s32 $0x88, s3;
	s6 =	simm.s32 @!p1 $0x1082;
	[sflag:s4] =	ssyncset.s32 $0xFFFFF086  }
0x25: {  	[simem:s6], [sflag:s4] =	dma.local [hbm:s3], $0xF7A  }
0x26: {  	[smem:$0x3F9B] =	sst s1;
	(tag) =	ssettag s2;
	_ =	strace s9  }
0x27: {  	s1 =	sld [smem:$0x3FAB]  }
0x28: {  	s2 =	sld [smem:$0x3FAC]  }
0x29: {  	s4 =	sld [smem:$0x3FAE]  }
0x2a: {  	p0 =	seq.s32 s5, $0x0;
	s5 =	sld [smem:$0x3FAF]  }
0x2b: {  	s6 =	sld [smem:$0x3FB0]  }
0x2c: {  	s7 =	sld [smem:$0x3FB1]  }
0x2d: {  	s3 =	simm.s32 $0x108;
	s8 =	sld [smem:$0x3FB2]  }
0x2e: {  	s3 =	simm.s32 @!p0 $0x1082;
	s9 =	sld [smem:$0x3FB3]  }
0x2f: {  	lr =	sadd.s32 s0, s3;
	s0 =	sld [smem:$0x3FAA]  }
0x30: {  	s3 =	sld [smem:$0x3FAD]  }
0x31: {  	[smem:$0x3FB6] =	sst s10  }
0x32: {  	s10 =	sld [smem:$0x3FB4];
	_ =	sdelay $0x3  }
0x33: {  	p0 =	seq.s32 s10, $0x1;
	s10 =	sld [smem:$0x3FB6];
	_ =	sdelay $0x3  }
0x34: {  	[smem:$0x3FB6] =	sst s10  }
0x35: {  	s10 =	sld [smem:$0x3FB5];
	_ =	sdelay $0x3  }
0x36: {  	p1 =	seq.s32 s10, $0x1;
	s10 =	sld [smem:$0x3FB6];
	_ =	sdelay $0x3  }
0x37: {  	[smem:$0x3FB6] =	sst s10  }
0x38: {  	s10 =	sld [smem:$0x3FB7]  }
0x39: {  	_ = 	snop;
	(pc) =	sbr.ind lr, $3  }
0x3a: {  	_ = 	snop  }
0x3b: {  	_ = 	snop  }
0x3c: {  	p2 =	seq.s32 s10, $0x1;
	s10 =	sld [smem:$0x3FB6]  }
0x3d: {  	_ =	shalt  }
0x3e: {  	_ =	shalt  }
0x3f: {  	_ =	shalt  }
0x40: {  	_ =	shalt  }
0x41: {  	_ =	shalt  }
0x42: {  	_ =	shalt  }
0x43: {  	_ =	shalt  }
0x44: {  	_ =	shalt  }
0x45: {  	_ =	shalt  }
0x46: {  	_ =	shalt  }
0x47: {  	_ =	shalt  }
0x48: {  	_ =	shalt  }
0x49: {  	_ =	shalt  }
0x4a: {  	_ =	shalt  }
0x4b: {  	_ =	shalt  }
0x4c: {  	_ =	shalt  }
0x4d: {  	_ =	shalt  }
0x4e: {  	_ =	shalt  }
0x4f: {  	_ =	shalt  }
0x50: {  	_ =	shalt  }
0x51: {  	_ =	shalt  }
0x52: {  	_ =	shalt  }
0x53: {  	_ =	shalt  }
0x54: {  	_ =	shalt  }
0x55: {  	_ =	shalt  }
0x56: {  	_ =	shalt  }
0x57: {  	_ =	shalt  }
0x58: {  	_ =	shalt  }
0x59: {  	_ =	shalt  }
0x5a: {  	_ =	shalt  }
0x5b: {  	_ =	shalt  }
0x5c: {  	_ =	shalt  }
0x5d: {  	_ =	shalt  }
0x5e: {  	_ =	shalt  }
0x5f: {  	_ =	shalt  }
0x60: {  	_ =	shalt  }
0x61: {  	_ =	shalt  }
0x62: {  	_ =	shalt  }
0x63: {  	_ =	shalt  }
0x64: {  	_ =	shalt  }
0x65: {  	_ =	shalt  }
0x66: {  	_ =	shalt  }
0x67: {  	_ =	shalt  }
0x68: {  	_ =	shalt  }
0x69: {  	_ =	shalt  }
0x6a: {  	_ =	shalt  }
0x6b: {  	_ =	shalt  }
0x6c: {  	_ =	shalt  }
0x6d: {  	_ =	shalt  }
0x6e: {  	_ =	shalt  }
0x6f: {  	_ =	shalt  }
0x70: {  	_ =	shalt  }
0x71: {  	_ =	shalt  }
0x72: {  	_ =	shalt  }
0x73: {  	_ =	shalt  }
0x74: {  	_ =	shalt  }
0x75: {  	_ =	shalt  }
0x76: {  	_ =	shalt  }
0x77: {  	_ =	shalt  }
0x78: {  	_ =	shalt  }
0x79: {  	_ =	shalt  }
0x7a: {  	_ =	shalt  }
0x7b: {  	_ =	shalt  }
0x7c: {  	_ =	shalt  }
0x7d: {  	_ =	shalt  }
0x7e: {  	_ =	shalt  }
0x7f: {  	_ =	shalt  }
0x80: {  	_ =	shalt  }
0x81: {  	_ =	shalt  }
0x82: {  	_ =	shalt  }
0x83: {  	_ =	shalt  }
0x84: {  	_ =	shalt  }
0x85: {  	_ =	shalt  }
0x86: {  	_ =	shalt  }
0x87: {  	_ =	shalt  }
.Lfunc_end0:
.L_simem_size_0:
called_computation_lowered:
.L_overlay_start_0:
0x88: {  	s2 =	sld [smem:$0x3FD9]  }
0x89: {  	s3 =	sld [smem:$0x3FFE];
	_ =	sdelay $0x1  }
0x8a: {  	s1 =	srdreg.scid  }
0x8b: {  	s0 =	sand.u32 $0x1, s1  }
0x8c: {  	s17 =	sshll.u32 s0, $0xA;
	s2 =	sadd.s32 s3, s2  }
0x8d: {  	s2 =	sadd.s32 s2, s17  }
0x8e: {  	[smem:$0x3FC2] =	sst s2  }
0x8f: {  	_ = 	snop  }
0x90: {  	s2 =	sld [smem:$0x3FD0];
	(tm) =	ssettm $0x1  }
0x91: {  	s18 =	sld [smem:$0x3FFB];
	_ =	sdelay $0x3  }
0x92: {  	_ =	strace s18  }
0x93: {  	s3 =	sld [smem:$0x3FFC];
	_ =	sdelay $0x3  }
0x94: {  	_ =	strace s3  }
0x95: {  	s3 =	sld [smem:$0x3FFD];
	_ =	sdelay $0x3  }
0x96: {  	_ =	strace s3  }
0x97: {  	_ =	strace $0x8FFFFFFF  }
0x98: {  	s19 =	sld [smem:$0x3FDB];
	_ =	sdelay $0x1  }
0x99: {  	s4 =	simm.s32 $_scs_section_size  }
0x9a: {  	s5 =	simm.s32 $_size__tile_overlayer_lowered;
	s6 =	simm.s32 $_tile_overlayer_lowered  }
0x9b: {  	s22 =	simm.s32 $0x1BFF;
	s21 =	sshll.u32 s6, $0x1;
	s3 =	sadd.s32 s4, s19  }
0x9c: {  	s7 =	simm.s32 $0x0;
	s20 =	sshll.u32 s5, $0x1;
	s5 =	sadd.s32 s21, s3  }
0x9d: {  	[timem:s7], [sflag:s22] =	dma.local [hbm:s5], s20  }
0x9e: {  	_ =	swait.ge [sflag:s22], s20  }
0x9f: {  	s4 =	ssub.s32 $0x0, s20;
	[sflag:s22] =	ssyncset.done $0x0  }
0xa0: {  	[sflag:s22] =	ssyncadd.s32 s4;
	_ =	sdelay $0x1  }
0xa1: {  	s23 =	simm.s32 $0x1B8B  }
0xa2: {  	_ =	swait.ge [sflag:s23], $0x1  }
0xa3: {  	[sflag:s23] =	ssyncset.done $0x0  }
0xa4: {  	s25 =	simm.s32 $0x1B8E;
	s24 =	sld [smem:$0x3FFE];
	[sflag:s23] =	ssyncadd.s32 $0xFFFFFFFF  }
0xa5: {  	s26 =	simm.s32 $execute0_lowered;
	[smem:$0x3FD2] =	sst s25  }
0xa6: {  	s5 =	sshll.u32 s26, $0x1;
	_ =	strace $0x80000046;
	[dreg:$0x1] =	wrdreg $0xFFFFFFFF  }
0xa7: {  	s28 =	simm.s32 $_size_execute0_lowered;
	s3 =	sadd.s32 s3, s5;
	[dreg:$0x0] =	wrdreg $0x0  }
0xa8: {  	s5 =	sshll.u32 s28, $0x1;
	[dreg:$0x2] =	wrdreg s3  }
0xa9: {  	[dreg:$0x3] =	wrdreg s5  }
0xaa: {  	[dreg:$0x4] =	wrdreg $0xC0  }
0xab: {  	_ =	task [dreg:s7], $0x5FFFF  }
0xac: {  	[dreg:$0x1] =	wrdreg $0xFFFFFFFF  }
0xad: {  	[dreg:$0x0] =	wrdreg $0x60  }
0xae: {  	[dreg:$0x2] =	wrdreg s24  }
0xaf: {  	[dreg:$0x3] =	wrdreg s2  }
0xb0: {  	[dreg:$0x4] =	wrdreg $0x15000  }
0xb1: {  	[dreg:$0x5] =	wrdreg $0x9  }
0xb2: {  	_ =	task.clear_ibuf [dreg:s7], $0x6FFFF;
	_ =	strace $0x90000046  }
0xb3: {  	s29 =	simm.s32 $0x9;
	_ =	strace $0x80000048  }
0xb4: {  	_ =	swait.ge [sflag:s29], $0x1  }
0xb5: {  	[sflag:s29] =	ssyncadd.s32 $0xFFFFFFFF  }
0xb6: {  	_ =	strace $0x90000048  }
0xb7: {  	_ =	sfence  }
0xb8: {  	s30 =	sld [smem:$0x0];
	_ =	sdelay $0x2  }
0xb9: {  	s31 =	sshll.u32 s1, $0xD;
	s1 =	sshrl.u32 s1, $0x2  }
0xba: {  	s3 =	sand.u32 $0x4000, s31;
	s1 =	sadd.s32 s1, s30  }
0xbb: {  	s0 =	sor.u32 s3, s0;
	s1 =	sshll.u32 s1, $0x11  }
0xbc: {  	s0 =	sor.u32 s1, s0  }
0xbd: {  	s0 =	sadd.s32 $0x8F2B, s0  }
0xbe: {  	[sflag:s0] =	ssyncadd.remote.s32 $0x1  }
0xbf: {  	_ =	sfence.sel $0xFFFF  }
0xc0: {  	[dreg:$0x0] =	wrdreg $0xFFFFFFFF;
	(pc) =	sbr.abs _section_cstart, $3  }
0xc1: {  	[dreg:$0x1] =	wrdreg $0xFFFFFFFF  }
0xc2: {  	_ =	task.clear_ibuf [dreg:s7], $0x2FFFF;
	_ =	strace $0x9FFFFFFF  }
0xc3: {  	(tm) =	ssettm $0x7FFFFFFF  }
tec
execute0_lowered:
.L_overlay_start_1:
0x0: {  	(tag) =	ssettag $0x1  }
0x1: {  	s0 =	srdreg.scid  }
0x2: {  	s22 =	stileid.u32;
	s4 =	sand.u32 $0x1, s0  }
0x3: {  	s14 =	sor.u32 $0x40, s22;
	s6 =	smul.u32 $0x27100, s4  }
0x4: {  	s15 =	sor.u32 $0x50, s22;
	s18 =	smul.u32 $0x500, s14  }
0x5: {  	s5 =	rddreg [dreg:$0x1];
	s16 =	sor.u32 $0x60, s22;
	s19 =	smul.u32 $0x500, s15  }
0x6: {  	s17 =	sor.u32 $0x70, s22;
	s0 =	ssub.s32 $0x2, s4;
	s20 =	smul.u32 $0x500, s16  }
0x7: {  	s9 =	sor.u32 $0x10, s22;
	s21 =	smul.u32 $0x500, s17;
	s1 =	sshrl.u32 s0, $0x1  }
0x8: {  	s10 =	sor.u32 $0x20, s22;
	s7 =	ssub.s32 s0, s1;
	s0 =	smul.u32 $0x500, s22  }
0x9: {  	s12 =	sor.u32 $0x30, s22;
	s4 =	sshll.u32 s4, $0x8;
	s1 =	smul.u32 $0x500, s9  }
0xa: {  	p0 =	sgt.u32 s17, $0x7C;
	s29 =	sadd.s32 s6, s18;
	s2 =	sadd.s32 s6, s0  }
0xb: {  	s25 =	sadd.s32 s6, s1;
	s3 =	sshrl.u32 s2, $0x3;
	s2 =	smul.u32 $0x500, s10  }
0xc: {  	s13 =	sadd.s32 s6, s19;
	s8 =	sshrl.u32 s25, $0x3;
	s3 =	sadd.s32 s5, s3  }
0xd: {  	[dreg:$0x4] =	wrdreg s3;
	s11 =	sadd.s32 s6, s2;
	s3 =	smul.u32 $0x500, s12  }
0xe: {  	s23 =	sadd.s32 s6, s20;
	s8 =	sadd.s32 s5, s8;
	s26 =	sshrl.u32 s11, $0x3  }
0xf: {  	[dreg:$0x5] =	wrdreg s8;
	s8 =	sadd.s32 s5, s26;
	s28 =	sadd.s32 s6, s3  }
0x10: {  	s7 =	smax.u32 s7, $0x1;
	[dreg:$0x6] =	wrdreg s8;
	s8 =	sshrl.u32 s28, $0x3  }
0x11: {  	s25 =	sshll.u32 s22, $0x9;
	s11 =	sshrl.u32 s29, $0x3;
	s8 =	sadd.s32 s5, s8  }
0x12: {  	s6 =	sadd.s32 s6, s21;
	[dreg:$0x7] =	wrdreg s8;
	s8 =	sadd.s32 s5, s11  }
0x13: {  	s29 =	smul.u32 $0x1400, s10;
	s6 =	sshrl.u32 s6, $0x3;
	[dreg:$0x8] =	wrdreg s8  }
0x14: {  	s11 =	sshrl.u32 s23, $0x3;
	s8 =	sshrl.u32 s13, $0x3;
	s13 =	rddreg [dreg:$0x0]  }
0x15: {  	s28 =	smul.u32 $0x1400, s9;
	s24 =	sadd.s32 s5, s11;
	s11 =	rddreg [dreg:$0x2]  }
0x16: {  	s23 =	smul.u32 $0x1400, s22;
	s8 =	sadd.s32 s5, s8;
	[dreg:$0xa] =	wrdreg s24  }
0x17: {  	s5 =	sadd.s32 s5, s6;
	s26 =	sadd.s32 s25, s13;
	s24 =	smul.u32 $0x1400, s12  }
0x18: {  	s10 =	sadd.s32 $0x16200, s13;
	s13 =	sadd.s32 $0x16000, s13;
	s25 =	smul.u32 $0x1400, s14  }
0x19: {  	s9 =	sshrl.u32 s23, $0x2;
	s6 =	sshrl.u32 s28, $0x2;
	s28 =	smul.u32 $0x1400, s16  }
0x1a: {  	s0 =	sadd.s32 s0, s11;
	s1 =	sadd.s32 s1, s11;
	[dreg:$0x9] =	wrdreg s8  }
0x1b: {  	s16 =	sadd.s32 s2, s11;
	s8 =	simm.s32 $0x0;
	[dreg:$0xb] =	wrdreg s5  }
0x1c: {  	s18 =	sadd.s32 s18, s11;
	s19 =	sadd.s32 s19, s11;
	[smem:$0x7FF] =	sst s8  }
0x1d: {  	s20 =	sadd.s32 s20, s11;
	_ =	strace $0x80000047;
	[dreg:$0xc] =	wrdreg s10  }
0x1e: {  	s21 =	sadd.s32 s21, s11;
	s2 =	simm.s32 $0x2;
	[dreg:$0xd] =	wrdreg s7  }
0x1f: {  	s4 =	sadd.s32 s4, s26;
	s9 =	sadd.s32 s9, s11;
	[dreg:$0xe] =	wrdreg s0  }
0x20: {  	s6 =	sadd.s32 s6, s11;
	s5 =	sshrl.u32 s29, $0x2;
	[dreg:$0xf] =	wrdreg s1  }
0x21: {  	s29 =	smul.u32 $0x1400, s17;
	s17 =	sadd.s32 s3, s11;
	[dreg:$0x10] =	wrdreg s16  }
0x22: {  	s26 =	smul.u32 $0x1400, s15;
	s3 =	simm.s32 $0x80;
	[dreg:$0x11] =	wrdreg s17  }
0x23: {  	s5 =	sadd.s32 s5, s11;
	s14 =	sshrl.u32 s28, $0x2;
	[dreg:$0x12] =	wrdreg s18  }
0x24: {  	s23 =	sadd.s32 $0xC200, s4;
	s4 =	simm.s32 $0x100;
	[dreg:$0x13] =	wrdreg s19  }
0x25: {  	s7 =	sshrl.u32 s24, $0x2;
	s10 =	sshrl.u32 s25, $0x2;
	[dreg:$0x14] =	wrdreg s20  }
0x26: {  	s12 =	sshrl.u32 s26, $0x2;
	s15 =	sshrl.u32 s29, $0x2;
	[dreg:$0x15] =	wrdreg s21  }
0x27: {  	s14 =	sadd.s32 s14, s11;
	[dreg:$0x16] =	wrdreg s23;
	s24 =	sshrl.u32 s9, $0x3  }
0x28: {  	s25 =	sshrl.u32 s6, $0x3;
	s26 =	sshrl.u32 s5, $0x3;
	s0 =	sshll.u32 s22, $0x1  }
0x29: {  	s1 =	simm.s32 $0x800;
	s5 =	simm.s32 $0x180;
	s6 =	simm.s32 $0x200  }
0x2a: {  	s9 =	simm.s32 $0x300;
	s16 =	simm.s32 $0x500;
	s17 =	simm.s32 $0x580  }
0x2b: {  	s18 =	simm.s32 $0x600;
	s19 =	simm.s32 $0x680;
	s20 =	simm.s32 $0x700  }
0x2c: {  	s21 =	simm.s32 $0x780;
	s22 =	simm.s32 $0x1;
	s23 =	simm.s32 $0x0  }
0x2d: {  	s7 =	sadd.s32 s7, s11;
	s10 =	sadd.s32 s10, s11;
	[dreg:$0x17] =	wrdreg s24  }
0x2e: {  	s12 =	sadd.s32 s12, s11;
	s15 =	sadd.s32 s15, s11;
	[dreg:$0x18] =	wrdreg s25  }
.Ltmp0:
0x2f: {  	[dreg:$0x19] =	wrdreg s26;
	s31 =	sshrl.u32 s14, $0x3;
	(pc) =	sbr.rel .LBB2_1-.Ltmp0, $4  }
0x30: {  	s14 =	simm.s32 $0x400;
	s24 =	simm.s32 $0x1000;
	s25 =	simm.s32 $0x3  }
0x31: {  	s28 =	sshrl.u32 s7, $0x3;
	s29 =	sshrl.u32 s10, $0x3;
	s30 =	sshrl.u32 s12, $0x3  }
0x32: {  	s10 =	sshrl.u32 @!p0 s15, $0x3;
	s7 =	simm.s32 $0x280;
	[dreg:$0x1a] =	wrdreg s28  }
0x33: {  	s12 =	simm.s32 $0x380;
	s15 =	simm.s32 $0x480;
	[dreg:$0x1b] =	wrdreg s29  }
.LBB2_5:
0x34: {  	[bflag:$0x0] =	sbarrier.arrive $0xFFFF  }
0x35: {  	s26 =	rddreg [dreg:$0xe]  }
0x36: {  	[tilespmem:s24], [sflag:$0x3] =	stream.linear.gather [spmem:s26], $0x500, $0x38;
	[tilespmem:$0x3C90] =	vst v63  }
0x37: {  	_ =	swait.ge [sflag:s25], $0x500  }
0x38: {  	[sflag:s25] =	ssyncset.done $0x0  }
0x39: {  	s28 =	rddreg [dreg:$0x4];
	[sflag:s25] =	ssyncadd.s32 $0xFFFFFB00  }
0x3a: {  	[hbm4b:s28+s8] =	stream.linear.scatter [tilespmem:s24], [sflag:$0x2], $0x500, $0x38;
	[tilespmem:$0x3C90] =	vst v63  }
0x3b: {  	_ =	swait.ge [sflag:s2], $0x500  }
0x3c: {  	[sflag:s2] =	ssyncset.done $0x0  }
0x3d: {  	s29 =	rddreg [dreg:$0xf];
	[sflag:s2] =	ssyncadd.s32 $0xFFFFFB00  }
0x3e: {  	[tilespmem:s24], [sflag:$0x3] =	stream.linear.gather [spmem:s29], $0x500, $0x38;
	[tilespmem:$0x3C90] =	vst v63  }
0x3f: {  	_ =	swait.ge [sflag:s25], $0x500  }
0x40: {  	[sflag:s25] =	ssyncset.done $0x0  }
0x41: {  	s28 =	rddreg [dreg:$0x5];
	[sflag:s25] =	ssyncadd.s32 $0xFFFFFB00  }
0x42: {  	[hbm4b:s28+s8] =	stream.linear.scatter [tilespmem:s24], [sflag:$0x2], $0x500, $0x38;
	[tilespmem:$0x3C90] =	vst v63  }
0x43: {  	_ =	swait.ge [sflag:s2], $0x500  }
0x44: {  	[sflag:s2] =	ssyncset.done $0x0  }
0x45: {  	s29 =	rddreg [dreg:$0x10];
	[sflag:s2] =	ssyncadd.s32 $0xFFFFFB00  }
0x46: {  	[tilespmem:s24], [sflag:$0x3] =	stream.linear.gather [spmem:s29], $0x500, $0x38;
	[tilespmem:$0x3C90] =	vst v63  }
0x47: {  	_ =	swait.ge [sflag:s25], $0x500  }
0x48: {  	[sflag:s25] =	ssyncset.done $0x0  }
0x49: {  	s28 =	rddreg [dreg:$0x6];
	[sflag:s25] =	ssyncadd.s32 $0xFFFFFB00  }
0x4a: {  	[hbm4b:s28+s8] =	stream.linear.scatter [tilespmem:s24], [sflag:$0x2], $0x500, $0x38;
	[tilespmem:$0x3C90] =	vst v63  }
0x4b: {  	_ =	swait.ge [sflag:s2], $0x500  }
0x4c: {  	[sflag:s2] =	ssyncset.done $0x0  }
0x4d: {  	s29 =	rddreg [dreg:$0x11];
	[sflag:s2] =	ssyncadd.s32 $0xFFFFFB00  }
0x4e: {  	[tilespmem:s24], [sflag:$0x3] =	stream.linear.gather [spmem:s29], $0x500, $0x38;
	[tilespmem:$0x3C90] =	vst v63  }
0x4f: {  	_ =	swait.ge [sflag:s25], $0x500  }
0x50: {  	[sflag:s25] =	ssyncset.done $0x0  }
0x51: {  	s28 =	rddreg [dreg:$0x7];
	[sflag:s25] =	ssyncadd.s32 $0xFFFFFB00  }
0x52: {  	[hbm4b:s28+s8] =	stream.linear.scatter [tilespmem:s24], [sflag:$0x2], $0x500, $0x38;
	[tilespmem:$0x3C90] =	vst v63  }
0x53: {  	_ =	swait.ge [sflag:s2], $0x500  }
0x54: {  	[sflag:s2] =	ssyncset.done $0x0  }
0x55: {  	s29 =	rddreg [dreg:$0x12];
	[sflag:s2] =	ssyncadd.s32 $0xFFFFFB00  }
0x56: {  	[tilespmem:s24], [sflag:$0x3] =	stream.linear.gather [spmem:s29], $0x500, $0x38;
	[tilespmem:$0x3C90] =	vst v63  }
0x57: {  	_ =	swait.ge [sflag:s25], $0x500  }
0x58: {  	[sflag:s25] =	ssyncset.done $0x0  }
0x59: {  	s28 =	rddreg [dreg:$0x8];
	[sflag:s25] =	ssyncadd.s32 $0xFFFFFB00  }
0x5a: {  	[hbm4b:s28+s8] =	stream.linear.scatter [tilespmem:s24], [sflag:$0x2], $0x500, $0x38;
	[tilespmem:$0x3C90] =	vst v63  }
0x5b: {  	_ =	swait.ge [sflag:s2], $0x500  }
0x5c: {  	[sflag:s2] =	ssyncset.done $0x0  }
0x5d: {  	s29 =	rddreg [dreg:$0x13];
	[sflag:s2] =	ssyncadd.s32 $0xFFFFFB00  }
0x5e: {  	[tilespmem:s24], [sflag:$0x3] =	stream.linear.gather [spmem:s29], $0x500, $0x38;
	[tilespmem:$0x3C90] =	vst v63  }
0x5f: {  	_ =	swait.ge [sflag:s25], $0x500  }
0x60: {  	[sflag:s25] =	ssyncset.done $0x0  }
0x61: {  	s28 =	rddreg [dreg:$0x9];
	[sflag:s25] =	ssyncadd.s32 $0xFFFFFB00  }
0x62: {  	[hbm4b:s28+s8] =	stream.linear.scatter [tilespmem:s24], [sflag:$0x2], $0x500, $0x38;
	[tilespmem:$0x3C90] =	vst v63  }
0x63: {  	_ =	swait.ge [sflag:s2], $0x500  }
0x64: {  	[sflag:s2] =	ssyncset.done $0x0  }
0x65: {  	s29 =	rddreg [dreg:$0x14];
	[sflag:s2] =	ssyncadd.s32 $0xFFFFFB00  }
0x66: {  	[tilespmem:s24], [sflag:$0x3] =	stream.linear.gather [spmem:s29], $0x500, $0x38;
	[tilespmem:$0x3C90] =	vst v63  }
0x67: {  	_ =	swait.ge [sflag:s25], $0x500  }
0x68: {  	[sflag:s25] =	ssyncset.done $0x0  }
0x69: {  	s28 =	rddreg [dreg:$0xa];
	[sflag:s25] =	ssyncadd.s32 $0xFFFFFB00  }
0x6a: {  	[hbm4b:s28+s8] =	stream.linear.scatter [tilespmem:s24], [sflag:$0x2], $0x500, $0x38;
	[tilespmem:$0x3C90] =	vst v63  }
0x6b: {  	_ =	swait.ge [sflag:s2], $0x500  }
0x6c: {  	[sflag:s2] =	ssyncset.done $0x0  }
0x6d: {  	s26 =	simm.s32 @!p0 $0x1000;
	s28 =	rddreg [dreg:$0x15];
	[sflag:s2] =	ssyncadd.s32 $0xFFFFFB00  }
0x6e: {  	[tilespmem:s26], [sflag:$0x3] =	stream.linear.gather @!p0 [spmem:s28], $0x500, $0x38;
	[tilespmem:$0x3C90] =	vst v63  }
0x6f: {  	s28 =	simm.s32 @!p0 $0x3  }
0x70: {  	_ =	swait.ge @!p0 [sflag:s28], $0x500  }
0x71: {  	[sflag:s28] =	ssyncset.done @!p0 $0x0  }
0x72: {  	s29 =	rddreg [dreg:$0xb];
	[sflag:s28] =	ssyncadd.s32 @!p0 $0xFFFFFB00;
	s28 =	simm.s32 @!p0 $0x0  }
0x73: {  	[hbm4b:s29+s28] =	stream.linear.scatter @!p0 [tilespmem:s26], [sflag:$0x2], $0x500, $0x38;
	[tilespmem:$0x3C90] =	vst v63  }
0x74: {  	s26 =	simm.s32 @!p0 $0x2  }
0x75: {  	_ =	swait.ge @!p0 [sflag:s26], $0x500  }
0x76: {  	s23 =	sadd.s32 $0x1, s23;
	s29 =	rddreg [dreg:$0xd]  }
0x77: {  	p1 =	sne.s32 s23, s29  }
.Ltmp1:
0x78: {  	_ = 	snop;
	(pc) =	sbr.rel @!p1 .LBB2_6-.Ltmp1, $3  }
0x79: {  	_ =	sdelay $0x1  }
0x7a: {  	[sflag:s26] =	ssyncset.done @!p0 $0x0  }
0x7b: {  	[sflag:s26] =	ssyncadd.s32 @!p0 $0xFFFFFB00  }
.LBB2_1:
0x7c: {  	s26 =	rddreg [dreg:$0xc]  }
0x7d: {  	[tilespmem:s1], [sflag:$0x2] =	stream.linear.gather [hbm4b:s26+s8], $0x800, $0x38;
	[tilespmem:$0x3C90] =	vst v63  }
0x7e: {  	s29 =	stileid.u32;
	_ =	swait.ge [sflag:s2], $0x800  }
0x7f: {  	s26 =	sshll.u32 s29, $0x6;
	[sflag:s2] =	ssyncset.done $0x0  }
0x80: {  	s26 =	sor.u32 $0x1C02, s26;
	s28 =	rddreg [dreg:$0x17];
	[sflag:s2] =	ssyncadd.s32 $0xFFFFF800  }
0x81: {  	[spmem:s28], [sflag:s26] =	dma.local [hbm:s13], $0xA0  }
0x82: {  	_ =	swait.ge [sflag:s2], $0xA0  }
0x83: {  	[sflag:s2] =	ssyncset.done $0x0  }
0x84: {  	s28 =	rddreg [dreg:$0x18];
	[sflag:s2] =	ssyncadd.s32 $0xFFFFFF60  }
0x85: {  	[spmem:s28], [sflag:s26] =	dma.local [hbm:s13], $0xA0  }
0x86: {  	_ =	swait.ge [sflag:s2], $0xA0  }
0x87: {  	[sflag:s2] =	ssyncset.done $0x0  }
0x88: {  	s28 =	rddreg [dreg:$0x19];
	[sflag:s2] =	ssyncadd.s32 $0xFFFFFF60  }
0x89: {  	[spmem:s28], [sflag:s26] =	dma.local [hbm:s13], $0xA0  }
0x8a: {  	_ =	swait.ge [sflag:s2], $0xA0  }
0x8b: {  	[sflag:s2] =	ssyncset.done $0x0  }
0x8c: {  	s28 =	rddreg [dreg:$0x1a];
	[sflag:s2] =	ssyncadd.s32 $0xFFFFFF60  }
0x8d: {  	[spmem:s28], [sflag:s26] =	dma.local [hbm:s13], $0xA0  }
0x8e: {  	_ =	swait.ge [sflag:s2], $0xA0  }
0x8f: {  	[sflag:s2] =	ssyncset.done $0x0  }
0x90: {  	s28 =	rddreg [dreg:$0x1b];
	[sflag:s2] =	ssyncadd.s32 $0xFFFFFF60  }
0x91: {  	[spmem:s28], [sflag:s26] =	dma.local [hbm:s13], $0xA0  }
0x92: {  	_ =	swait.ge [sflag:s2], $0xA0  }
0x93: {  	[sflag:s2] =	ssyncset.done $0x0  }
0x94: {  	[sflag:s2] =	ssyncadd.s32 $0xFFFFFF60  }
0x95: {  	[spmem:s30], [sflag:s26] =	dma.local [hbm:s13], $0xA0  }
0x96: {  	_ =	swait.ge [sflag:s2], $0xA0  }
0x97: {  	[sflag:s2] =	ssyncset.done $0x0  }
0x98: {  	[sflag:s2] =	ssyncadd.s32 $0xFFFFFF60  }
0x99: {  	[spmem:s31], [sflag:s26] =	dma.local [hbm:s13], $0xA0  }
0x9a: {  	_ =	swait.ge [sflag:s2], $0xA0  }
0x9b: {  	[sflag:s2] =	ssyncset.done $0x0  }
0x9c: {  	[sflag:s2] =	ssyncadd.s32 $0xFFFFFF60  }
0x9d: {  	[spmem:s10], [sflag:s26] =	dma.local @!p0 [hbm:s13], $0xA0  }
0x9e: {  	s26 =	simm.s32 @!p0 $0x2  }
.Ltmp2:
0x9f: {  	_ =	swait.ge @!p0 [sflag:s26], $0xA0;
	(pc) =	sbr.rel .LBB2_2-.Ltmp2, $4  }
0xa0: {  	[sflag:s26] =	ssyncset.done @!p0 $0x0  }
0xa1: {  	[sflag:s26] =	ssyncadd.s32 @!p0 $0xFFFFFF60  }
0xa2: {  	[bflag:$0x0] =	sbarrier.arrive $0xFFFF  }
0xa3: {  	s28 =	simm.s32 $0x0;
	s26 =	rddreg [dreg:$0x16]  }
.LBB2_4:
0xa4: {  	s28 =	sadd.s32 $0x20, s28  }
0xa5: {  	p1 =	sne.s32 s28, $0xA0  }
.Ltmp3:
0xa6: {  	_ = 	snop;
	(pc) =	sbr.rel @!p1 .LBB2_5-.Ltmp3, $2  }
0xa7: {  	_ =	sdelay $0x2  }
0xa8: {  	s26 =	sadd.s32 $0x2000, s26  }
.LBB2_2:
0xa9: {  	s29 =	sadd.s32 s28, s0  }
0xaa: {  	p1 =	sgt.u32 s29, $0x9D  }
.Ltmp4:
0xab: {  	_ = 	snop;
	(pc) =	sbr.rel @p1 .LBB2_4-.Ltmp4, $1  }
0xac: {  	_ =	sdelay $0x3  }
0xad: {  	[tilespmem:s8], [sflag:$0x2] =	stream.linear.gather [hbm4b:s26+s8], $0x800, $0x38;
	[tilespmem:$0x3C90] =	vst v63  }
0xae: {  	_ =	swait.ge [sflag:s2], $0x800  }
0xaf: {  	[sflag:s2] =	ssyncset.done $0x0  }
0xb0: {  	[sflag:s2] =	ssyncadd.s32 $0xFFFFF800  }
0xb1: {  	[spmem:s11] =	stream.indirect.scatter.add.f32 [tilespmem:s1], [sflag:$0x1], $0x10, s8, s3, $0xb8;
	[tilespmem:$0x3C90] =	vst v63  }
0xb2: {  	_ = 	snop  }
0xb3: {  	[spmem:s11] =	stream.indirect.scatter.add.f32 [tilespmem:s1], [sflag:$0x1], $0x10, s3, s3, $0xb8;
	[tilespmem:$0x3C90] =	vst v63  }
0xb4: {  	_ = 	snop  }
0xb5: {  	[spmem:s11] =	stream.indirect.scatter.add.f32 [tilespmem:s1], [sflag:$0x1], $0x10, s4, s3, $0xb8;
	[tilespmem:$0x3C90] =	vst v63  }
0xb6: {  	_ = 	snop  }
0xb7: {  	[spmem:s11] =	stream.indirect.scatter.add.f32 [tilespmem:s1], [sflag:$0x1], $0x10, s5, s3, $0xb8;
	[tilespmem:$0x3C90] =	vst v63  }
0xb8: {  	_ = 	snop  }
0xb9: {  	[spmem:s11] =	stream.indirect.scatter.add.f32 [tilespmem:s1], [sflag:$0x1], $0x10, s6, s3, $0xb8;
	[tilespmem:$0x3C90] =	vst v63  }
0xba: {  	_ = 	snop  }
0xbb: {  	[spmem:s11] =	stream.indirect.scatter.add.f32 [tilespmem:s1], [sflag:$0x1], $0x10, s7, s3, $0xb8;
	[tilespmem:$0x3C90] =	vst v63  }
0xbc: {  	_ = 	snop  }
0xbd: {  	[spmem:s11] =	stream.indirect.scatter.add.f32 [tilespmem:s1], [sflag:$0x1], $0x10, s9, s3, $0xb8;
	[tilespmem:$0x3C90] =	vst v63  }
0xbe: {  	_ = 	snop  }
0xbf: {  	[spmem:s11] =	stream.indirect.scatter.add.f32 [tilespmem:s1], [sflag:$0x1], $0x10, s12, s3, $0xb8;
	[tilespmem:$0x3C90] =	vst v63  }
0xc0: {  	_ = 	snop  }
0xc1: {  	[spmem:s11] =	stream.indirect.scatter.add.f32 [tilespmem:s1], [sflag:$0x1], $0x10, s14, s3, $0xb8;
	[tilespmem:$0x3C90] =	vst v63  }
0xc2: {  	_ = 	snop  }
0xc3: {  	[spmem:s11] =	stream.indirect.scatter.add.f32 [tilespmem:s1], [sflag:$0x1], $0x10, s15, s3, $0xb8;
	[tilespmem:$0x3C90] =	vst v63  }
0xc4: {  	_ = 	snop  }
0xc5: {  	[spmem:s11] =	stream.indirect.scatter.add.f32 [tilespmem:s1], [sflag:$0x1], $0x10, s16, s3, $0xb8;
	[tilespmem:$0x3C90] =	vst v63  }
0xc6: {  	_ = 	snop  }
0xc7: {  	[spmem:s11] =	stream.indirect.scatter.add.f32 [tilespmem:s1], [sflag:$0x1], $0x10, s17, s3, $0xb8;
	[tilespmem:$0x3C90] =	vst v63  }
0xc8: {  	_ = 	snop  }
0xc9: {  	[spmem:s11] =	stream.indirect.scatter.add.f32 [tilespmem:s1], [sflag:$0x1], $0x10, s18, s3, $0xb8;
	[tilespmem:$0x3C90] =	vst v63  }
0xca: {  	_ = 	snop  }
0xcb: {  	[spmem:s11] =	stream.indirect.scatter.add.f32 [tilespmem:s1], [sflag:$0x1], $0x10, s19, s3, $0xb8;
	[tilespmem:$0x3C90] =	vst v63  }
0xcc: {  	_ = 	snop  }
0xcd: {  	[spmem:s11] =	stream.indirect.scatter.add.f32 [tilespmem:s1], [sflag:$0x1], $0x10, s20, s3, $0xb8;
	[tilespmem:$0x3C90] =	vst v63  }
0xce: {  	_ = 	snop  }
0xcf: {  	[spmem:s11] =	stream.indirect.scatter.add.f32 [tilespmem:s1], [sflag:$0x1], $0x10, s21, s3, $0xb8;
	[tilespmem:$0x3C90] =	vst v63  }
0xd0: {  	_ =	swait.ge [sflag:s22], $0x800  }
0xd1: {  	[sflag:s22] =	ssyncset.done $0x0  }
0xd2: {  	[sflag:s22] =	ssyncadd.s32 $0xFFFFF800  }
0xd3: {  	_ =	swait.ge [sflag:s22], $0x800  }
0xd4: {  	[sflag:s22] =	ssyncset.done $0x0  }
0xd5: {  	[sflag:s22] =	ssyncadd.s32 $0xFFFFF800  }
0xd6: {  	_ =	swait.ge [sflag:s22], $0x800  }
0xd7: {  	[sflag:s22] =	ssyncset.done $0x0  }
0xd8: {  	[sflag:s22] =	ssyncadd.s32 $0xFFFFF800  }
0xd9: {  	_ =	swait.ge [sflag:s22], $0x800  }
0xda: {  	[sflag:s22] =	ssyncset.done $0x0  }
0xdb: {  	[sflag:s22] =	ssyncadd.s32 $0xFFFFF800  }
0xdc: {  	_ =	swait.ge [sflag:s22], $0x800  }
0xdd: {  	[sflag:s22] =	ssyncset.done $0x0  }
0xde: {  	[sflag:s22] =	ssyncadd.s32 $0xFFFFF800  }
0xdf: {  	_ =	swait.ge [sflag:s22], $0x800  }
0xe0: {  	[sflag:s22] =	ssyncset.done $0x0  }
0xe1: {  	[sflag:s22] =	ssyncadd.s32 $0xFFFFF800  }
0xe2: {  	_ =	swait.ge [sflag:s22], $0x800  }
0xe3: {  	[sflag:s22] =	ssyncset.done $0x0  }
0xe4: {  	[sflag:s22] =	ssyncadd.s32 $0xFFFFF800  }
0xe5: {  	_ =	swait.ge [sflag:s22], $0x800  }
0xe6: {  	[sflag:s22] =	ssyncset.done $0x0  }
0xe7: {  	[sflag:s22] =	ssyncadd.s32 $0xFFFFF800  }
0xe8: {  	_ =	swait.ge [sflag:s22], $0x800  }
0xe9: {  	[sflag:s22] =	ssyncset.done $0x0  }
0xea: {  	[sflag:s22] =	ssyncadd.s32 $0xFFFFF800  }
0xeb: {  	_ =	swait.ge [sflag:s22], $0x800  }
0xec: {  	[sflag:s22] =	ssyncset.done $0x0  }
0xed: {  	[sflag:s22] =	ssyncadd.s32 $0xFFFFF800  }
0xee: {  	_ =	swait.ge [sflag:s22], $0x800  }
0xef: {  	[sflag:s22] =	ssyncset.done $0x0  }
0xf0: {  	[sflag:s22] =	ssyncadd.s32 $0xFFFFF800  }
0xf1: {  	_ =	swait.ge [sflag:s22], $0x800  }
0xf2: {  	[sflag:s22] =	ssyncset.done $0x0  }
0xf3: {  	[sflag:s22] =	ssyncadd.s32 $0xFFFFF800  }
0xf4: {  	_ =	swait.ge [sflag:s22], $0x800  }
0xf5: {  	[sflag:s22] =	ssyncset.done $0x0  }
0xf6: {  	[sflag:s22] =	ssyncadd.s32 $0xFFFFF800  }
0xf7: {  	_ =	swait.ge [sflag:s22], $0x800  }
0xf8: {  	[sflag:s22] =	ssyncset.done $0x0  }
0xf9: {  	[sflag:s22] =	ssyncadd.s32 $0xFFFFF800  }
0xfa: {  	_ =	swait.ge [sflag:s22], $0x800  }
.Ltmp5:
0xfb: {  	[sflag:s22] =	ssyncset.done $0x0;
	(pc) =	sbr.rel .LBB2_4-.Ltmp5, $4  }
0xfc: {  	[sflag:s22] =	ssyncadd.s32 $0xFFFFF800  }
0xfd: {  	_ =	swait.ge [sflag:s22], $0x800  }
0xfe: {  	[sflag:s22] =	ssyncset.done $0x0  }
0xff: {  	[sflag:s22] =	ssyncadd.s32 $0xFFFFF800  }
.LBB2_6:
0x100: {  	_ =	sfence.sel $0x180000  }
0x101: {  	[bflag:$0x0] =	sbarrier.arrive $0xFFFF  }
0x102: {  	_ =	strace $0x90000047  }
0x103: {  	s0 =	stileid.u32;
	[bflag:$0x2] =	sbarrier.arrive $0xFFFF  }
0x104: {  	p0 =	sne.s32 s0, $0x0;
	s0 =	rddreg [dreg:$0x3]  }
0x105: {  	s0 =	sadd.s32 @!p0 $0x100000, s0  }
0x106: {  	[sflag:s0] =	ssyncadd.tile.s32 @!p0 $0x1;
	_ =	shalt  }
.Lfunc_end2:
_tile_overlayer_lowered:
.L_overlay_start_2:
0x107: {  	(tag) =	ssettag $0x2  }
0x108: {  	s0 =	rddreg [dreg:$0x0];
	s2 =	stileid.u32  }
0x109: {  	s1 =	rddreg [dreg:$0x1];
	p0 =	sne.s32 s2, $0x0  }
0x10a: {  	s3 =	rddreg [dreg:$0x2];
	[bflag:$0x3] =	sbarrier.arrive $0xFFFF;
	s2 =	simm.s32 @!p0 $0x1C02  }
0x10b: {  	[timem:s3], [sflag:s2] =	dma.local @!p0 [hbm:s0], s1  }
0x10c: {  	s0 =	simm.s32 @!p0 $0x2  }
0x10d: {  	_ =	swait.ge @!p0 [sflag:s0], s1  }
0x10e: {  	s1 =	ssub.s32 @!p0 $0x0, s1;
	[sflag:s0] =	ssyncset.done @!p0 $0x0  }
0x10f: {  	[sflag:s0] =	ssyncadd.s32 @!p0 s1  }
0x110: {  	[bflag:$0x3] =	sbarrier.arrive $0xFFFF  }
0x111: {  	_ =	shalt  }

</sc_bundles>
